<compile_context>
chip_gen: v7x
topology: tpu7x:2x2x1
jax: 0.10.2.dev20260603
libtpu: 0.0.44.dev20260713+nightly
codegen_flags: <defaults>
</compile_context>

<pallas_src>
import functools

import jax
import jax.numpy as jnp
from jax import lax
from jax.experimental import pallas as pl
from jax.experimental.pallas import tpu as pltpu
from jax.experimental.pallas import tpu_sc as plsc

_NC = 2
_NS = 16
_NW = _NC * _NS
_BLK = 128


def _make_table_body(e, ep):
    pad = ep - e

    def _table_body(z_ref, c_ref, psi_ref, ei_ref, a_ref, row_ref, col_ref,
                    zbuf, sem):
        w = lax.dot_general(
            z_ref[...], psi_ref[...], (((1,), (1,)), ((), ())),
            preferred_element_type=jnp.float32,
            precision=lax.Precision.HIGHEST,
        )
        a_ref[...] = jnp.concatenate([w, c_ref[...]], axis=1)
        copies = [
            pltpu.make_async_copy(ei_ref.at[0, pl.ds(0, e)],
                                  row_ref.at[pl.ds(0, e)], sem),
            pltpu.make_async_copy(ei_ref.at[1, pl.ds(0, e)],
                                  col_ref.at[pl.ds(0, e)], sem),
        ]
        if pad:
            zbuf[...] = jnp.zeros_like(zbuf)
            copies += [
                pltpu.make_async_copy(zbuf.at[0, pl.ds(0, pad)],
                                      row_ref.at[pl.ds(e, pad)], sem),
                pltpu.make_async_copy(zbuf.at[0, pl.ds(0, pad)],
                                      col_ref.at[pl.ds(e, pad)], sem),
            ]
        for cp in copies:
            cp.start()
        for cp in copies:
            cp.wait()

    return _table_body


_DEPTH = 4


def _make_edge_kernel(n, k, bpw):
    ep = _NW * bpw * _BLK
    epw = bpw * _BLK
    chunk = -(-n // _NS)
    mesh = plsc.VectorSubcoreMesh(
        core_axis_name="c", subcore_axis_name="s",
        num_cores=_NC, num_subcores=_NS,
    )

    @functools.partial(
        pl.kernel,
        out_type=jax.ShapeDtypeStruct((ep,), jnp.float32),
        mesh=mesh,
        compiler_params=pltpu.CompilerParams(
            needs_layout_passes=False, use_tc_tiling_on_sc=False),
        scratch_types=[
            pltpu.VMEM_SHARED((n, 2 * k), jnp.float32),
            pltpu.VMEM((epw,), jnp.int32),
            pltpu.VMEM((epw,), jnp.int32),
            [pltpu.VMEM((_BLK, 2 * k), jnp.float32)
             for _ in range(_DEPTH)],
            [pltpu.VMEM((_BLK, 2 * k), jnp.float32)
             for _ in range(_DEPTH)],
            pltpu.VMEM((epw,), jnp.float32),
            [pltpu.SemaphoreType.DMA for _ in range(_DEPTH)],
            pltpu.SemaphoreType.DMA,
        ],
    )
    def edge_kernel(a_hbm, row_hbm, col_hbm, out_hbm,
                    tab_sh, ridx_v, cidx_v, ars, acs, out_v,
                    sems, sem_st):
        sid = lax.axis_index("s")
        wid = sid * _NC + lax.axis_index("c")
        ebase = wid * epw

        rows0 = sid * chunk
        st1 = pltpu.async_copy(a_hbm.at[pl.ds(rows0, chunk)],
                               tab_sh.at[pl.ds(rows0, chunk)], sem_st)
        st2 = pltpu.async_copy(row_hbm.at[pl.ds(ebase, epw)], ridx_v, sem_st)
        st3 = pltpu.async_copy(col_hbm.at[pl.ds(ebase, epw)], cidx_v, sem_st)
        st1.wait()
        st2.wait()
        st3.wait()
        plsc.subcore_barrier()

        def fetch(b, slot):
            pltpu.async_copy(tab_sh.at[ridx_v.at[pl.ds(b * _BLK, _BLK)]],
                             ars[slot], sems[slot])
            pltpu.async_copy(tab_sh.at[cidx_v.at[pl.ds(b * _BLK, _BLK)]],
                             acs[slot], sems[slot])

        def wait(b, slot):
            pltpu.make_async_copy(tab_sh.at[ridx_v.at[pl.ds(b * _BLK, _BLK)]],
                                  ars[slot], sems[slot]).wait()
            pltpu.make_async_copy(tab_sh.at[cidx_v.at[pl.ds(b * _BLK, _BLK)]],
                                  acs[slot], sems[slot]).wait()

        def compute(b, slot):
            ar = ars[slot]
            ac = acs[slot]

            def g_body(g, _):
                lane = lax.broadcasted_iota(jnp.int32, (16,), 0)
                rows = g * 16 + lane
                acc1 = jnp.zeros((16,), jnp.float32)
                acc2 = jnp.zeros((16,), jnp.float32)
                for t in range(k):
                    kv = (lane + t) & (k - 1)
                    kv2 = kv | k
                    w_r = plsc.load_gather(ar, (rows, kv))
                    c_c = plsc.load_gather(ac, (rows, kv2))
                    c_r = plsc.load_gather(ar, (rows, kv2))
                    w_c = plsc.load_gather(ac, (rows, kv))
                    acc1 = acc1 + w_r * c_c
                    acc2 = acc2 + c_r * w_c
                e1 = jnp.exp(-jnp.maximum(acc1, -30.0))
                e2 = jnp.exp(-jnp.maximum(acc2, -30.0))
                num = 1.0 + 0.5 * (e1 + e2)
                den = (1.0 + e1) * (1.0 + e2)
                out_v[pl.ds(b * _BLK + g * 16, 16)] = num / den
                return _

            lax.fori_loop(0, _BLK // 16, g_body, None, unroll=2)

        for b in range(_DEPTH - 1):
            fetch(b, b)

        def ring_body(j, _):
            for i in range(_DEPTH):
                b = j * _DEPTH + i
                wait(b, i)

                @pl.when(b + _DEPTH - 1 < bpw)
                def _prefetch():
                    fetch(b + _DEPTH - 1, (i + _DEPTH - 1) % _DEPTH)

                compute(b, i)
            return _

        lax.fori_loop(0, bpw // _DEPTH, ring_body, None)
        pltpu.sync_copy(out_v, out_hbm.at[pl.ds(ebase, epw)])

    return edge_kernel


def kernel(z, edge_index, c, psi):
    n, d = z.shape
    k = psi.shape[0]
    e = edge_index.shape[1]

    bpw = -(-e // (_NW * _BLK))
    bpw = -(-bpw // _DEPTH) * _DEPTH
    ep = _NW * bpw * _BLK

    pad = ep - e
    a, row_p, col_p = pl.pallas_call(
        _make_table_body(e, ep),
        in_specs=(
            pl.BlockSpec(memory_space=pltpu.VMEM),
            pl.BlockSpec(memory_space=pltpu.VMEM),
            pl.BlockSpec(memory_space=pltpu.VMEM),
            pl.BlockSpec(memory_space=pl.ANY),
        ),
        out_specs=(
            pl.BlockSpec(memory_space=pltpu.VMEM),
            pl.BlockSpec(memory_space=pl.ANY),
            pl.BlockSpec(memory_space=pl.ANY),
        ),
        out_shape=(
            jax.ShapeDtypeStruct((n, 2 * k), jnp.float32),
            jax.ShapeDtypeStruct((ep,), jnp.int32),
            jax.ShapeDtypeStruct((ep,), jnp.int32),
        ),
        scratch_shapes=[
            pltpu.VMEM((1, max(pad, 128)), jnp.int32),
            pltpu.SemaphoreType.DMA,
        ],
    )(z, c, psi, edge_index)

    if n % _NS:
        a = jnp.concatenate(
            [a, jnp.zeros((_NS - n % _NS, 2 * k), jnp.float32)])
    n_p = a.shape[0]

    out = _make_edge_kernel(n_p, k, bpw)(a, row_p, col_p)
    return out[:e]

# --- scband reference (transcript-rebuilt; emitter-appended) ---
"""Pipeline reference for scband-inner-product-decoder-61881888801364 (READ-ONLY COPY).

The authoritative reference and input builder live on the scoring server;
editing this copy changes nothing except your own understanding.
"""

import jax, jax.numpy as jnp
import numpy as np

N = 10000
E = 320000
D = 128
K = 16

def setup_inputs(seed: int = 0) -> dict:
    key = jax.random.key(seed)
    k1, k2, k3, k4 = jax.random.split(key, 4)
    z = jax.random.normal(k1, (N, D), dtype=jnp.float32)
    edge_index = jax.random.randint(k2, (2, E), 0, N, dtype=jnp.int32)
    c = jax.random.uniform(k3, (N, K), dtype=jnp.float32)
    psi = jax.random.normal(k4, (K, D), dtype=jnp.float32)
    return {"z": z, "edge_index": edge_index, "c": c, "psi": psi}

def reference(z, edge_index, c, psi):
    row = edge_index[0]
    col = edge_index[1]
    # psi_c[n, d] = sum_k c[n, k] * psi[k, d]
    psi_c = (c[:, :, None] * psi[None, :, :]).sum(1)
    s1 = jax.nn.sigmoid((jnp.take(z, row, axis=0) * jnp.take(psi_c, col, axis=0)).sum(axis=1))
    s2 = jax.nn.sigmoid((jnp.take(z, col, axis=0) * jnp.take(psi_c, row, axis=0)).sum(axis=1))
    return (s1 + s2) / 2

if __name__ == "__main__":
    import jax
    _d = setup_inputs()
    print(jax.jit(kernel)(*tuple(_d.values())))

</pallas_src>

<mosaic_0001>
#map = affine_map<(d0, d1) -> (0, 0)>
#map1 = affine_map<(d0, d1) -> (0)>
module attributes {stable_mosaic.version = 14 : i64} {
  func.func @edge_kernel(%arg0: i32, %arg1: i32, %arg2: memref<10000x32xf32, #tpu.memory_space<hbm>>, %arg3: memref<327680xi32, #tpu.memory_space<hbm>>, %arg4: memref<327680xi32, #tpu.memory_space<hbm>>, %arg5: memref<327680xf32, #tpu.memory_space<hbm>>, %arg6: memref<10000x32xf32, #tpu.memory_space<vmem_shared>>, %arg7: memref<10240xi32, #tpu.memory_space<vmem>>, %arg8: memref<10240xi32, #tpu.memory_space<vmem>>, %arg9: memref<128x32xf32, #tpu.memory_space<vmem>>, %arg10: memref<128x32xf32, #tpu.memory_space<vmem>>, %arg11: memref<128x32xf32, #tpu.memory_space<vmem>>, %arg12: memref<128x32xf32, #tpu.memory_space<vmem>>, %arg13: memref<128x32xf32, #tpu.memory_space<vmem>>, %arg14: memref<128x32xf32, #tpu.memory_space<vmem>>, %arg15: memref<128x32xf32, #tpu.memory_space<vmem>>, %arg16: memref<128x32xf32, #tpu.memory_space<vmem>>, %arg17: memref<10240xf32, #tpu.memory_space<vmem>>, %arg18: memref<!tpu.dma_semaphore, #tpu.memory_space<semaphore_mem>>, %arg19: memref<!tpu.dma_semaphore, #tpu.memory_space<semaphore_mem>>, %arg20: memref<!tpu.dma_semaphore, #tpu.memory_space<semaphore_mem>>, %arg21: memref<!tpu.dma_semaphore, #tpu.memory_space<semaphore_mem>>, %arg22: memref<!tpu.dma_semaphore, #tpu.memory_space<semaphore_mem>>) attributes {dimension_semantics = [#tpu.dimension_semantics<core_parallel>, #tpu.dimension_semantics<subcore_parallel>], iteration_bounds = array<i64: 2, 16>, scalar_prefetch = 0 : i64, scratch_operands = 17 : i64, tpu.core_type = #tpu.core_type<sc_vector_subcore>, window_params = [{transform_indices = #map}, {transform_indices = #map1}, {transform_indices = #map1}, {transform_indices = #map1}]} {
    %mul3A = arith.constant 2 : i32
    %mul3A_0 = arith.muli %arg1, %mul3A : i32
    %add3A = arith.addi %mul3A_0, %arg0 : i32
    %mul3A_1 = arith.constant 10240 : i32
    %mul3A_2 = arith.muli %add3A, %mul3A_1 : i32
    %mul3A_3 = arith.constant 625 : i32
    %mul3A_4 = arith.muli %arg1, %mul3A_3 : i32
    %dma_start3A = arith.constant 0 : i32
    %dma_start3A_5 = tpu.memref_slice %arg6[%mul3A_4, %dma_start3A] : memref<10000x32xf32, #tpu.memory_space<vmem_shared>> -> memref<625x32xf32, #tpu.memory_space<vmem_shared>>
    %dma_start3A_6 = arith.constant 0 : i32
    %dma_start3A_7 = tpu.memref_slice %arg2[%mul3A_4, %dma_start3A_6] : memref<10000x32xf32, #tpu.memory_space<hbm>> -> memref<625x32xf32, #tpu.memory_space<hbm>>
    tpu.enqueue_dma source(%dma_start3A_7 : memref<625x32xf32, #tpu.memory_space<hbm>>) target(%dma_start3A_5 : memref<625x32xf32, #tpu.memory_space<vmem_shared>>) target_semaphore(%arg22 : memref<!tpu.dma_semaphore, #tpu.memory_space<semaphore_mem>>)
    %dma_start3A_8 = tpu.memref_slice %arg3[%mul3A_2] : memref<327680xi32, #tpu.memory_space<hbm>> -> memref<10240xi32, #tpu.memory_space<hbm>>
    %dma_start3A_9 = tpu.memref_slice %arg3[%mul3A_2] : memref<327680xi32, #tpu.memory_space<hbm>> -> memref<10240xi32, #tpu.memory_space<hbm>>
    tpu.enqueue_dma source(%dma_start3A_9 : memref<10240xi32, #tpu.memory_space<hbm>>) target(%arg7 : memref<10240xi32, #tpu.memory_space<vmem>>) target_semaphore(%arg22 : memref<!tpu.dma_semaphore, #tpu.memory_space<semaphore_mem>>)
    %dma_start3A_10 = tpu.memref_slice %arg4[%mul3A_2] : memref<327680xi32, #tpu.memory_space<hbm>> -> memref<10240xi32, #tpu.memory_space<hbm>>
    %dma_start3A_11 = tpu.memref_slice %arg4[%mul3A_2] : memref<327680xi32, #tpu.memory_space<hbm>> -> memref<10240xi32, #tpu.memory_space<hbm>>
    tpu.enqueue_dma source(%dma_start3A_11 : memref<10240xi32, #tpu.memory_space<hbm>>) target(%arg8 : memref<10240xi32, #tpu.memory_space<vmem>>) target_semaphore(%arg22 : memref<!tpu.dma_semaphore, #tpu.memory_space<semaphore_mem>>)
    %dma_wait3A = arith.constant 0 : i32
    %dma_wait3A_12 = tpu.memref_slice %arg6[%mul3A_4, %dma_wait3A] : memref<10000x32xf32, #tpu.memory_space<vmem_shared>> -> memref<625x32xf32, #tpu.memory_space<vmem_shared>>
    %dma_wait3A_13 = arith.constant 0 : i32
    %dma_wait3A_14 = tpu.memref_slice %arg2[%mul3A_4, %dma_wait3A_13] : memref<10000x32xf32, #tpu.memory_space<hbm>> -> memref<625x32xf32, #tpu.memory_space<hbm>>
    tpu.wait_dma2 semaphore(%arg22 : memref<!tpu.dma_semaphore, #tpu.memory_space<semaphore_mem>>) src(%dma_wait3A_14 : memref<625x32xf32, #tpu.memory_space<hbm>>) dst(%dma_wait3A_12 : memref<625x32xf32, #tpu.memory_space<vmem_shared>>)
    %dma_wait3A_15 = tpu.memref_slice %arg3[%mul3A_2] : memref<327680xi32, #tpu.memory_space<hbm>> -> memref<10240xi32, #tpu.memory_space<hbm>>
    %dma_wait3A_16 = tpu.memref_slice %arg3[%mul3A_2] : memref<327680xi32, #tpu.memory_space<hbm>> -> memref<10240xi32, #tpu.memory_space<hbm>>
    tpu.wait_dma2 semaphore(%arg22 : memref<!tpu.dma_semaphore, #tpu.memory_space<semaphore_mem>>) src(%dma_wait3A_16 : memref<10240xi32, #tpu.memory_space<hbm>>) dst(%arg7 : memref<10240xi32, #tpu.memory_space<vmem>>)
    %dma_wait3A_17 = tpu.memref_slice %arg4[%mul3A_2] : memref<327680xi32, #tpu.memory_space<hbm>> -> memref<10240xi32, #tpu.memory_space<hbm>>
    %dma_wait3A_18 = tpu.memref_slice %arg4[%mul3A_2] : memref<327680xi32, #tpu.memory_space<hbm>> -> memref<10240xi32, #tpu.memory_space<hbm>>
    tpu.wait_dma2 semaphore(%arg22 : memref<!tpu.dma_semaphore, #tpu.memory_space<semaphore_mem>>) src(%dma_wait3A_18 : memref<10240xi32, #tpu.memory_space<hbm>>) dst(%arg8 : memref<10240xi32, #tpu.memory_space<vmem>>)
    %barrier3A = arith.constant 0 : index
    tpu.barrier barrier_id(%barrier3A)
    %dma_start3A_19 = arith.constant 0 : i32
    %dma_start3A_20 = tpu.memref_slice %arg7[%dma_start3A_19] : memref<10240xi32, #tpu.memory_space<vmem>> -> memref<128xi32, #tpu.memory_space<vmem>>
    %dma_start3A_21 = arith.constant 0 : i32
    %dma_start3A_22 = arith.constant 0 : i32
    %dma_start3A_23 = tpu.memref_slice %arg6[%dma_start3A_21, %dma_start3A_22] : memref<10000x32xf32, #tpu.memory_space<vmem_shared>> -> memref<10000x32xf32, #tpu.memory_space<vmem_shared>>
    tpu.enqueue_indirect_dma source(%dma_start3A_23 : memref<10000x32xf32, #tpu.memory_space<vmem_shared>>) target(%arg9 : memref<128x32xf32, #tpu.memory_space<vmem>>) offsets(%dma_start3A_20 : memref<128xi32, #tpu.memory_space<vmem>>) semaphore(%arg18 : memref<!tpu.dma_semaphore, #tpu.memory_space<semaphore_mem>>)
    %dma_start3A_24 = arith.constant 0 : i32
    %dma_start3A_25 = tpu.memref_slice %arg8[%dma_start3A_24] : memref<10240xi32, #tpu.memory_space<vmem>> -> memref<128xi32, #tpu.memory_space<vmem>>
    %dma_start3A_26 = arith.constant 0 : i32
    %dma_start3A_27 = arith.constant 0 : i32
    %dma_start3A_28 = tpu.memref_slice %arg6[%dma_start3A_26, %dma_start3A_27] : memref<10000x32xf32, #tpu.memory_space<vmem_shared>> -> memref<10000x32xf32, #tpu.memory_space<vmem_shared>>
    tpu.enqueue_indirect_dma source(%dma_start3A_28 : memref<10000x32xf32, #tpu.memory_space<vmem_shared>>) target(%arg13 : memref<128x32xf32, #tpu.memory_space<vmem>>) offsets(%dma_start3A_25 : memref<128xi32, #tpu.memory_space<vmem>>) semaphore(%arg18 : memref<!tpu.dma_semaphore, #tpu.memory_space<semaphore_mem>>)
    %dma_start3A_29 = arith.constant 128 : i32
    %dma_start3A_30 = tpu.memref_slice %arg7[%dma_start3A_29] : memref<10240xi32, #tpu.memory_space<vmem>> -> memref<128xi32, #tpu.memory_space<vmem>>
    %dma_start3A_31 = arith.constant 0 : i32
    %dma_start3A_32 = arith.constant 0 : i32
    %dma_start3A_33 = tpu.memref_slice %arg6[%dma_start3A_31, %dma_start3A_32] : memref<10000x32xf32, #tpu.memory_space<vmem_shared>> -> memref<10000x32xf32, #tpu.memory_space<vmem_shared>>
    tpu.enqueue_indirect_dma source(%dma_start3A_33 : memref<10000x32xf32, #tpu.memory_space<vmem_shared>>) target(%arg10 : memref<128x32xf32, #tpu.memory_space<vmem>>) offsets(%dma_start3A_30 : memref<128xi32, #tpu.memory_space<vmem>>) semaphore(%arg19 : memref<!tpu.dma_semaphore, #tpu.memory_space<semaphore_mem>>)
    %dma_start3A_34 = arith.constant 128 : i32
    %dma_start3A_35 = tpu.memref_slice %arg8[%dma_start3A_34] : memref<10240xi32, #tpu.memory_space<vmem>> -> memref<128xi32, #tpu.memory_space<vmem>>
    %dma_start3A_36 = arith.constant 0 : i32
    %dma_start3A_37 = arith.constant 0 : i32
    %dma_start3A_38 = tpu.memref_slice %arg6[%dma_start3A_36, %dma_start3A_37] : memref<10000x32xf32, #tpu.memory_space<vmem_shared>> -> memref<10000x32xf32, #tpu.memory_space<vmem_shared>>
    tpu.enqueue_indirect_dma source(%dma_start3A_38 : memref<10000x32xf32, #tpu.memory_space<vmem_shared>>) target(%arg14 : memref<128x32xf32, #tpu.memory_space<vmem>>) offsets(%dma_start3A_35 : memref<128xi32, #tpu.memory_space<vmem>>) semaphore(%arg19 : memref<!tpu.dma_semaphore, #tpu.memory_space<semaphore_mem>>)
    %dma_start3A_39 = arith.constant 256 : i32
    %dma_start3A_40 = tpu.memref_slice %arg7[%dma_start3A_39] : memref<10240xi32, #tpu.memory_space<vmem>> -> memref<128xi32, #tpu.memory_space<vmem>>
    %dma_start3A_41 = arith.constant 0 : i32
    %dma_start3A_42 = arith.constant 0 : i32
    %dma_start3A_43 = tpu.memref_slice %arg6[%dma_start3A_41, %dma_start3A_42] : memref<10000x32xf32, #tpu.memory_space<vmem_shared>> -> memref<10000x32xf32, #tpu.memory_space<vmem_shared>>
    tpu.enqueue_indirect_dma source(%dma_start3A_43 : memref<10000x32xf32, #tpu.memory_space<vmem_shared>>) target(%arg11 : memref<128x32xf32, #tpu.memory_space<vmem>>) offsets(%dma_start3A_40 : memref<128xi32, #tpu.memory_space<vmem>>) semaphore(%arg20 : memref<!tpu.dma_semaphore, #tpu.memory_space<semaphore_mem>>)
    %dma_start3A_44 = arith.constant 256 : i32
    %dma_start3A_45 = tpu.memref_slice %arg8[%dma_start3A_44] : memref<10240xi32, #tpu.memory_space<vmem>> -> memref<128xi32, #tpu.memory_space<vmem>>
    %dma_start3A_46 = arith.constant 0 : i32
    %dma_start3A_47 = arith.constant 0 : i32
    %dma_start3A_48 = tpu.memref_slice %arg6[%dma_start3A_46, %dma_start3A_47] : memref<10000x32xf32, #tpu.memory_space<vmem_shared>> -> memref<10000x32xf32, #tpu.memory_space<vmem_shared>>
    tpu.enqueue_indirect_dma source(%dma_start3A_48 : memref<10000x32xf32, #tpu.memory_space<vmem_shared>>) target(%arg15 : memref<128x32xf32, #tpu.memory_space<vmem>>) offsets(%dma_start3A_45 : memref<128xi32, #tpu.memory_space<vmem>>) semaphore(%arg20 : memref<!tpu.dma_semaphore, #tpu.memory_space<semaphore_mem>>)
    %scan3A = arith.constant 0 : i32
    %scan3A_49 = arith.constant 20 : i32
    %scan3A_50 = arith.addi %scan3A, %scan3A_49 : i32
    %scan3A_51 = arith.constant 1 : i32
    scf.for %scan3A_53 = %scan3A to %scan3A_50 step %scan3A_51  : i32 {
      %mul3A_54 = arith.constant 4 : i32
      %mul3A_55 = arith.muli %scan3A_53, %mul3A_54 : i32
      %add3A_56 = arith.constant 0 : i32
      %add3A_57 = arith.addi %mul3A_55, %add3A_56 : i32
      %mul3A_58 = arith.constant 128 : i32
      %mul3A_59 = arith.muli %add3A_57, %mul3A_58 : i32
      %dma_wait3A_60 = tpu.memref_slice %arg7[%mul3A_59] : memref<10240xi32, #tpu.memory_space<vmem>> -> memref<128xi32, #tpu.memory_space<vmem>>
      %dma_wait3A_61 = arith.constant 0 : i32
      %dma_wait3A_62 = arith.constant 0 : i32
      %dma_wait3A_63 = tpu.memref_slice %arg6[%dma_wait3A_61, %dma_wait3A_62] : memref<10000x32xf32, #tpu.memory_space<vmem_shared>> -> memref<10000x32xf32, #tpu.memory_space<vmem_shared>>
      tpu.wait_indirect_dma semaphore(%arg18 : memref<!tpu.dma_semaphore, #tpu.memory_space<semaphore_mem>>) src(%dma_wait3A_63 : memref<10000x32xf32, #tpu.memory_space<vmem_shared>>) dst(%arg9 : memref<128x32xf32, #tpu.memory_space<vmem>>)
      %mul3A_64 = arith.constant 128 : i32
      %mul3A_65 = arith.muli %add3A_57, %mul3A_64 : i32
      %dma_wait3A_66 = tpu.memref_slice %arg8[%mul3A_65] : memref<10240xi32, #tpu.memory_space<vmem>> -> memref<128xi32, #tpu.memory_space<vmem>>
      %dma_wait3A_67 = arith.constant 0 : i32
      %dma_wait3A_68 = arith.constant 0 : i32
      %dma_wait3A_69 = tpu.memref_slice %arg6[%dma_wait3A_67, %dma_wait3A_68] : memref<10000x32xf32, #tpu.memory_space<vmem_shared>> -> memref<10000x32xf32, #tpu.memory_space<vmem_shared>>
      tpu.wait_indirect_dma semaphore(%arg18 : memref<!tpu.dma_semaphore, #tpu.memory_space<semaphore_mem>>) src(%dma_wait3A_69 : memref<10000x32xf32, #tpu.memory_space<vmem_shared>>) dst(%arg13 : memref<128x32xf32, #tpu.memory_space<vmem>>)
      %add3A_70 = arith.constant 4 : i32
      %add3A_71 = arith.addi %add3A_57, %add3A_70 : i32
      %sub3A = arith.constant 1 : i32
      %sub3A_72 = arith.subi %add3A_71, %sub3A : i32
      %lt3A = arith.constant 80 : i32
      %lt3A_73 = arith.cmpi slt, %sub3A_72, %lt3A : i32
      %convert_element_type3A = arith.extui %lt3A_73 : i1 to i32
      %cond3A = arith.constant 0 : i32
      %cond3A_74 = arith.cmpi ne, %convert_element_type3A, %cond3A : i32
      scf.if %cond3A_74 {
        %add3A_170 = arith.constant 4 : i32
        %add3A_171 = arith.addi %add3A_57, %add3A_170 : i32
        %sub3A_172 = arith.constant 1 : i32
        %sub3A_173 = arith.subi %add3A_171, %sub3A_172 : i32
        %mul3A_174 = arith.constant 128 : i32
        %mul3A_175 = arith.muli %sub3A_173, %mul3A_174 : i32
        %dma_start3A_176 = tpu.memref_slice %arg7[%mul3A_175] : memref<10240xi32, #tpu.memory_space<vmem>> -> memref<128xi32, #tpu.memory_space<vmem>>
        %dma_start3A_177 = arith.constant 0 : i32
        %dma_start3A_178 = arith.constant 0 : i32
        %dma_start3A_179 = tpu.memref_slice %arg6[%dma_start3A_177, %dma_start3A_178] : memref<10000x32xf32, #tpu.memory_space<vmem_shared>> -> memref<10000x32xf32, #tpu.memory_space<vmem_shared>>
        tpu.enqueue_indirect_dma source(%dma_start3A_179 : memref<10000x32xf32, #tpu.memory_space<vmem_shared>>) target(%arg12 : memref<128x32xf32, #tpu.memory_space<vmem>>) offsets(%dma_start3A_176 : memref<128xi32, #tpu.memory_space<vmem>>) semaphore(%arg21 : memref<!tpu.dma_semaphore, #tpu.memory_space<semaphore_mem>>)
        %mul3A_180 = arith.constant 128 : i32
        %mul3A_181 = arith.muli %sub3A_173, %mul3A_180 : i32
        %dma_start3A_182 = tpu.memref_slice %arg8[%mul3A_181] : memref<10240xi32, #tpu.memory_space<vmem>> -> memref<128xi32, #tpu.memory_space<vmem>>
        %dma_start3A_183 = arith.constant 0 : i32
        %dma_start3A_184 = arith.constant 0 : i32
        %dma_start3A_185 = tpu.memref_slice %arg6[%dma_start3A_183, %dma_start3A_184] : memref<10000x32xf32, #tpu.memory_space<vmem_shared>> -> memref<10000x32xf32, #tpu.memory_space<vmem_shared>>
        tpu.enqueue_indirect_dma source(%dma_start3A_185 : memref<10000x32xf32, #tpu.memory_space<vmem_shared>>) target(%arg16 : memref<128x32xf32, #tpu.memory_space<vmem>>) offsets(%dma_start3A_182 : memref<128xi32, #tpu.memory_space<vmem>>) semaphore(%arg21 : memref<!tpu.dma_semaphore, #tpu.memory_space<semaphore_mem>>)
      } else {
      }
      %scan3A_75 = arith.constant 0 : i32
      %scan3A_76 = arith.constant 8 : i32
      %scan3A_77 = arith.addi %scan3A_75, %scan3A_76 : i32
      %scan3A_78 = arith.constant 2 : i32
      scf.for %scan3A_170 = %scan3A_75 to %scan3A_77 step %scan3A_78  : i32 {
        %iota3A = tpu.iota {dimensions = array<i32: 0>} : vector<16xi32>
        %mul3A_171 = arith.constant 16 : i32
        %mul3A_172 = arith.muli %scan3A_170, %mul3A_171 : i32
        %add3A_173 = vector.broadcast %mul3A_172 : i32 to vector<16xi32>
        %add3A_174 = arith.addi %add3A_173, %iota3A : vector<16xi32>
        %broadcast_in_dim3A = arith.constant 0.000000e+00 : f32
        %broadcast_in_dim3A_175 = vector.broadcast %broadcast_in_dim3A : f32 to vector<16xf32>
        %broadcast_in_dim3A_176 = arith.constant 0.000000e+00 : f32
        %broadcast_in_dim3A_177 = vector.broadcast %broadcast_in_dim3A_176 : f32 to vector<16xf32>
        %add3A_178 = arith.constant 0 : i32
        %add3A_179 = vector.broadcast %add3A_178 : i32 to vector<16xi32>
        %add3A_180 = arith.addi %iota3A, %add3A_179 : vector<16xi32>
        %and3A = arith.constant 15 : i32
        %and3A_181 = vector.broadcast %and3A : i32 to vector<16xi32>
        %and3A_182 = arith.andi %add3A_180, %and3A_181 : vector<16xi32>
        %or3A = arith.constant 16 : i32
        %or3A_183 = vector.broadcast %or3A : i32 to vector<16xi32>
        %or3A_184 = arith.ori %and3A_182, %or3A_183 : vector<16xi32>
        %gather3A = tpu.vector_load_idx %arg9[%add3A_174, %and3A_182] : memref<128x32xf32, #tpu.memory_space<vmem>>[vector<16xi32>, vector<16xi32>], vector<16xf32>,
        %gather3A_185 = tpu.vector_load_idx %arg13[%add3A_174, %or3A_184] : memref<128x32xf32, #tpu.memory_space<vmem>>[vector<16xi32>, vector<16xi32>], vector<16xf32>,
        %gather3A_186 = tpu.vector_load_idx %arg9[%add3A_174, %or3A_184] : memref<128x32xf32, #tpu.memory_space<vmem>>[vector<16xi32>, vector<16xi32>], vector<16xf32>,
        %gather3A_187 = tpu.vector_load_idx %arg13[%add3A_174, %and3A_182] : memref<128x32xf32, #tpu.memory_space<vmem>>[vector<16xi32>, vector<16xi32>], vector<16xf32>,
        %mul3A_188 = arith.mulf %gather3A, %gather3A_185 : vector<16xf32>
        %add3A_189 = arith.addf %broadcast_in_dim3A_175, %mul3A_188 : vector<16xf32>
        %mul3A_190 = arith.mulf %gather3A_186, %gather3A_187 : vector<16xf32>
        %add3A_191 = arith.addf %broadcast_in_dim3A_177, %mul3A_190 : vector<16xf32>
        %add3A_192 = arith.constant 1 : i32
        %add3A_193 = vector.broadcast %add3A_192 : i32 to vector<16xi32>
        %add3A_194 = arith.addi %iota3A, %add3A_193 : vector<16xi32>
        %and3A_195 = arith.constant 15 : i32
        %and3A_196 = vector.broadcast %and3A_195 : i32 to vector<16xi32>
        %and3A_197 = arith.andi %add3A_194, %and3A_196 : vector<16xi32>
        %or3A_198 = arith.constant 16 : i32
        %or3A_199 = vector.broadcast %or3A_198 : i32 to vector<16xi32>
        %or3A_200 = arith.ori %and3A_197, %or3A_199 : vector<16xi32>
        %gather3A_201 = tpu.vector_load_idx %arg9[%add3A_174, %and3A_197] : memref<128x32xf32, #tpu.memory_space<vmem>>[vector<16xi32>, vector<16xi32>], vector<16xf32>,
        %gather3A_202 = tpu.vector_load_idx %arg13[%add3A_174, %or3A_200] : memref<128x32xf32, #tpu.memory_space<vmem>>[vector<16xi32>, vector<16xi32>], vector<16xf32>,
        %gather3A_203 = tpu.vector_load_idx %arg9[%add3A_174, %or3A_200] : memref<128x32xf32, #tpu.memory_space<vmem>>[vector<16xi32>, vector<16xi32>], vector<16xf32>,
        %gather3A_204 = tpu.vector_load_idx %arg13[%add3A_174, %and3A_197] : memref<128x32xf32, #tpu.memory_space<vmem>>[vector<16xi32>, vector<16xi32>], vector<16xf32>,
        %mul3A_205 = arith.mulf %gather3A_201, %gather3A_202 : vector<16xf32>
        %add3A_206 = arith.addf %add3A_189, %mul3A_205 : vector<16xf32>
        %mul3A_207 = arith.mulf %gather3A_203, %gather3A_204 : vector<16xf32>
        %add3A_208 = arith.addf %add3A_191, %mul3A_207 : vector<16xf32>
        %add3A_209 = arith.constant 2 : i32
        %add3A_210 = vector.broadcast %add3A_209 : i32 to vector<16xi32>
        %add3A_211 = arith.addi %iota3A, %add3A_210 : vector<16xi32>
        %and3A_212 = arith.constant 15 : i32
        %and3A_213 = vector.broadcast %and3A_212 : i32 to vector<16xi32>
        %and3A_214 = arith.andi %add3A_211, %and3A_213 : vector<16xi32>
        %or3A_215 = arith.constant 16 : i32
        %or3A_216 = vector.broadcast %or3A_215 : i32 to vector<16xi32>
        %or3A_217 = arith.ori %and3A_214, %or3A_216 : vector<16xi32>
        %gather3A_218 = tpu.vector_load_idx %arg9[%add3A_174, %and3A_214] : memref<128x32xf32, #tpu.memory_space<vmem>>[vector<16xi32>, vector<16xi32>], vector<16xf32>,
        %gather3A_219 = tpu.vector_load_idx %arg13[%add3A_174, %or3A_217] : memref<128x32xf32, #tpu.memory_space<vmem>>[vector<16xi32>, vector<16xi32>], vector<16xf32>,
        %gather3A_220 = tpu.vector_load_idx %arg9[%add3A_174, %or3A_217] : memref<128x32xf32, #tpu.memory_space<vmem>>[vector<16xi32>, vector<16xi32>], vector<16xf32>,
        %gather3A_221 = tpu.vector_load_idx %arg13[%add3A_174, %and3A_214] : memref<128x32xf32, #tpu.memory_space<vmem>>[vector<16xi32>, vector<16xi32>], vector<16xf32>,
        %mul3A_222 = arith.mulf %gather3A_218, %gather3A_219 : vector<16xf32>
        %add3A_223 = arith.addf %add3A_206, %mul3A_222 : vector<16xf32>
        %mul3A_224 = arith.mulf %gather3A_220, %gather3A_221 : vector<16xf32>
        %add3A_225 = arith.addf %add3A_208, %mul3A_224 : vector<16xf32>
        %add3A_226 = arith.constant 3 : i32
        %add3A_227 = vector.broadcast %add3A_226 : i32 to vector<16xi32>
        %add3A_228 = arith.addi %iota3A, %add3A_227 : vector<16xi32>
        %and3A_229 = arith.constant 15 : i32
        %and3A_230 = vector.broadcast %and3A_229 : i32 to vector<16xi32>
        %and3A_231 = arith.andi %add3A_228, %and3A_230 : vector<16xi32>
        %or3A_232 = arith.constant 16 : i32
        %or3A_233 = vector.broadcast %or3A_232 : i32 to vector<16xi32>
        %or3A_234 = arith.ori %and3A_231, %or3A_233 : vector<16xi32>
        %gather3A_235 = tpu.vector_load_idx %arg9[%add3A_174, %and3A_231] : memref<128x32xf32, #tpu.memory_space<vmem>>[vector<16xi32>, vector<16xi32>], vector<16xf32>,
        %gather3A_236 = tpu.vector_load_idx %arg13[%add3A_174, %or3A_234] : memref<128x32xf32, #tpu.memory_space<vmem>>[vector<16xi32>, vector<16xi32>], vector<16xf32>,
        %gather3A_237 = tpu.vector_load_idx %arg9[%add3A_174, %or3A_234] : memref<128x32xf32, #tpu.memory_space<vmem>>[vector<16xi32>, vector<16xi32>], vector<16xf32>,
        %gather3A_238 = tpu.vector_load_idx %arg13[%add3A_174, %and3A_231] : memref<128x32xf32, #tpu.memory_space<vmem>>[vector<16xi32>, vector<16xi32>], vector<16xf32>,
        %mul3A_239 = arith.mulf %gather3A_235, %gather3A_236 : vector<16xf32>
        %add3A_240 = arith.addf %add3A_223, %mul3A_239 : vector<16xf32>
        %mul3A_241 = arith.mulf %gather3A_237, %gather3A_238 : vector<16xf32>
        %add3A_242 = arith.addf %add3A_225, %mul3A_241 : vector<16xf32>
        %add3A_243 = arith.constant 4 : i32
        %add3A_244 = vector.broadcast %add3A_243 : i32 to vector<16xi32>
        %add3A_245 = arith.addi %iota3A, %add3A_244 : vector<16xi32>
        %and3A_246 = arith.constant 15 : i32
        %and3A_247 = vector.broadcast %and3A_246 : i32 to vector<16xi32>
        %and3A_248 = arith.andi %add3A_245, %and3A_247 : vector<16xi32>
        %or3A_249 = arith.constant 16 : i32
        %or3A_250 = vector.broadcast %or3A_249 : i32 to vector<16xi32>
        %or3A_251 = arith.ori %and3A_248, %or3A_250 : vector<16xi32>
        %gather3A_252 = tpu.vector_load_idx %arg9[%add3A_174, %and3A_248] : memref<128x32xf32, #tpu.memory_space<vmem>>[vector<16xi32>, vector<16xi32>], vector<16xf32>,
        %gather3A_253 = tpu.vector_load_idx %arg13[%add3A_174, %or3A_251] : memref<128x32xf32, #tpu.memory_space<vmem>>[vector<16xi32>, vector<16xi32>], vector<16xf32>,
        %gather3A_254 = tpu.vector_load_idx %arg9[%add3A_174, %or3A_251] : memref<128x32xf32, #tpu.memory_space<vmem>>[vector<16xi32>, vector<16xi32>], vector<16xf32>,
        %gather3A_255 = tpu.vector_load_idx %arg13[%add3A_174, %and3A_248] : memref<128x32xf32, #tpu.memory_space<vmem>>[vector<16xi32>, vector<16xi32>], vector<16xf32>,
        %mul3A_256 = arith.mulf %gather3A_252, %gather3A_253 : vector<16xf32>
        %add3A_257 = arith.addf %add3A_240, %mul3A_256 : vector<16xf32>
        %mul3A_258 = arith.mulf %gather3A_254, %gather3A_255 : vector<16xf32>
        %add3A_259 = arith.addf %add3A_242, %mul3A_258 : vector<16xf32>
        %add3A_260 = arith.constant 5 : i32
        %add3A_261 = vector.broadcast %add3A_260 : i32 to vector<16xi32>
        %add3A_262 = arith.addi %iota3A, %add3A_261 : vector<16xi32>
        %and3A_263 = arith.constant 15 : i32
        %and3A_264 = vector.broadcast %and3A_263 : i32 to vector<16xi32>
        %and3A_265 = arith.andi %add3A_262, %and3A_264 : vector<16xi32>
        %or3A_266 = arith.constant 16 : i32
        %or3A_267 = vector.broadcast %or3A_266 : i32 to vector<16xi32>
        %or3A_268 = arith.ori %and3A_265, %or3A_267 : vector<16xi32>
        %gather3A_269 = tpu.vector_load_idx %arg9[%add3A_174, %and3A_265] : memref<128x32xf32, #tpu.memory_space<vmem>>[vector<16xi32>, vector<16xi32>], vector<16xf32>,
        %gather3A_270 = tpu.vector_load_idx %arg13[%add3A_174, %or3A_268] : memref<128x32xf32, #tpu.memory_space<vmem>>[vector<16xi32>, vector<16xi32>], vector<16xf32>,
        %gather3A_271 = tpu.vector_load_idx %arg9[%add3A_174, %or3A_268] : memref<128x32xf32, #tpu.memory_space<vmem>>[vector<16xi32>, vector<16xi32>], vector<16xf32>,
        %gather3A_272 = tpu.vector_load_idx %arg13[%add3A_174, %and3A_265] : memref<128x32xf32, #tpu.memory_space<vmem>>[vector<16xi32>, vector<16xi32>], vector<16xf32>,
        %mul3A_273 = arith.mulf %gather3A_269, %gather3A_270 : vector<16xf32>
        %add3A_274 = arith.addf %add3A_257, %mul3A_273 : vector<16xf32>
        %mul3A_275 = arith.mulf %gather3A_271, %gather3A_272 : vector<16xf32>
        %add3A_276 = arith.addf %add3A_259, %mul3A_275 : vector<16xf32>
        %add3A_277 = arith.constant 6 : i32
        %add3A_278 = vector.broadcast %add3A_277 : i32 to vector<16xi32>
        %add3A_279 = arith.addi %iota3A, %add3A_278 : vector<16xi32>
        %and3A_280 = arith.constant 15 : i32
        %and3A_281 = vector.broadcast %and3A_280 : i32 to vector<16xi32>
        %and3A_282 = arith.andi %add3A_279, %and3A_281 : vector<16xi32>
        %or3A_283 = arith.constant 16 : i32
        %or3A_284 = vector.broadcast %or3A_283 : i32 to vector<16xi32>
        %or3A_285 = arith.ori %and3A_282, %or3A_284 : vector<16xi32>
        %gather3A_286 = tpu.vector_load_idx %arg9[%add3A_174, %and3A_282] : memref<128x32xf32, #tpu.memory_space<vmem>>[vector<16xi32>, vector<16xi32>], vector<16xf32>,
        %gather3A_287 = tpu.vector_load_idx %arg13[%add3A_174, %or3A_285] : memref<128x32xf32, #tpu.memory_space<vmem>>[vector<16xi32>, vector<16xi32>], vector<16xf32>,
        %gather3A_288 = tpu.vector_load_idx %arg9[%add3A_174, %or3A_285] : memref<128x32xf32, #tpu.memory_space<vmem>>[vector<16xi32>, vector<16xi32>], vector<16xf32>,
        %gather3A_289 = tpu.vector_load_idx %arg13[%add3A_174, %and3A_282] : memref<128x32xf32, #tpu.memory_space<vmem>>[vector<16xi32>, vector<16xi32>], vector<16xf32>,
        %mul3A_290 = arith.mulf %gather3A_286, %gather3A_287 : vector<16xf32>
        %add3A_291 = arith.addf %add3A_274, %mul3A_290 : vector<16xf32>
        %mul3A_292 = arith.mulf %gather3A_288, %gather3A_289 : vector<16xf32>
        %add3A_293 = arith.addf %add3A_276, %mul3A_292 : vector<16xf32>
        %add3A_294 = arith.constant 7 : i32
        %add3A_295 = vector.broadcast %add3A_294 : i32 to vector<16xi32>
        %add3A_296 = arith.addi %iota3A, %add3A_295 : vector<16xi32>
        %and3A_297 = arith.constant 15 : i32
        %and3A_298 = vector.broadcast %and3A_297 : i32 to vector<16xi32>
        %and3A_299 = arith.andi %add3A_296, %and3A_298 : vector<16xi32>
        %or3A_300 = arith.constant 16 : i32
        %or3A_301 = vector.broadcast %or3A_300 : i32 to vector<16xi32>
        %or3A_302 = arith.ori %and3A_299, %or3A_301 : vector<16xi32>
        %gather3A_303 = tpu.vector_load_idx %arg9[%add3A_174, %and3A_299] : memref<128x32xf32, #tpu.memory_space<vmem>>[vector<16xi32>, vector<16xi32>], vector<16xf32>,
        %gather3A_304 = tpu.vector_load_idx %arg13[%add3A_174, %or3A_302] : memref<128x32xf32, #tpu.memory_space<vmem>>[vector<16xi32>, vector<16xi32>], vector<16xf32>,
        %gather3A_305 = tpu.vector_load_idx %arg9[%add3A_174, %or3A_302] : memref<128x32xf32, #tpu.memory_space<vmem>>[vector<16xi32>, vector<16xi32>], vector<16xf32>,
        %gather3A_306 = tpu.vector_load_idx %arg13[%add3A_174, %and3A_299] : memref<128x32xf32, #tpu.memory_space<vmem>>[vector<16xi32>, vector<16xi32>], vector<16xf32>,
        %mul3A_307 = arith.mulf %gather3A_303, %gather3A_304 : vector<16xf32>
        %add3A_308 = arith.addf %add3A_291, %mul3A_307 : vector<16xf32>
        %mul3A_309 = arith.mulf %gather3A_305, %gather3A_306 : vector<16xf32>
        %add3A_310 = arith.addf %add3A_293, %mul3A_309 : vector<16xf32>
        %add3A_311 = arith.constant 8 : i32
        %add3A_312 = vector.broadcast %add3A_311 : i32 to vector<16xi32>
        %add3A_313 = arith.addi %iota3A, %add3A_312 : vector<16xi32>
        %and3A_314 = arith.constant 15 : i32
        %and3A_315 = vector.broadcast %and3A_314 : i32 to vector<16xi32>
        %and3A_316 = arith.andi %add3A_313, %and3A_315 : vector<16xi32>
        %or3A_317 = arith.constant 16 : i32
        %or3A_318 = vector.broadcast %or3A_317 : i32 to vector<16xi32>
        %or3A_319 = arith.ori %and3A_316, %or3A_318 : vector<16xi32>
        %gather3A_320 = tpu.vector_load_idx %arg9[%add3A_174, %and3A_316] : memref<128x32xf32, #tpu.memory_space<vmem>>[vector<16xi32>, vector<16xi32>], vector<16xf32>,
        %gather3A_321 = tpu.vector_load_idx %arg13[%add3A_174, %or3A_319] : memref<128x32xf32, #tpu.memory_space<vmem>>[vector<16xi32>, vector<16xi32>], vector<16xf32>,
        %gather3A_322 = tpu.vector_load_idx %arg9[%add3A_174, %or3A_319] : memref<128x32xf32, #tpu.memory_space<vmem>>[vector<16xi32>, vector<16xi32>], vector<16xf32>,
        %gather3A_323 = tpu.vector_load_idx %arg13[%add3A_174, %and3A_316] : memref<128x32xf32, #tpu.memory_space<vmem>>[vector<16xi32>, vector<16xi32>], vector<16xf32>,
        %mul3A_324 = arith.mulf %gather3A_320, %gather3A_321 : vector<16xf32>
        %add3A_325 = arith.addf %add3A_308, %mul3A_324 : vector<16xf32>
        %mul3A_326 = arith.mulf %gather3A_322, %gather3A_323 : vector<16xf32>
        %add3A_327 = arith.addf %add3A_310, %mul3A_326 : vector<16xf32>
        %add3A_328 = arith.constant 9 : i32
        %add3A_329 = vector.broadcast %add3A_328 : i32 to vector<16xi32>
        %add3A_330 = arith.addi %iota3A, %add3A_329 : vector<16xi32>
        %and3A_331 = arith.constant 15 : i32
        %and3A_332 = vector.broadcast %and3A_331 : i32 to vector<16xi32>
        %and3A_333 = arith.andi %add3A_330, %and3A_332 : vector<16xi32>
        %or3A_334 = arith.constant 16 : i32
        %or3A_335 = vector.broadcast %or3A_334 : i32 to vector<16xi32>
        %or3A_336 = arith.ori %and3A_333, %or3A_335 : vector<16xi32>
        %gather3A_337 = tpu.vector_load_idx %arg9[%add3A_174, %and3A_333] : memref<128x32xf32, #tpu.memory_space<vmem>>[vector<16xi32>, vector<16xi32>], vector<16xf32>,
        %gather3A_338 = tpu.vector_load_idx %arg13[%add3A_174, %or3A_336] : memref<128x32xf32, #tpu.memory_space<vmem>>[vector<16xi32>, vector<16xi32>], vector<16xf32>,
        %gather3A_339 = tpu.vector_load_idx %arg9[%add3A_174, %or3A_336] : memref<128x32xf32, #tpu.memory_space<vmem>>[vector<16xi32>, vector<16xi32>], vector<16xf32>,
        %gather3A_340 = tpu.vector_load_idx %arg13[%add3A_174, %and3A_333] : memref<128x32xf32, #tpu.memory_space<vmem>>[vector<16xi32>, vector<16xi32>], vector<16xf32>,
        %mul3A_341 = arith.mulf %gather3A_337, %gather3A_338 : vector<16xf32>
        %add3A_342 = arith.addf %add3A_325, %mul3A_341 : vector<16xf32>
        %mul3A_343 = arith.mulf %gather3A_339, %gather3A_340 : vector<16xf32>
        %add3A_344 = arith.addf %add3A_327, %mul3A_343 : vector<16xf32>
        %add3A_345 = arith.constant 10 : i32
        %add3A_346 = vector.broadcast %add3A_345 : i32 to vector<16xi32>
        %add3A_347 = arith.addi %iota3A, %add3A_346 : vector<16xi32>
        %and3A_348 = arith.constant 15 : i32
        %and3A_349 = vector.broadcast %and3A_348 : i32 to vector<16xi32>
        %and3A_350 = arith.andi %add3A_347, %and3A_349 : vector<16xi32>
        %or3A_351 = arith.constant 16 : i32
        %or3A_352 = vector.broadcast %or3A_351 : i32 to vector<16xi32>
        %or3A_353 = arith.ori %and3A_350, %or3A_352 : vector<16xi32>
        %gather3A_354 = tpu.vector_load_idx %arg9[%add3A_174, %and3A_350] : memref<128x32xf32, #tpu.memory_space<vmem>>[vector<16xi32>, vector<16xi32>], vector<16xf32>,
        %gather3A_355 = tpu.vector_load_idx %arg13[%add3A_174, %or3A_353] : memref<128x32xf32, #tpu.memory_space<vmem>>[vector<16xi32>, vector<16xi32>], vector<16xf32>,
        %gather3A_356 = tpu.vector_load_idx %arg9[%add3A_174, %or3A_353] : memref<128x32xf32, #tpu.memory_space<vmem>>[vector<16xi32>, vector<16xi32>], vector<16xf32>,
        %gather3A_357 = tpu.vector_load_idx %arg13[%add3A_174, %and3A_350] : memref<128x32xf32, #tpu.memory_space<vmem>>[vector<16xi32>, vector<16xi32>], vector<16xf32>,
        %mul3A_358 = arith.mulf %gather3A_354, %gather3A_355 : vector<16xf32>
        %add3A_359 = arith.addf %add3A_342, %mul3A_358 : vector<16xf32>
        %mul3A_360 = arith.mulf %gather3A_356, %gather3A_357 : vector<16xf32>
        %add3A_361 = arith.addf %add3A_344, %mul3A_360 : vector<16xf32>
        %add3A_362 = arith.constant 11 : i32
        %add3A_363 = vector.broadcast %add3A_362 : i32 to vector<16xi32>
        %add3A_364 = arith.addi %iota3A, %add3A_363 : vector<16xi32>
        %and3A_365 = arith.constant 15 : i32
        %and3A_366 = vector.broadcast %and3A_365 : i32 to vector<16xi32>
        %and3A_367 = arith.andi %add3A_364, %and3A_366 : vector<16xi32>
        %or3A_368 = arith.constant 16 : i32
        %or3A_369 = vector.broadcast %or3A_368 : i32 to vector<16xi32>
        %or3A_370 = arith.ori %and3A_367, %or3A_369 : vector<16xi32>
        %gather3A_371 = tpu.vector_load_idx %arg9[%add3A_174, %and3A_367] : memref<128x32xf32, #tpu.memory_space<vmem>>[vector<16xi32>, vector<16xi32>], vector<16xf32>,
        %gather3A_372 = tpu.vector_load_idx %arg13[%add3A_174, %or3A_370] : memref<128x32xf32, #tpu.memory_space<vmem>>[vector<16xi32>, vector<16xi32>], vector<16xf32>,
        %gather3A_373 = tpu.vector_load_idx %arg9[%add3A_174, %or3A_370] : memref<128x32xf32, #tpu.memory_space<vmem>>[vector<16xi32>, vector<16xi32>], vector<16xf32>,
        %gather3A_374 = tpu.vector_load_idx %arg13[%add3A_174, %and3A_367] : memref<128x32xf32, #tpu.memory_space<vmem>>[vector<16xi32>, vector<16xi32>], vector<16xf32>,
        %mul3A_375 = arith.mulf %gather3A_371, %gather3A_372 : vector<16xf32>
        %add3A_376 = arith.addf %add3A_359, %mul3A_375 : vector<16xf32>
        %mul3A_377 = arith.mulf %gather3A_373, %gather3A_374 : vector<16xf32>
        %add3A_378 = arith.addf %add3A_361, %mul3A_377 : vector<16xf32>
        %add3A_379 = arith.constant 12 : i32
        %add3A_380 = vector.broadcast %add3A_379 : i32 to vector<16xi32>
        %add3A_381 = arith.addi %iota3A, %add3A_380 : vector<16xi32>
        %and3A_382 = arith.constant 15 : i32
        %and3A_383 = vector.broadcast %and3A_382 : i32 to vector<16xi32>
        %and3A_384 = arith.andi %add3A_381, %and3A_383 : vector<16xi32>
        %or3A_385 = arith.constant 16 : i32
        %or3A_386 = vector.broadcast %or3A_385 : i32 to vector<16xi32>
        %or3A_387 = arith.ori %and3A_384, %or3A_386 : vector<16xi32>
        %gather3A_388 = tpu.vector_load_idx %arg9[%add3A_174, %and3A_384] : memref<128x32xf32, #tpu.memory_space<vmem>>[vector<16xi32>, vector<16xi32>], vector<16xf32>,
        %gather3A_389 = tpu.vector_load_idx %arg13[%add3A_174, %or3A_387] : memref<128x32xf32, #tpu.memory_space<vmem>>[vector<16xi32>, vector<16xi32>], vector<16xf32>,
        %gather3A_390 = tpu.vector_load_idx %arg9[%add3A_174, %or3A_387] : memref<128x32xf32, #tpu.memory_space<vmem>>[vector<16xi32>, vector<16xi32>], vector<16xf32>,
        %gather3A_391 = tpu.vector_load_idx %arg13[%add3A_174, %and3A_384] : memref<128x32xf32, #tpu.memory_space<vmem>>[vector<16xi32>, vector<16xi32>], vector<16xf32>,
        %mul3A_392 = arith.mulf %gather3A_388, %gather3A_389 : vector<16xf32>
        %add3A_393 = arith.addf %add3A_376, %mul3A_392 : vector<16xf32>
        %mul3A_394 = arith.mulf %gather3A_390, %gather3A_391 : vector<16xf32>
        %add3A_395 = arith.addf %add3A_378, %mul3A_394 : vector<16xf32>
        %add3A_396 = arith.constant 13 : i32
        %add3A_397 = vector.broadcast %add3A_396 : i32 to vector<16xi32>
        %add3A_398 = arith.addi %iota3A, %add3A_397 : vector<16xi32>
        %and3A_399 = arith.constant 15 : i32
        %and3A_400 = vector.broadcast %and3A_399 : i32 to vector<16xi32>
        %and3A_401 = arith.andi %add3A_398, %and3A_400 : vector<16xi32>
        %or3A_402 = arith.constant 16 : i32
        %or3A_403 = vector.broadcast %or3A_402 : i32 to vector<16xi32>
        %or3A_404 = arith.ori %and3A_401, %or3A_403 : vector<16xi32>
        %gather3A_405 = tpu.vector_load_idx %arg9[%add3A_174, %and3A_401] : memref<128x32xf32, #tpu.memory_space<vmem>>[vector<16xi32>, vector<16xi32>], vector<16xf32>,
        %gather3A_406 = tpu.vector_load_idx %arg13[%add3A_174, %or3A_404] : memref<128x32xf32, #tpu.memory_space<vmem>>[vector<16xi32>, vector<16xi32>], vector<16xf32>,
        %gather3A_407 = tpu.vector_load_idx %arg9[%add3A_174, %or3A_404] : memref<128x32xf32, #tpu.memory_space<vmem>>[vector<16xi32>, vector<16xi32>], vector<16xf32>,
        %gather3A_408 = tpu.vector_load_idx %arg13[%add3A_174, %and3A_401] : memref<128x32xf32, #tpu.memory_space<vmem>>[vector<16xi32>, vector<16xi32>], vector<16xf32>,
        %mul3A_409 = arith.mulf %gather3A_405, %gather3A_406 : vector<16xf32>
        %add3A_410 = arith.addf %add3A_393, %mul3A_409 : vector<16xf32>
        %mul3A_411 = arith.mulf %gather3A_407, %gather3A_408 : vector<16xf32>
        %add3A_412 = arith.addf %add3A_395, %mul3A_411 : vector<16xf32>
        %add3A_413 = arith.constant 14 : i32
        %add3A_414 = vector.broadcast %add3A_413 : i32 to vector<16xi32>
        %add3A_415 = arith.addi %iota3A, %add3A_414 : vector<16xi32>
        %and3A_416 = arith.constant 15 : i32
        %and3A_417 = vector.broadcast %and3A_416 : i32 to vector<16xi32>
        %and3A_418 = arith.andi %add3A_415, %and3A_417 : vector<16xi32>
        %or3A_419 = arith.constant 16 : i32
        %or3A_420 = vector.broadcast %or3A_419 : i32 to vector<16xi32>
        %or3A_421 = arith.ori %and3A_418, %or3A_420 : vector<16xi32>
        %gather3A_422 = tpu.vector_load_idx %arg9[%add3A_174, %and3A_418] : memref<128x32xf32, #tpu.memory_space<vmem>>[vector<16xi32>, vector<16xi32>], vector<16xf32>,
        %gather3A_423 = tpu.vector_load_idx %arg13[%add3A_174, %or3A_421] : memref<128x32xf32, #tpu.memory_space<vmem>>[vector<16xi32>, vector<16xi32>], vector<16xf32>,
        %gather3A_424 = tpu.vector_load_idx %arg9[%add3A_174, %or3A_421] : memref<128x32xf32, #tpu.memory_space<vmem>>[vector<16xi32>, vector<16xi32>], vector<16xf32>,
        %gather3A_425 = tpu.vector_load_idx %arg13[%add3A_174, %and3A_418] : memref<128x32xf32, #tpu.memory_space<vmem>>[vector<16xi32>, vector<16xi32>], vector<16xf32>,
        %mul3A_426 = arith.mulf %gather3A_422, %gather3A_423 : vector<16xf32>
        %add3A_427 = arith.addf %add3A_410, %mul3A_426 : vector<16xf32>
        %mul3A_428 = arith.mulf %gather3A_424, %gather3A_425 : vector<16xf32>
        %add3A_429 = arith.addf %add3A_412, %mul3A_428 : vector<16xf32>
        %add3A_430 = arith.constant 15 : i32
        %add3A_431 = vector.broadcast %add3A_430 : i32 to vector<16xi32>
        %add3A_432 = arith.addi %iota3A, %add3A_431 : vector<16xi32>
        %and3A_433 = arith.constant 15 : i32
        %and3A_434 = vector.broadcast %and3A_433 : i32 to vector<16xi32>
        %and3A_435 = arith.andi %add3A_432, %and3A_434 : vector<16xi32>
        %or3A_436 = arith.constant 16 : i32
        %or3A_437 = vector.broadcast %or3A_436 : i32 to vector<16xi32>
        %or3A_438 = arith.ori %and3A_435, %or3A_437 : vector<16xi32>
        %gather3A_439 = tpu.vector_load_idx %arg9[%add3A_174, %and3A_435] : memref<128x32xf32, #tpu.memory_space<vmem>>[vector<16xi32>, vector<16xi32>], vector<16xf32>,
        %gather3A_440 = tpu.vector_load_idx %arg13[%add3A_174, %or3A_438] : memref<128x32xf32, #tpu.memory_space<vmem>>[vector<16xi32>, vector<16xi32>], vector<16xf32>,
        %gather3A_441 = tpu.vector_load_idx %arg9[%add3A_174, %or3A_438] : memref<128x32xf32, #tpu.memory_space<vmem>>[vector<16xi32>, vector<16xi32>], vector<16xf32>,
        %gather3A_442 = tpu.vector_load_idx %arg13[%add3A_174, %and3A_435] : memref<128x32xf32, #tpu.memory_space<vmem>>[vector<16xi32>, vector<16xi32>], vector<16xf32>,
        %mul3A_443 = arith.mulf %gather3A_439, %gather3A_440 : vector<16xf32>
        %add3A_444 = arith.addf %add3A_427, %mul3A_443 : vector<16xf32>
        %mul3A_445 = arith.mulf %gather3A_441, %gather3A_442 : vector<16xf32>
        %add3A_446 = arith.addf %add3A_429, %mul3A_445 : vector<16xf32>
        %max3A = arith.constant -3.000000e+01 : f32
        %max3A_447 = vector.broadcast %max3A : f32 to vector<16xf32>
        %max3A_448 = arith.maximumf %add3A_444, %max3A_447 : vector<16xf32>
        %neg3A = arith.constant 0.000000e+00 : f32
        %neg3A_449 = vector.broadcast %neg3A : f32 to vector<16xf32>
        %neg3A_450 = arith.subf %neg3A_449, %max3A_448 : vector<16xf32>
        %exp3A = math.exp %neg3A_450 : vector<16xf32>
        %max3A_451 = arith.constant -3.000000e+01 : f32
        %max3A_452 = vector.broadcast %max3A_451 : f32 to vector<16xf32>
        %max3A_453 = arith.maximumf %add3A_446, %max3A_452 : vector<16xf32>
        %neg3A_454 = arith.constant 0.000000e+00 : f32
        %neg3A_455 = vector.broadcast %neg3A_454 : f32 to vector<16xf32>
        %neg3A_456 = arith.subf %neg3A_455, %max3A_453 : vector<16xf32>
        %exp3A_457 = math.exp %neg3A_456 : vector<16xf32>
        %add3A_458 = arith.addf %exp3A, %exp3A_457 : vector<16xf32>
        %mul3A_459 = arith.constant 5.000000e-01 : f32
        %mul3A_460 = vector.broadcast %mul3A_459 : f32 to vector<16xf32>
        %mul3A_461 = arith.mulf %mul3A_460, %add3A_458 : vector<16xf32>
        %add3A_462 = arith.constant 1.000000e+00 : f32
        %add3A_463 = vector.broadcast %add3A_462 : f32 to vector<16xf32>
        %add3A_464 = arith.addf %add3A_463, %mul3A_461 : vector<16xf32>
        %add3A_465 = arith.constant 1.000000e+00 : f32
        %add3A_466 = vector.broadcast %add3A_465 : f32 to vector<16xf32>
        %add3A_467 = arith.addf %add3A_466, %exp3A : vector<16xf32>
        %add3A_468 = arith.constant 1.000000e+00 : f32
        %add3A_469 = vector.broadcast %add3A_468 : f32 to vector<16xf32>
        %add3A_470 = arith.addf %add3A_469, %exp3A_457 : vector<16xf32>
        %mul3A_471 = arith.mulf %add3A_467, %add3A_470 : vector<16xf32>
        %div3A = arith.divf %add3A_464, %mul3A_471 : vector<16xf32>
        %mul3A_472 = arith.constant 128 : i32
        %mul3A_473 = arith.muli %add3A_57, %mul3A_472 : i32
        %mul3A_474 = arith.constant 16 : i32
        %mul3A_475 = arith.muli %scan3A_170, %mul3A_474 : i32
        %add3A_476 = arith.addi %mul3A_473, %mul3A_475 : i32
        %swap3A = arith.index_cast %add3A_476 : i32 to index
        %swap3A_477 = tpu.vector_load %arg17[%swap3A] {strides = array<i32>} : memref<10240xf32, #tpu.memory_space<vmem>>, vector<16xf32>,
        tpu.vector_store %arg17[%swap3A], %div3A {strides = array<i32>} : memref<10240xf32, #tpu.memory_space<vmem>>, vector<16xf32>,
        %scan3A_478 = arith.constant 1 : i32
        %scan3A_479 = arith.addi %scan3A_170, %scan3A_478 : i32
        %iota3A_480 = tpu.iota {dimensions = array<i32: 0>} : vector<16xi32>
        %mul3A_481 = arith.constant 16 : i32
        %mul3A_482 = arith.muli %scan3A_479, %mul3A_481 : i32
        %add3A_483 = vector.broadcast %mul3A_482 : i32 to vector<16xi32>
        %add3A_484 = arith.addi %add3A_483, %iota3A_480 : vector<16xi32>
        %broadcast_in_dim3A_485 = arith.constant 0.000000e+00 : f32
        %broadcast_in_dim3A_486 = vector.broadcast %broadcast_in_dim3A_485 : f32 to vector<16xf32>
        %broadcast_in_dim3A_487 = arith.constant 0.000000e+00 : f32
        %broadcast_in_dim3A_488 = vector.broadcast %broadcast_in_dim3A_487 : f32 to vector<16xf32>
        %add3A_489 = arith.constant 0 : i32
        %add3A_490 = vector.broadcast %add3A_489 : i32 to vector<16xi32>
        %add3A_491 = arith.addi %iota3A_480, %add3A_490 : vector<16xi32>
        %and3A_492 = arith.constant 15 : i32
        %and3A_493 = vector.broadcast %and3A_492 : i32 to vector<16xi32>
        %and3A_494 = arith.andi %add3A_491, %and3A_493 : vector<16xi32>
        %or3A_495 = arith.constant 16 : i32
        %or3A_496 = vector.broadcast %or3A_495 : i32 to vector<16xi32>
        %or3A_497 = arith.ori %and3A_494, %or3A_496 : vector<16xi32>
        %gather3A_498 = tpu.vector_load_idx %arg9[%add3A_484, %and3A_494] : memref<128x32xf32, #tpu.memory_space<vmem>>[vector<16xi32>, vector<16xi32>], vector<16xf32>,
        %gather3A_499 = tpu.vector_load_idx %arg13[%add3A_484, %or3A_497] : memref<128x32xf32, #tpu.memory_space<vmem>>[vector<16xi32>, vector<16xi32>], vector<16xf32>,
        %gather3A_500 = tpu.vector_load_idx %arg9[%add3A_484, %or3A_497] : memref<128x32xf32, #tpu.memory_space<vmem>>[vector<16xi32>, vector<16xi32>], vector<16xf32>,
        %gather3A_501 = tpu.vector_load_idx %arg13[%add3A_484, %and3A_494] : memref<128x32xf32, #tpu.memory_space<vmem>>[vector<16xi32>, vector<16xi32>], vector<16xf32>,
        %mul3A_502 = arith.mulf %gather3A_498, %gather3A_499 : vector<16xf32>
        %add3A_503 = arith.addf %broadcast_in_dim3A_486, %mul3A_502 : vector<16xf32>
        %mul3A_504 = arith.mulf %gather3A_500, %gather3A_501 : vector<16xf32>
        %add3A_505 = arith.addf %broadcast_in_dim3A_488, %mul3A_504 : vector<16xf32>
        %add3A_506 = arith.constant 1 : i32
        %add3A_507 = vector.broadcast %add3A_506 : i32 to vector<16xi32>
        %add3A_508 = arith.addi %iota3A_480, %add3A_507 : vector<16xi32>
        %and3A_509 = arith.constant 15 : i32
        %and3A_510 = vector.broadcast %and3A_509 : i32 to vector<16xi32>
        %and3A_511 = arith.andi %add3A_508, %and3A_510 : vector<16xi32>
        %or3A_512 = arith.constant 16 : i32
        %or3A_513 = vector.broadcast %or3A_512 : i32 to vector<16xi32>
        %or3A_514 = arith.ori %and3A_511, %or3A_513 : vector<16xi32>
        %gather3A_515 = tpu.vector_load_idx %arg9[%add3A_484, %and3A_511] : memref<128x32xf32, #tpu.memory_space<vmem>>[vector<16xi32>, vector<16xi32>], vector<16xf32>,
        %gather3A_516 = tpu.vector_load_idx %arg13[%add3A_484, %or3A_514] : memref<128x32xf32, #tpu.memory_space<vmem>>[vector<16xi32>, vector<16xi32>], vector<16xf32>,
        %gather3A_517 = tpu.vector_load_idx %arg9[%add3A_484, %or3A_514] : memref<128x32xf32, #tpu.memory_space<vmem>>[vector<16xi32>, vector<16xi32>], vector<16xf32>,
        %gather3A_518 = tpu.vector_load_idx %arg13[%add3A_484, %and3A_511] : memref<128x32xf32, #tpu.memory_space<vmem>>[vector<16xi32>, vector<16xi32>], vector<16xf32>,
        %mul3A_519 = arith.mulf %gather3A_515, %gather3A_516 : vector<16xf32>
        %add3A_520 = arith.addf %add3A_503, %mul3A_519 : vector<16xf32>
        %mul3A_521 = arith.mulf %gather3A_517, %gather3A_518 : vector<16xf32>
        %add3A_522 = arith.addf %add3A_505, %mul3A_521 : vector<16xf32>
        %add3A_523 = arith.constant 2 : i32
        %add3A_524 = vector.broadcast %add3A_523 : i32 to vector<16xi32>
        %add3A_525 = arith.addi %iota3A_480, %add3A_524 : vector<16xi32>
        %and3A_526 = arith.constant 15 : i32
        %and3A_527 = vector.broadcast %and3A_526 : i32 to vector<16xi32>
        %and3A_528 = arith.andi %add3A_525, %and3A_527 : vector<16xi32>
        %or3A_529 = arith.constant 16 : i32
        %or3A_530 = vector.broadcast %or3A_529 : i32 to vector<16xi32>
        %or3A_531 = arith.ori %and3A_528, %or3A_530 : vector<16xi32>
        %gather3A_532 = tpu.vector_load_idx %arg9[%add3A_484, %and3A_528] : memref<128x32xf32, #tpu.memory_space<vmem>>[vector<16xi32>, vector<16xi32>], vector<16xf32>,
        %gather3A_533 = tpu.vector_load_idx %arg13[%add3A_484, %or3A_531] : memref<128x32xf32, #tpu.memory_space<vmem>>[vector<16xi32>, vector<16xi32>], vector<16xf32>,
        %gather3A_534 = tpu.vector_load_idx %arg9[%add3A_484, %or3A_531] : memref<128x32xf32, #tpu.memory_space<vmem>>[vector<16xi32>, vector<16xi32>], vector<16xf32>,
        %gather3A_535 = tpu.vector_load_idx %arg13[%add3A_484, %and3A_528] : memref<128x32xf32, #tpu.memory_space<vmem>>[vector<16xi32>, vector<16xi32>], vector<16xf32>,
        %mul3A_536 = arith.mulf %gather3A_532, %gather3A_533 : vector<16xf32>
        %add3A_537 = arith.addf %add3A_520, %mul3A_536 : vector<16xf32>
        %mul3A_538 = arith.mulf %gather3A_534, %gather3A_535 : vector<16xf32>
        %add3A_539 = arith.addf %add3A_522, %mul3A_538 : vector<16xf32>
        %add3A_540 = arith.constant 3 : i32
        %add3A_541 = vector.broadcast %add3A_540 : i32 to vector<16xi32>
        %add3A_542 = arith.addi %iota3A_480, %add3A_541 : vector<16xi32>
        %and3A_543 = arith.constant 15 : i32
        %and3A_544 = vector.broadcast %and3A_543 : i32 to vector<16xi32>
        %and3A_545 = arith.andi %add3A_542, %and3A_544 : vector<16xi32>
        %or3A_546 = arith.constant 16 : i32
        %or3A_547 = vector.broadcast %or3A_546 : i32 to vector<16xi32>
        %or3A_548 = arith.ori %and3A_545, %or3A_547 : vector<16xi32>
        %gather3A_549 = tpu.vector_load_idx %arg9[%add3A_484, %and3A_545] : memref<128x32xf32, #tpu.memory_space<vmem>>[vector<16xi32>, vector<16xi32>], vector<16xf32>,
        %gather3A_550 = tpu.vector_load_idx %arg13[%add3A_484, %or3A_548] : memref<128x32xf32, #tpu.memory_space<vmem>>[vector<16xi32>, vector<16xi32>], vector<16xf32>,
        %gather3A_551 = tpu.vector_load_idx %arg9[%add3A_484, %or3A_548] : memref<128x32xf32, #tpu.memory_space<vmem>>[vector<16xi32>, vector<16xi32>], vector<16xf32>,
        %gather3A_552 = tpu.vector_load_idx %arg13[%add3A_484, %and3A_545] : memref<128x32xf32, #tpu.memory_space<vmem>>[vector<16xi32>, vector<16xi32>], vector<16xf32>,
        %mul3A_553 = arith.mulf %gather3A_549, %gather3A_550 : vector<16xf32>
        %add3A_554 = arith.addf %add3A_537, %mul3A_553 : vector<16xf32>
        %mul3A_555 = arith.mulf %gather3A_551, %gather3A_552 : vector<16xf32>
        %add3A_556 = arith.addf %add3A_539, %mul3A_555 : vector<16xf32>
        %add3A_557 = arith.constant 4 : i32
        %add3A_558 = vector.broadcast %add3A_557 : i32 to vector<16xi32>
        %add3A_559 = arith.addi %iota3A_480, %add3A_558 : vector<16xi32>
        %and3A_560 = arith.constant 15 : i32
        %and3A_561 = vector.broadcast %and3A_560 : i32 to vector<16xi32>
        %and3A_562 = arith.andi %add3A_559, %and3A_561 : vector<16xi32>
        %or3A_563 = arith.constant 16 : i32
        %or3A_564 = vector.broadcast %or3A_563 : i32 to vector<16xi32>
        %or3A_565 = arith.ori %and3A_562, %or3A_564 : vector<16xi32>
        %gather3A_566 = tpu.vector_load_idx %arg9[%add3A_484, %and3A_562] : memref<128x32xf32, #tpu.memory_space<vmem>>[vector<16xi32>, vector<16xi32>], vector<16xf32>,
        %gather3A_567 = tpu.vector_load_idx %arg13[%add3A_484, %or3A_565] : memref<128x32xf32, #tpu.memory_space<vmem>>[vector<16xi32>, vector<16xi32>], vector<16xf32>,
        %gather3A_568 = tpu.vector_load_idx %arg9[%add3A_484, %or3A_565] : memref<128x32xf32, #tpu.memory_space<vmem>>[vector<16xi32>, vector<16xi32>], vector<16xf32>,
        %gather3A_569 = tpu.vector_load_idx %arg13[%add3A_484, %and3A_562] : memref<128x32xf32, #tpu.memory_space<vmem>>[vector<16xi32>, vector<16xi32>], vector<16xf32>,
        %mul3A_570 = arith.mulf %gather3A_566, %gather3A_567 : vector<16xf32>
        %add3A_571 = arith.addf %add3A_554, %mul3A_570 : vector<16xf32>
        %mul3A_572 = arith.mulf %gather3A_568, %gather3A_569 : vector<16xf32>
        %add3A_573 = arith.addf %add3A_556, %mul3A_572 : vector<16xf32>
        %add3A_574 = arith.constant 5 : i32
        %add3A_575 = vector.broadcast %add3A_574 : i32 to vector<16xi32>
        %add3A_576 = arith.addi %iota3A_480, %add3A_575 : vector<16xi32>
        %and3A_577 = arith.constant 15 : i32
        %and3A_578 = vector.broadcast %and3A_577 : i32 to vector<16xi32>
        %and3A_579 = arith.andi %add3A_576, %and3A_578 : vector<16xi32>
        %or3A_580 = arith.constant 16 : i32
        %or3A_581 = vector.broadcast %or3A_580 : i32 to vector<16xi32>
        %or3A_582 = arith.ori %and3A_579, %or3A_581 : vector<16xi32>
        %gather3A_583 = tpu.vector_load_idx %arg9[%add3A_484, %and3A_579] : memref<128x32xf32, #tpu.memory_space<vmem>>[vector<16xi32>, vector<16xi32>], vector<16xf32>,
        %gather3A_584 = tpu.vector_load_idx %arg13[%add3A_484, %or3A_582] : memref<128x32xf32, #tpu.memory_space<vmem>>[vector<16xi32>, vector<16xi32>], vector<16xf32>,
        %gather3A_585 = tpu.vector_load_idx %arg9[%add3A_484, %or3A_582] : memref<128x32xf32, #tpu.memory_space<vmem>>[vector<16xi32>, vector<16xi32>], vector<16xf32>,
        %gather3A_586 = tpu.vector_load_idx %arg13[%add3A_484, %and3A_579] : memref<128x32xf32, #tpu.memory_space<vmem>>[vector<16xi32>, vector<16xi32>], vector<16xf32>,
        %mul3A_587 = arith.mulf %gather3A_583, %gather3A_584 : vector<16xf32>
        %add3A_588 = arith.addf %add3A_571, %mul3A_587 : vector<16xf32>
        %mul3A_589 = arith.mulf %gather3A_585, %gather3A_586 : vector<16xf32>
        %add3A_590 = arith.addf %add3A_573, %mul3A_589 : vector<16xf32>
        %add3A_591 = arith.constant 6 : i32
        %add3A_592 = vector.broadcast %add3A_591 : i32 to vector<16xi32>
        %add3A_593 = arith.addi %iota3A_480, %add3A_592 : vector<16xi32>
        %and3A_594 = arith.constant 15 : i32
        %and3A_595 = vector.broadcast %and3A_594 : i32 to vector<16xi32>
        %and3A_596 = arith.andi %add3A_593, %and3A_595 : vector<16xi32>
        %or3A_597 = arith.constant 16 : i32
        %or3A_598 = vector.broadcast %or3A_597 : i32 to vector<16xi32>
        %or3A_599 = arith.ori %and3A_596, %or3A_598 : vector<16xi32>
        %gather3A_600 = tpu.vector_load_idx %arg9[%add3A_484, %and3A_596] : memref<128x32xf32, #tpu.memory_space<vmem>>[vector<16xi32>, vector<16xi32>], vector<16xf32>,
        %gather3A_601 = tpu.vector_load_idx %arg13[%add3A_484, %or3A_599] : memref<128x32xf32, #tpu.memory_space<vmem>>[vector<16xi32>, vector<16xi32>], vector<16xf32>,
        %gather3A_602 = tpu.vector_load_idx %arg9[%add3A_484, %or3A_599] : memref<128x32xf32, #tpu.memory_space<vmem>>[vector<16xi32>, vector<16xi32>], vector<16xf32>,
        %gather3A_603 = tpu.vector_load_idx %arg13[%add3A_484, %and3A_596] : memref<128x32xf32, #tpu.memory_space<vmem>>[vector<16xi32>, vector<16xi32>], vector<16xf32>,
        %mul3A_604 = arith.mulf %gather3A_600, %gather3A_601 : vector<16xf32>
        %add3A_605 = arith.addf %add3A_588, %mul3A_604 : vector<16xf32>
        %mul3A_606 = arith.mulf %gather3A_602, %gather3A_603 : vector<16xf32>
        %add3A_607 = arith.addf %add3A_590, %mul3A_606 : vector<16xf32>
        %add3A_608 = arith.constant 7 : i32
        %add3A_609 = vector.broadcast %add3A_608 : i32 to vector<16xi32>
        %add3A_610 = arith.addi %iota3A_480, %add3A_609 : vector<16xi32>
        %and3A_611 = arith.constant 15 : i32
        %and3A_612 = vector.broadcast %and3A_611 : i32 to vector<16xi32>
        %and3A_613 = arith.andi %add3A_610, %and3A_612 : vector<16xi32>
        %or3A_614 = arith.constant 16 : i32
        %or3A_615 = vector.broadcast %or3A_614 : i32 to vector<16xi32>
        %or3A_616 = arith.ori %and3A_613, %or3A_615 : vector<16xi32>
        %gather3A_617 = tpu.vector_load_idx %arg9[%add3A_484, %and3A_613] : memref<128x32xf32, #tpu.memory_space<vmem>>[vector<16xi32>, vector<16xi32>], vector<16xf32>,
        %gather3A_618 = tpu.vector_load_idx %arg13[%add3A_484, %or3A_616] : memref<128x32xf32, #tpu.memory_space<vmem>>[vector<16xi32>, vector<16xi32>], vector<16xf32>,
        %gather3A_619 = tpu.vector_load_idx %arg9[%add3A_484, %or3A_616] : memref<128x32xf32, #tpu.memory_space<vmem>>[vector<16xi32>, vector<16xi32>], vector<16xf32>,
        %gather3A_620 = tpu.vector_load_idx %arg13[%add3A_484, %and3A_613] : memref<128x32xf32, #tpu.memory_space<vmem>>[vector<16xi32>, vector<16xi32>], vector<16xf32>,
        %mul3A_621 = arith.mulf %gather3A_617, %gather3A_618 : vector<16xf32>
        %add3A_622 = arith.addf %add3A_605, %mul3A_621 : vector<16xf32>
        %mul3A_623 = arith.mulf %gather3A_619, %gather3A_620 : vector<16xf32>
        %add3A_624 = arith.addf %add3A_607, %mul3A_623 : vector<16xf32>
        %add3A_625 = arith.constant 8 : i32
        %add3A_626 = vector.broadcast %add3A_625 : i32 to vector<16xi32>
        %add3A_627 = arith.addi %iota3A_480, %add3A_626 : vector<16xi32>
        %and3A_628 = arith.constant 15 : i32
        %and3A_629 = vector.broadcast %and3A_628 : i32 to vector<16xi32>
        %and3A_630 = arith.andi %add3A_627, %and3A_629 : vector<16xi32>
        %or3A_631 = arith.constant 16 : i32
        %or3A_632 = vector.broadcast %or3A_631 : i32 to vector<16xi32>
        %or3A_633 = arith.ori %and3A_630, %or3A_632 : vector<16xi32>
        %gather3A_634 = tpu.vector_load_idx %arg9[%add3A_484, %and3A_630] : memref<128x32xf32, #tpu.memory_space<vmem>>[vector<16xi32>, vector<16xi32>], vector<16xf32>,
        %gather3A_635 = tpu.vector_load_idx %arg13[%add3A_484, %or3A_633] : memref<128x32xf32, #tpu.memory_space<vmem>>[vector<16xi32>, vector<16xi32>], vector<16xf32>,
        %gather3A_636 = tpu.vector_load_idx %arg9[%add3A_484, %or3A_633] : memref<128x32xf32, #tpu.memory_space<vmem>>[vector<16xi32>, vector<16xi32>], vector<16xf32>,
        %gather3A_637 = tpu.vector_load_idx %arg13[%add3A_484, %and3A_630] : memref<128x32xf32, #tpu.memory_space<vmem>>[vector<16xi32>, vector<16xi32>], vector<16xf32>,
        %mul3A_638 = arith.mulf %gather3A_634, %gather3A_635 : vector<16xf32>
        %add3A_639 = arith.addf %add3A_622, %mul3A_638 : vector<16xf32>
        %mul3A_640 = arith.mulf %gather3A_636, %gather3A_637 : vector<16xf32>
        %add3A_641 = arith.addf %add3A_624, %mul3A_640 : vector<16xf32>
        %add3A_642 = arith.constant 9 : i32
        %add3A_643 = vector.broadcast %add3A_642 : i32 to vector<16xi32>
        %add3A_644 = arith.addi %iota3A_480, %add3A_643 : vector<16xi32>
        %and3A_645 = arith.constant 15 : i32
        %and3A_646 = vector.broadcast %and3A_645 : i32 to vector<16xi32>
        %and3A_647 = arith.andi %add3A_644, %and3A_646 : vector<16xi32>
        %or3A_648 = arith.constant 16 : i32
        %or3A_649 = vector.broadcast %or3A_648 : i32 to vector<16xi32>
        %or3A_650 = arith.ori %and3A_647, %or3A_649 : vector<16xi32>
        %gather3A_651 = tpu.vector_load_idx %arg9[%add3A_484, %and3A_647] : memref<128x32xf32, #tpu.memory_space<vmem>>[vector<16xi32>, vector<16xi32>], vector<16xf32>,
        %gather3A_652 = tpu.vector_load_idx %arg13[%add3A_484, %or3A_650] : memref<128x32xf32, #tpu.memory_space<vmem>>[vector<16xi32>, vector<16xi32>], vector<16xf32>,
        %gather3A_653 = tpu.vector_load_idx %arg9[%add3A_484, %or3A_650] : memref<128x32xf32, #tpu.memory_space<vmem>>[vector<16xi32>, vector<16xi32>], vector<16xf32>,
        %gather3A_654 = tpu.vector_load_idx %arg13[%add3A_484, %and3A_647] : memref<128x32xf32, #tpu.memory_space<vmem>>[vector<16xi32>, vector<16xi32>], vector<16xf32>,
        %mul3A_655 = arith.mulf %gather3A_651, %gather3A_652 : vector<16xf32>
        %add3A_656 = arith.addf %add3A_639, %mul3A_655 : vector<16xf32>
        %mul3A_657 = arith.mulf %gather3A_653, %gather3A_654 : vector<16xf32>
        %add3A_658 = arith.addf %add3A_641, %mul3A_657 : vector<16xf32>
        %add3A_659 = arith.constant 10 : i32
        %add3A_660 = vector.broadcast %add3A_659 : i32 to vector<16xi32>
        %add3A_661 = arith.addi %iota3A_480, %add3A_660 : vector<16xi32>
        %and3A_662 = arith.constant 15 : i32
        %and3A_663 = vector.broadcast %and3A_662 : i32 to vector<16xi32>
        %and3A_664 = arith.andi %add3A_661, %and3A_663 : vector<16xi32>
        %or3A_665 = arith.constant 16 : i32
        %or3A_666 = vector.broadcast %or3A_665 : i32 to vector<16xi32>
        %or3A_667 = arith.ori %and3A_664, %or3A_666 : vector<16xi32>
        %gather3A_668 = tpu.vector_load_idx %arg9[%add3A_484, %and3A_664] : memref<128x32xf32, #tpu.memory_space<vmem>>[vector<16xi32>, vector<16xi32>], vector<16xf32>,
        %gather3A_669 = tpu.vector_load_idx %arg13[%add3A_484, %or3A_667] : memref<128x32xf32, #tpu.memory_space<vmem>>[vector<16xi32>, vector<16xi32>], vector<16xf32>,
        %gather3A_670 = tpu.vector_load_idx %arg9[%add3A_484, %or3A_667] : memref<128x32xf32, #tpu.memory_space<vmem>>[vector<16xi32>, vector<16xi32>], vector<16xf32>,
        %gather3A_671 = tpu.vector_load_idx %arg13[%add3A_484, %and3A_664] : memref<128x32xf32, #tpu.memory_space<vmem>>[vector<16xi32>, vector<16xi32>], vector<16xf32>,
        %mul3A_672 = arith.mulf %gather3A_668, %gather3A_669 : vector<16xf32>
        %add3A_673 = arith.addf %add3A_656, %mul3A_672 : vector<16xf32>
        %mul3A_674 = arith.mulf %gather3A_670, %gather3A_671 : vector<16xf32>
        %add3A_675 = arith.addf %add3A_658, %mul3A_674 : vector<16xf32>
        %add3A_676 = arith.constant 11 : i32
        %add3A_677 = vector.broadcast %add3A_676 : i32 to vector<16xi32>
        %add3A_678 = arith.addi %iota3A_480, %add3A_677 : vector<16xi32>
        %and3A_679 = arith.constant 15 : i32
        %and3A_680 = vector.broadcast %and3A_679 : i32 to vector<16xi32>
        %and3A_681 = arith.andi %add3A_678, %and3A_680 : vector<16xi32>
        %or3A_682 = arith.constant 16 : i32
        %or3A_683 = vector.broadcast %or3A_682 : i32 to vector<16xi32>
        %or3A_684 = arith.ori %and3A_681, %or3A_683 : vector<16xi32>
        %gather3A_685 = tpu.vector_load_idx %arg9[%add3A_484, %and3A_681] : memref<128x32xf32, #tpu.memory_space<vmem>>[vector<16xi32>, vector<16xi32>], vector<16xf32>,
        %gather3A_686 = tpu.vector_load_idx %arg13[%add3A_484, %or3A_684] : memref<128x32xf32, #tpu.memory_space<vmem>>[vector<16xi32>, vector<16xi32>], vector<16xf32>,
        %gather3A_687 = tpu.vector_load_idx %arg9[%add3A_484, %or3A_684] : memref<128x32xf32, #tpu.memory_space<vmem>>[vector<16xi32>, vector<16xi32>], vector<16xf32>,
        %gather3A_688 = tpu.vector_load_idx %arg13[%add3A_484, %and3A_681] : memref<128x32xf32, #tpu.memory_space<vmem>>[vector<16xi32>, vector<16xi32>], vector<16xf32>,
        %mul3A_689 = arith.mulf %gather3A_685, %gather3A_686 : vector<16xf32>
        %add3A_690 = arith.addf %add3A_673, %mul3A_689 : vector<16xf32>
        %mul3A_691 = arith.mulf %gather3A_687, %gather3A_688 : vector<16xf32>
        %add3A_692 = arith.addf %add3A_675, %mul3A_691 : vector<16xf32>
        %add3A_693 = arith.constant 12 : i32
        %add3A_694 = vector.broadcast %add3A_693 : i32 to vector<16xi32>
        %add3A_695 = arith.addi %iota3A_480, %add3A_694 : vector<16xi32>
        %and3A_696 = arith.constant 15 : i32
        %and3A_697 = vector.broadcast %and3A_696 : i32 to vector<16xi32>
        %and3A_698 = arith.andi %add3A_695, %and3A_697 : vector<16xi32>
        %or3A_699 = arith.constant 16 : i32
        %or3A_700 = vector.broadcast %or3A_699 : i32 to vector<16xi32>
        %or3A_701 = arith.ori %and3A_698, %or3A_700 : vector<16xi32>
        %gather3A_702 = tpu.vector_load_idx %arg9[%add3A_484, %and3A_698] : memref<128x32xf32, #tpu.memory_space<vmem>>[vector<16xi32>, vector<16xi32>], vector<16xf32>,
        %gather3A_703 = tpu.vector_load_idx %arg13[%add3A_484, %or3A_701] : memref<128x32xf32, #tpu.memory_space<vmem>>[vector<16xi32>, vector<16xi32>], vector<16xf32>,
        %gather3A_704 = tpu.vector_load_idx %arg9[%add3A_484, %or3A_701] : memref<128x32xf32, #tpu.memory_space<vmem>>[vector<16xi32>, vector<16xi32>], vector<16xf32>,
        %gather3A_705 = tpu.vector_load_idx %arg13[%add3A_484, %and3A_698] : memref<128x32xf32, #tpu.memory_space<vmem>>[vector<16xi32>, vector<16xi32>], vector<16xf32>,
        %mul3A_706 = arith.mulf %gather3A_702, %gather3A_703 : vector<16xf32>
        %add3A_707 = arith.addf %add3A_690, %mul3A_706 : vector<16xf32>
        %mul3A_708 = arith.mulf %gather3A_704, %gather3A_705 : vector<16xf32>
        %add3A_709 = arith.addf %add3A_692, %mul3A_708 : vector<16xf32>
        %add3A_710 = arith.constant 13 : i32
        %add3A_711 = vector.broadcast %add3A_710 : i32 to vector<16xi32>
        %add3A_712 = arith.addi %iota3A_480, %add3A_711 : vector<16xi32>
        %and3A_713 = arith.constant 15 : i32
        %and3A_714 = vector.broadcast %and3A_713 : i32 to vector<16xi32>
        %and3A_715 = arith.andi %add3A_712, %and3A_714 : vector<16xi32>
        %or3A_716 = arith.constant 16 : i32
        %or3A_717 = vector.broadcast %or3A_716 : i32 to vector<16xi32>
        %or3A_718 = arith.ori %and3A_715, %or3A_717 : vector<16xi32>
        %gather3A_719 = tpu.vector_load_idx %arg9[%add3A_484, %and3A_715] : memref<128x32xf32, #tpu.memory_space<vmem>>[vector<16xi32>, vector<16xi32>], vector<16xf32>,
        %gather3A_720 = tpu.vector_load_idx %arg13[%add3A_484, %or3A_718] : memref<128x32xf32, #tpu.memory_space<vmem>>[vector<16xi32>, vector<16xi32>], vector<16xf32>,
        %gather3A_721 = tpu.vector_load_idx %arg9[%add3A_484, %or3A_718] : memref<128x32xf32, #tpu.memory_space<vmem>>[vector<16xi32>, vector<16xi32>], vector<16xf32>,
        %gather3A_722 = tpu.vector_load_idx %arg13[%add3A_484, %and3A_715] : memref<128x32xf32, #tpu.memory_space<vmem>>[vector<16xi32>, vector<16xi32>], vector<16xf32>,
        %mul3A_723 = arith.mulf %gather3A_719, %gather3A_720 : vector<16xf32>
        %add3A_724 = arith.addf %add3A_707, %mul3A_723 : vector<16xf32>
        %mul3A_725 = arith.mulf %gather3A_721, %gather3A_722 : vector<16xf32>
        %add3A_726 = arith.addf %add3A_709, %mul3A_725 : vector<16xf32>
        %add3A_727 = arith.constant 14 : i32
        %add3A_728 = vector.broadcast %add3A_727 : i32 to vector<16xi32>
        %add3A_729 = arith.addi %iota3A_480, %add3A_728 : vector<16xi32>
        %and3A_730 = arith.constant 15 : i32
        %and3A_731 = vector.broadcast %and3A_730 : i32 to vector<16xi32>
        %and3A_732 = arith.andi %add3A_729, %and3A_731 : vector<16xi32>
        %or3A_733 = arith.constant 16 : i32
        %or3A_734 = vector.broadcast %or3A_733 : i32 to vector<16xi32>
        %or3A_735 = arith.ori %and3A_732, %or3A_734 : vector<16xi32>
        %gather3A_736 = tpu.vector_load_idx %arg9[%add3A_484, %and3A_732] : memref<128x32xf32, #tpu.memory_space<vmem>>[vector<16xi32>, vector<16xi32>], vector<16xf32>,
        %gather3A_737 = tpu.vector_load_idx %arg13[%add3A_484, %or3A_735] : memref<128x32xf32, #tpu.memory_space<vmem>>[vector<16xi32>, vector<16xi32>], vector<16xf32>,
        %gather3A_738 = tpu.vector_load_idx %arg9[%add3A_484, %or3A_735] : memref<128x32xf32, #tpu.memory_space<vmem>>[vector<16xi32>, vector<16xi32>], vector<16xf32>,
        %gather3A_739 = tpu.vector_load_idx %arg13[%add3A_484, %and3A_732] : memref<128x32xf32, #tpu.memory_space<vmem>>[vector<16xi32>, vector<16xi32>], vector<16xf32>,
        %mul3A_740 = arith.mulf %gather3A_736, %gather3A_737 : vector<16xf32>
        %add3A_741 = arith.addf %add3A_724, %mul3A_740 : vector<16xf32>
        %mul3A_742 = arith.mulf %gather3A_738, %gather3A_739 : vector<16xf32>
        %add3A_743 = arith.addf %add3A_726, %mul3A_742 : vector<16xf32>
        %add3A_744 = arith.constant 15 : i32
        %add3A_745 = vector.broadcast %add3A_744 : i32 to vector<16xi32>
        %add3A_746 = arith.addi %iota3A_480, %add3A_745 : vector<16xi32>
        %and3A_747 = arith.constant 15 : i32
        %and3A_748 = vector.broadcast %and3A_747 : i32 to vector<16xi32>
        %and3A_749 = arith.andi %add3A_746, %and3A_748 : vector<16xi32>
        %or3A_750 = arith.constant 16 : i32
        %or3A_751 = vector.broadcast %or3A_750 : i32 to vector<16xi32>
        %or3A_752 = arith.ori %and3A_749, %or3A_751 : vector<16xi32>
        %gather3A_753 = tpu.vector_load_idx %arg9[%add3A_484, %and3A_749] : memref<128x32xf32, #tpu.memory_space<vmem>>[vector<16xi32>, vector<16xi32>], vector<16xf32>,
        %gather3A_754 = tpu.vector_load_idx %arg13[%add3A_484, %or3A_752] : memref<128x32xf32, #tpu.memory_space<vmem>>[vector<16xi32>, vector<16xi32>], vector<16xf32>,
        %gather3A_755 = tpu.vector_load_idx %arg9[%add3A_484, %or3A_752] : memref<128x32xf32, #tpu.memory_space<vmem>>[vector<16xi32>, vector<16xi32>], vector<16xf32>,
        %gather3A_756 = tpu.vector_load_idx %arg13[%add3A_484, %and3A_749] : memref<128x32xf32, #tpu.memory_space<vmem>>[vector<16xi32>, vector<16xi32>], vector<16xf32>,
        %mul3A_757 = arith.mulf %gather3A_753, %gather3A_754 : vector<16xf32>
        %add3A_758 = arith.addf %add3A_741, %mul3A_757 : vector<16xf32>
        %mul3A_759 = arith.mulf %gather3A_755, %gather3A_756 : vector<16xf32>
        %add3A_760 = arith.addf %add3A_743, %mul3A_759 : vector<16xf32>
        %max3A_761 = arith.constant -3.000000e+01 : f32
        %max3A_762 = vector.broadcast %max3A_761 : f32 to vector<16xf32>
        %max3A_763 = arith.maximumf %add3A_758, %max3A_762 : vector<16xf32>
        %neg3A_764 = arith.constant 0.000000e+00 : f32
        %neg3A_765 = vector.broadcast %neg3A_764 : f32 to vector<16xf32>
        %neg3A_766 = arith.subf %neg3A_765, %max3A_763 : vector<16xf32>
        %exp3A_767 = math.exp %neg3A_766 : vector<16xf32>
        %max3A_768 = arith.constant -3.000000e+01 : f32
        %max3A_769 = vector.broadcast %max3A_768 : f32 to vector<16xf32>
        %max3A_770 = arith.maximumf %add3A_760, %max3A_769 : vector<16xf32>
        %neg3A_771 = arith.constant 0.000000e+00 : f32
        %neg3A_772 = vector.broadcast %neg3A_771 : f32 to vector<16xf32>
        %neg3A_773 = arith.subf %neg3A_772, %max3A_770 : vector<16xf32>
        %exp3A_774 = math.exp %neg3A_773 : vector<16xf32>
        %add3A_775 = arith.addf %exp3A_767, %exp3A_774 : vector<16xf32>
        %mul3A_776 = arith.constant 5.000000e-01 : f32
        %mul3A_777 = vector.broadcast %mul3A_776 : f32 to vector<16xf32>
        %mul3A_778 = arith.mulf %mul3A_777, %add3A_775 : vector<16xf32>
        %add3A_779 = arith.constant 1.000000e+00 : f32
        %add3A_780 = vector.broadcast %add3A_779 : f32 to vector<16xf32>
        %add3A_781 = arith.addf %add3A_780, %mul3A_778 : vector<16xf32>
        %add3A_782 = arith.constant 1.000000e+00 : f32
        %add3A_783 = vector.broadcast %add3A_782 : f32 to vector<16xf32>
        %add3A_784 = arith.addf %add3A_783, %exp3A_767 : vector<16xf32>
        %add3A_785 = arith.constant 1.000000e+00 : f32
        %add3A_786 = vector.broadcast %add3A_785 : f32 to vector<16xf32>
        %add3A_787 = arith.addf %add3A_786, %exp3A_774 : vector<16xf32>
        %mul3A_788 = arith.mulf %add3A_784, %add3A_787 : vector<16xf32>
        %div3A_789 = arith.divf %add3A_781, %mul3A_788 : vector<16xf32>
        %mul3A_790 = arith.constant 128 : i32
        %mul3A_791 = arith.muli %add3A_57, %mul3A_790 : i32
        %mul3A_792 = arith.constant 16 : i32
        %mul3A_793 = arith.muli %scan3A_479, %mul3A_792 : i32
        %add3A_794 = arith.addi %mul3A_791, %mul3A_793 : i32
        %swap3A_795 = arith.index_cast %add3A_794 : i32 to index
        %swap3A_796 = tpu.vector_load %arg17[%swap3A_795] {strides = array<i32>} : memref<10240xf32, #tpu.memory_space<vmem>>, vector<16xf32>,
        tpu.vector_store %arg17[%swap3A_795], %div3A_789 {strides = array<i32>} : memref<10240xf32, #tpu.memory_space<vmem>>, vector<16xf32>,
      }
      %scan3A_79 = arith.constant 8 : i32
      %mul3A_80 = arith.constant 4 : i32
      %mul3A_81 = arith.muli %scan3A_53, %mul3A_80 : i32
      %add3A_82 = arith.constant 1 : i32
      %add3A_83 = arith.addi %mul3A_81, %add3A_82 : i32
      %mul3A_84 = arith.constant 128 : i32
      %mul3A_85 = arith.muli %add3A_83, %mul3A_84 : i32
      %dma_wait3A_86 = tpu.memref_slice %arg7[%mul3A_85] : memref<10240xi32, #tpu.memory_space<vmem>> -> memref<128xi32, #tpu.memory_space<vmem>>
      %dma_wait3A_87 = arith.constant 0 : i32
      %dma_wait3A_88 = arith.constant 0 : i32
      %dma_wait3A_89 = tpu.memref_slice %arg6[%dma_wait3A_87, %dma_wait3A_88] : memref<10000x32xf32, #tpu.memory_space<vmem_shared>> -> memref<10000x32xf32, #tpu.memory_space<vmem_shared>>
      tpu.wait_indirect_dma semaphore(%arg19 : memref<!tpu.dma_semaphore, #tpu.memory_space<semaphore_mem>>) src(%dma_wait3A_89 : memref<10000x32xf32, #tpu.memory_space<vmem_shared>>) dst(%arg10 : memref<128x32xf32, #tpu.memory_space<vmem>>)
      %mul3A_90 = arith.constant 128 : i32
      %mul3A_91 = arith.muli %add3A_83, %mul3A_90 : i32
      %dma_wait3A_92 = tpu.memref_slice %arg8[%mul3A_91] : memref<10240xi32, #tpu.memory_space<vmem>> -> memref<128xi32, #tpu.memory_space<vmem>>
      %dma_wait3A_93 = arith.constant 0 : i32
      %dma_wait3A_94 = arith.constant 0 : i32
      %dma_wait3A_95 = tpu.memref_slice %arg6[%dma_wait3A_93, %dma_wait3A_94] : memref<10000x32xf32, #tpu.memory_space<vmem_shared>> -> memref<10000x32xf32, #tpu.memory_space<vmem_shared>>
      tpu.wait_indirect_dma semaphore(%arg19 : memref<!tpu.dma_semaphore, #tpu.memory_space<semaphore_mem>>) src(%dma_wait3A_95 : memref<10000x32xf32, #tpu.memory_space<vmem_shared>>) dst(%arg14 : memref<128x32xf32, #tpu.memory_space<vmem>>)
      %add3A_96 = arith.constant 4 : i32
      %add3A_97 = arith.addi %add3A_83, %add3A_96 : i32
      %sub3A_98 = arith.constant 1 : i32
      %sub3A_99 = arith.subi %add3A_97, %sub3A_98 : i32
      %lt3A_100 = arith.constant 80 : i32
      %lt3A_101 = arith.cmpi slt, %sub3A_99, %lt3A_100 : i32
      %convert_element_type3A_102 = arith.extui %lt3A_101 : i1 to i32
      %cond3A_103 = arith.constant 0 : i32
      %cond3A_104 = arith.cmpi ne, %convert_element_type3A_102, %cond3A_103 : i32
      scf.if %cond3A_104 {
        %add3A_170 = arith.constant 4 : i32
        %add3A_171 = arith.addi %add3A_83, %add3A_170 : i32
        %sub3A_172 = arith.constant 1 : i32
        %sub3A_173 = arith.subi %add3A_171, %sub3A_172 : i32
        %mul3A_174 = arith.constant 128 : i32
        %mul3A_175 = arith.muli %sub3A_173, %mul3A_174 : i32
        %dma_start3A_176 = tpu.memref_slice %arg7[%mul3A_175] : memref<10240xi32, #tpu.memory_space<vmem>> -> memref<128xi32, #tpu.memory_space<vmem>>
        %dma_start3A_177 = arith.constant 0 : i32
        %dma_start3A_178 = arith.constant 0 : i32
        %dma_start3A_179 = tpu.memref_slice %arg6[%dma_start3A_177, %dma_start3A_178] : memref<10000x32xf32, #tpu.memory_space<vmem_shared>> -> memref<10000x32xf32, #tpu.memory_space<vmem_shared>>
        tpu.enqueue_indirect_dma source(%dma_start3A_179 : memref<10000x32xf32, #tpu.memory_space<vmem_shared>>) target(%arg9 : memref<128x32xf32, #tpu.memory_space<vmem>>) offsets(%dma_start3A_176 : memref<128xi32, #tpu.memory_space<vmem>>) semaphore(%arg18 : memref<!tpu.dma_semaphore, #tpu.memory_space<semaphore_mem>>)
        %mul3A_180 = arith.constant 128 : i32
        %mul3A_181 = arith.muli %sub3A_173, %mul3A_180 : i32
        %dma_start3A_182 = tpu.memref_slice %arg8[%mul3A_181] : memref<10240xi32, #tpu.memory_space<vmem>> -> memref<128xi32, #tpu.memory_space<vmem>>
        %dma_start3A_183 = arith.constant 0 : i32
        %dma_start3A_184 = arith.constant 0 : i32
        %dma_start3A_185 = tpu.memref_slice %arg6[%dma_start3A_183, %dma_start3A_184] : memref<10000x32xf32, #tpu.memory_space<vmem_shared>> -> memref<10000x32xf32, #tpu.memory_space<vmem_shared>>
        tpu.enqueue_indirect_dma source(%dma_start3A_185 : memref<10000x32xf32, #tpu.memory_space<vmem_shared>>) target(%arg13 : memref<128x32xf32, #tpu.memory_space<vmem>>) offsets(%dma_start3A_182 : memref<128xi32, #tpu.memory_space<vmem>>) semaphore(%arg18 : memref<!tpu.dma_semaphore, #tpu.memory_space<semaphore_mem>>)
      } else {
      }
      %scan3A_105 = arith.constant 0 : i32
      %scan3A_106 = arith.constant 8 : i32
      %scan3A_107 = arith.addi %scan3A_105, %scan3A_106 : i32
      %scan3A_108 = arith.constant 2 : i32
      scf.for %scan3A_170 = %scan3A_105 to %scan3A_107 step %scan3A_108  : i32 {
        %iota3A = tpu.iota {dimensions = array<i32: 0>} : vector<16xi32>
        %mul3A_171 = arith.constant 16 : i32
        %mul3A_172 = arith.muli %scan3A_170, %mul3A_171 : i32
        %add3A_173 = vector.broadcast %mul3A_172 : i32 to vector<16xi32>
        %add3A_174 = arith.addi %add3A_173, %iota3A : vector<16xi32>
        %broadcast_in_dim3A = arith.constant 0.000000e+00 : f32
        %broadcast_in_dim3A_175 = vector.broadcast %broadcast_in_dim3A : f32 to vector<16xf32>
        %broadcast_in_dim3A_176 = arith.constant 0.000000e+00 : f32
        %broadcast_in_dim3A_177 = vector.broadcast %broadcast_in_dim3A_176 : f32 to vector<16xf32>
        %add3A_178 = arith.constant 0 : i32
        %add3A_179 = vector.broadcast %add3A_178 : i32 to vector<16xi32>
        %add3A_180 = arith.addi %iota3A, %add3A_179 : vector<16xi32>
        %and3A = arith.constant 15 : i32
        %and3A_181 = vector.broadcast %and3A : i32 to vector<16xi32>
        %and3A_182 = arith.andi %add3A_180, %and3A_181 : vector<16xi32>
        %or3A = arith.constant 16 : i32
        %or3A_183 = vector.broadcast %or3A : i32 to vector<16xi32>
        %or3A_184 = arith.ori %and3A_182, %or3A_183 : vector<16xi32>
        %gather3A = tpu.vector_load_idx %arg10[%add3A_174, %and3A_182] : memref<128x32xf32, #tpu.memory_space<vmem>>[vector<16xi32>, vector<16xi32>], vector<16xf32>,
        %gather3A_185 = tpu.vector_load_idx %arg14[%add3A_174, %or3A_184] : memref<128x32xf32, #tpu.memory_space<vmem>>[vector<16xi32>, vector<16xi32>], vector<16xf32>,
        %gather3A_186 = tpu.vector_load_idx %arg10[%add3A_174, %or3A_184] : memref<128x32xf32, #tpu.memory_space<vmem>>[vector<16xi32>, vector<16xi32>], vector<16xf32>,
        %gather3A_187 = tpu.vector_load_idx %arg14[%add3A_174, %and3A_182] : memref<128x32xf32, #tpu.memory_space<vmem>>[vector<16xi32>, vector<16xi32>], vector<16xf32>,
        %mul3A_188 = arith.mulf %gather3A, %gather3A_185 : vector<16xf32>
        %add3A_189 = arith.addf %broadcast_in_dim3A_175, %mul3A_188 : vector<16xf32>
        %mul3A_190 = arith.mulf %gather3A_186, %gather3A_187 : vector<16xf32>
        %add3A_191 = arith.addf %broadcast_in_dim3A_177, %mul3A_190 : vector<16xf32>
        %add3A_192 = arith.constant 1 : i32
        %add3A_193 = vector.broadcast %add3A_192 : i32 to vector<16xi32>
        %add3A_194 = arith.addi %iota3A, %add3A_193 : vector<16xi32>
        %and3A_195 = arith.constant 15 : i32
        %and3A_196 = vector.broadcast %and3A_195 : i32 to vector<16xi32>
        %and3A_197 = arith.andi %add3A_194, %and3A_196 : vector<16xi32>
        %or3A_198 = arith.constant 16 : i32
        %or3A_199 = vector.broadcast %or3A_198 : i32 to vector<16xi32>
        %or3A_200 = arith.ori %and3A_197, %or3A_199 : vector<16xi32>
        %gather3A_201 = tpu.vector_load_idx %arg10[%add3A_174, %and3A_197] : memref<128x32xf32, #tpu.memory_space<vmem>>[vector<16xi32>, vector<16xi32>], vector<16xf32>,
        %gather3A_202 = tpu.vector_load_idx %arg14[%add3A_174, %or3A_200] : memref<128x32xf32, #tpu.memory_space<vmem>>[vector<16xi32>, vector<16xi32>], vector<16xf32>,
        %gather3A_203 = tpu.vector_load_idx %arg10[%add3A_174, %or3A_200] : memref<128x32xf32, #tpu.memory_space<vmem>>[vector<16xi32>, vector<16xi32>], vector<16xf32>,
        %gather3A_204 = tpu.vector_load_idx %arg14[%add3A_174, %and3A_197] : memref<128x32xf32, #tpu.memory_space<vmem>>[vector<16xi32>, vector<16xi32>], vector<16xf32>,
        %mul3A_205 = arith.mulf %gather3A_201, %gather3A_202 : vector<16xf32>
        %add3A_206 = arith.addf %add3A_189, %mul3A_205 : vector<16xf32>
        %mul3A_207 = arith.mulf %gather3A_203, %gather3A_204 : vector<16xf32>
        %add3A_208 = arith.addf %add3A_191, %mul3A_207 : vector<16xf32>
        %add3A_209 = arith.constant 2 : i32
        %add3A_210 = vector.broadcast %add3A_209 : i32 to vector<16xi32>
        %add3A_211 = arith.addi %iota3A, %add3A_210 : vector<16xi32>
        %and3A_212 = arith.constant 15 : i32
        %and3A_213 = vector.broadcast %and3A_212 : i32 to vector<16xi32>
        %and3A_214 = arith.andi %add3A_211, %and3A_213 : vector<16xi32>
        %or3A_215 = arith.constant 16 : i32
        %or3A_216 = vector.broadcast %or3A_215 : i32 to vector<16xi32>
        %or3A_217 = arith.ori %and3A_214, %or3A_216 : vector<16xi32>
        %gather3A_218 = tpu.vector_load_idx %arg10[%add3A_174, %and3A_214] : memref<128x32xf32, #tpu.memory_space<vmem>>[vector<16xi32>, vector<16xi32>], vector<16xf32>,
        %gather3A_219 = tpu.vector_load_idx %arg14[%add3A_174, %or3A_217] : memref<128x32xf32, #tpu.memory_space<vmem>>[vector<16xi32>, vector<16xi32>], vector<16xf32>,
        %gather3A_220 = tpu.vector_load_idx %arg10[%add3A_174, %or3A_217] : memref<128x32xf32, #tpu.memory_space<vmem>>[vector<16xi32>, vector<16xi32>], vector<16xf32>,
        %gather3A_221 = tpu.vector_load_idx %arg14[%add3A_174, %and3A_214] : memref<128x32xf32, #tpu.memory_space<vmem>>[vector<16xi32>, vector<16xi32>], vector<16xf32>,
        %mul3A_222 = arith.mulf %gather3A_218, %gather3A_219 : vector<16xf32>
        %add3A_223 = arith.addf %add3A_206, %mul3A_222 : vector<16xf32>
        %mul3A_224 = arith.mulf %gather3A_220, %gather3A_221 : vector<16xf32>
        %add3A_225 = arith.addf %add3A_208, %mul3A_224 : vector<16xf32>
        %add3A_226 = arith.constant 3 : i32
        %add3A_227 = vector.broadcast %add3A_226 : i32 to vector<16xi32>
        %add3A_228 = arith.addi %iota3A, %add3A_227 : vector<16xi32>
        %and3A_229 = arith.constant 15 : i32
        %and3A_230 = vector.broadcast %and3A_229 : i32 to vector<16xi32>
        %and3A_231 = arith.andi %add3A_228, %and3A_230 : vector<16xi32>
        %or3A_232 = arith.constant 16 : i32
        %or3A_233 = vector.broadcast %or3A_232 : i32 to vector<16xi32>
        %or3A_234 = arith.ori %and3A_231, %or3A_233 : vector<16xi32>
        %gather3A_235 = tpu.vector_load_idx %arg10[%add3A_174, %and3A_231] : memref<128x32xf32, #tpu.memory_space<vmem>>[vector<16xi32>, vector<16xi32>], vector<16xf32>,
        %gather3A_236 = tpu.vector_load_idx %arg14[%add3A_174, %or3A_234] : memref<128x32xf32, #tpu.memory_space<vmem>>[vector<16xi32>, vector<16xi32>], vector<16xf32>,
        %gather3A_237 = tpu.vector_load_idx %arg10[%add3A_174, %or3A_234] : memref<128x32xf32, #tpu.memory_space<vmem>>[vector<16xi32>, vector<16xi32>], vector<16xf32>,
        %gather3A_238 = tpu.vector_load_idx %arg14[%add3A_174, %and3A_231] : memref<128x32xf32, #tpu.memory_space<vmem>>[vector<16xi32>, vector<16xi32>], vector<16xf32>,
        %mul3A_239 = arith.mulf %gather3A_235, %gather3A_236 : vector<16xf32>
        %add3A_240 = arith.addf %add3A_223, %mul3A_239 : vector<16xf32>
        %mul3A_241 = arith.mulf %gather3A_237, %gather3A_238 : vector<16xf32>
        %add3A_242 = arith.addf %add3A_225, %mul3A_241 : vector<16xf32>
        %add3A_243 = arith.constant 4 : i32
        %add3A_244 = vector.broadcast %add3A_243 : i32 to vector<16xi32>
        %add3A_245 = arith.addi %iota3A, %add3A_244 : vector<16xi32>
        %and3A_246 = arith.constant 15 : i32
        %and3A_247 = vector.broadcast %and3A_246 : i32 to vector<16xi32>
        %and3A_248 = arith.andi %add3A_245, %and3A_247 : vector<16xi32>
        %or3A_249 = arith.constant 16 : i32
        %or3A_250 = vector.broadcast %or3A_249 : i32 to vector<16xi32>
        %or3A_251 = arith.ori %and3A_248, %or3A_250 : vector<16xi32>
        %gather3A_252 = tpu.vector_load_idx %arg10[%add3A_174, %and3A_248] : memref<128x32xf32, #tpu.memory_space<vmem>>[vector<16xi32>, vector<16xi32>], vector<16xf32>,
        %gather3A_253 = tpu.vector_load_idx %arg14[%add3A_174, %or3A_251] : memref<128x32xf32, #tpu.memory_space<vmem>>[vector<16xi32>, vector<16xi32>], vector<16xf32>,
        %gather3A_254 = tpu.vector_load_idx %arg10[%add3A_174, %or3A_251] : memref<128x32xf32, #tpu.memory_space<vmem>>[vector<16xi32>, vector<16xi32>], vector<16xf32>,
        %gather3A_255 = tpu.vector_load_idx %arg14[%add3A_174, %and3A_248] : memref<128x32xf32, #tpu.memory_space<vmem>>[vector<16xi32>, vector<16xi32>], vector<16xf32>,
        %mul3A_256 = arith.mulf %gather3A_252, %gather3A_253 : vector<16xf32>
        %add3A_257 = arith.addf %add3A_240, %mul3A_256 : vector<16xf32>
        %mul3A_258 = arith.mulf %gather3A_254, %gather3A_255 : vector<16xf32>
        %add3A_259 = arith.addf %add3A_242, %mul3A_258 : vector<16xf32>
        %add3A_260 = arith.constant 5 : i32
        %add3A_261 = vector.broadcast %add3A_260 : i32 to vector<16xi32>
        %add3A_262 = arith.addi %iota3A, %add3A_261 : vector<16xi32>
        %and3A_263 = arith.constant 15 : i32
        %and3A_264 = vector.broadcast %and3A_263 : i32 to vector<16xi32>
        %and3A_265 = arith.andi %add3A_262, %and3A_264 : vector<16xi32>
        %or3A_266 = arith.constant 16 : i32
        %or3A_267 = vector.broadcast %or3A_266 : i32 to vector<16xi32>
        %or3A_268 = arith.ori %and3A_265, %or3A_267 : vector<16xi32>
        %gather3A_269 = tpu.vector_load_idx %arg10[%add3A_174, %and3A_265] : memref<128x32xf32, #tpu.memory_space<vmem>>[vector<16xi32>, vector<16xi32>], vector<16xf32>,
        %gather3A_270 = tpu.vector_load_idx %arg14[%add3A_174, %or3A_268] : memref<128x32xf32, #tpu.memory_space<vmem>>[vector<16xi32>, vector<16xi32>], vector<16xf32>,
        %gather3A_271 = tpu.vector_load_idx %arg10[%add3A_174, %or3A_268] : memref<128x32xf32, #tpu.memory_space<vmem>>[vector<16xi32>, vector<16xi32>], vector<16xf32>,
        %gather3A_272 = tpu.vector_load_idx %arg14[%add3A_174, %and3A_265] : memref<128x32xf32, #tpu.memory_space<vmem>>[vector<16xi32>, vector<16xi32>], vector<16xf32>,
        %mul3A_273 = arith.mulf %gather3A_269, %gather3A_270 : vector<16xf32>
        %add3A_274 = arith.addf %add3A_257, %mul3A_273 : vector<16xf32>
        %mul3A_275 = arith.mulf %gather3A_271, %gather3A_272 : vector<16xf32>
        %add3A_276 = arith.addf %add3A_259, %mul3A_275 : vector<16xf32>
        %add3A_277 = arith.constant 6 : i32
        %add3A_278 = vector.broadcast %add3A_277 : i32 to vector<16xi32>
        %add3A_279 = arith.addi %iota3A, %add3A_278 : vector<16xi32>
        %and3A_280 = arith.constant 15 : i32
        %and3A_281 = vector.broadcast %and3A_280 : i32 to vector<16xi32>
        %and3A_282 = arith.andi %add3A_279, %and3A_281 : vector<16xi32>
        %or3A_283 = arith.constant 16 : i32
        %or3A_284 = vector.broadcast %or3A_283 : i32 to vector<16xi32>
        %or3A_285 = arith.ori %and3A_282, %or3A_284 : vector<16xi32>
        %gather3A_286 = tpu.vector_load_idx %arg10[%add3A_174, %and3A_282] : memref<128x32xf32, #tpu.memory_space<vmem>>[vector<16xi32>, vector<16xi32>], vector<16xf32>,
        %gather3A_287 = tpu.vector_load_idx %arg14[%add3A_174, %or3A_285] : memref<128x32xf32, #tpu.memory_space<vmem>>[vector<16xi32>, vector<16xi32>], vector<16xf32>,
        %gather3A_288 = tpu.vector_load_idx %arg10[%add3A_174, %or3A_285] : memref<128x32xf32, #tpu.memory_space<vmem>>[vector<16xi32>, vector<16xi32>], vector<16xf32>,
        %gather3A_289 = tpu.vector_load_idx %arg14[%add3A_174, %and3A_282] : memref<128x32xf32, #tpu.memory_space<vmem>>[vector<16xi32>, vector<16xi32>], vector<16xf32>,
        %mul3A_290 = arith.mulf %gather3A_286, %gather3A_287 : vector<16xf32>
        %add3A_291 = arith.addf %add3A_274, %mul3A_290 : vector<16xf32>
        %mul3A_292 = arith.mulf %gather3A_288, %gather3A_289 : vector<16xf32>
        %add3A_293 = arith.addf %add3A_276, %mul3A_292 : vector<16xf32>
        %add3A_294 = arith.constant 7 : i32
        %add3A_295 = vector.broadcast %add3A_294 : i32 to vector<16xi32>
        %add3A_296 = arith.addi %iota3A, %add3A_295 : vector<16xi32>
        %and3A_297 = arith.constant 15 : i32
        %and3A_298 = vector.broadcast %and3A_297 : i32 to vector<16xi32>
        %and3A_299 = arith.andi %add3A_296, %and3A_298 : vector<16xi32>
        %or3A_300 = arith.constant 16 : i32
        %or3A_301 = vector.broadcast %or3A_300 : i32 to vector<16xi32>
        %or3A_302 = arith.ori %and3A_299, %or3A_301 : vector<16xi32>
        %gather3A_303 = tpu.vector_load_idx %arg10[%add3A_174, %and3A_299] : memref<128x32xf32, #tpu.memory_space<vmem>>[vector<16xi32>, vector<16xi32>], vector<16xf32>,
        %gather3A_304 = tpu.vector_load_idx %arg14[%add3A_174, %or3A_302] : memref<128x32xf32, #tpu.memory_space<vmem>>[vector<16xi32>, vector<16xi32>], vector<16xf32>,
        %gather3A_305 = tpu.vector_load_idx %arg10[%add3A_174, %or3A_302] : memref<128x32xf32, #tpu.memory_space<vmem>>[vector<16xi32>, vector<16xi32>], vector<16xf32>,
        %gather3A_306 = tpu.vector_load_idx %arg14[%add3A_174, %and3A_299] : memref<128x32xf32, #tpu.memory_space<vmem>>[vector<16xi32>, vector<16xi32>], vector<16xf32>,
        %mul3A_307 = arith.mulf %gather3A_303, %gather3A_304 : vector<16xf32>
        %add3A_308 = arith.addf %add3A_291, %mul3A_307 : vector<16xf32>
        %mul3A_309 = arith.mulf %gather3A_305, %gather3A_306 : vector<16xf32>
        %add3A_310 = arith.addf %add3A_293, %mul3A_309 : vector<16xf32>
        %add3A_311 = arith.constant 8 : i32
        %add3A_312 = vector.broadcast %add3A_311 : i32 to vector<16xi32>
        %add3A_313 = arith.addi %iota3A, %add3A_312 : vector<16xi32>
        %and3A_314 = arith.constant 15 : i32
        %and3A_315 = vector.broadcast %and3A_314 : i32 to vector<16xi32>
        %and3A_316 = arith.andi %add3A_313, %and3A_315 : vector<16xi32>
        %or3A_317 = arith.constant 16 : i32
        %or3A_318 = vector.broadcast %or3A_317 : i32 to vector<16xi32>
        %or3A_319 = arith.ori %and3A_316, %or3A_318 : vector<16xi32>
        %gather3A_320 = tpu.vector_load_idx %arg10[%add3A_174, %and3A_316] : memref<128x32xf32, #tpu.memory_space<vmem>>[vector<16xi32>, vector<16xi32>], vector<16xf32>,
        %gather3A_321 = tpu.vector_load_idx %arg14[%add3A_174, %or3A_319] : memref<128x32xf32, #tpu.memory_space<vmem>>[vector<16xi32>, vector<16xi32>], vector<16xf32>,
        %gather3A_322 = tpu.vector_load_idx %arg10[%add3A_174, %or3A_319] : memref<128x32xf32, #tpu.memory_space<vmem>>[vector<16xi32>, vector<16xi32>], vector<16xf32>,
        %gather3A_323 = tpu.vector_load_idx %arg14[%add3A_174, %and3A_316] : memref<128x32xf32, #tpu.memory_space<vmem>>[vector<16xi32>, vector<16xi32>], vector<16xf32>,
        %mul3A_324 = arith.mulf %gather3A_320, %gather3A_321 : vector<16xf32>
        %add3A_325 = arith.addf %add3A_308, %mul3A_324 : vector<16xf32>
        %mul3A_326 = arith.mulf %gather3A_322, %gather3A_323 : vector<16xf32>
        %add3A_327 = arith.addf %add3A_310, %mul3A_326 : vector<16xf32>
        %add3A_328 = arith.constant 9 : i32
        %add3A_329 = vector.broadcast %add3A_328 : i32 to vector<16xi32>
        %add3A_330 = arith.addi %iota3A, %add3A_329 : vector<16xi32>
        %and3A_331 = arith.constant 15 : i32
        %and3A_332 = vector.broadcast %and3A_331 : i32 to vector<16xi32>
        %and3A_333 = arith.andi %add3A_330, %and3A_332 : vector<16xi32>
        %or3A_334 = arith.constant 16 : i32
        %or3A_335 = vector.broadcast %or3A_334 : i32 to vector<16xi32>
        %or3A_336 = arith.ori %and3A_333, %or3A_335 : vector<16xi32>
        %gather3A_337 = tpu.vector_load_idx %arg10[%add3A_174, %and3A_333] : memref<128x32xf32, #tpu.memory_space<vmem>>[vector<16xi32>, vector<16xi32>], vector<16xf32>,
        %gather3A_338 = tpu.vector_load_idx %arg14[%add3A_174, %or3A_336] : memref<128x32xf32, #tpu.memory_space<vmem>>[vector<16xi32>, vector<16xi32>], vector<16xf32>,
        %gather3A_339 = tpu.vector_load_idx %arg10[%add3A_174, %or3A_336] : memref<128x32xf32, #tpu.memory_space<vmem>>[vector<16xi32>, vector<16xi32>], vector<16xf32>,
        %gather3A_340 = tpu.vector_load_idx %arg14[%add3A_174, %and3A_333] : memref<128x32xf32, #tpu.memory_space<vmem>>[vector<16xi32>, vector<16xi32>], vector<16xf32>,
        %mul3A_341 = arith.mulf %gather3A_337, %gather3A_338 : vector<16xf32>
        %add3A_342 = arith.addf %add3A_325, %mul3A_341 : vector<16xf32>
        %mul3A_343 = arith.mulf %gather3A_339, %gather3A_340 : vector<16xf32>
        %add3A_344 = arith.addf %add3A_327, %mul3A_343 : vector<16xf32>
        %add3A_345 = arith.constant 10 : i32
        %add3A_346 = vector.broadcast %add3A_345 : i32 to vector<16xi32>
        %add3A_347 = arith.addi %iota3A, %add3A_346 : vector<16xi32>
        %and3A_348 = arith.constant 15 : i32
        %and3A_349 = vector.broadcast %and3A_348 : i32 to vector<16xi32>
        %and3A_350 = arith.andi %add3A_347, %and3A_349 : vector<16xi32>
        %or3A_351 = arith.constant 16 : i32
        %or3A_352 = vector.broadcast %or3A_351 : i32 to vector<16xi32>
        %or3A_353 = arith.ori %and3A_350, %or3A_352 : vector<16xi32>
        %gather3A_354 = tpu.vector_load_idx %arg10[%add3A_174, %and3A_350] : memref<128x32xf32, #tpu.memory_space<vmem>>[vector<16xi32>, vector<16xi32>], vector<16xf32>,
        %gather3A_355 = tpu.vector_load_idx %arg14[%add3A_174, %or3A_353] : memref<128x32xf32, #tpu.memory_space<vmem>>[vector<16xi32>, vector<16xi32>], vector<16xf32>,
        %gather3A_356 = tpu.vector_load_idx %arg10[%add3A_174, %or3A_353] : memref<128x32xf32, #tpu.memory_space<vmem>>[vector<16xi32>, vector<16xi32>], vector<16xf32>,
        %gather3A_357 = tpu.vector_load_idx %arg14[%add3A_174, %and3A_350] : memref<128x32xf32, #tpu.memory_space<vmem>>[vector<16xi32>, vector<16xi32>], vector<16xf32>,
        %mul3A_358 = arith.mulf %gather3A_354, %gather3A_355 : vector<16xf32>
        %add3A_359 = arith.addf %add3A_342, %mul3A_358 : vector<16xf32>
        %mul3A_360 = arith.mulf %gather3A_356, %gather3A_357 : vector<16xf32>
        %add3A_361 = arith.addf %add3A_344, %mul3A_360 : vector<16xf32>
        %add3A_362 = arith.constant 11 : i32
        %add3A_363 = vector.broadcast %add3A_362 : i32 to vector<16xi32>
        %add3A_364 = arith.addi %iota3A, %add3A_363 : vector<16xi32>
        %and3A_365 = arith.constant 15 : i32
        %and3A_366 = vector.broadcast %and3A_365 : i32 to vector<16xi32>
        %and3A_367 = arith.andi %add3A_364, %and3A_366 : vector<16xi32>
        %or3A_368 = arith.constant 16 : i32
        %or3A_369 = vector.broadcast %or3A_368 : i32 to vector<16xi32>
        %or3A_370 = arith.ori %and3A_367, %or3A_369 : vector<16xi32>
        %gather3A_371 = tpu.vector_load_idx %arg10[%add3A_174, %and3A_367] : memref<128x32xf32, #tpu.memory_space<vmem>>[vector<16xi32>, vector<16xi32>], vector<16xf32>,
        %gather3A_372 = tpu.vector_load_idx %arg14[%add3A_174, %or3A_370] : memref<128x32xf32, #tpu.memory_space<vmem>>[vector<16xi32>, vector<16xi32>], vector<16xf32>,
        %gather3A_373 = tpu.vector_load_idx %arg10[%add3A_174, %or3A_370] : memref<128x32xf32, #tpu.memory_space<vmem>>[vector<16xi32>, vector<16xi32>], vector<16xf32>,
        %gather3A_374 = tpu.vector_load_idx %arg14[%add3A_174, %and3A_367] : memref<128x32xf32, #tpu.memory_space<vmem>>[vector<16xi32>, vector<16xi32>], vector<16xf32>,
        %mul3A_375 = arith.mulf %gather3A_371, %gather3A_372 : vector<16xf32>
        %add3A_376 = arith.addf %add3A_359, %mul3A_375 : vector<16xf32>
        %mul3A_377 = arith.mulf %gather3A_373, %gather3A_374 : vector<16xf32>
        %add3A_378 = arith.addf %add3A_361, %mul3A_377 : vector<16xf32>
        %add3A_379 = arith.constant 12 : i32
        %add3A_380 = vector.broadcast %add3A_379 : i32 to vector<16xi32>
        %add3A_381 = arith.addi %iota3A, %add3A_380 : vector<16xi32>
        %and3A_382 = arith.constant 15 : i32
        %and3A_383 = vector.broadcast %and3A_382 : i32 to vector<16xi32>
        %and3A_384 = arith.andi %add3A_381, %and3A_383 : vector<16xi32>
        %or3A_385 = arith.constant 16 : i32
        %or3A_386 = vector.broadcast %or3A_385 : i32 to vector<16xi32>
        %or3A_387 = arith.ori %and3A_384, %or3A_386 : vector<16xi32>
        %gather3A_388 = tpu.vector_load_idx %arg10[%add3A_174, %and3A_384] : memref<128x32xf32, #tpu.memory_space<vmem>>[vector<16xi32>, vector<16xi32>], vector<16xf32>,
        %gather3A_389 = tpu.vector_load_idx %arg14[%add3A_174, %or3A_387] : memref<128x32xf32, #tpu.memory_space<vmem>>[vector<16xi32>, vector<16xi32>], vector<16xf32>,
        %gather3A_390 = tpu.vector_load_idx %arg10[%add3A_174, %or3A_387] : memref<128x32xf32, #tpu.memory_space<vmem>>[vector<16xi32>, vector<16xi32>], vector<16xf32>,
        %gather3A_391 = tpu.vector_load_idx %arg14[%add3A_174, %and3A_384] : memref<128x32xf32, #tpu.memory_space<vmem>>[vector<16xi32>, vector<16xi32>], vector<16xf32>,
        %mul3A_392 = arith.mulf %gather3A_388, %gather3A_389 : vector<16xf32>
        %add3A_393 = arith.addf %add3A_376, %mul3A_392 : vector<16xf32>
        %mul3A_394 = arith.mulf %gather3A_390, %gather3A_391 : vector<16xf32>
        %add3A_395 = arith.addf %add3A_378, %mul3A_394 : vector<16xf32>
        %add3A_396 = arith.constant 13 : i32
        %add3A_397 = vector.broadcast %add3A_396 : i32 to vector<16xi32>
        %add3A_398 = arith.addi %iota3A, %add3A_397 : vector<16xi32>
        %and3A_399 = arith.constant 15 : i32
        %and3A_400 = vector.broadcast %and3A_399 : i32 to vector<16xi32>
        %and3A_401 = arith.andi %add3A_398, %and3A_400 : vector<16xi32>
        %or3A_402 = arith.constant 16 : i32
        %or3A_403 = vector.broadcast %or3A_402 : i32 to vector<16xi32>
        %or3A_404 = arith.ori %and3A_401, %or3A_403 : vector<16xi32>
        %gather3A_405 = tpu.vector_load_idx %arg10[%add3A_174, %and3A_401] : memref<128x32xf32, #tpu.memory_space<vmem>>[vector<16xi32>, vector<16xi32>], vector<16xf32>,
        %gather3A_406 = tpu.vector_load_idx %arg14[%add3A_174, %or3A_404] : memref<128x32xf32, #tpu.memory_space<vmem>>[vector<16xi32>, vector<16xi32>], vector<16xf32>,
        %gather3A_407 = tpu.vector_load_idx %arg10[%add3A_174, %or3A_404] : memref<128x32xf32, #tpu.memory_space<vmem>>[vector<16xi32>, vector<16xi32>], vector<16xf32>,
        %gather3A_408 = tpu.vector_load_idx %arg14[%add3A_174, %and3A_401] : memref<128x32xf32, #tpu.memory_space<vmem>>[vector<16xi32>, vector<16xi32>], vector<16xf32>,
        %mul3A_409 = arith.mulf %gather3A_405, %gather3A_406 : vector<16xf32>
        %add3A_410 = arith.addf %add3A_393, %mul3A_409 : vector<16xf32>
        %mul3A_411 = arith.mulf %gather3A_407, %gather3A_408 : vector<16xf32>
        %add3A_412 = arith.addf %add3A_395, %mul3A_411 : vector<16xf32>
        %add3A_413 = arith.constant 14 : i32
        %add3A_414 = vector.broadcast %add3A_413 : i32 to vector<16xi32>
        %add3A_415 = arith.addi %iota3A, %add3A_414 : vector<16xi32>
        %and3A_416 = arith.constant 15 : i32
        %and3A_417 = vector.broadcast %and3A_416 : i32 to vector<16xi32>
        %and3A_418 = arith.andi %add3A_415, %and3A_417 : vector<16xi32>
        %or3A_419 = arith.constant 16 : i32
        %or3A_420 = vector.broadcast %or3A_419 : i32 to vector<16xi32>
        %or3A_421 = arith.ori %and3A_418, %or3A_420 : vector<16xi32>
        %gather3A_422 = tpu.vector_load_idx %arg10[%add3A_174, %and3A_418] : memref<128x32xf32, #tpu.memory_space<vmem>>[vector<16xi32>, vector<16xi32>], vector<16xf32>,
        %gather3A_423 = tpu.vector_load_idx %arg14[%add3A_174, %or3A_421] : memref<128x32xf32, #tpu.memory_space<vmem>>[vector<16xi32>, vector<16xi32>], vector<16xf32>,
        %gather3A_424 = tpu.vector_load_idx %arg10[%add3A_174, %or3A_421] : memref<128x32xf32, #tpu.memory_space<vmem>>[vector<16xi32>, vector<16xi32>], vector<16xf32>,
        %gather3A_425 = tpu.vector_load_idx %arg14[%add3A_174, %and3A_418] : memref<128x32xf32, #tpu.memory_space<vmem>>[vector<16xi32>, vector<16xi32>], vector<16xf32>,
        %mul3A_426 = arith.mulf %gather3A_422, %gather3A_423 : vector<16xf32>
        %add3A_427 = arith.addf %add3A_410, %mul3A_426 : vector<16xf32>
        %mul3A_428 = arith.mulf %gather3A_424, %gather3A_425 : vector<16xf32>
        %add3A_429 = arith.addf %add3A_412, %mul3A_428 : vector<16xf32>
        %add3A_430 = arith.constant 15 : i32
        %add3A_431 = vector.broadcast %add3A_430 : i32 to vector<16xi32>
        %add3A_432 = arith.addi %iota3A, %add3A_431 : vector<16xi32>
        %and3A_433 = arith.constant 15 : i32
        %and3A_434 = vector.broadcast %and3A_433 : i32 to vector<16xi32>
        %and3A_435 = arith.andi %add3A_432, %and3A_434 : vector<16xi32>
        %or3A_436 = arith.constant 16 : i32
        %or3A_437 = vector.broadcast %or3A_436 : i32 to vector<16xi32>
        %or3A_438 = arith.ori %and3A_435, %or3A_437 : vector<16xi32>
        %gather3A_439 = tpu.vector_load_idx %arg10[%add3A_174, %and3A_435] : memref<128x32xf32, #tpu.memory_space<vmem>>[vector<16xi32>, vector<16xi32>], vector<16xf32>,
        %gather3A_440 = tpu.vector_load_idx %arg14[%add3A_174, %or3A_438] : memref<128x32xf32, #tpu.memory_space<vmem>>[vector<16xi32>, vector<16xi32>], vector<16xf32>,
        %gather3A_441 = tpu.vector_load_idx %arg10[%add3A_174, %or3A_438] : memref<128x32xf32, #tpu.memory_space<vmem>>[vector<16xi32>, vector<16xi32>], vector<16xf32>,
        %gather3A_442 = tpu.vector_load_idx %arg14[%add3A_174, %and3A_435] : memref<128x32xf32, #tpu.memory_space<vmem>>[vector<16xi32>, vector<16xi32>], vector<16xf32>,
        %mul3A_443 = arith.mulf %gather3A_439, %gather3A_440 : vector<16xf32>
        %add3A_444 = arith.addf %add3A_427, %mul3A_443 : vector<16xf32>
        %mul3A_445 = arith.mulf %gather3A_441, %gather3A_442 : vector<16xf32>
        %add3A_446 = arith.addf %add3A_429, %mul3A_445 : vector<16xf32>
        %max3A = arith.constant -3.000000e+01 : f32
        %max3A_447 = vector.broadcast %max3A : f32 to vector<16xf32>
        %max3A_448 = arith.maximumf %add3A_444, %max3A_447 : vector<16xf32>
        %neg3A = arith.constant 0.000000e+00 : f32
        %neg3A_449 = vector.broadcast %neg3A : f32 to vector<16xf32>
        %neg3A_450 = arith.subf %neg3A_449, %max3A_448 : vector<16xf32>
        %exp3A = math.exp %neg3A_450 : vector<16xf32>
        %max3A_451 = arith.constant -3.000000e+01 : f32
        %max3A_452 = vector.broadcast %max3A_451 : f32 to vector<16xf32>
        %max3A_453 = arith.maximumf %add3A_446, %max3A_452 : vector<16xf32>
        %neg3A_454 = arith.constant 0.000000e+00 : f32
        %neg3A_455 = vector.broadcast %neg3A_454 : f32 to vector<16xf32>
        %neg3A_456 = arith.subf %neg3A_455, %max3A_453 : vector<16xf32>
        %exp3A_457 = math.exp %neg3A_456 : vector<16xf32>
        %add3A_458 = arith.addf %exp3A, %exp3A_457 : vector<16xf32>
        %mul3A_459 = arith.constant 5.000000e-01 : f32
        %mul3A_460 = vector.broadcast %mul3A_459 : f32 to vector<16xf32>
        %mul3A_461 = arith.mulf %mul3A_460, %add3A_458 : vector<16xf32>
        %add3A_462 = arith.constant 1.000000e+00 : f32
        %add3A_463 = vector.broadcast %add3A_462 : f32 to vector<16xf32>
        %add3A_464 = arith.addf %add3A_463, %mul3A_461 : vector<16xf32>
        %add3A_465 = arith.constant 1.000000e+00 : f32
        %add3A_466 = vector.broadcast %add3A_465 : f32 to vector<16xf32>
        %add3A_467 = arith.addf %add3A_466, %exp3A : vector<16xf32>
        %add3A_468 = arith.constant 1.000000e+00 : f32
        %add3A_469 = vector.broadcast %add3A_468 : f32 to vector<16xf32>
        %add3A_470 = arith.addf %add3A_469, %exp3A_457 : vector<16xf32>
        %mul3A_471 = arith.mulf %add3A_467, %add3A_470 : vector<16xf32>
        %div3A = arith.divf %add3A_464, %mul3A_471 : vector<16xf32>
        %mul3A_472 = arith.constant 128 : i32
        %mul3A_473 = arith.muli %add3A_83, %mul3A_472 : i32
        %mul3A_474 = arith.constant 16 : i32
        %mul3A_475 = arith.muli %scan3A_170, %mul3A_474 : i32
        %add3A_476 = arith.addi %mul3A_473, %mul3A_475 : i32
        %swap3A = arith.index_cast %add3A_476 : i32 to index
        %swap3A_477 = tpu.vector_load %arg17[%swap3A] {strides = array<i32>} : memref<10240xf32, #tpu.memory_space<vmem>>, vector<16xf32>,
        tpu.vector_store %arg17[%swap3A], %div3A {strides = array<i32>} : memref<10240xf32, #tpu.memory_space<vmem>>, vector<16xf32>,
        %scan3A_478 = arith.constant 1 : i32
        %scan3A_479 = arith.addi %scan3A_170, %scan3A_478 : i32
        %iota3A_480 = tpu.iota {dimensions = array<i32: 0>} : vector<16xi32>
        %mul3A_481 = arith.constant 16 : i32
        %mul3A_482 = arith.muli %scan3A_479, %mul3A_481 : i32
        %add3A_483 = vector.broadcast %mul3A_482 : i32 to vector<16xi32>
        %add3A_484 = arith.addi %add3A_483, %iota3A_480 : vector<16xi32>
        %broadcast_in_dim3A_485 = arith.constant 0.000000e+00 : f32
        %broadcast_in_dim3A_486 = vector.broadcast %broadcast_in_dim3A_485 : f32 to vector<16xf32>
        %broadcast_in_dim3A_487 = arith.constant 0.000000e+00 : f32
        %broadcast_in_dim3A_488 = vector.broadcast %broadcast_in_dim3A_487 : f32 to vector<16xf32>
        %add3A_489 = arith.constant 0 : i32
        %add3A_490 = vector.broadcast %add3A_489 : i32 to vector<16xi32>
        %add3A_491 = arith.addi %iota3A_480, %add3A_490 : vector<16xi32>
        %and3A_492 = arith.constant 15 : i32
        %and3A_493 = vector.broadcast %and3A_492 : i32 to vector<16xi32>
        %and3A_494 = arith.andi %add3A_491, %and3A_493 : vector<16xi32>
        %or3A_495 = arith.constant 16 : i32
        %or3A_496 = vector.broadcast %or3A_495 : i32 to vector<16xi32>
        %or3A_497 = arith.ori %and3A_494, %or3A_496 : vector<16xi32>
        %gather3A_498 = tpu.vector_load_idx %arg10[%add3A_484, %and3A_494] : memref<128x32xf32, #tpu.memory_space<vmem>>[vector<16xi32>, vector<16xi32>], vector<16xf32>,
        %gather3A_499 = tpu.vector_load_idx %arg14[%add3A_484, %or3A_497] : memref<128x32xf32, #tpu.memory_space<vmem>>[vector<16xi32>, vector<16xi32>], vector<16xf32>,
        %gather3A_500 = tpu.vector_load_idx %arg10[%add3A_484, %or3A_497] : memref<128x32xf32, #tpu.memory_space<vmem>>[vector<16xi32>, vector<16xi32>], vector<16xf32>,
        %gather3A_501 = tpu.vector_load_idx %arg14[%add3A_484, %and3A_494] : memref<128x32xf32, #tpu.memory_space<vmem>>[vector<16xi32>, vector<16xi32>], vector<16xf32>,
        %mul3A_502 = arith.mulf %gather3A_498, %gather3A_499 : vector<16xf32>
        %add3A_503 = arith.addf %broadcast_in_dim3A_486, %mul3A_502 : vector<16xf32>
        %mul3A_504 = arith.mulf %gather3A_500, %gather3A_501 : vector<16xf32>
        %add3A_505 = arith.addf %broadcast_in_dim3A_488, %mul3A_504 : vector<16xf32>
        %add3A_506 = arith.constant 1 : i32
        %add3A_507 = vector.broadcast %add3A_506 : i32 to vector<16xi32>
        %add3A_508 = arith.addi %iota3A_480, %add3A_507 : vector<16xi32>
        %and3A_509 = arith.constant 15 : i32
        %and3A_510 = vector.broadcast %and3A_509 : i32 to vector<16xi32>
        %and3A_511 = arith.andi %add3A_508, %and3A_510 : vector<16xi32>
        %or3A_512 = arith.constant 16 : i32
        %or3A_513 = vector.broadcast %or3A_512 : i32 to vector<16xi32>
        %or3A_514 = arith.ori %and3A_511, %or3A_513 : vector<16xi32>
        %gather3A_515 = tpu.vector_load_idx %arg10[%add3A_484, %and3A_511] : memref<128x32xf32, #tpu.memory_space<vmem>>[vector<16xi32>, vector<16xi32>], vector<16xf32>,
        %gather3A_516 = tpu.vector_load_idx %arg14[%add3A_484, %or3A_514] : memref<128x32xf32, #tpu.memory_space<vmem>>[vector<16xi32>, vector<16xi32>], vector<16xf32>,
        %gather3A_517 = tpu.vector_load_idx %arg10[%add3A_484, %or3A_514] : memref<128x32xf32, #tpu.memory_space<vmem>>[vector<16xi32>, vector<16xi32>], vector<16xf32>,
        %gather3A_518 = tpu.vector_load_idx %arg14[%add3A_484, %and3A_511] : memref<128x32xf32, #tpu.memory_space<vmem>>[vector<16xi32>, vector<16xi32>], vector<16xf32>,
        %mul3A_519 = arith.mulf %gather3A_515, %gather3A_516 : vector<16xf32>
        %add3A_520 = arith.addf %add3A_503, %mul3A_519 : vector<16xf32>
        %mul3A_521 = arith.mulf %gather3A_517, %gather3A_518 : vector<16xf32>
        %add3A_522 = arith.addf %add3A_505, %mul3A_521 : vector<16xf32>
        %add3A_523 = arith.constant 2 : i32
        %add3A_524 = vector.broadcast %add3A_523 : i32 to vector<16xi32>
        %add3A_525 = arith.addi %iota3A_480, %add3A_524 : vector<16xi32>
        %and3A_526 = arith.constant 15 : i32
        %and3A_527 = vector.broadcast %and3A_526 : i32 to vector<16xi32>
        %and3A_528 = arith.andi %add3A_525, %and3A_527 : vector<16xi32>
        %or3A_529 = arith.constant 16 : i32
        %or3A_530 = vector.broadcast %or3A_529 : i32 to vector<16xi32>
        %or3A_531 = arith.ori %and3A_528, %or3A_530 : vector<16xi32>
        %gather3A_532 = tpu.vector_load_idx %arg10[%add3A_484, %and3A_528] : memref<128x32xf32, #tpu.memory_space<vmem>>[vector<16xi32>, vector<16xi32>], vector<16xf32>,
        %gather3A_533 = tpu.vector_load_idx %arg14[%add3A_484, %or3A_531] : memref<128x32xf32, #tpu.memory_space<vmem>>[vector<16xi32>, vector<16xi32>], vector<16xf32>,
        %gather3A_534 = tpu.vector_load_idx %arg10[%add3A_484, %or3A_531] : memref<128x32xf32, #tpu.memory_space<vmem>>[vector<16xi32>, vector<16xi32>], vector<16xf32>,
        %gather3A_535 = tpu.vector_load_idx %arg14[%add3A_484, %and3A_528] : memref<128x32xf32, #tpu.memory_space<vmem>>[vector<16xi32>, vector<16xi32>], vector<16xf32>,
        %mul3A_536 = arith.mulf %gather3A_532, %gather3A_533 : vector<16xf32>
        %add3A_537 = arith.addf %add3A_520, %mul3A_536 : vector<16xf32>
        %mul3A_538 = arith.mulf %gather3A_534, %gather3A_535 : vector<16xf32>
        %add3A_539 = arith.addf %add3A_522, %mul3A_538 : vector<16xf32>
        %add3A_540 = arith.constant 3 : i32
        %add3A_541 = vector.broadcast %add3A_540 : i32 to vector<16xi32>
        %add3A_542 = arith.addi %iota3A_480, %add3A_541 : vector<16xi32>
        %and3A_543 = arith.constant 15 : i32
        %and3A_544 = vector.broadcast %and3A_543 : i32 to vector<16xi32>
        %and3A_545 = arith.andi %add3A_542, %and3A_544 : vector<16xi32>
        %or3A_546 = arith.constant 16 : i32
        %or3A_547 = vector.broadcast %or3A_546 : i32 to vector<16xi32>
        %or3A_548 = arith.ori %and3A_545, %or3A_547 : vector<16xi32>
        %gather3A_549 = tpu.vector_load_idx %arg10[%add3A_484, %and3A_545] : memref<128x32xf32, #tpu.memory_space<vmem>>[vector<16xi32>, vector<16xi32>], vector<16xf32>,
        %gather3A_550 = tpu.vector_load_idx %arg14[%add3A_484, %or3A_548] : memref<128x32xf32, #tpu.memory_space<vmem>>[vector<16xi32>, vector<16xi32>], vector<16xf32>,
        %gather3A_551 = tpu.vector_load_idx %arg10[%add3A_484, %or3A_548] : memref<128x32xf32, #tpu.memory_space<vmem>>[vector<16xi32>, vector<16xi32>], vector<16xf32>,
        %gather3A_552 = tpu.vector_load_idx %arg14[%add3A_484, %and3A_545] : memref<128x32xf32, #tpu.memory_space<vmem>>[vector<16xi32>, vector<16xi32>], vector<16xf32>,
        %mul3A_553 = arith.mulf %gather3A_549, %gather3A_550 : vector<16xf32>
        %add3A_554 = arith.addf %add3A_537, %mul3A_553 : vector<16xf32>
        %mul3A_555 = arith.mulf %gather3A_551, %gather3A_552 : vector<16xf32>
        %add3A_556 = arith.addf %add3A_539, %mul3A_555 : vector<16xf32>
        %add3A_557 = arith.constant 4 : i32
        %add3A_558 = vector.broadcast %add3A_557 : i32 to vector<16xi32>
        %add3A_559 = arith.addi %iota3A_480, %add3A_558 : vector<16xi32>
        %and3A_560 = arith.constant 15 : i32
        %and3A_561 = vector.broadcast %and3A_560 : i32 to vector<16xi32>
        %and3A_562 = arith.andi %add3A_559, %and3A_561 : vector<16xi32>
        %or3A_563 = arith.constant 16 : i32
        %or3A_564 = vector.broadcast %or3A_563 : i32 to vector<16xi32>
        %or3A_565 = arith.ori %and3A_562, %or3A_564 : vector<16xi32>
        %gather3A_566 = tpu.vector_load_idx %arg10[%add3A_484, %and3A_562] : memref<128x32xf32, #tpu.memory_space<vmem>>[vector<16xi32>, vector<16xi32>], vector<16xf32>,
        %gather3A_567 = tpu.vector_load_idx %arg14[%add3A_484, %or3A_565] : memref<128x32xf32, #tpu.memory_space<vmem>>[vector<16xi32>, vector<16xi32>], vector<16xf32>,
        %gather3A_568 = tpu.vector_load_idx %arg10[%add3A_484, %or3A_565] : memref<128x32xf32, #tpu.memory_space<vmem>>[vector<16xi32>, vector<16xi32>], vector<16xf32>,
        %gather3A_569 = tpu.vector_load_idx %arg14[%add3A_484, %and3A_562] : memref<128x32xf32, #tpu.memory_space<vmem>>[vector<16xi32>, vector<16xi32>], vector<16xf32>,
        %mul3A_570 = arith.mulf %gather3A_566, %gather3A_567 : vector<16xf32>
        %add3A_571 = arith.addf %add3A_554, %mul3A_570 : vector<16xf32>
        %mul3A_572 = arith.mulf %gather3A_568, %gather3A_569 : vector<16xf32>
        %add3A_573 = arith.addf %add3A_556, %mul3A_572 : vector<16xf32>
        %add3A_574 = arith.constant 5 : i32
        %add3A_575 = vector.broadcast %add3A_574 : i32 to vector<16xi32>
        %add3A_576 = arith.addi %iota3A_480, %add3A_575 : vector<16xi32>
        %and3A_577 = arith.constant 15 : i32
        %and3A_578 = vector.broadcast %and3A_577 : i32 to vector<16xi32>
        %and3A_579 = arith.andi %add3A_576, %and3A_578 : vector<16xi32>
        %or3A_580 = arith.constant 16 : i32
        %or3A_581 = vector.broadcast %or3A_580 : i32 to vector<16xi32>
        %or3A_582 = arith.ori %and3A_579, %or3A_581 : vector<16xi32>
        %gather3A_583 = tpu.vector_load_idx %arg10[%add3A_484, %and3A_579] : memref<128x32xf32, #tpu.memory_space<vmem>>[vector<16xi32>, vector<16xi32>], vector<16xf32>,
        %gather3A_584 = tpu.vector_load_idx %arg14[%add3A_484, %or3A_582] : memref<128x32xf32, #tpu.memory_space<vmem>>[vector<16xi32>, vector<16xi32>], vector<16xf32>,
        %gather3A_585 = tpu.vector_load_idx %arg10[%add3A_484, %or3A_582] : memref<128x32xf32, #tpu.memory_space<vmem>>[vector<16xi32>, vector<16xi32>], vector<16xf32>,
        %gather3A_586 = tpu.vector_load_idx %arg14[%add3A_484, %and3A_579] : memref<128x32xf32, #tpu.memory_space<vmem>>[vector<16xi32>, vector<16xi32>], vector<16xf32>,
        %mul3A_587 = arith.mulf %gather3A_583, %gather3A_584 : vector<16xf32>
        %add3A_588 = arith.addf %add3A_571, %mul3A_587 : vector<16xf32>
        %mul3A_589 = arith.mulf %gather3A_585, %gather3A_586 : vector<16xf32>
        %add3A_590 = arith.addf %add3A_573, %mul3A_589 : vector<16xf32>
        %add3A_591 = arith.constant 6 : i32
        %add3A_592 = vector.broadcast %add3A_591 : i32 to vector<16xi32>
        %add3A_593 = arith.addi %iota3A_480, %add3A_592 : vector<16xi32>
        %and3A_594 = arith.constant 15 : i32
        %and3A_595 = vector.broadcast %and3A_594 : i32 to vector<16xi32>
        %and3A_596 = arith.andi %add3A_593, %and3A_595 : vector<16xi32>
        %or3A_597 = arith.constant 16 : i32
        %or3A_598 = vector.broadcast %or3A_597 : i32 to vector<16xi32>
        %or3A_599 = arith.ori %and3A_596, %or3A_598 : vector<16xi32>
        %gather3A_600 = tpu.vector_load_idx %arg10[%add3A_484, %and3A_596] : memref<128x32xf32, #tpu.memory_space<vmem>>[vector<16xi32>, vector<16xi32>], vector<16xf32>,
        %gather3A_601 = tpu.vector_load_idx %arg14[%add3A_484, %or3A_599] : memref<128x32xf32, #tpu.memory_space<vmem>>[vector<16xi32>, vector<16xi32>], vector<16xf32>,
        %gather3A_602 = tpu.vector_load_idx %arg10[%add3A_484, %or3A_599] : memref<128x32xf32, #tpu.memory_space<vmem>>[vector<16xi32>, vector<16xi32>], vector<16xf32>,
        %gather3A_603 = tpu.vector_load_idx %arg14[%add3A_484, %and3A_596] : memref<128x32xf32, #tpu.memory_space<vmem>>[vector<16xi32>, vector<16xi32>], vector<16xf32>,
        %mul3A_604 = arith.mulf %gather3A_600, %gather3A_601 : vector<16xf32>
        %add3A_605 = arith.addf %add3A_588, %mul3A_604 : vector<16xf32>
        %mul3A_606 = arith.mulf %gather3A_602, %gather3A_603 : vector<16xf32>
        %add3A_607 = arith.addf %add3A_590, %mul3A_606 : vector<16xf32>
        %add3A_608 = arith.constant 7 : i32
        %add3A_609 = vector.broadcast %add3A_608 : i32 to vector<16xi32>
        %add3A_610 = arith.addi %iota3A_480, %add3A_609 : vector<16xi32>
        %and3A_611 = arith.constant 15 : i32
        %and3A_612 = vector.broadcast %and3A_611 : i32 to vector<16xi32>
        %and3A_613 = arith.andi %add3A_610, %and3A_612 : vector<16xi32>
        %or3A_614 = arith.constant 16 : i32
        %or3A_615 = vector.broadcast %or3A_614 : i32 to vector<16xi32>
        %or3A_616 = arith.ori %and3A_613, %or3A_615 : vector<16xi32>
        %gather3A_617 = tpu.vector_load_idx %arg10[%add3A_484, %and3A_613] : memref<128x32xf32, #tpu.memory_space<vmem>>[vector<16xi32>, vector<16xi32>], vector<16xf32>,
        %gather3A_618 = tpu.vector_load_idx %arg14[%add3A_484, %or3A_616] : memref<128x32xf32, #tpu.memory_space<vmem>>[vector<16xi32>, vector<16xi32>], vector<16xf32>,
        %gather3A_619 = tpu.vector_load_idx %arg10[%add3A_484, %or3A_616] : memref<128x32xf32, #tpu.memory_space<vmem>>[vector<16xi32>, vector<16xi32>], vector<16xf32>,
        %gather3A_620 = tpu.vector_load_idx %arg14[%add3A_484, %and3A_613] : memref<128x32xf32, #tpu.memory_space<vmem>>[vector<16xi32>, vector<16xi32>], vector<16xf32>,
        %mul3A_621 = arith.mulf %gather3A_617, %gather3A_618 : vector<16xf32>
        %add3A_622 = arith.addf %add3A_605, %mul3A_621 : vector<16xf32>
        %mul3A_623 = arith.mulf %gather3A_619, %gather3A_620 : vector<16xf32>
        %add3A_624 = arith.addf %add3A_607, %mul3A_623 : vector<16xf32>
        %add3A_625 = arith.constant 8 : i32
        %add3A_626 = vector.broadcast %add3A_625 : i32 to vector<16xi32>
        %add3A_627 = arith.addi %iota3A_480, %add3A_626 : vector<16xi32>
        %and3A_628 = arith.constant 15 : i32
        %and3A_629 = vector.broadcast %and3A_628 : i32 to vector<16xi32>
        %and3A_630 = arith.andi %add3A_627, %and3A_629 : vector<16xi32>
        %or3A_631 = arith.constant 16 : i32
        %or3A_632 = vector.broadcast %or3A_631 : i32 to vector<16xi32>
        %or3A_633 = arith.ori %and3A_630, %or3A_632 : vector<16xi32>
        %gather3A_634 = tpu.vector_load_idx %arg10[%add3A_484, %and3A_630] : memref<128x32xf32, #tpu.memory_space<vmem>>[vector<16xi32>, vector<16xi32>], vector<16xf32>,
        %gather3A_635 = tpu.vector_load_idx %arg14[%add3A_484, %or3A_633] : memref<128x32xf32, #tpu.memory_space<vmem>>[vector<16xi32>, vector<16xi32>], vector<16xf32>,
        %gather3A_636 = tpu.vector_load_idx %arg10[%add3A_484, %or3A_633] : memref<128x32xf32, #tpu.memory_space<vmem>>[vector<16xi32>, vector<16xi32>], vector<16xf32>,
        %gather3A_637 = tpu.vector_load_idx %arg14[%add3A_484, %and3A_630] : memref<128x32xf32, #tpu.memory_space<vmem>>[vector<16xi32>, vector<16xi32>], vector<16xf32>,
        %mul3A_638 = arith.mulf %gather3A_634, %gather3A_635 : vector<16xf32>
        %add3A_639 = arith.addf %add3A_622, %mul3A_638 : vector<16xf32>
        %mul3A_640 = arith.mulf %gather3A_636, %gather3A_637 : vector<16xf32>
        %add3A_641 = arith.addf %add3A_624, %mul3A_640 : vector<16xf32>
        %add3A_642 = arith.constant 9 : i32
        %add3A_643 = vector.broadcast %add3A_642 : i32 to vector<16xi32>
        %add3A_644 = arith.addi %iota3A_480, %add3A_643 : vector<16xi32>
        %and3A_645 = arith.constant 15 : i32
        %and3A_646 = vector.broadcast %and3A_645 : i32 to vector<16xi32>
        %and3A_647 = arith.andi %add3A_644, %and3A_646 : vector<16xi32>
        %or3A_648 = arith.constant 16 : i32
        %or3A_649 = vector.broadcast %or3A_648 : i32 to vector<16xi32>
        %or3A_650 = arith.ori %and3A_647, %or3A_649 : vector<16xi32>
        %gather3A_651 = tpu.vector_load_idx %arg10[%add3A_484, %and3A_647] : memref<128x32xf32, #tpu.memory_space<vmem>>[vector<16xi32>, vector<16xi32>], vector<16xf32>,
        %gather3A_652 = tpu.vector_load_idx %arg14[%add3A_484, %or3A_650] : memref<128x32xf32, #tpu.memory_space<vmem>>[vector<16xi32>, vector<16xi32>], vector<16xf32>,
        %gather3A_653 = tpu.vector_load_idx %arg10[%add3A_484, %or3A_650] : memref<128x32xf32, #tpu.memory_space<vmem>>[vector<16xi32>, vector<16xi32>], vector<16xf32>,
        %gather3A_654 = tpu.vector_load_idx %arg14[%add3A_484, %and3A_647] : memref<128x32xf32, #tpu.memory_space<vmem>>[vector<16xi32>, vector<16xi32>], vector<16xf32>,
        %mul3A_655 = arith.mulf %gather3A_651, %gather3A_652 : vector<16xf32>
        %add3A_656 = arith.addf %add3A_639, %mul3A_655 : vector<16xf32>
        %mul3A_657 = arith.mulf %gather3A_653, %gather3A_654 : vector<16xf32>
        %add3A_658 = arith.addf %add3A_641, %mul3A_657 : vector<16xf32>
        %add3A_659 = arith.constant 10 : i32
        %add3A_660 = vector.broadcast %add3A_659 : i32 to vector<16xi32>
        %add3A_661 = arith.addi %iota3A_480, %add3A_660 : vector<16xi32>
        %and3A_662 = arith.constant 15 : i32
        %and3A_663 = vector.broadcast %and3A_662 : i32 to vector<16xi32>
        %and3A_664 = arith.andi %add3A_661, %and3A_663 : vector<16xi32>
        %or3A_665 = arith.constant 16 : i32
        %or3A_666 = vector.broadcast %or3A_665 : i32 to vector<16xi32>
        %or3A_667 = arith.ori %and3A_664, %or3A_666 : vector<16xi32>
        %gather3A_668 = tpu.vector_load_idx %arg10[%add3A_484, %and3A_664] : memref<128x32xf32, #tpu.memory_space<vmem>>[vector<16xi32>, vector<16xi32>], vector<16xf32>,
        %gather3A_669 = tpu.vector_load_idx %arg14[%add3A_484, %or3A_667] : memref<128x32xf32, #tpu.memory_space<vmem>>[vector<16xi32>, vector<16xi32>], vector<16xf32>,
        %gather3A_670 = tpu.vector_load_idx %arg10[%add3A_484, %or3A_667] : memref<128x32xf32, #tpu.memory_space<vmem>>[vector<16xi32>, vector<16xi32>], vector<16xf32>,
        %gather3A_671 = tpu.vector_load_idx %arg14[%add3A_484, %and3A_664] : memref<128x32xf32, #tpu.memory_space<vmem>>[vector<16xi32>, vector<16xi32>], vector<16xf32>,
        %mul3A_672 = arith.mulf %gather3A_668, %gather3A_669 : vector<16xf32>
        %add3A_673 = arith.addf %add3A_656, %mul3A_672 : vector<16xf32>
        %mul3A_674 = arith.mulf %gather3A_670, %gather3A_671 : vector<16xf32>
        %add3A_675 = arith.addf %add3A_658, %mul3A_674 : vector<16xf32>
        %add3A_676 = arith.constant 11 : i32
        %add3A_677 = vector.broadcast %add3A_676 : i32 to vector<16xi32>
        %add3A_678 = arith.addi %iota3A_480, %add3A_677 : vector<16xi32>
        %and3A_679 = arith.constant 15 : i32
        %and3A_680 = vector.broadcast %and3A_679 : i32 to vector<16xi32>
        %and3A_681 = arith.andi %add3A_678, %and3A_680 : vector<16xi32>
        %or3A_682 = arith.constant 16 : i32
        %or3A_683 = vector.broadcast %or3A_682 : i32 to vector<16xi32>
        %or3A_684 = arith.ori %and3A_681, %or3A_683 : vector<16xi32>
        %gather3A_685 = tpu.vector_load_idx %arg10[%add3A_484, %and3A_681] : memref<128x32xf32, #tpu.memory_space<vmem>>[vector<16xi32>, vector<16xi32>], vector<16xf32>,
        %gather3A_686 = tpu.vector_load_idx %arg14[%add3A_484, %or3A_684] : memref<128x32xf32, #tpu.memory_space<vmem>>[vector<16xi32>, vector<16xi32>], vector<16xf32>,
        %gather3A_687 = tpu.vector_load_idx %arg10[%add3A_484, %or3A_684] : memref<128x32xf32, #tpu.memory_space<vmem>>[vector<16xi32>, vector<16xi32>], vector<16xf32>,
        %gather3A_688 = tpu.vector_load_idx %arg14[%add3A_484, %and3A_681] : memref<128x32xf32, #tpu.memory_space<vmem>>[vector<16xi32>, vector<16xi32>], vector<16xf32>,
        %mul3A_689 = arith.mulf %gather3A_685, %gather3A_686 : vector<16xf32>
        %add3A_690 = arith.addf %add3A_673, %mul3A_689 : vector<16xf32>
        %mul3A_691 = arith.mulf %gather3A_687, %gather3A_688 : vector<16xf32>
        %add3A_692 = arith.addf %add3A_675, %mul3A_691 : vector<16xf32>
        %add3A_693 = arith.constant 12 : i32
        %add3A_694 = vector.broadcast %add3A_693 : i32 to vector<16xi32>
        %add3A_695 = arith.addi %iota3A_480, %add3A_694 : vector<16xi32>
        %and3A_696 = arith.constant 15 : i32
        %and3A_697 = vector.broadcast %and3A_696 : i32 to vector<16xi32>
        %and3A_698 = arith.andi %add3A_695, %and3A_697 : vector<16xi32>
        %or3A_699 = arith.constant 16 : i32
        %or3A_700 = vector.broadcast %or3A_699 : i32 to vector<16xi32>
        %or3A_701 = arith.ori %and3A_698, %or3A_700 : vector<16xi32>
        %gather3A_702 = tpu.vector_load_idx %arg10[%add3A_484, %and3A_698] : memref<128x32xf32, #tpu.memory_space<vmem>>[vector<16xi32>, vector<16xi32>], vector<16xf32>,
        %gather3A_703 = tpu.vector_load_idx %arg14[%add3A_484, %or3A_701] : memref<128x32xf32, #tpu.memory_space<vmem>>[vector<16xi32>, vector<16xi32>], vector<16xf32>,
        %gather3A_704 = tpu.vector_load_idx %arg10[%add3A_484, %or3A_701] : memref<128x32xf32, #tpu.memory_space<vmem>>[vector<16xi32>, vector<16xi32>], vector<16xf32>,
        %gather3A_705 = tpu.vector_load_idx %arg14[%add3A_484, %and3A_698] : memref<128x32xf32, #tpu.memory_space<vmem>>[vector<16xi32>, vector<16xi32>], vector<16xf32>,
        %mul3A_706 = arith.mulf %gather3A_702, %gather3A_703 : vector<16xf32>
        %add3A_707 = arith.addf %add3A_690, %mul3A_706 : vector<16xf32>
        %mul3A_708 = arith.mulf %gather3A_704, %gather3A_705 : vector<16xf32>
        %add3A_709 = arith.addf %add3A_692, %mul3A_708 : vector<16xf32>
        %add3A_710 = arith.constant 13 : i32
        %add3A_711 = vector.broadcast %add3A_710 : i32 to vector<16xi32>
        %add3A_712 = arith.addi %iota3A_480, %add3A_711 : vector<16xi32>
        %and3A_713 = arith.constant 15 : i32
        %and3A_714 = vector.broadcast %and3A_713 : i32 to vector<16xi32>
        %and3A_715 = arith.andi %add3A_712, %and3A_714 : vector<16xi32>
        %or3A_716 = arith.constant 16 : i32
        %or3A_717 = vector.broadcast %or3A_716 : i32 to vector<16xi32>
        %or3A_718 = arith.ori %and3A_715, %or3A_717 : vector<16xi32>
        %gather3A_719 = tpu.vector_load_idx %arg10[%add3A_484, %and3A_715] : memref<128x32xf32, #tpu.memory_space<vmem>>[vector<16xi32>, vector<16xi32>], vector<16xf32>,
        %gather3A_720 = tpu.vector_load_idx %arg14[%add3A_484, %or3A_718] : memref<128x32xf32, #tpu.memory_space<vmem>>[vector<16xi32>, vector<16xi32>], vector<16xf32>,
        %gather3A_721 = tpu.vector_load_idx %arg10[%add3A_484, %or3A_718] : memref<128x32xf32, #tpu.memory_space<vmem>>[vector<16xi32>, vector<16xi32>], vector<16xf32>,
        %gather3A_722 = tpu.vector_load_idx %arg14[%add3A_484, %and3A_715] : memref<128x32xf32, #tpu.memory_space<vmem>>[vector<16xi32>, vector<16xi32>], vector<16xf32>,
        %mul3A_723 = arith.mulf %gather3A_719, %gather3A_720 : vector<16xf32>
        %add3A_724 = arith.addf %add3A_707, %mul3A_723 : vector<16xf32>
        %mul3A_725 = arith.mulf %gather3A_721, %gather3A_722 : vector<16xf32>
        %add3A_726 = arith.addf %add3A_709, %mul3A_725 : vector<16xf32>
        %add3A_727 = arith.constant 14 : i32
        %add3A_728 = vector.broadcast %add3A_727 : i32 to vector<16xi32>
        %add3A_729 = arith.addi %iota3A_480, %add3A_728 : vector<16xi32>
        %and3A_730 = arith.constant 15 : i32
        %and3A_731 = vector.broadcast %and3A_730 : i32 to vector<16xi32>
        %and3A_732 = arith.andi %add3A_729, %and3A_731 : vector<16xi32>
        %or3A_733 = arith.constant 16 : i32
        %or3A_734 = vector.broadcast %or3A_733 : i32 to vector<16xi32>
        %or3A_735 = arith.ori %and3A_732, %or3A_734 : vector<16xi32>
        %gather3A_736 = tpu.vector_load_idx %arg10[%add3A_484, %and3A_732] : memref<128x32xf32, #tpu.memory_space<vmem>>[vector<16xi32>, vector<16xi32>], vector<16xf32>,
        %gather3A_737 = tpu.vector_load_idx %arg14[%add3A_484, %or3A_735] : memref<128x32xf32, #tpu.memory_space<vmem>>[vector<16xi32>, vector<16xi32>], vector<16xf32>,
        %gather3A_738 = tpu.vector_load_idx %arg10[%add3A_484, %or3A_735] : memref<128x32xf32, #tpu.memory_space<vmem>>[vector<16xi32>, vector<16xi32>], vector<16xf32>,
        %gather3A_739 = tpu.vector_load_idx %arg14[%add3A_484, %and3A_732] : memref<128x32xf32, #tpu.memory_space<vmem>>[vector<16xi32>, vector<16xi32>], vector<16xf32>,
        %mul3A_740 = arith.mulf %gather3A_736, %gather3A_737 : vector<16xf32>
        %add3A_741 = arith.addf %add3A_724, %mul3A_740 : vector<16xf32>
        %mul3A_742 = arith.mulf %gather3A_738, %gather3A_739 : vector<16xf32>
        %add3A_743 = arith.addf %add3A_726, %mul3A_742 : vector<16xf32>
        %add3A_744 = arith.constant 15 : i32
        %add3A_745 = vector.broadcast %add3A_744 : i32 to vector<16xi32>
        %add3A_746 = arith.addi %iota3A_480, %add3A_745 : vector<16xi32>
        %and3A_747 = arith.constant 15 : i32
        %and3A_748 = vector.broadcast %and3A_747 : i32 to vector<16xi32>
        %and3A_749 = arith.andi %add3A_746, %and3A_748 : vector<16xi32>
        %or3A_750 = arith.constant 16 : i32
        %or3A_751 = vector.broadcast %or3A_750 : i32 to vector<16xi32>
        %or3A_752 = arith.ori %and3A_749, %or3A_751 : vector<16xi32>
        %gather3A_753 = tpu.vector_load_idx %arg10[%add3A_484, %and3A_749] : memref<128x32xf32, #tpu.memory_space<vmem>>[vector<16xi32>, vector<16xi32>], vector<16xf32>,
        %gather3A_754 = tpu.vector_load_idx %arg14[%add3A_484, %or3A_752] : memref<128x32xf32, #tpu.memory_space<vmem>>[vector<16xi32>, vector<16xi32>], vector<16xf32>,
        %gather3A_755 = tpu.vector_load_idx %arg10[%add3A_484, %or3A_752] : memref<128x32xf32, #tpu.memory_space<vmem>>[vector<16xi32>, vector<16xi32>], vector<16xf32>,
        %gather3A_756 = tpu.vector_load_idx %arg14[%add3A_484, %and3A_749] : memref<128x32xf32, #tpu.memory_space<vmem>>[vector<16xi32>, vector<16xi32>], vector<16xf32>,
        %mul3A_757 = arith.mulf %gather3A_753, %gather3A_754 : vector<16xf32>
        %add3A_758 = arith.addf %add3A_741, %mul3A_757 : vector<16xf32>
        %mul3A_759 = arith.mulf %gather3A_755, %gather3A_756 : vector<16xf32>
        %add3A_760 = arith.addf %add3A_743, %mul3A_759 : vector<16xf32>
        %max3A_761 = arith.constant -3.000000e+01 : f32
        %max3A_762 = vector.broadcast %max3A_761 : f32 to vector<16xf32>
        %max3A_763 = arith.maximumf %add3A_758, %max3A_762 : vector<16xf32>
        %neg3A_764 = arith.constant 0.000000e+00 : f32
        %neg3A_765 = vector.broadcast %neg3A_764 : f32 to vector<16xf32>
        %neg3A_766 = arith.subf %neg3A_765, %max3A_763 : vector<16xf32>
        %exp3A_767 = math.exp %neg3A_766 : vector<16xf32>
        %max3A_768 = arith.constant -3.000000e+01 : f32
        %max3A_769 = vector.broadcast %max3A_768 : f32 to vector<16xf32>
        %max3A_770 = arith.maximumf %add3A_760, %max3A_769 : vector<16xf32>
        %neg3A_771 = arith.constant 0.000000e+00 : f32
        %neg3A_772 = vector.broadcast %neg3A_771 : f32 to vector<16xf32>
        %neg3A_773 = arith.subf %neg3A_772, %max3A_770 : vector<16xf32>
        %exp3A_774 = math.exp %neg3A_773 : vector<16xf32>
        %add3A_775 = arith.addf %exp3A_767, %exp3A_774 : vector<16xf32>
        %mul3A_776 = arith.constant 5.000000e-01 : f32
        %mul3A_777 = vector.broadcast %mul3A_776 : f32 to vector<16xf32>
        %mul3A_778 = arith.mulf %mul3A_777, %add3A_775 : vector<16xf32>
        %add3A_779 = arith.constant 1.000000e+00 : f32
        %add3A_780 = vector.broadcast %add3A_779 : f32 to vector<16xf32>
        %add3A_781 = arith.addf %add3A_780, %mul3A_778 : vector<16xf32>
        %add3A_782 = arith.constant 1.000000e+00 : f32
        %add3A_783 = vector.broadcast %add3A_782 : f32 to vector<16xf32>
        %add3A_784 = arith.addf %add3A_783, %exp3A_767 : vector<16xf32>
        %add3A_785 = arith.constant 1.000000e+00 : f32
        %add3A_786 = vector.broadcast %add3A_785 : f32 to vector<16xf32>
        %add3A_787 = arith.addf %add3A_786, %exp3A_774 : vector<16xf32>
        %mul3A_788 = arith.mulf %add3A_784, %add3A_787 : vector<16xf32>
        %div3A_789 = arith.divf %add3A_781, %mul3A_788 : vector<16xf32>
        %mul3A_790 = arith.constant 128 : i32
        %mul3A_791 = arith.muli %add3A_83, %mul3A_790 : i32
        %mul3A_792 = arith.constant 16 : i32
        %mul3A_793 = arith.muli %scan3A_479, %mul3A_792 : i32
        %add3A_794 = arith.addi %mul3A_791, %mul3A_793 : i32
        %swap3A_795 = arith.index_cast %add3A_794 : i32 to index
        %swap3A_796 = tpu.vector_load %arg17[%swap3A_795] {strides = array<i32>} : memref<10240xf32, #tpu.memory_space<vmem>>, vector<16xf32>,
        tpu.vector_store %arg17[%swap3A_795], %div3A_789 {strides = array<i32>} : memref<10240xf32, #tpu.memory_space<vmem>>, vector<16xf32>,
      }
      %scan3A_109 = arith.constant 8 : i32
      %mul3A_110 = arith.constant 4 : i32
      %mul3A_111 = arith.muli %scan3A_53, %mul3A_110 : i32
      %add3A_112 = arith.constant 2 : i32
      %add3A_113 = arith.addi %mul3A_111, %add3A_112 : i32
      %mul3A_114 = arith.constant 128 : i32
      %mul3A_115 = arith.muli %add3A_113, %mul3A_114 : i32
      %dma_wait3A_116 = tpu.memref_slice %arg7[%mul3A_115] : memref<10240xi32, #tpu.memory_space<vmem>> -> memref<128xi32, #tpu.memory_space<vmem>>
      %dma_wait3A_117 = arith.constant 0 : i32
      %dma_wait3A_118 = arith.constant 0 : i32
      %dma_wait3A_119 = tpu.memref_slice %arg6[%dma_wait3A_117, %dma_wait3A_118] : memref<10000x32xf32, #tpu.memory_space<vmem_shared>> -> memref<10000x32xf32, #tpu.memory_space<vmem_shared>>
      tpu.wait_indirect_dma semaphore(%arg20 : memref<!tpu.dma_semaphore, #tpu.memory_space<semaphore_mem>>) src(%dma_wait3A_119 : memref<10000x32xf32, #tpu.memory_space<vmem_shared>>) dst(%arg11 : memref<128x32xf32, #tpu.memory_space<vmem>>)
      %mul3A_120 = arith.constant 128 : i32
      %mul3A_121 = arith.muli %add3A_113, %mul3A_120 : i32
      %dma_wait3A_122 = tpu.memref_slice %arg8[%mul3A_121] : memref<10240xi32, #tpu.memory_space<vmem>> -> memref<128xi32, #tpu.memory_space<vmem>>
      %dma_wait3A_123 = arith.constant 0 : i32
      %dma_wait3A_124 = arith.constant 0 : i32
      %dma_wait3A_125 = tpu.memref_slice %arg6[%dma_wait3A_123, %dma_wait3A_124] : memref<10000x32xf32, #tpu.memory_space<vmem_shared>> -> memref<10000x32xf32, #tpu.memory_space<vmem_shared>>
      tpu.wait_indirect_dma semaphore(%arg20 : memref<!tpu.dma_semaphore, #tpu.memory_space<semaphore_mem>>) src(%dma_wait3A_125 : memref<10000x32xf32, #tpu.memory_space<vmem_shared>>) dst(%arg15 : memref<128x32xf32, #tpu.memory_space<vmem>>)
      %add3A_126 = arith.constant 4 : i32
      %add3A_127 = arith.addi %add3A_113, %add3A_126 : i32
      %sub3A_128 = arith.constant 1 : i32
      %sub3A_129 = arith.subi %add3A_127, %sub3A_128 : i32
      %lt3A_130 = arith.constant 80 : i32
      %lt3A_131 = arith.cmpi slt, %sub3A_129, %lt3A_130 : i32
      %convert_element_type3A_132 = arith.extui %lt3A_131 : i1 to i32
      %cond3A_133 = arith.constant 0 : i32
      %cond3A_134 = arith.cmpi ne, %convert_element_type3A_132, %cond3A_133 : i32
      scf.if %cond3A_134 {
        %add3A_170 = arith.constant 4 : i32
        %add3A_171 = arith.addi %add3A_113, %add3A_170 : i32
        %sub3A_172 = arith.constant 1 : i32
        %sub3A_173 = arith.subi %add3A_171, %sub3A_172 : i32
        %mul3A_174 = arith.constant 128 : i32
        %mul3A_175 = arith.muli %sub3A_173, %mul3A_174 : i32
        %dma_start3A_176 = tpu.memref_slice %arg7[%mul3A_175] : memref<10240xi32, #tpu.memory_space<vmem>> -> memref<128xi32, #tpu.memory_space<vmem>>
        %dma_start3A_177 = arith.constant 0 : i32
        %dma_start3A_178 = arith.constant 0 : i32
        %dma_start3A_179 = tpu.memref_slice %arg6[%dma_start3A_177, %dma_start3A_178] : memref<10000x32xf32, #tpu.memory_space<vmem_shared>> -> memref<10000x32xf32, #tpu.memory_space<vmem_shared>>
        tpu.enqueue_indirect_dma source(%dma_start3A_179 : memref<10000x32xf32, #tpu.memory_space<vmem_shared>>) target(%arg10 : memref<128x32xf32, #tpu.memory_space<vmem>>) offsets(%dma_start3A_176 : memref<128xi32, #tpu.memory_space<vmem>>) semaphore(%arg19 : memref<!tpu.dma_semaphore, #tpu.memory_space<semaphore_mem>>)
        %mul3A_180 = arith.constant 128 : i32
        %mul3A_181 = arith.muli %sub3A_173, %mul3A_180 : i32
        %dma_start3A_182 = tpu.memref_slice %arg8[%mul3A_181] : memref<10240xi32, #tpu.memory_space<vmem>> -> memref<128xi32, #tpu.memory_space<vmem>>
        %dma_start3A_183 = arith.constant 0 : i32
        %dma_start3A_184 = arith.constant 0 : i32
        %dma_start3A_185 = tpu.memref_slice %arg6[%dma_start3A_183, %dma_start3A_184] : memref<10000x32xf32, #tpu.memory_space<vmem_shared>> -> memref<10000x32xf32, #tpu.memory_space<vmem_shared>>
        tpu.enqueue_indirect_dma source(%dma_start3A_185 : memref<10000x32xf32, #tpu.memory_space<vmem_shared>>) target(%arg14 : memref<128x32xf32, #tpu.memory_space<vmem>>) offsets(%dma_start3A_182 : memref<128xi32, #tpu.memory_space<vmem>>) semaphore(%arg19 : memref<!tpu.dma_semaphore, #tpu.memory_space<semaphore_mem>>)
      } else {
      }
      %scan3A_135 = arith.constant 0 : i32
      %scan3A_136 = arith.constant 8 : i32
      %scan3A_137 = arith.addi %scan3A_135, %scan3A_136 : i32
      %scan3A_138 = arith.constant 2 : i32
      scf.for %scan3A_170 = %scan3A_135 to %scan3A_137 step %scan3A_138  : i32 {
        %iota3A = tpu.iota {dimensions = array<i32: 0>} : vector<16xi32>
        %mul3A_171 = arith.constant 16 : i32
        %mul3A_172 = arith.muli %scan3A_170, %mul3A_171 : i32
        %add3A_173 = vector.broadcast %mul3A_172 : i32 to vector<16xi32>
        %add3A_174 = arith.addi %add3A_173, %iota3A : vector<16xi32>
        %broadcast_in_dim3A = arith.constant 0.000000e+00 : f32
        %broadcast_in_dim3A_175 = vector.broadcast %broadcast_in_dim3A : f32 to vector<16xf32>
        %broadcast_in_dim3A_176 = arith.constant 0.000000e+00 : f32
        %broadcast_in_dim3A_177 = vector.broadcast %broadcast_in_dim3A_176 : f32 to vector<16xf32>
        %add3A_178 = arith.constant 0 : i32
        %add3A_179 = vector.broadcast %add3A_178 : i32 to vector<16xi32>
        %add3A_180 = arith.addi %iota3A, %add3A_179 : vector<16xi32>
        %and3A = arith.constant 15 : i32
        %and3A_181 = vector.broadcast %and3A : i32 to vector<16xi32>
        %and3A_182 = arith.andi %add3A_180, %and3A_181 : vector<16xi32>
        %or3A = arith.constant 16 : i32
        %or3A_183 = vector.broadcast %or3A : i32 to vector<16xi32>
        %or3A_184 = arith.ori %and3A_182, %or3A_183 : vector<16xi32>
        %gather3A = tpu.vector_load_idx %arg11[%add3A_174, %and3A_182] : memref<128x32xf32, #tpu.memory_space<vmem>>[vector<16xi32>, vector<16xi32>], vector<16xf32>,
        %gather3A_185 = tpu.vector_load_idx %arg15[%add3A_174, %or3A_184] : memref<128x32xf32, #tpu.memory_space<vmem>>[vector<16xi32>, vector<16xi32>], vector<16xf32>,
        %gather3A_186 = tpu.vector_load_idx %arg11[%add3A_174, %or3A_184] : memref<128x32xf32, #tpu.memory_space<vmem>>[vector<16xi32>, vector<16xi32>], vector<16xf32>,
        %gather3A_187 = tpu.vector_load_idx %arg15[%add3A_174, %and3A_182] : memref<128x32xf32, #tpu.memory_space<vmem>>[vector<16xi32>, vector<16xi32>], vector<16xf32>,
        %mul3A_188 = arith.mulf %gather3A, %gather3A_185 : vector<16xf32>
        %add3A_189 = arith.addf %broadcast_in_dim3A_175, %mul3A_188 : vector<16xf32>
        %mul3A_190 = arith.mulf %gather3A_186, %gather3A_187 : vector<16xf32>
        %add3A_191 = arith.addf %broadcast_in_dim3A_177, %mul3A_190 : vector<16xf32>
        %add3A_192 = arith.constant 1 : i32
        %add3A_193 = vector.broadcast %add3A_192 : i32 to vector<16xi32>
        %add3A_194 = arith.addi %iota3A, %add3A_193 : vector<16xi32>
        %and3A_195 = arith.constant 15 : i32
        %and3A_196 = vector.broadcast %and3A_195 : i32 to vector<16xi32>
        %and3A_197 = arith.andi %add3A_194, %and3A_196 : vector<16xi32>
        %or3A_198 = arith.constant 16 : i32
        %or3A_199 = vector.broadcast %or3A_198 : i32 to vector<16xi32>
        %or3A_200 = arith.ori %and3A_197, %or3A_199 : vector<16xi32>
        %gather3A_201 = tpu.vector_load_idx %arg11[%add3A_174, %and3A_197] : memref<128x32xf32, #tpu.memory_space<vmem>>[vector<16xi32>, vector<16xi32>], vector<16xf32>,
        %gather3A_202 = tpu.vector_load_idx %arg15[%add3A_174, %or3A_200] : memref<128x32xf32, #tpu.memory_space<vmem>>[vector<16xi32>, vector<16xi32>], vector<16xf32>,
        %gather3A_203 = tpu.vector_load_idx %arg11[%add3A_174, %or3A_200] : memref<128x32xf32, #tpu.memory_space<vmem>>[vector<16xi32>, vector<16xi32>], vector<16xf32>,
        %gather3A_204 = tpu.vector_load_idx %arg15[%add3A_174, %and3A_197] : memref<128x32xf32, #tpu.memory_space<vmem>>[vector<16xi32>, vector<16xi32>], vector<16xf32>,
        %mul3A_205 = arith.mulf %gather3A_201, %gather3A_202 : vector<16xf32>
        %add3A_206 = arith.addf %add3A_189, %mul3A_205 : vector<16xf32>
        %mul3A_207 = arith.mulf %gather3A_203, %gather3A_204 : vector<16xf32>
        %add3A_208 = arith.addf %add3A_191, %mul3A_207 : vector<16xf32>
        %add3A_209 = arith.constant 2 : i32
        %add3A_210 = vector.broadcast %add3A_209 : i32 to vector<16xi32>
        %add3A_211 = arith.addi %iota3A, %add3A_210 : vector<16xi32>
        %and3A_212 = arith.constant 15 : i32
        %and3A_213 = vector.broadcast %and3A_212 : i32 to vector<16xi32>
        %and3A_214 = arith.andi %add3A_211, %and3A_213 : vector<16xi32>
        %or3A_215 = arith.constant 16 : i32
        %or3A_216 = vector.broadcast %or3A_215 : i32 to vector<16xi32>
        %or3A_217 = arith.ori %and3A_214, %or3A_216 : vector<16xi32>
        %gather3A_218 = tpu.vector_load_idx %arg11[%add3A_174, %and3A_214] : memref<128x32xf32, #tpu.memory_space<vmem>>[vector<16xi32>, vector<16xi32>], vector<16xf32>,
        %gather3A_219 = tpu.vector_load_idx %arg15[%add3A_174, %or3A_217] : memref<128x32xf32, #tpu.memory_space<vmem>>[vector<16xi32>, vector<16xi32>], vector<16xf32>,
        %gather3A_220 = tpu.vector_load_idx %arg11[%add3A_174, %or3A_217] : memref<128x32xf32, #tpu.memory_space<vmem>>[vector<16xi32>, vector<16xi32>], vector<16xf32>,
        %gather3A_221 = tpu.vector_load_idx %arg15[%add3A_174, %and3A_214] : memref<128x32xf32, #tpu.memory_space<vmem>>[vector<16xi32>, vector<16xi32>], vector<16xf32>,
        %mul3A_222 = arith.mulf %gather3A_218, %gather3A_219 : vector<16xf32>
        %add3A_223 = arith.addf %add3A_206, %mul3A_222 : vector<16xf32>
        %mul3A_224 = arith.mulf %gather3A_220, %gather3A_221 : vector<16xf32>
        %add3A_225 = arith.addf %add3A_208, %mul3A_224 : vector<16xf32>
        %add3A_226 = arith.constant 3 : i32
        %add3A_227 = vector.broadcast %add3A_226 : i32 to vector<16xi32>
        %add3A_228 = arith.addi %iota3A, %add3A_227 : vector<16xi32>
        %and3A_229 = arith.constant 15 : i32
        %and3A_230 = vector.broadcast %and3A_229 : i32 to vector<16xi32>
        %and3A_231 = arith.andi %add3A_228, %and3A_230 : vector<16xi32>
        %or3A_232 = arith.constant 16 : i32
        %or3A_233 = vector.broadcast %or3A_232 : i32 to vector<16xi32>
        %or3A_234 = arith.ori %and3A_231, %or3A_233 : vector<16xi32>
        %gather3A_235 = tpu.vector_load_idx %arg11[%add3A_174, %and3A_231] : memref<128x32xf32, #tpu.memory_space<vmem>>[vector<16xi32>, vector<16xi32>], vector<16xf32>,
        %gather3A_236 = tpu.vector_load_idx %arg15[%add3A_174, %or3A_234] : memref<128x32xf32, #tpu.memory_space<vmem>>[vector<16xi32>, vector<16xi32>], vector<16xf32>,
        %gather3A_237 = tpu.vector_load_idx %arg11[%add3A_174, %or3A_234] : memref<128x32xf32, #tpu.memory_space<vmem>>[vector<16xi32>, vector<16xi32>], vector<16xf32>,
        %gather3A_238 = tpu.vector_load_idx %arg15[%add3A_174, %and3A_231] : memref<128x32xf32, #tpu.memory_space<vmem>>[vector<16xi32>, vector<16xi32>], vector<16xf32>,
        %mul3A_239 = arith.mulf %gather3A_235, %gather3A_236 : vector<16xf32>
        %add3A_240 = arith.addf %add3A_223, %mul3A_239 : vector<16xf32>
        %mul3A_241 = arith.mulf %gather3A_237, %gather3A_238 : vector<16xf32>
        %add3A_242 = arith.addf %add3A_225, %mul3A_241 : vector<16xf32>
        %add3A_243 = arith.constant 4 : i32
        %add3A_244 = vector.broadcast %add3A_243 : i32 to vector<16xi32>
        %add3A_245 = arith.addi %iota3A, %add3A_244 : vector<16xi32>
        %and3A_246 = arith.constant 15 : i32
        %and3A_247 = vector.broadcast %and3A_246 : i32 to vector<16xi32>
        %and3A_248 = arith.andi %add3A_245, %and3A_247 : vector<16xi32>
        %or3A_249 = arith.constant 16 : i32
        %or3A_250 = vector.broadcast %or3A_249 : i32 to vector<16xi32>
        %or3A_251 = arith.ori %and3A_248, %or3A_250 : vector<16xi32>
        %gather3A_252 = tpu.vector_load_idx %arg11[%add3A_174, %and3A_248] : memref<128x32xf32, #tpu.memory_space<vmem>>[vector<16xi32>, vector<16xi32>], vector<16xf32>,
        %gather3A_253 = tpu.vector_load_idx %arg15[%add3A_174, %or3A_251] : memref<128x32xf32, #tpu.memory_space<vmem>>[vector<16xi32>, vector<16xi32>], vector<16xf32>,
        %gather3A_254 = tpu.vector_load_idx %arg11[%add3A_174, %or3A_251] : memref<128x32xf32, #tpu.memory_space<vmem>>[vector<16xi32>, vector<16xi32>], vector<16xf32>,
        %gather3A_255 = tpu.vector_load_idx %arg15[%add3A_174, %and3A_248] : memref<128x32xf32, #tpu.memory_space<vmem>>[vector<16xi32>, vector<16xi32>], vector<16xf32>,
        %mul3A_256 = arith.mulf %gather3A_252, %gather3A_253 : vector<16xf32>
        %add3A_257 = arith.addf %add3A_240, %mul3A_256 : vector<16xf32>
        %mul3A_258 = arith.mulf %gather3A_254, %gather3A_255 : vector<16xf32>
        %add3A_259 = arith.addf %add3A_242, %mul3A_258 : vector<16xf32>
        %add3A_260 = arith.constant 5 : i32
        %add3A_261 = vector.broadcast %add3A_260 : i32 to vector<16xi32>
        %add3A_262 = arith.addi %iota3A, %add3A_261 : vector<16xi32>
        %and3A_263 = arith.constant 15 : i32
        %and3A_264 = vector.broadcast %and3A_263 : i32 to vector<16xi32>
        %and3A_265 = arith.andi %add3A_262, %and3A_264 : vector<16xi32>
        %or3A_266 = arith.constant 16 : i32
        %or3A_267 = vector.broadcast %or3A_266 : i32 to vector<16xi32>
        %or3A_268 = arith.ori %and3A_265, %or3A_267 : vector<16xi32>
        %gather3A_269 = tpu.vector_load_idx %arg11[%add3A_174, %and3A_265] : memref<128x32xf32, #tpu.memory_space<vmem>>[vector<16xi32>, vector<16xi32>], vector<16xf32>,
        %gather3A_270 = tpu.vector_load_idx %arg15[%add3A_174, %or3A_268] : memref<128x32xf32, #tpu.memory_space<vmem>>[vector<16xi32>, vector<16xi32>], vector<16xf32>,
        %gather3A_271 = tpu.vector_load_idx %arg11[%add3A_174, %or3A_268] : memref<128x32xf32, #tpu.memory_space<vmem>>[vector<16xi32>, vector<16xi32>], vector<16xf32>,
        %gather3A_272 = tpu.vector_load_idx %arg15[%add3A_174, %and3A_265] : memref<128x32xf32, #tpu.memory_space<vmem>>[vector<16xi32>, vector<16xi32>], vector<16xf32>,
        %mul3A_273 = arith.mulf %gather3A_269, %gather3A_270 : vector<16xf32>
        %add3A_274 = arith.addf %add3A_257, %mul3A_273 : vector<16xf32>
        %mul3A_275 = arith.mulf %gather3A_271, %gather3A_272 : vector<16xf32>
        %add3A_276 = arith.addf %add3A_259, %mul3A_275 : vector<16xf32>
        %add3A_277 = arith.constant 6 : i32
        %add3A_278 = vector.broadcast %add3A_277 : i32 to vector<16xi32>
        %add3A_279 = arith.addi %iota3A, %add3A_278 : vector<16xi32>
        %and3A_280 = arith.constant 15 : i32
        %and3A_281 = vector.broadcast %and3A_280 : i32 to vector<16xi32>
        %and3A_282 = arith.andi %add3A_279, %and3A_281 : vector<16xi32>
        %or3A_283 = arith.constant 16 : i32
        %or3A_284 = vector.broadcast %or3A_283 : i32 to vector<16xi32>
        %or3A_285 = arith.ori %and3A_282, %or3A_284 : vector<16xi32>
        %gather3A_286 = tpu.vector_load_idx %arg11[%add3A_174, %and3A_282] : memref<128x32xf32, #tpu.memory_space<vmem>>[vector<16xi32>, vector<16xi32>], vector<16xf32>,
        %gather3A_287 = tpu.vector_load_idx %arg15[%add3A_174, %or3A_285] : memref<128x32xf32, #tpu.memory_space<vmem>>[vector<16xi32>, vector<16xi32>], vector<16xf32>,
        %gather3A_288 = tpu.vector_load_idx %arg11[%add3A_174, %or3A_285] : memref<128x32xf32, #tpu.memory_space<vmem>>[vector<16xi32>, vector<16xi32>], vector<16xf32>,
        %gather3A_289 = tpu.vector_load_idx %arg15[%add3A_174, %and3A_282] : memref<128x32xf32, #tpu.memory_space<vmem>>[vector<16xi32>, vector<16xi32>], vector<16xf32>,
        %mul3A_290 = arith.mulf %gather3A_286, %gather3A_287 : vector<16xf32>
        %add3A_291 = arith.addf %add3A_274, %mul3A_290 : vector<16xf32>
        %mul3A_292 = arith.mulf %gather3A_288, %gather3A_289 : vector<16xf32>
        %add3A_293 = arith.addf %add3A_276, %mul3A_292 : vector<16xf32>
        %add3A_294 = arith.constant 7 : i32
        %add3A_295 = vector.broadcast %add3A_294 : i32 to vector<16xi32>
        %add3A_296 = arith.addi %iota3A, %add3A_295 : vector<16xi32>
        %and3A_297 = arith.constant 15 : i32
        %and3A_298 = vector.broadcast %and3A_297 : i32 to vector<16xi32>
        %and3A_299 = arith.andi %add3A_296, %and3A_298 : vector<16xi32>
        %or3A_300 = arith.constant 16 : i32
        %or3A_301 = vector.broadcast %or3A_300 : i32 to vector<16xi32>
        %or3A_302 = arith.ori %and3A_299, %or3A_301 : vector<16xi32>
        %gather3A_303 = tpu.vector_load_idx %arg11[%add3A_174, %and3A_299] : memref<128x32xf32, #tpu.memory_space<vmem>>[vector<16xi32>, vector<16xi32>], vector<16xf32>,
        %gather3A_304 = tpu.vector_load_idx %arg15[%add3A_174, %or3A_302] : memref<128x32xf32, #tpu.memory_space<vmem>>[vector<16xi32>, vector<16xi32>], vector<16xf32>,
        %gather3A_305 = tpu.vector_load_idx %arg11[%add3A_174, %or3A_302] : memref<128x32xf32, #tpu.memory_space<vmem>>[vector<16xi32>, vector<16xi32>], vector<16xf32>,
        %gather3A_306 = tpu.vector_load_idx %arg15[%add3A_174, %and3A_299] : memref<128x32xf32, #tpu.memory_space<vmem>>[vector<16xi32>, vector<16xi32>], vector<16xf32>,
        %mul3A_307 = arith.mulf %gather3A_303, %gather3A_304 : vector<16xf32>
        %add3A_308 = arith.addf %add3A_291, %mul3A_307 : vector<16xf32>
        %mul3A_309 = arith.mulf %gather3A_305, %gather3A_306 : vector<16xf32>
        %add3A_310 = arith.addf %add3A_293, %mul3A_309 : vector<16xf32>
        %add3A_311 = arith.constant 8 : i32
        %add3A_312 = vector.broadcast %add3A_311 : i32 to vector<16xi32>
        %add3A_313 = arith.addi %iota3A, %add3A_312 : vector<16xi32>
        %and3A_314 = arith.constant 15 : i32
        %and3A_315 = vector.broadcast %and3A_314 : i32 to vector<16xi32>
        %and3A_316 = arith.andi %add3A_313, %and3A_315 : vector<16xi32>
        %or3A_317 = arith.constant 16 : i32
        %or3A_318 = vector.broadcast %or3A_317 : i32 to vector<16xi32>
        %or3A_319 = arith.ori %and3A_316, %or3A_318 : vector<16xi32>
        %gather3A_320 = tpu.vector_load_idx %arg11[%add3A_174, %and3A_316] : memref<128x32xf32, #tpu.memory_space<vmem>>[vector<16xi32>, vector<16xi32>], vector<16xf32>,
        %gather3A_321 = tpu.vector_load_idx %arg15[%add3A_174, %or3A_319] : memref<128x32xf32, #tpu.memory_space<vmem>>[vector<16xi32>, vector<16xi32>], vector<16xf32>,
        %gather3A_322 = tpu.vector_load_idx %arg11[%add3A_174, %or3A_319] : memref<128x32xf32, #tpu.memory_space<vmem>>[vector<16xi32>, vector<16xi32>], vector<16xf32>,
        %gather3A_323 = tpu.vector_load_idx %arg15[%add3A_174, %and3A_316] : memref<128x32xf32, #tpu.memory_space<vmem>>[vector<16xi32>, vector<16xi32>], vector<16xf32>,
        %mul3A_324 = arith.mulf %gather3A_320, %gather3A_321 : vector<16xf32>
        %add3A_325 = arith.addf %add3A_308, %mul3A_324 : vector<16xf32>
        %mul3A_326 = arith.mulf %gather3A_322, %gather3A_323 : vector<16xf32>
        %add3A_327 = arith.addf %add3A_310, %mul3A_326 : vector<16xf32>
        %add3A_328 = arith.constant 9 : i32
        %add3A_329 = vector.broadcast %add3A_328 : i32 to vector<16xi32>
        %add3A_330 = arith.addi %iota3A, %add3A_329 : vector<16xi32>
        %and3A_331 = arith.constant 15 : i32
        %and3A_332 = vector.broadcast %and3A_331 : i32 to vector<16xi32>
        %and3A_333 = arith.andi %add3A_330, %and3A_332 : vector<16xi32>
        %or3A_334 = arith.constant 16 : i32
        %or3A_335 = vector.broadcast %or3A_334 : i32 to vector<16xi32>
        %or3A_336 = arith.ori %and3A_333, %or3A_335 : vector<16xi32>
        %gather3A_337 = tpu.vector_load_idx %arg11[%add3A_174, %and3A_333] : memref<128x32xf32, #tpu.memory_space<vmem>>[vector<16xi32>, vector<16xi32>], vector<16xf32>,
        %gather3A_338 = tpu.vector_load_idx %arg15[%add3A_174, %or3A_336] : memref<128x32xf32, #tpu.memory_space<vmem>>[vector<16xi32>, vector<16xi32>], vector<16xf32>,
        %gather3A_339 = tpu.vector_load_idx %arg11[%add3A_174, %or3A_336] : memref<128x32xf32, #tpu.memory_space<vmem>>[vector<16xi32>, vector<16xi32>], vector<16xf32>,
        %gather3A_340 = tpu.vector_load_idx %arg15[%add3A_174, %and3A_333] : memref<128x32xf32, #tpu.memory_space<vmem>>[vector<16xi32>, vector<16xi32>], vector<16xf32>,
        %mul3A_341 = arith.mulf %gather3A_337, %gather3A_338 : vector<16xf32>
        %add3A_342 = arith.addf %add3A_325, %mul3A_341 : vector<16xf32>
        %mul3A_343 = arith.mulf %gather3A_339, %gather3A_340 : vector<16xf32>
        %add3A_344 = arith.addf %add3A_327, %mul3A_343 : vector<16xf32>
        %add3A_345 = arith.constant 10 : i32
        %add3A_346 = vector.broadcast %add3A_345 : i32 to vector<16xi32>
        %add3A_347 = arith.addi %iota3A, %add3A_346 : vector<16xi32>
        %and3A_348 = arith.constant 15 : i32
        %and3A_349 = vector.broadcast %and3A_348 : i32 to vector<16xi32>
        %and3A_350 = arith.andi %add3A_347, %and3A_349 : vector<16xi32>
        %or3A_351 = arith.constant 16 : i32
        %or3A_352 = vector.broadcast %or3A_351 : i32 to vector<16xi32>
        %or3A_353 = arith.ori %and3A_350, %or3A_352 : vector<16xi32>
        %gather3A_354 = tpu.vector_load_idx %arg11[%add3A_174, %and3A_350] : memref<128x32xf32, #tpu.memory_space<vmem>>[vector<16xi32>, vector<16xi32>], vector<16xf32>,
        %gather3A_355 = tpu.vector_load_idx %arg15[%add3A_174, %or3A_353] : memref<128x32xf32, #tpu.memory_space<vmem>>[vector<16xi32>, vector<16xi32>], vector<16xf32>,
        %gather3A_356 = tpu.vector_load_idx %arg11[%add3A_174, %or3A_353] : memref<128x32xf32, #tpu.memory_space<vmem>>[vector<16xi32>, vector<16xi32>], vector<16xf32>,
        %gather3A_357 = tpu.vector_load_idx %arg15[%add3A_174, %and3A_350] : memref<128x32xf32, #tpu.memory_space<vmem>>[vector<16xi32>, vector<16xi32>], vector<16xf32>,
        %mul3A_358 = arith.mulf %gather3A_354, %gather3A_355 : vector<16xf32>
        %add3A_359 = arith.addf %add3A_342, %mul3A_358 : vector<16xf32>
        %mul3A_360 = arith.mulf %gather3A_356, %gather3A_357 : vector<16xf32>
        %add3A_361 = arith.addf %add3A_344, %mul3A_360 : vector<16xf32>
        %add3A_362 = arith.constant 11 : i32
        %add3A_363 = vector.broadcast %add3A_362 : i32 to vector<16xi32>
        %add3A_364 = arith.addi %iota3A, %add3A_363 : vector<16xi32>
        %and3A_365 = arith.constant 15 : i32
        %and3A_366 = vector.broadcast %and3A_365 : i32 to vector<16xi32>
        %and3A_367 = arith.andi %add3A_364, %and3A_366 : vector<16xi32>
        %or3A_368 = arith.constant 16 : i32
        %or3A_369 = vector.broadcast %or3A_368 : i32 to vector<16xi32>
        %or3A_370 = arith.ori %and3A_367, %or3A_369 : vector<16xi32>
        %gather3A_371 = tpu.vector_load_idx %arg11[%add3A_174, %and3A_367] : memref<128x32xf32, #tpu.memory_space<vmem>>[vector<16xi32>, vector<16xi32>], vector<16xf32>,
        %gather3A_372 = tpu.vector_load_idx %arg15[%add3A_174, %or3A_370] : memref<128x32xf32, #tpu.memory_space<vmem>>[vector<16xi32>, vector<16xi32>], vector<16xf32>,
        %gather3A_373 = tpu.vector_load_idx %arg11[%add3A_174, %or3A_370] : memref<128x32xf32, #tpu.memory_space<vmem>>[vector<16xi32>, vector<16xi32>], vector<16xf32>,
        %gather3A_374 = tpu.vector_load_idx %arg15[%add3A_174, %and3A_367] : memref<128x32xf32, #tpu.memory_space<vmem>>[vector<16xi32>, vector<16xi32>], vector<16xf32>,
        %mul3A_375 = arith.mulf %gather3A_371, %gather3A_372 : vector<16xf32>
        %add3A_376 = arith.addf %add3A_359, %mul3A_375 : vector<16xf32>
        %mul3A_377 = arith.mulf %gather3A_373, %gather3A_374 : vector<16xf32>
        %add3A_378 = arith.addf %add3A_361, %mul3A_377 : vector<16xf32>
        %add3A_379 = arith.constant 12 : i32
        %add3A_380 = vector.broadcast %add3A_379 : i32 to vector<16xi32>
        %add3A_381 = arith.addi %iota3A, %add3A_380 : vector<16xi32>
        %and3A_382 = arith.constant 15 : i32
        %and3A_383 = vector.broadcast %and3A_382 : i32 to vector<16xi32>
        %and3A_384 = arith.andi %add3A_381, %and3A_383 : vector<16xi32>
        %or3A_385 = arith.constant 16 : i32
        %or3A_386 = vector.broadcast %or3A_385 : i32 to vector<16xi32>
        %or3A_387 = arith.ori %and3A_384, %or3A_386 : vector<16xi32>
        %gather3A_388 = tpu.vector_load_idx %arg11[%add3A_174, %and3A_384] : memref<128x32xf32, #tpu.memory_space<vmem>>[vector<16xi32>, vector<16xi32>], vector<16xf32>,
        %gather3A_389 = tpu.vector_load_idx %arg15[%add3A_174, %or3A_387] : memref<128x32xf32, #tpu.memory_space<vmem>>[vector<16xi32>, vector<16xi32>], vector<16xf32>,
        %gather3A_390 = tpu.vector_load_idx %arg11[%add3A_174, %or3A_387] : memref<128x32xf32, #tpu.memory_space<vmem>>[vector<16xi32>, vector<16xi32>], vector<16xf32>,
        %gather3A_391 = tpu.vector_load_idx %arg15[%add3A_174, %and3A_384] : memref<128x32xf32, #tpu.memory_space<vmem>>[vector<16xi32>, vector<16xi32>], vector<16xf32>,
        %mul3A_392 = arith.mulf %gather3A_388, %gather3A_389 : vector<16xf32>
        %add3A_393 = arith.addf %add3A_376, %mul3A_392 : vector<16xf32>
        %mul3A_394 = arith.mulf %gather3A_390, %gather3A_391 : vector<16xf32>
        %add3A_395 = arith.addf %add3A_378, %mul3A_394 : vector<16xf32>
        %add3A_396 = arith.constant 13 : i32
        %add3A_397 = vector.broadcast %add3A_396 : i32 to vector<16xi32>
        %add3A_398 = arith.addi %iota3A, %add3A_397 : vector<16xi32>
        %and3A_399 = arith.constant 15 : i32
        %and3A_400 = vector.broadcast %and3A_399 : i32 to vector<16xi32>
        %and3A_401 = arith.andi %add3A_398, %and3A_400 : vector<16xi32>
        %or3A_402 = arith.constant 16 : i32
        %or3A_403 = vector.broadcast %or3A_402 : i32 to vector<16xi32>
        %or3A_404 = arith.ori %and3A_401, %or3A_403 : vector<16xi32>
        %gather3A_405 = tpu.vector_load_idx %arg11[%add3A_174, %and3A_401] : memref<128x32xf32, #tpu.memory_space<vmem>>[vector<16xi32>, vector<16xi32>], vector<16xf32>,
        %gather3A_406 = tpu.vector_load_idx %arg15[%add3A_174, %or3A_404] : memref<128x32xf32, #tpu.memory_space<vmem>>[vector<16xi32>, vector<16xi32>], vector<16xf32>,
        %gather3A_407 = tpu.vector_load_idx %arg11[%add3A_174, %or3A_404] : memref<128x32xf32, #tpu.memory_space<vmem>>[vector<16xi32>, vector<16xi32>], vector<16xf32>,
        %gather3A_408 = tpu.vector_load_idx %arg15[%add3A_174, %and3A_401] : memref<128x32xf32, #tpu.memory_space<vmem>>[vector<16xi32>, vector<16xi32>], vector<16xf32>,
        %mul3A_409 = arith.mulf %gather3A_405, %gather3A_406 : vector<16xf32>
        %add3A_410 = arith.addf %add3A_393, %mul3A_409 : vector<16xf32>
        %mul3A_411 = arith.mulf %gather3A_407, %gather3A_408 : vector<16xf32>
        %add3A_412 = arith.addf %add3A_395, %mul3A_411 : vector<16xf32>
        %add3A_413 = arith.constant 14 : i32
        %add3A_414 = vector.broadcast %add3A_413 : i32 to vector<16xi32>
        %add3A_415 = arith.addi %iota3A, %add3A_414 : vector<16xi32>
        %and3A_416 = arith.constant 15 : i32
        %and3A_417 = vector.broadcast %and3A_416 : i32 to vector<16xi32>
        %and3A_418 = arith.andi %add3A_415, %and3A_417 : vector<16xi32>
        %or3A_419 = arith.constant 16 : i32
        %or3A_420 = vector.broadcast %or3A_419 : i32 to vector<16xi32>
        %or3A_421 = arith.ori %and3A_418, %or3A_420 : vector<16xi32>
        %gather3A_422 = tpu.vector_load_idx %arg11[%add3A_174, %and3A_418] : memref<128x32xf32, #tpu.memory_space<vmem>>[vector<16xi32>, vector<16xi32>], vector<16xf32>,
        %gather3A_423 = tpu.vector_load_idx %arg15[%add3A_174, %or3A_421] : memref<128x32xf32, #tpu.memory_space<vmem>>[vector<16xi32>, vector<16xi32>], vector<16xf32>,
        %gather3A_424 = tpu.vector_load_idx %arg11[%add3A_174, %or3A_421] : memref<128x32xf32, #tpu.memory_space<vmem>>[vector<16xi32>, vector<16xi32>], vector<16xf32>,
        %gather3A_425 = tpu.vector_load_idx %arg15[%add3A_174, %and3A_418] : memref<128x32xf32, #tpu.memory_space<vmem>>[vector<16xi32>, vector<16xi32>], vector<16xf32>,
        %mul3A_426 = arith.mulf %gather3A_422, %gather3A_423 : vector<16xf32>
        %add3A_427 = arith.addf %add3A_410, %mul3A_426 : vector<16xf32>
        %mul3A_428 = arith.mulf %gather3A_424, %gather3A_425 : vector<16xf32>
        %add3A_429 = arith.addf %add3A_412, %mul3A_428 : vector<16xf32>
        %add3A_430 = arith.constant 15 : i32
        %add3A_431 = vector.broadcast %add3A_430 : i32 to vector<16xi32>
        %add3A_432 = arith.addi %iota3A, %add3A_431 : vector<16xi32>
        %and3A_433 = arith.constant 15 : i32
        %and3A_434 = vector.broadcast %and3A_433 : i32 to vector<16xi32>
        %and3A_435 = arith.andi %add3A_432, %and3A_434 : vector<16xi32>
        %or3A_436 = arith.constant 16 : i32
        %or3A_437 = vector.broadcast %or3A_436 : i32 to vector<16xi32>
        %or3A_438 = arith.ori %and3A_435, %or3A_437 : vector<16xi32>
        %gather3A_439 = tpu.vector_load_idx %arg11[%add3A_174, %and3A_435] : memref<128x32xf32, #tpu.memory_space<vmem>>[vector<16xi32>, vector<16xi32>], vector<16xf32>,
        %gather3A_440 = tpu.vector_load_idx %arg15[%add3A_174, %or3A_438] : memref<128x32xf32, #tpu.memory_space<vmem>>[vector<16xi32>, vector<16xi32>], vector<16xf32>,
        %gather3A_441 = tpu.vector_load_idx %arg11[%add3A_174, %or3A_438] : memref<128x32xf32, #tpu.memory_space<vmem>>[vector<16xi32>, vector<16xi32>], vector<16xf32>,
        %gather3A_442 = tpu.vector_load_idx %arg15[%add3A_174, %and3A_435] : memref<128x32xf32, #tpu.memory_space<vmem>>[vector<16xi32>, vector<16xi32>], vector<16xf32>,
        %mul3A_443 = arith.mulf %gather3A_439, %gather3A_440 : vector<16xf32>
        %add3A_444 = arith.addf %add3A_427, %mul3A_443 : vector<16xf32>
        %mul3A_445 = arith.mulf %gather3A_441, %gather3A_442 : vector<16xf32>
        %add3A_446 = arith.addf %add3A_429, %mul3A_445 : vector<16xf32>
        %max3A = arith.constant -3.000000e+01 : f32
        %max3A_447 = vector.broadcast %max3A : f32 to vector<16xf32>
        %max3A_448 = arith.maximumf %add3A_444, %max3A_447 : vector<16xf32>
        %neg3A = arith.constant 0.000000e+00 : f32
        %neg3A_449 = vector.broadcast %neg3A : f32 to vector<16xf32>
        %neg3A_450 = arith.subf %neg3A_449, %max3A_448 : vector<16xf32>
        %exp3A = math.exp %neg3A_450 : vector<16xf32>
        %max3A_451 = arith.constant -3.000000e+01 : f32
        %max3A_452 = vector.broadcast %max3A_451 : f32 to vector<16xf32>
        %max3A_453 = arith.maximumf %add3A_446, %max3A_452 : vector<16xf32>
        %neg3A_454 = arith.constant 0.000000e+00 : f32
        %neg3A_455 = vector.broadcast %neg3A_454 : f32 to vector<16xf32>
        %neg3A_456 = arith.subf %neg3A_455, %max3A_453 : vector<16xf32>
        %exp3A_457 = math.exp %neg3A_456 : vector<16xf32>
        %add3A_458 = arith.addf %exp3A, %exp3A_457 : vector<16xf32>
        %mul3A_459 = arith.constant 5.000000e-01 : f32
        %mul3A_460 = vector.broadcast %mul3A_459 : f32 to vector<16xf32>
        %mul3A_461 = arith.mulf %mul3A_460, %add3A_458 : vector<16xf32>
        %add3A_462 = arith.constant 1.000000e+00 : f32
        %add3A_463 = vector.broadcast %add3A_462 : f32 to vector<16xf32>
        %add3A_464 = arith.addf %add3A_463, %mul3A_461 : vector<16xf32>
        %add3A_465 = arith.constant 1.000000e+00 : f32
        %add3A_466 = vector.broadcast %add3A_465 : f32 to vector<16xf32>
        %add3A_467 = arith.addf %add3A_466, %exp3A : vector<16xf32>
        %add3A_468 = arith.constant 1.000000e+00 : f32
        %add3A_469 = vector.broadcast %add3A_468 : f32 to vector<16xf32>
        %add3A_470 = arith.addf %add3A_469, %exp3A_457 : vector<16xf32>
        %mul3A_471 = arith.mulf %add3A_467, %add3A_470 : vector<16xf32>
        %div3A = arith.divf %add3A_464, %mul3A_471 : vector<16xf32>
        %mul3A_472 = arith.constant 128 : i32
        %mul3A_473 = arith.muli %add3A_113, %mul3A_472 : i32
        %mul3A_474 = arith.constant 16 : i32
        %mul3A_475 = arith.muli %scan3A_170, %mul3A_474 : i32
        %add3A_476 = arith.addi %mul3A_473, %mul3A_475 : i32
        %swap3A = arith.index_cast %add3A_476 : i32 to index
        %swap3A_477 = tpu.vector_load %arg17[%swap3A] {strides = array<i32>} : memref<10240xf32, #tpu.memory_space<vmem>>, vector<16xf32>,
        tpu.vector_store %arg17[%swap3A], %div3A {strides = array<i32>} : memref<10240xf32, #tpu.memory_space<vmem>>, vector<16xf32>,
        %scan3A_478 = arith.constant 1 : i32
        %scan3A_479 = arith.addi %scan3A_170, %scan3A_478 : i32
        %iota3A_480 = tpu.iota {dimensions = array<i32: 0>} : vector<16xi32>
        %mul3A_481 = arith.constant 16 : i32
        %mul3A_482 = arith.muli %scan3A_479, %mul3A_481 : i32
        %add3A_483 = vector.broadcast %mul3A_482 : i32 to vector<16xi32>
        %add3A_484 = arith.addi %add3A_483, %iota3A_480 : vector<16xi32>
        %broadcast_in_dim3A_485 = arith.constant 0.000000e+00 : f32
        %broadcast_in_dim3A_486 = vector.broadcast %broadcast_in_dim3A_485 : f32 to vector<16xf32>
        %broadcast_in_dim3A_487 = arith.constant 0.000000e+00 : f32
        %broadcast_in_dim3A_488 = vector.broadcast %broadcast_in_dim3A_487 : f32 to vector<16xf32>
        %add3A_489 = arith.constant 0 : i32
        %add3A_490 = vector.broadcast %add3A_489 : i32 to vector<16xi32>
        %add3A_491 = arith.addi %iota3A_480, %add3A_490 : vector<16xi32>
        %and3A_492 = arith.constant 15 : i32
        %and3A_493 = vector.broadcast %and3A_492 : i32 to vector<16xi32>
        %and3A_494 = arith.andi %add3A_491, %and3A_493 : vector<16xi32>
        %or3A_495 = arith.constant 16 : i32
        %or3A_496 = vector.broadcast %or3A_495 : i32 to vector<16xi32>
        %or3A_497 = arith.ori %and3A_494, %or3A_496 : vector<16xi32>
        %gather3A_498 = tpu.vector_load_idx %arg11[%add3A_484, %and3A_494] : memref<128x32xf32, #tpu.memory_space<vmem>>[vector<16xi32>, vector<16xi32>], vector<16xf32>,
        %gather3A_499 = tpu.vector_load_idx %arg15[%add3A_484, %or3A_497] : memref<128x32xf32, #tpu.memory_space<vmem>>[vector<16xi32>, vector<16xi32>], vector<16xf32>,
        %gather3A_500 = tpu.vector_load_idx %arg11[%add3A_484, %or3A_497] : memref<128x32xf32, #tpu.memory_space<vmem>>[vector<16xi32>, vector<16xi32>], vector<16xf32>,
        %gather3A_501 = tpu.vector_load_idx %arg15[%add3A_484, %and3A_494] : memref<128x32xf32, #tpu.memory_space<vmem>>[vector<16xi32>, vector<16xi32>], vector<16xf32>,
        %mul3A_502 = arith.mulf %gather3A_498, %gather3A_499 : vector<16xf32>
        %add3A_503 = arith.addf %broadcast_in_dim3A_486, %mul3A_502 : vector<16xf32>
        %mul3A_504 = arith.mulf %gather3A_500, %gather3A_501 : vector<16xf32>
        %add3A_505 = arith.addf %broadcast_in_dim3A_488, %mul3A_504 : vector<16xf32>
        %add3A_506 = arith.constant 1 : i32
        %add3A_507 = vector.broadcast %add3A_506 : i32 to vector<16xi32>
        %add3A_508 = arith.addi %iota3A_480, %add3A_507 : vector<16xi32>
        %and3A_509 = arith.constant 15 : i32
        %and3A_510 = vector.broadcast %and3A_509 : i32 to vector<16xi32>
        %and3A_511 = arith.andi %add3A_508, %and3A_510 : vector<16xi32>
        %or3A_512 = arith.constant 16 : i32
        %or3A_513 = vector.broadcast %or3A_512 : i32 to vector<16xi32>
        %or3A_514 = arith.ori %and3A_511, %or3A_513 : vector<16xi32>
        %gather3A_515 = tpu.vector_load_idx %arg11[%add3A_484, %and3A_511] : memref<128x32xf32, #tpu.memory_space<vmem>>[vector<16xi32>, vector<16xi32>], vector<16xf32>,
        %gather3A_516 = tpu.vector_load_idx %arg15[%add3A_484, %or3A_514] : memref<128x32xf32, #tpu.memory_space<vmem>>[vector<16xi32>, vector<16xi32>], vector<16xf32>,
        %gather3A_517 = tpu.vector_load_idx %arg11[%add3A_484, %or3A_514] : memref<128x32xf32, #tpu.memory_space<vmem>>[vector<16xi32>, vector<16xi32>], vector<16xf32>,
        %gather3A_518 = tpu.vector_load_idx %arg15[%add3A_484, %and3A_511] : memref<128x32xf32, #tpu.memory_space<vmem>>[vector<16xi32>, vector<16xi32>], vector<16xf32>,
        %mul3A_519 = arith.mulf %gather3A_515, %gather3A_516 : vector<16xf32>
        %add3A_520 = arith.addf %add3A_503, %mul3A_519 : vector<16xf32>
        %mul3A_521 = arith.mulf %gather3A_517, %gather3A_518 : vector<16xf32>
        %add3A_522 = arith.addf %add3A_505, %mul3A_521 : vector<16xf32>
        %add3A_523 = arith.constant 2 : i32
        %add3A_524 = vector.broadcast %add3A_523 : i32 to vector<16xi32>
        %add3A_525 = arith.addi %iota3A_480, %add3A_524 : vector<16xi32>
        %and3A_526 = arith.constant 15 : i32
        %and3A_527 = vector.broadcast %and3A_526 : i32 to vector<16xi32>
        %and3A_528 = arith.andi %add3A_525, %and3A_527 : vector<16xi32>
        %or3A_529 = arith.constant 16 : i32
        %or3A_530 = vector.broadcast %or3A_529 : i32 to vector<16xi32>
        %or3A_531 = arith.ori %and3A_528, %or3A_530 : vector<16xi32>
        %gather3A_532 = tpu.vector_load_idx %arg11[%add3A_484, %and3A_528] : memref<128x32xf32, #tpu.memory_space<vmem>>[vector<16xi32>, vector<16xi32>], vector<16xf32>,
        %gather3A_533 = tpu.vector_load_idx %arg15[%add3A_484, %or3A_531] : memref<128x32xf32, #tpu.memory_space<vmem>>[vector<16xi32>, vector<16xi32>], vector<16xf32>,
        %gather3A_534 = tpu.vector_load_idx %arg11[%add3A_484, %or3A_531] : memref<128x32xf32, #tpu.memory_space<vmem>>[vector<16xi32>, vector<16xi32>], vector<16xf32>,
        %gather3A_535 = tpu.vector_load_idx %arg15[%add3A_484, %and3A_528] : memref<128x32xf32, #tpu.memory_space<vmem>>[vector<16xi32>, vector<16xi32>], vector<16xf32>,
        %mul3A_536 = arith.mulf %gather3A_532, %gather3A_533 : vector<16xf32>
        %add3A_537 = arith.addf %add3A_520, %mul3A_536 : vector<16xf32>
        %mul3A_538 = arith.mulf %gather3A_534, %gather3A_535 : vector<16xf32>
        %add3A_539 = arith.addf %add3A_522, %mul3A_538 : vector<16xf32>
        %add3A_540 = arith.constant 3 : i32
        %add3A_541 = vector.broadcast %add3A_540 : i32 to vector<16xi32>
        %add3A_542 = arith.addi %iota3A_480, %add3A_541 : vector<16xi32>
        %and3A_543 = arith.constant 15 : i32
        %and3A_544 = vector.broadcast %and3A_543 : i32 to vector<16xi32>
        %and3A_545 = arith.andi %add3A_542, %and3A_544 : vector<16xi32>
        %or3A_546 = arith.constant 16 : i32
        %or3A_547 = vector.broadcast %or3A_546 : i32 to vector<16xi32>
        %or3A_548 = arith.ori %and3A_545, %or3A_547 : vector<16xi32>
        %gather3A_549 = tpu.vector_load_idx %arg11[%add3A_484, %and3A_545] : memref<128x32xf32, #tpu.memory_space<vmem>>[vector<16xi32>, vector<16xi32>], vector<16xf32>,
        %gather3A_550 = tpu.vector_load_idx %arg15[%add3A_484, %or3A_548] : memref<128x32xf32, #tpu.memory_space<vmem>>[vector<16xi32>, vector<16xi32>], vector<16xf32>,
        %gather3A_551 = tpu.vector_load_idx %arg11[%add3A_484, %or3A_548] : memref<128x32xf32, #tpu.memory_space<vmem>>[vector<16xi32>, vector<16xi32>], vector<16xf32>,
        %gather3A_552 = tpu.vector_load_idx %arg15[%add3A_484, %and3A_545] : memref<128x32xf32, #tpu.memory_space<vmem>>[vector<16xi32>, vector<16xi32>], vector<16xf32>,
        %mul3A_553 = arith.mulf %gather3A_549, %gather3A_550 : vector<16xf32>
        %add3A_554 = arith.addf %add3A_537, %mul3A_553 : vector<16xf32>
        %mul3A_555 = arith.mulf %gather3A_551, %gather3A_552 : vector<16xf32>
        %add3A_556 = arith.addf %add3A_539, %mul3A_555 : vector<16xf32>
        %add3A_557 = arith.constant 4 : i32
        %add3A_558 = vector.broadcast %add3A_557 : i32 to vector<16xi32>
        %add3A_559 = arith.addi %iota3A_480, %add3A_558 : vector<16xi32>
        %and3A_560 = arith.constant 15 : i32
        %and3A_561 = vector.broadcast %and3A_560 : i32 to vector<16xi32>
        %and3A_562 = arith.andi %add3A_559, %and3A_561 : vector<16xi32>
        %or3A_563 = arith.constant 16 : i32
        %or3A_564 = vector.broadcast %or3A_563 : i32 to vector<16xi32>
        %or3A_565 = arith.ori %and3A_562, %or3A_564 : vector<16xi32>
        %gather3A_566 = tpu.vector_load_idx %arg11[%add3A_484, %and3A_562] : memref<128x32xf32, #tpu.memory_space<vmem>>[vector<16xi32>, vector<16xi32>], vector<16xf32>,
        %gather3A_567 = tpu.vector_load_idx %arg15[%add3A_484, %or3A_565] : memref<128x32xf32, #tpu.memory_space<vmem>>[vector<16xi32>, vector<16xi32>], vector<16xf32>,
        %gather3A_568 = tpu.vector_load_idx %arg11[%add3A_484, %or3A_565] : memref<128x32xf32, #tpu.memory_space<vmem>>[vector<16xi32>, vector<16xi32>], vector<16xf32>,
        %gather3A_569 = tpu.vector_load_idx %arg15[%add3A_484, %and3A_562] : memref<128x32xf32, #tpu.memory_space<vmem>>[vector<16xi32>, vector<16xi32>], vector<16xf32>,
        %mul3A_570 = arith.mulf %gather3A_566, %gather3A_567 : vector<16xf32>
        %add3A_571 = arith.addf %add3A_554, %mul3A_570 : vector<16xf32>
        %mul3A_572 = arith.mulf %gather3A_568, %gather3A_569 : vector<16xf32>
        %add3A_573 = arith.addf %add3A_556, %mul3A_572 : vector<16xf32>
        %add3A_574 = arith.constant 5 : i32
        %add3A_575 = vector.broadcast %add3A_574 : i32 to vector<16xi32>
        %add3A_576 = arith.addi %iota3A_480, %add3A_575 : vector<16xi32>
        %and3A_577 = arith.constant 15 : i32
        %and3A_578 = vector.broadcast %and3A_577 : i32 to vector<16xi32>
        %and3A_579 = arith.andi %add3A_576, %and3A_578 : vector<16xi32>
        %or3A_580 = arith.constant 16 : i32
        %or3A_581 = vector.broadcast %or3A_580 : i32 to vector<16xi32>
        %or3A_582 = arith.ori %and3A_579, %or3A_581 : vector<16xi32>
        %gather3A_583 = tpu.vector_load_idx %arg11[%add3A_484, %and3A_579] : memref<128x32xf32, #tpu.memory_space<vmem>>[vector<16xi32>, vector<16xi32>], vector<16xf32>,
        %gather3A_584 = tpu.vector_load_idx %arg15[%add3A_484, %or3A_582] : memref<128x32xf32, #tpu.memory_space<vmem>>[vector<16xi32>, vector<16xi32>], vector<16xf32>,
        %gather3A_585 = tpu.vector_load_idx %arg11[%add3A_484, %or3A_582] : memref<128x32xf32, #tpu.memory_space<vmem>>[vector<16xi32>, vector<16xi32>], vector<16xf32>,
        %gather3A_586 = tpu.vector_load_idx %arg15[%add3A_484, %and3A_579] : memref<128x32xf32, #tpu.memory_space<vmem>>[vector<16xi32>, vector<16xi32>], vector<16xf32>,
        %mul3A_587 = arith.mulf %gather3A_583, %gather3A_584 : vector<16xf32>
        %add3A_588 = arith.addf %add3A_571, %mul3A_587 : vector<16xf32>
        %mul3A_589 = arith.mulf %gather3A_585, %gather3A_586 : vector<16xf32>
        %add3A_590 = arith.addf %add3A_573, %mul3A_589 : vector<16xf32>
        %add3A_591 = arith.constant 6 : i32
        %add3A_592 = vector.broadcast %add3A_591 : i32 to vector<16xi32>
        %add3A_593 = arith.addi %iota3A_480, %add3A_592 : vector<16xi32>
        %and3A_594 = arith.constant 15 : i32
        %and3A_595 = vector.broadcast %and3A_594 : i32 to vector<16xi32>
        %and3A_596 = arith.andi %add3A_593, %and3A_595 : vector<16xi32>
        %or3A_597 = arith.constant 16 : i32
        %or3A_598 = vector.broadcast %or3A_597 : i32 to vector<16xi32>
        %or3A_599 = arith.ori %and3A_596, %or3A_598 : vector<16xi32>
        %gather3A_600 = tpu.vector_load_idx %arg11[%add3A_484, %and3A_596] : memref<128x32xf32, #tpu.memory_space<vmem>>[vector<16xi32>, vector<16xi32>], vector<16xf32>,
        %gather3A_601 = tpu.vector_load_idx %arg15[%add3A_484, %or3A_599] : memref<128x32xf32, #tpu.memory_space<vmem>>[vector<16xi32>, vector<16xi32>], vector<16xf32>,
        %gather3A_602 = tpu.vector_load_idx %arg11[%add3A_484, %or3A_599] : memref<128x32xf32, #tpu.memory_space<vmem>>[vector<16xi32>, vector<16xi32>], vector<16xf32>,
        %gather3A_603 = tpu.vector_load_idx %arg15[%add3A_484, %and3A_596] : memref<128x32xf32, #tpu.memory_space<vmem>>[vector<16xi32>, vector<16xi32>], vector<16xf32>,
        %mul3A_604 = arith.mulf %gather3A_600, %gather3A_601 : vector<16xf32>
        %add3A_605 = arith.addf %add3A_588, %mul3A_604 : vector<16xf32>
        %mul3A_606 = arith.mulf %gather3A_602, %gather3A_603 : vector<16xf32>
        %add3A_607 = arith.addf %add3A_590, %mul3A_606 : vector<16xf32>
        %add3A_608 = arith.constant 7 : i32
        %add3A_609 = vector.broadcast %add3A_608 : i32 to vector<16xi32>
        %add3A_610 = arith.addi %iota3A_480, %add3A_609 : vector<16xi32>
        %and3A_611 = arith.constant 15 : i32
        %and3A_612 = vector.broadcast %and3A_611 : i32 to vector<16xi32>
        %and3A_613 = arith.andi %add3A_610, %and3A_612 : vector<16xi32>
        %or3A_614 = arith.constant 16 : i32
        %or3A_615 = vector.broadcast %or3A_614 : i32 to vector<16xi32>
        %or3A_616 = arith.ori %and3A_613, %or3A_615 : vector<16xi32>
        %gather3A_617 = tpu.vector_load_idx %arg11[%add3A_484, %and3A_613] : memref<128x32xf32, #tpu.memory_space<vmem>>[vector<16xi32>, vector<16xi32>], vector<16xf32>,
        %gather3A_618 = tpu.vector_load_idx %arg15[%add3A_484, %or3A_616] : memref<128x32xf32, #tpu.memory_space<vmem>>[vector<16xi32>, vector<16xi32>], vector<16xf32>,
        %gather3A_619 = tpu.vector_load_idx %arg11[%add3A_484, %or3A_616] : memref<128x32xf32, #tpu.memory_space<vmem>>[vector<16xi32>, vector<16xi32>], vector<16xf32>,
        %gather3A_620 = tpu.vector_load_idx %arg15[%add3A_484, %and3A_613] : memref<128x32xf32, #tpu.memory_space<vmem>>[vector<16xi32>, vector<16xi32>], vector<16xf32>,
        %mul3A_621 = arith.mulf %gather3A_617, %gather3A_618 : vector<16xf32>
        %add3A_622 = arith.addf %add3A_605, %mul3A_621 : vector<16xf32>
        %mul3A_623 = arith.mulf %gather3A_619, %gather3A_620 : vector<16xf32>
        %add3A_624 = arith.addf %add3A_607, %mul3A_623 : vector<16xf32>
        %add3A_625 = arith.constant 8 : i32
        %add3A_626 = vector.broadcast %add3A_625 : i32 to vector<16xi32>
        %add3A_627 = arith.addi %iota3A_480, %add3A_626 : vector<16xi32>
        %and3A_628 = arith.constant 15 : i32
        %and3A_629 = vector.broadcast %and3A_628 : i32 to vector<16xi32>
        %and3A_630 = arith.andi %add3A_627, %and3A_629 : vector<16xi32>
        %or3A_631 = arith.constant 16 : i32
        %or3A_632 = vector.broadcast %or3A_631 : i32 to vector<16xi32>
        %or3A_633 = arith.ori %and3A_630, %or3A_632 : vector<16xi32>
        %gather3A_634 = tpu.vector_load_idx %arg11[%add3A_484, %and3A_630] : memref<128x32xf32, #tpu.memory_space<vmem>>[vector<16xi32>, vector<16xi32>], vector<16xf32>,
        %gather3A_635 = tpu.vector_load_idx %arg15[%add3A_484, %or3A_633] : memref<128x32xf32, #tpu.memory_space<vmem>>[vector<16xi32>, vector<16xi32>], vector<16xf32>,
        %gather3A_636 = tpu.vector_load_idx %arg11[%add3A_484, %or3A_633] : memref<128x32xf32, #tpu.memory_space<vmem>>[vector<16xi32>, vector<16xi32>], vector<16xf32>,
        %gather3A_637 = tpu.vector_load_idx %arg15[%add3A_484, %and3A_630] : memref<128x32xf32, #tpu.memory_space<vmem>>[vector<16xi32>, vector<16xi32>], vector<16xf32>,
        %mul3A_638 = arith.mulf %gather3A_634, %gather3A_635 : vector<16xf32>
        %add3A_639 = arith.addf %add3A_622, %mul3A_638 : vector<16xf32>
        %mul3A_640 = arith.mulf %gather3A_636, %gather3A_637 : vector<16xf32>
        %add3A_641 = arith.addf %add3A_624, %mul3A_640 : vector<16xf32>
        %add3A_642 = arith.constant 9 : i32
        %add3A_643 = vector.broadcast %add3A_642 : i32 to vector<16xi32>
        %add3A_644 = arith.addi %iota3A_480, %add3A_643 : vector<16xi32>
        %and3A_645 = arith.constant 15 : i32
        %and3A_646 = vector.broadcast %and3A_645 : i32 to vector<16xi32>
        %and3A_647 = arith.andi %add3A_644, %and3A_646 : vector<16xi32>
        %or3A_648 = arith.constant 16 : i32
        %or3A_649 = vector.broadcast %or3A_648 : i32 to vector<16xi32>
        %or3A_650 = arith.ori %and3A_647, %or3A_649 : vector<16xi32>
        %gather3A_651 = tpu.vector_load_idx %arg11[%add3A_484, %and3A_647] : memref<128x32xf32, #tpu.memory_space<vmem>>[vector<16xi32>, vector<16xi32>], vector<16xf32>,
        %gather3A_652 = tpu.vector_load_idx %arg15[%add3A_484, %or3A_650] : memref<128x32xf32, #tpu.memory_space<vmem>>[vector<16xi32>, vector<16xi32>], vector<16xf32>,
        %gather3A_653 = tpu.vector_load_idx %arg11[%add3A_484, %or3A_650] : memref<128x32xf32, #tpu.memory_space<vmem>>[vector<16xi32>, vector<16xi32>], vector<16xf32>,
        %gather3A_654 = tpu.vector_load_idx %arg15[%add3A_484, %and3A_647] : memref<128x32xf32, #tpu.memory_space<vmem>>[vector<16xi32>, vector<16xi32>], vector<16xf32>,
        %mul3A_655 = arith.mulf %gather3A_651, %gather3A_652 : vector<16xf32>
        %add3A_656 = arith.addf %add3A_639, %mul3A_655 : vector<16xf32>
        %mul3A_657 = arith.mulf %gather3A_653, %gather3A_654 : vector<16xf32>
        %add3A_658 = arith.addf %add3A_641, %mul3A_657 : vector<16xf32>
        %add3A_659 = arith.constant 10 : i32
        %add3A_660 = vector.broadcast %add3A_659 : i32 to vector<16xi32>
        %add3A_661 = arith.addi %iota3A_480, %add3A_660 : vector<16xi32>
        %and3A_662 = arith.constant 15 : i32
        %and3A_663 = vector.broadcast %and3A_662 : i32 to vector<16xi32>
        %and3A_664 = arith.andi %add3A_661, %and3A_663 : vector<16xi32>
        %or3A_665 = arith.constant 16 : i32
        %or3A_666 = vector.broadcast %or3A_665 : i32 to vector<16xi32>
        %or3A_667 = arith.ori %and3A_664, %or3A_666 : vector<16xi32>
        %gather3A_668 = tpu.vector_load_idx %arg11[%add3A_484, %and3A_664] : memref<128x32xf32, #tpu.memory_space<vmem>>[vector<16xi32>, vector<16xi32>], vector<16xf32>,
        %gather3A_669 = tpu.vector_load_idx %arg15[%add3A_484, %or3A_667] : memref<128x32xf32, #tpu.memory_space<vmem>>[vector<16xi32>, vector<16xi32>], vector<16xf32>,
        %gather3A_670 = tpu.vector_load_idx %arg11[%add3A_484, %or3A_667] : memref<128x32xf32, #tpu.memory_space<vmem>>[vector<16xi32>, vector<16xi32>], vector<16xf32>,
        %gather3A_671 = tpu.vector_load_idx %arg15[%add3A_484, %and3A_664] : memref<128x32xf32, #tpu.memory_space<vmem>>[vector<16xi32>, vector<16xi32>], vector<16xf32>,
        %mul3A_672 = arith.mulf %gather3A_668, %gather3A_669 : vector<16xf32>
        %add3A_673 = arith.addf %add3A_656, %mul3A_672 : vector<16xf32>
        %mul3A_674 = arith.mulf %gather3A_670, %gather3A_671 : vector<16xf32>
        %add3A_675 = arith.addf %add3A_658, %mul3A_674 : vector<16xf32>
        %add3A_676 = arith.constant 11 : i32
        %add3A_677 = vector.broadcast %add3A_676 : i32 to vector<16xi32>
        %add3A_678 = arith.addi %iota3A_480, %add3A_677 : vector<16xi32>
        %and3A_679 = arith.constant 15 : i32
        %and3A_680 = vector.broadcast %and3A_679 : i32 to vector<16xi32>
        %and3A_681 = arith.andi %add3A_678, %and3A_680 : vector<16xi32>
        %or3A_682 = arith.constant 16 : i32
        %or3A_683 = vector.broadcast %or3A_682 : i32 to vector<16xi32>
        %or3A_684 = arith.ori %and3A_681, %or3A_683 : vector<16xi32>
        %gather3A_685 = tpu.vector_load_idx %arg11[%add3A_484, %and3A_681] : memref<128x32xf32, #tpu.memory_space<vmem>>[vector<16xi32>, vector<16xi32>], vector<16xf32>,
        %gather3A_686 = tpu.vector_load_idx %arg15[%add3A_484, %or3A_684] : memref<128x32xf32, #tpu.memory_space<vmem>>[vector<16xi32>, vector<16xi32>], vector<16xf32>,
        %gather3A_687 = tpu.vector_load_idx %arg11[%add3A_484, %or3A_684] : memref<128x32xf32, #tpu.memory_space<vmem>>[vector<16xi32>, vector<16xi32>], vector<16xf32>,
        %gather3A_688 = tpu.vector_load_idx %arg15[%add3A_484, %and3A_681] : memref<128x32xf32, #tpu.memory_space<vmem>>[vector<16xi32>, vector<16xi32>], vector<16xf32>,
        %mul3A_689 = arith.mulf %gather3A_685, %gather3A_686 : vector<16xf32>
        %add3A_690 = arith.addf %add3A_673, %mul3A_689 : vector<16xf32>
        %mul3A_691 = arith.mulf %gather3A_687, %gather3A_688 : vector<16xf32>
        %add3A_692 = arith.addf %add3A_675, %mul3A_691 : vector<16xf32>
        %add3A_693 = arith.constant 12 : i32
        %add3A_694 = vector.broadcast %add3A_693 : i32 to vector<16xi32>
        %add3A_695 = arith.addi %iota3A_480, %add3A_694 : vector<16xi32>
        %and3A_696 = arith.constant 15 : i32
        %and3A_697 = vector.broadcast %and3A_696 : i32 to vector<16xi32>
        %and3A_698 = arith.andi %add3A_695, %and3A_697 : vector<16xi32>
        %or3A_699 = arith.constant 16 : i32
        %or3A_700 = vector.broadcast %or3A_699 : i32 to vector<16xi32>
        %or3A_701 = arith.ori %and3A_698, %or3A_700 : vector<16xi32>
        %gather3A_702 = tpu.vector_load_idx %arg11[%add3A_484, %and3A_698] : memref<128x32xf32, #tpu.memory_space<vmem>>[vector<16xi32>, vector<16xi32>], vector<16xf32>,
        %gather3A_703 = tpu.vector_load_idx %arg15[%add3A_484, %or3A_701] : memref<128x32xf32, #tpu.memory_space<vmem>>[vector<16xi32>, vector<16xi32>], vector<16xf32>,
        %gather3A_704 = tpu.vector_load_idx %arg11[%add3A_484, %or3A_701] : memref<128x32xf32, #tpu.memory_space<vmem>>[vector<16xi32>, vector<16xi32>], vector<16xf32>,
        %gather3A_705 = tpu.vector_load_idx %arg15[%add3A_484, %and3A_698] : memref<128x32xf32, #tpu.memory_space<vmem>>[vector<16xi32>, vector<16xi32>], vector<16xf32>,
        %mul3A_706 = arith.mulf %gather3A_702, %gather3A_703 : vector<16xf32>
        %add3A_707 = arith.addf %add3A_690, %mul3A_706 : vector<16xf32>
        %mul3A_708 = arith.mulf %gather3A_704, %gather3A_705 : vector<16xf32>
        %add3A_709 = arith.addf %add3A_692, %mul3A_708 : vector<16xf32>
        %add3A_710 = arith.constant 13 : i32
        %add3A_711 = vector.broadcast %add3A_710 : i32 to vector<16xi32>
        %add3A_712 = arith.addi %iota3A_480, %add3A_711 : vector<16xi32>
        %and3A_713 = arith.constant 15 : i32
        %and3A_714 = vector.broadcast %and3A_713 : i32 to vector<16xi32>
        %and3A_715 = arith.andi %add3A_712, %and3A_714 : vector<16xi32>
        %or3A_716 = arith.constant 16 : i32
        %or3A_717 = vector.broadcast %or3A_716 : i32 to vector<16xi32>
        %or3A_718 = arith.ori %and3A_715, %or3A_717 : vector<16xi32>
        %gather3A_719 = tpu.vector_load_idx %arg11[%add3A_484, %and3A_715] : memref<128x32xf32, #tpu.memory_space<vmem>>[vector<16xi32>, vector<16xi32>], vector<16xf32>,
        %gather3A_720 = tpu.vector_load_idx %arg15[%add3A_484, %or3A_718] : memref<128x32xf32, #tpu.memory_space<vmem>>[vector<16xi32>, vector<16xi32>], vector<16xf32>,
        %gather3A_721 = tpu.vector_load_idx %arg11[%add3A_484, %or3A_718] : memref<128x32xf32, #tpu.memory_space<vmem>>[vector<16xi32>, vector<16xi32>], vector<16xf32>,
        %gather3A_722 = tpu.vector_load_idx %arg15[%add3A_484, %and3A_715] : memref<128x32xf32, #tpu.memory_space<vmem>>[vector<16xi32>, vector<16xi32>], vector<16xf32>,
        %mul3A_723 = arith.mulf %gather3A_719, %gather3A_720 : vector<16xf32>
        %add3A_724 = arith.addf %add3A_707, %mul3A_723 : vector<16xf32>
        %mul3A_725 = arith.mulf %gather3A_721, %gather3A_722 : vector<16xf32>
        %add3A_726 = arith.addf %add3A_709, %mul3A_725 : vector<16xf32>
        %add3A_727 = arith.constant 14 : i32
        %add3A_728 = vector.broadcast %add3A_727 : i32 to vector<16xi32>
        %add3A_729 = arith.addi %iota3A_480, %add3A_728 : vector<16xi32>
        %and3A_730 = arith.constant 15 : i32
        %and3A_731 = vector.broadcast %and3A_730 : i32 to vector<16xi32>
        %and3A_732 = arith.andi %add3A_729, %and3A_731 : vector<16xi32>
        %or3A_733 = arith.constant 16 : i32
        %or3A_734 = vector.broadcast %or3A_733 : i32 to vector<16xi32>
        %or3A_735 = arith.ori %and3A_732, %or3A_734 : vector<16xi32>
        %gather3A_736 = tpu.vector_load_idx %arg11[%add3A_484, %and3A_732] : memref<128x32xf32, #tpu.memory_space<vmem>>[vector<16xi32>, vector<16xi32>], vector<16xf32>,
        %gather3A_737 = tpu.vector_load_idx %arg15[%add3A_484, %or3A_735] : memref<128x32xf32, #tpu.memory_space<vmem>>[vector<16xi32>, vector<16xi32>], vector<16xf32>,
        %gather3A_738 = tpu.vector_load_idx %arg11[%add3A_484, %or3A_735] : memref<128x32xf32, #tpu.memory_space<vmem>>[vector<16xi32>, vector<16xi32>], vector<16xf32>,
        %gather3A_739 = tpu.vector_load_idx %arg15[%add3A_484, %and3A_732] : memref<128x32xf32, #tpu.memory_space<vmem>>[vector<16xi32>, vector<16xi32>], vector<16xf32>,
        %mul3A_740 = arith.mulf %gather3A_736, %gather3A_737 : vector<16xf32>
        %add3A_741 = arith.addf %add3A_724, %mul3A_740 : vector<16xf32>
        %mul3A_742 = arith.mulf %gather3A_738, %gather3A_739 : vector<16xf32>
        %add3A_743 = arith.addf %add3A_726, %mul3A_742 : vector<16xf32>
        %add3A_744 = arith.constant 15 : i32
        %add3A_745 = vector.broadcast %add3A_744 : i32 to vector<16xi32>
        %add3A_746 = arith.addi %iota3A_480, %add3A_745 : vector<16xi32>
        %and3A_747 = arith.constant 15 : i32
        %and3A_748 = vector.broadcast %and3A_747 : i32 to vector<16xi32>
        %and3A_749 = arith.andi %add3A_746, %and3A_748 : vector<16xi32>
        %or3A_750 = arith.constant 16 : i32
        %or3A_751 = vector.broadcast %or3A_750 : i32 to vector<16xi32>
        %or3A_752 = arith.ori %and3A_749, %or3A_751 : vector<16xi32>
        %gather3A_753 = tpu.vector_load_idx %arg11[%add3A_484, %and3A_749] : memref<128x32xf32, #tpu.memory_space<vmem>>[vector<16xi32>, vector<16xi32>], vector<16xf32>,
        %gather3A_754 = tpu.vector_load_idx %arg15[%add3A_484, %or3A_752] : memref<128x32xf32, #tpu.memory_space<vmem>>[vector<16xi32>, vector<16xi32>], vector<16xf32>,
        %gather3A_755 = tpu.vector_load_idx %arg11[%add3A_484, %or3A_752] : memref<128x32xf32, #tpu.memory_space<vmem>>[vector<16xi32>, vector<16xi32>], vector<16xf32>,
        %gather3A_756 = tpu.vector_load_idx %arg15[%add3A_484, %and3A_749] : memref<128x32xf32, #tpu.memory_space<vmem>>[vector<16xi32>, vector<16xi32>], vector<16xf32>,
        %mul3A_757 = arith.mulf %gather3A_753, %gather3A_754 : vector<16xf32>
        %add3A_758 = arith.addf %add3A_741, %mul3A_757 : vector<16xf32>
        %mul3A_759 = arith.mulf %gather3A_755, %gather3A_756 : vector<16xf32>
        %add3A_760 = arith.addf %add3A_743, %mul3A_759 : vector<16xf32>
        %max3A_761 = arith.constant -3.000000e+01 : f32
        %max3A_762 = vector.broadcast %max3A_761 : f32 to vector<16xf32>
        %max3A_763 = arith.maximumf %add3A_758, %max3A_762 : vector<16xf32>
        %neg3A_764 = arith.constant 0.000000e+00 : f32
        %neg3A_765 = vector.broadcast %neg3A_764 : f32 to vector<16xf32>
        %neg3A_766 = arith.subf %neg3A_765, %max3A_763 : vector<16xf32>
        %exp3A_767 = math.exp %neg3A_766 : vector<16xf32>
        %max3A_768 = arith.constant -3.000000e+01 : f32
        %max3A_769 = vector.broadcast %max3A_768 : f32 to vector<16xf32>
        %max3A_770 = arith.maximumf %add3A_760, %max3A_769 : vector<16xf32>
        %neg3A_771 = arith.constant 0.000000e+00 : f32
        %neg3A_772 = vector.broadcast %neg3A_771 : f32 to vector<16xf32>
        %neg3A_773 = arith.subf %neg3A_772, %max3A_770 : vector<16xf32>
        %exp3A_774 = math.exp %neg3A_773 : vector<16xf32>
        %add3A_775 = arith.addf %exp3A_767, %exp3A_774 : vector<16xf32>
        %mul3A_776 = arith.constant 5.000000e-01 : f32
        %mul3A_777 = vector.broadcast %mul3A_776 : f32 to vector<16xf32>
        %mul3A_778 = arith.mulf %mul3A_777, %add3A_775 : vector<16xf32>
        %add3A_779 = arith.constant 1.000000e+00 : f32
        %add3A_780 = vector.broadcast %add3A_779 : f32 to vector<16xf32>
        %add3A_781 = arith.addf %add3A_780, %mul3A_778 : vector<16xf32>
        %add3A_782 = arith.constant 1.000000e+00 : f32
        %add3A_783 = vector.broadcast %add3A_782 : f32 to vector<16xf32>
        %add3A_784 = arith.addf %add3A_783, %exp3A_767 : vector<16xf32>
        %add3A_785 = arith.constant 1.000000e+00 : f32
        %add3A_786 = vector.broadcast %add3A_785 : f32 to vector<16xf32>
        %add3A_787 = arith.addf %add3A_786, %exp3A_774 : vector<16xf32>
        %mul3A_788 = arith.mulf %add3A_784, %add3A_787 : vector<16xf32>
        %div3A_789 = arith.divf %add3A_781, %mul3A_788 : vector<16xf32>
        %mul3A_790 = arith.constant 128 : i32
        %mul3A_791 = arith.muli %add3A_113, %mul3A_790 : i32
        %mul3A_792 = arith.constant 16 : i32
        %mul3A_793 = arith.muli %scan3A_479, %mul3A_792 : i32
        %add3A_794 = arith.addi %mul3A_791, %mul3A_793 : i32
        %swap3A_795 = arith.index_cast %add3A_794 : i32 to index
        %swap3A_796 = tpu.vector_load %arg17[%swap3A_795] {strides = array<i32>} : memref<10240xf32, #tpu.memory_space<vmem>>, vector<16xf32>,
        tpu.vector_store %arg17[%swap3A_795], %div3A_789 {strides = array<i32>} : memref<10240xf32, #tpu.memory_space<vmem>>, vector<16xf32>,
      }
      %scan3A_139 = arith.constant 8 : i32
      %mul3A_140 = arith.constant 4 : i32
      %mul3A_141 = arith.muli %scan3A_53, %mul3A_140 : i32
      %add3A_142 = arith.constant 3 : i32
      %add3A_143 = arith.addi %mul3A_141, %add3A_142 : i32
      %mul3A_144 = arith.constant 128 : i32
      %mul3A_145 = arith.muli %add3A_143, %mul3A_144 : i32
      %dma_wait3A_146 = tpu.memref_slice %arg7[%mul3A_145] : memref<10240xi32, #tpu.memory_space<vmem>> -> memref<128xi32, #tpu.memory_space<vmem>>
      %dma_wait3A_147 = arith.constant 0 : i32
      %dma_wait3A_148 = arith.constant 0 : i32
      %dma_wait3A_149 = tpu.memref_slice %arg6[%dma_wait3A_147, %dma_wait3A_148] : memref<10000x32xf32, #tpu.memory_space<vmem_shared>> -> memref<10000x32xf32, #tpu.memory_space<vmem_shared>>
      tpu.wait_indirect_dma semaphore(%arg21 : memref<!tpu.dma_semaphore, #tpu.memory_space<semaphore_mem>>) src(%dma_wait3A_149 : memref<10000x32xf32, #tpu.memory_space<vmem_shared>>) dst(%arg12 : memref<128x32xf32, #tpu.memory_space<vmem>>)
      %mul3A_150 = arith.constant 128 : i32
      %mul3A_151 = arith.muli %add3A_143, %mul3A_150 : i32
      %dma_wait3A_152 = tpu.memref_slice %arg8[%mul3A_151] : memref<10240xi32, #tpu.memory_space<vmem>> -> memref<128xi32, #tpu.memory_space<vmem>>
      %dma_wait3A_153 = arith.constant 0 : i32
      %dma_wait3A_154 = arith.constant 0 : i32
      %dma_wait3A_155 = tpu.memref_slice %arg6[%dma_wait3A_153, %dma_wait3A_154] : memref<10000x32xf32, #tpu.memory_space<vmem_shared>> -> memref<10000x32xf32, #tpu.memory_space<vmem_shared>>
      tpu.wait_indirect_dma semaphore(%arg21 : memref<!tpu.dma_semaphore, #tpu.memory_space<semaphore_mem>>) src(%dma_wait3A_155 : memref<10000x32xf32, #tpu.memory_space<vmem_shared>>) dst(%arg16 : memref<128x32xf32, #tpu.memory_space<vmem>>)
      %add3A_156 = arith.constant 4 : i32
      %add3A_157 = arith.addi %add3A_143, %add3A_156 : i32
      %sub3A_158 = arith.constant 1 : i32
      %sub3A_159 = arith.subi %add3A_157, %sub3A_158 : i32
      %lt3A_160 = arith.constant 80 : i32
      %lt3A_161 = arith.cmpi slt, %sub3A_159, %lt3A_160 : i32
      %convert_element_type3A_162 = arith.extui %lt3A_161 : i1 to i32
      %cond3A_163 = arith.constant 0 : i32
      %cond3A_164 = arith.cmpi ne, %convert_element_type3A_162, %cond3A_163 : i32
      scf.if %cond3A_164 {
        %add3A_170 = arith.constant 4 : i32
        %add3A_171 = arith.addi %add3A_143, %add3A_170 : i32
        %sub3A_172 = arith.constant 1 : i32
        %sub3A_173 = arith.subi %add3A_171, %sub3A_172 : i32
        %mul3A_174 = arith.constant 128 : i32
        %mul3A_175 = arith.muli %sub3A_173, %mul3A_174 : i32
        %dma_start3A_176 = tpu.memref_slice %arg7[%mul3A_175] : memref<10240xi32, #tpu.memory_space<vmem>> -> memref<128xi32, #tpu.memory_space<vmem>>
        %dma_start3A_177 = arith.constant 0 : i32
        %dma_start3A_178 = arith.constant 0 : i32
        %dma_start3A_179 = tpu.memref_slice %arg6[%dma_start3A_177, %dma_start3A_178] : memref<10000x32xf32, #tpu.memory_space<vmem_shared>> -> memref<10000x32xf32, #tpu.memory_space<vmem_shared>>
        tpu.enqueue_indirect_dma source(%dma_start3A_179 : memref<10000x32xf32, #tpu.memory_space<vmem_shared>>) target(%arg11 : memref<128x32xf32, #tpu.memory_space<vmem>>) offsets(%dma_start3A_176 : memref<128xi32, #tpu.memory_space<vmem>>) semaphore(%arg20 : memref<!tpu.dma_semaphore, #tpu.memory_space<semaphore_mem>>)
        %mul3A_180 = arith.constant 128 : i32
        %mul3A_181 = arith.muli %sub3A_173, %mul3A_180 : i32
        %dma_start3A_182 = tpu.memref_slice %arg8[%mul3A_181] : memref<10240xi32, #tpu.memory_space<vmem>> -> memref<128xi32, #tpu.memory_space<vmem>>
        %dma_start3A_183 = arith.constant 0 : i32
        %dma_start3A_184 = arith.constant 0 : i32
        %dma_start3A_185 = tpu.memref_slice %arg6[%dma_start3A_183, %dma_start3A_184] : memref<10000x32xf32, #tpu.memory_space<vmem_shared>> -> memref<10000x32xf32, #tpu.memory_space<vmem_shared>>
        tpu.enqueue_indirect_dma source(%dma_start3A_185 : memref<10000x32xf32, #tpu.memory_space<vmem_shared>>) target(%arg15 : memref<128x32xf32, #tpu.memory_space<vmem>>) offsets(%dma_start3A_182 : memref<128xi32, #tpu.memory_space<vmem>>) semaphore(%arg20 : memref<!tpu.dma_semaphore, #tpu.memory_space<semaphore_mem>>)
      } else {
      }
      %scan3A_165 = arith.constant 0 : i32
      %scan3A_166 = arith.constant 8 : i32
      %scan3A_167 = arith.addi %scan3A_165, %scan3A_166 : i32
      %scan3A_168 = arith.constant 2 : i32
      scf.for %scan3A_170 = %scan3A_165 to %scan3A_167 step %scan3A_168  : i32 {
        %iota3A = tpu.iota {dimensions = array<i32: 0>} : vector<16xi32>
        %mul3A_171 = arith.constant 16 : i32
        %mul3A_172 = arith.muli %scan3A_170, %mul3A_171 : i32
        %add3A_173 = vector.broadcast %mul3A_172 : i32 to vector<16xi32>
        %add3A_174 = arith.addi %add3A_173, %iota3A : vector<16xi32>
        %broadcast_in_dim3A = arith.constant 0.000000e+00 : f32
        %broadcast_in_dim3A_175 = vector.broadcast %broadcast_in_dim3A : f32 to vector<16xf32>
        %broadcast_in_dim3A_176 = arith.constant 0.000000e+00 : f32
        %broadcast_in_dim3A_177 = vector.broadcast %broadcast_in_dim3A_176 : f32 to vector<16xf32>
        %add3A_178 = arith.constant 0 : i32
        %add3A_179 = vector.broadcast %add3A_178 : i32 to vector<16xi32>
        %add3A_180 = arith.addi %iota3A, %add3A_179 : vector<16xi32>
        %and3A = arith.constant 15 : i32
        %and3A_181 = vector.broadcast %and3A : i32 to vector<16xi32>
        %and3A_182 = arith.andi %add3A_180, %and3A_181 : vector<16xi32>
        %or3A = arith.constant 16 : i32
        %or3A_183 = vector.broadcast %or3A : i32 to vector<16xi32>
        %or3A_184 = arith.ori %and3A_182, %or3A_183 : vector<16xi32>
        %gather3A = tpu.vector_load_idx %arg12[%add3A_174, %and3A_182] : memref<128x32xf32, #tpu.memory_space<vmem>>[vector<16xi32>, vector<16xi32>], vector<16xf32>,
        %gather3A_185 = tpu.vector_load_idx %arg16[%add3A_174, %or3A_184] : memref<128x32xf32, #tpu.memory_space<vmem>>[vector<16xi32>, vector<16xi32>], vector<16xf32>,
        %gather3A_186 = tpu.vector_load_idx %arg12[%add3A_174, %or3A_184] : memref<128x32xf32, #tpu.memory_space<vmem>>[vector<16xi32>, vector<16xi32>], vector<16xf32>,
        %gather3A_187 = tpu.vector_load_idx %arg16[%add3A_174, %and3A_182] : memref<128x32xf32, #tpu.memory_space<vmem>>[vector<16xi32>, vector<16xi32>], vector<16xf32>,
        %mul3A_188 = arith.mulf %gather3A, %gather3A_185 : vector<16xf32>
        %add3A_189 = arith.addf %broadcast_in_dim3A_175, %mul3A_188 : vector<16xf32>
        %mul3A_190 = arith.mulf %gather3A_186, %gather3A_187 : vector<16xf32>
        %add3A_191 = arith.addf %broadcast_in_dim3A_177, %mul3A_190 : vector<16xf32>
        %add3A_192 = arith.constant 1 : i32
        %add3A_193 = vector.broadcast %add3A_192 : i32 to vector<16xi32>
        %add3A_194 = arith.addi %iota3A, %add3A_193 : vector<16xi32>
        %and3A_195 = arith.constant 15 : i32
        %and3A_196 = vector.broadcast %and3A_195 : i32 to vector<16xi32>
        %and3A_197 = arith.andi %add3A_194, %and3A_196 : vector<16xi32>
        %or3A_198 = arith.constant 16 : i32
        %or3A_199 = vector.broadcast %or3A_198 : i32 to vector<16xi32>
        %or3A_200 = arith.ori %and3A_197, %or3A_199 : vector<16xi32>
        %gather3A_201 = tpu.vector_load_idx %arg12[%add3A_174, %and3A_197] : memref<128x32xf32, #tpu.memory_space<vmem>>[vector<16xi32>, vector<16xi32>], vector<16xf32>,
        %gather3A_202 = tpu.vector_load_idx %arg16[%add3A_174, %or3A_200] : memref<128x32xf32, #tpu.memory_space<vmem>>[vector<16xi32>, vector<16xi32>], vector<16xf32>,
        %gather3A_203 = tpu.vector_load_idx %arg12[%add3A_174, %or3A_200] : memref<128x32xf32, #tpu.memory_space<vmem>>[vector<16xi32>, vector<16xi32>], vector<16xf32>,
        %gather3A_204 = tpu.vector_load_idx %arg16[%add3A_174, %and3A_197] : memref<128x32xf32, #tpu.memory_space<vmem>>[vector<16xi32>, vector<16xi32>], vector<16xf32>,
        %mul3A_205 = arith.mulf %gather3A_201, %gather3A_202 : vector<16xf32>
        %add3A_206 = arith.addf %add3A_189, %mul3A_205 : vector<16xf32>
        %mul3A_207 = arith.mulf %gather3A_203, %gather3A_204 : vector<16xf32>
        %add3A_208 = arith.addf %add3A_191, %mul3A_207 : vector<16xf32>
        %add3A_209 = arith.constant 2 : i32
        %add3A_210 = vector.broadcast %add3A_209 : i32 to vector<16xi32>
        %add3A_211 = arith.addi %iota3A, %add3A_210 : vector<16xi32>
        %and3A_212 = arith.constant 15 : i32
        %and3A_213 = vector.broadcast %and3A_212 : i32 to vector<16xi32>
        %and3A_214 = arith.andi %add3A_211, %and3A_213 : vector<16xi32>
        %or3A_215 = arith.constant 16 : i32
        %or3A_216 = vector.broadcast %or3A_215 : i32 to vector<16xi32>
        %or3A_217 = arith.ori %and3A_214, %or3A_216 : vector<16xi32>
        %gather3A_218 = tpu.vector_load_idx %arg12[%add3A_174, %and3A_214] : memref<128x32xf32, #tpu.memory_space<vmem>>[vector<16xi32>, vector<16xi32>], vector<16xf32>,
        %gather3A_219 = tpu.vector_load_idx %arg16[%add3A_174, %or3A_217] : memref<128x32xf32, #tpu.memory_space<vmem>>[vector<16xi32>, vector<16xi32>], vector<16xf32>,
        %gather3A_220 = tpu.vector_load_idx %arg12[%add3A_174, %or3A_217] : memref<128x32xf32, #tpu.memory_space<vmem>>[vector<16xi32>, vector<16xi32>], vector<16xf32>,
        %gather3A_221 = tpu.vector_load_idx %arg16[%add3A_174, %and3A_214] : memref<128x32xf32, #tpu.memory_space<vmem>>[vector<16xi32>, vector<16xi32>], vector<16xf32>,
        %mul3A_222 = arith.mulf %gather3A_218, %gather3A_219 : vector<16xf32>
        %add3A_223 = arith.addf %add3A_206, %mul3A_222 : vector<16xf32>
        %mul3A_224 = arith.mulf %gather3A_220, %gather3A_221 : vector<16xf32>
        %add3A_225 = arith.addf %add3A_208, %mul3A_224 : vector<16xf32>
        %add3A_226 = arith.constant 3 : i32
        %add3A_227 = vector.broadcast %add3A_226 : i32 to vector<16xi32>
        %add3A_228 = arith.addi %iota3A, %add3A_227 : vector<16xi32>
        %and3A_229 = arith.constant 15 : i32
        %and3A_230 = vector.broadcast %and3A_229 : i32 to vector<16xi32>
        %and3A_231 = arith.andi %add3A_228, %and3A_230 : vector<16xi32>
        %or3A_232 = arith.constant 16 : i32
        %or3A_233 = vector.broadcast %or3A_232 : i32 to vector<16xi32>
        %or3A_234 = arith.ori %and3A_231, %or3A_233 : vector<16xi32>
        %gather3A_235 = tpu.vector_load_idx %arg12[%add3A_174, %and3A_231] : memref<128x32xf32, #tpu.memory_space<vmem>>[vector<16xi32>, vector<16xi32>], vector<16xf32>,
        %gather3A_236 = tpu.vector_load_idx %arg16[%add3A_174, %or3A_234] : memref<128x32xf32, #tpu.memory_space<vmem>>[vector<16xi32>, vector<16xi32>], vector<16xf32>,
        %gather3A_237 = tpu.vector_load_idx %arg12[%add3A_174, %or3A_234] : memref<128x32xf32, #tpu.memory_space<vmem>>[vector<16xi32>, vector<16xi32>], vector<16xf32>,
        %gather3A_238 = tpu.vector_load_idx %arg16[%add3A_174, %and3A_231] : memref<128x32xf32, #tpu.memory_space<vmem>>[vector<16xi32>, vector<16xi32>], vector<16xf32>,
        %mul3A_239 = arith.mulf %gather3A_235, %gather3A_236 : vector<16xf32>
        %add3A_240 = arith.addf %add3A_223, %mul3A_239 : vector<16xf32>
        %mul3A_241 = arith.mulf %gather3A_237, %gather3A_238 : vector<16xf32>
        %add3A_242 = arith.addf %add3A_225, %mul3A_241 : vector<16xf32>
        %add3A_243 = arith.constant 4 : i32
        %add3A_244 = vector.broadcast %add3A_243 : i32 to vector<16xi32>
        %add3A_245 = arith.addi %iota3A, %add3A_244 : vector<16xi32>
        %and3A_246 = arith.constant 15 : i32
        %and3A_247 = vector.broadcast %and3A_246 : i32 to vector<16xi32>
        %and3A_248 = arith.andi %add3A_245, %and3A_247 : vector<16xi32>
        %or3A_249 = arith.constant 16 : i32
        %or3A_250 = vector.broadcast %or3A_249 : i32 to vector<16xi32>
        %or3A_251 = arith.ori %and3A_248, %or3A_250 : vector<16xi32>
        %gather3A_252 = tpu.vector_load_idx %arg12[%add3A_174, %and3A_248] : memref<128x32xf32, #tpu.memory_space<vmem>>[vector<16xi32>, vector<16xi32>], vector<16xf32>,
        %gather3A_253 = tpu.vector_load_idx %arg16[%add3A_174, %or3A_251] : memref<128x32xf32, #tpu.memory_space<vmem>>[vector<16xi32>, vector<16xi32>], vector<16xf32>,
        %gather3A_254 = tpu.vector_load_idx %arg12[%add3A_174, %or3A_251] : memref<128x32xf32, #tpu.memory_space<vmem>>[vector<16xi32>, vector<16xi32>], vector<16xf32>,
        %gather3A_255 = tpu.vector_load_idx %arg16[%add3A_174, %and3A_248] : memref<128x32xf32, #tpu.memory_space<vmem>>[vector<16xi32>, vector<16xi32>], vector<16xf32>,
        %mul3A_256 = arith.mulf %gather3A_252, %gather3A_253 : vector<16xf32>
        %add3A_257 = arith.addf %add3A_240, %mul3A_256 : vector<16xf32>
        %mul3A_258 = arith.mulf %gather3A_254, %gather3A_255 : vector<16xf32>
        %add3A_259 = arith.addf %add3A_242, %mul3A_258 : vector<16xf32>
        %add3A_260 = arith.constant 5 : i32
        %add3A_261 = vector.broadcast %add3A_260 : i32 to vector<16xi32>
        %add3A_262 = arith.addi %iota3A, %add3A_261 : vector<16xi32>
        %and3A_263 = arith.constant 15 : i32
        %and3A_264 = vector.broadcast %and3A_263 : i32 to vector<16xi32>
        %and3A_265 = arith.andi %add3A_262, %and3A_264 : vector<16xi32>
        %or3A_266 = arith.constant 16 : i32
        %or3A_267 = vector.broadcast %or3A_266 : i32 to vector<16xi32>
        %or3A_268 = arith.ori %and3A_265, %or3A_267 : vector<16xi32>
        %gather3A_269 = tpu.vector_load_idx %arg12[%add3A_174, %and3A_265] : memref<128x32xf32, #tpu.memory_space<vmem>>[vector<16xi32>, vector<16xi32>], vector<16xf32>,
        %gather3A_270 = tpu.vector_load_idx %arg16[%add3A_174, %or3A_268] : memref<128x32xf32, #tpu.memory_space<vmem>>[vector<16xi32>, vector<16xi32>], vector<16xf32>,
        %gather3A_271 = tpu.vector_load_idx %arg12[%add3A_174, %or3A_268] : memref<128x32xf32, #tpu.memory_space<vmem>>[vector<16xi32>, vector<16xi32>], vector<16xf32>,
        %gather3A_272 = tpu.vector_load_idx %arg16[%add3A_174, %and3A_265] : memref<128x32xf32, #tpu.memory_space<vmem>>[vector<16xi32>, vector<16xi32>], vector<16xf32>,
        %mul3A_273 = arith.mulf %gather3A_269, %gather3A_270 : vector<16xf32>
        %add3A_274 = arith.addf %add3A_257, %mul3A_273 : vector<16xf32>
        %mul3A_275 = arith.mulf %gather3A_271, %gather3A_272 : vector<16xf32>
        %add3A_276 = arith.addf %add3A_259, %mul3A_275 : vector<16xf32>
        %add3A_277 = arith.constant 6 : i32
        %add3A_278 = vector.broadcast %add3A_277 : i32 to vector<16xi32>
        %add3A_279 = arith.addi %iota3A, %add3A_278 : vector<16xi32>
        %and3A_280 = arith.constant 15 : i32
        %and3A_281 = vector.broadcast %and3A_280 : i32 to vector<16xi32>
        %and3A_282 = arith.andi %add3A_279, %and3A_281 : vector<16xi32>
        %or3A_283 = arith.constant 16 : i32
        %or3A_284 = vector.broadcast %or3A_283 : i32 to vector<16xi32>
        %or3A_285 = arith.ori %and3A_282, %or3A_284 : vector<16xi32>
        %gather3A_286 = tpu.vector_load_idx %arg12[%add3A_174, %and3A_282] : memref<128x32xf32, #tpu.memory_space<vmem>>[vector<16xi32>, vector<16xi32>], vector<16xf32>,
        %gather3A_287 = tpu.vector_load_idx %arg16[%add3A_174, %or3A_285] : memref<128x32xf32, #tpu.memory_space<vmem>>[vector<16xi32>, vector<16xi32>], vector<16xf32>,
        %gather3A_288 = tpu.vector_load_idx %arg12[%add3A_174, %or3A_285] : memref<128x32xf32, #tpu.memory_space<vmem>>[vector<16xi32>, vector<16xi32>], vector<16xf32>,
        %gather3A_289 = tpu.vector_load_idx %arg16[%add3A_174, %and3A_282] : memref<128x32xf32, #tpu.memory_space<vmem>>[vector<16xi32>, vector<16xi32>], vector<16xf32>,
        %mul3A_290 = arith.mulf %gather3A_286, %gather3A_287 : vector<16xf32>
        %add3A_291 = arith.addf %add3A_274, %mul3A_290 : vector<16xf32>
        %mul3A_292 = arith.mulf %gather3A_288, %gather3A_289 : vector<16xf32>
        %add3A_293 = arith.addf %add3A_276, %mul3A_292 : vector<16xf32>
        %add3A_294 = arith.constant 7 : i32
        %add3A_295 = vector.broadcast %add3A_294 : i32 to vector<16xi32>
        %add3A_296 = arith.addi %iota3A, %add3A_295 : vector<16xi32>
        %and3A_297 = arith.constant 15 : i32
        %and3A_298 = vector.broadcast %and3A_297 : i32 to vector<16xi32>
        %and3A_299 = arith.andi %add3A_296, %and3A_298 : vector<16xi32>
        %or3A_300 = arith.constant 16 : i32
        %or3A_301 = vector.broadcast %or3A_300 : i32 to vector<16xi32>
        %or3A_302 = arith.ori %and3A_299, %or3A_301 : vector<16xi32>
        %gather3A_303 = tpu.vector_load_idx %arg12[%add3A_174, %and3A_299] : memref<128x32xf32, #tpu.memory_space<vmem>>[vector<16xi32>, vector<16xi32>], vector<16xf32>,
        %gather3A_304 = tpu.vector_load_idx %arg16[%add3A_174, %or3A_302] : memref<128x32xf32, #tpu.memory_space<vmem>>[vector<16xi32>, vector<16xi32>], vector<16xf32>,
        %gather3A_305 = tpu.vector_load_idx %arg12[%add3A_174, %or3A_302] : memref<128x32xf32, #tpu.memory_space<vmem>>[vector<16xi32>, vector<16xi32>], vector<16xf32>,
        %gather3A_306 = tpu.vector_load_idx %arg16[%add3A_174, %and3A_299] : memref<128x32xf32, #tpu.memory_space<vmem>>[vector<16xi32>, vector<16xi32>], vector<16xf32>,
        %mul3A_307 = arith.mulf %gather3A_303, %gather3A_304 : vector<16xf32>
        %add3A_308 = arith.addf %add3A_291, %mul3A_307 : vector<16xf32>
        %mul3A_309 = arith.mulf %gather3A_305, %gather3A_306 : vector<16xf32>
        %add3A_310 = arith.addf %add3A_293, %mul3A_309 : vector<16xf32>
        %add3A_311 = arith.constant 8 : i32
        %add3A_312 = vector.broadcast %add3A_311 : i32 to vector<16xi32>
        %add3A_313 = arith.addi %iota3A, %add3A_312 : vector<16xi32>
        %and3A_314 = arith.constant 15 : i32
        %and3A_315 = vector.broadcast %and3A_314 : i32 to vector<16xi32>
        %and3A_316 = arith.andi %add3A_313, %and3A_315 : vector<16xi32>
        %or3A_317 = arith.constant 16 : i32
        %or3A_318 = vector.broadcast %or3A_317 : i32 to vector<16xi32>
        %or3A_319 = arith.ori %and3A_316, %or3A_318 : vector<16xi32>
        %gather3A_320 = tpu.vector_load_idx %arg12[%add3A_174, %and3A_316] : memref<128x32xf32, #tpu.memory_space<vmem>>[vector<16xi32>, vector<16xi32>], vector<16xf32>,
        %gather3A_321 = tpu.vector_load_idx %arg16[%add3A_174, %or3A_319] : memref<128x32xf32, #tpu.memory_space<vmem>>[vector<16xi32>, vector<16xi32>], vector<16xf32>,
        %gather3A_322 = tpu.vector_load_idx %arg12[%add3A_174, %or3A_319] : memref<128x32xf32, #tpu.memory_space<vmem>>[vector<16xi32>, vector<16xi32>], vector<16xf32>,
        %gather3A_323 = tpu.vector_load_idx %arg16[%add3A_174, %and3A_316] : memref<128x32xf32, #tpu.memory_space<vmem>>[vector<16xi32>, vector<16xi32>], vector<16xf32>,
        %mul3A_324 = arith.mulf %gather3A_320, %gather3A_321 : vector<16xf32>
        %add3A_325 = arith.addf %add3A_308, %mul3A_324 : vector<16xf32>
        %mul3A_326 = arith.mulf %gather3A_322, %gather3A_323 : vector<16xf32>
        %add3A_327 = arith.addf %add3A_310, %mul3A_326 : vector<16xf32>
        %add3A_328 = arith.constant 9 : i32
        %add3A_329 = vector.broadcast %add3A_328 : i32 to vector<16xi32>
        %add3A_330 = arith.addi %iota3A, %add3A_329 : vector<16xi32>
        %and3A_331 = arith.constant 15 : i32
        %and3A_332 = vector.broadcast %and3A_331 : i32 to vector<16xi32>
        %and3A_333 = arith.andi %add3A_330, %and3A_332 : vector<16xi32>
        %or3A_334 = arith.constant 16 : i32
        %or3A_335 = vector.broadcast %or3A_334 : i32 to vector<16xi32>
        %or3A_336 = arith.ori %and3A_333, %or3A_335 : vector<16xi32>
        %gather3A_337 = tpu.vector_load_idx %arg12[%add3A_174, %and3A_333] : memref<128x32xf32, #tpu.memory_space<vmem>>[vector<16xi32>, vector<16xi32>], vector<16xf32>,
        %gather3A_338 = tpu.vector_load_idx %arg16[%add3A_174, %or3A_336] : memref<128x32xf32, #tpu.memory_space<vmem>>[vector<16xi32>, vector<16xi32>], vector<16xf32>,
        %gather3A_339 = tpu.vector_load_idx %arg12[%add3A_174, %or3A_336] : memref<128x32xf32, #tpu.memory_space<vmem>>[vector<16xi32>, vector<16xi32>], vector<16xf32>,
        %gather3A_340 = tpu.vector_load_idx %arg16[%add3A_174, %and3A_333] : memref<128x32xf32, #tpu.memory_space<vmem>>[vector<16xi32>, vector<16xi32>], vector<16xf32>,
        %mul3A_341 = arith.mulf %gather3A_337, %gather3A_338 : vector<16xf32>
        %add3A_342 = arith.addf %add3A_325, %mul3A_341 : vector<16xf32>
        %mul3A_343 = arith.mulf %gather3A_339, %gather3A_340 : vector<16xf32>
        %add3A_344 = arith.addf %add3A_327, %mul3A_343 : vector<16xf32>
        %add3A_345 = arith.constant 10 : i32
        %add3A_346 = vector.broadcast %add3A_345 : i32 to vector<16xi32>
        %add3A_347 = arith.addi %iota3A, %add3A_346 : vector<16xi32>
        %and3A_348 = arith.constant 15 : i32
        %and3A_349 = vector.broadcast %and3A_348 : i32 to vector<16xi32>
        %and3A_350 = arith.andi %add3A_347, %and3A_349 : vector<16xi32>
        %or3A_351 = arith.constant 16 : i32
        %or3A_352 = vector.broadcast %or3A_351 : i32 to vector<16xi32>
        %or3A_353 = arith.ori %and3A_350, %or3A_352 : vector<16xi32>
        %gather3A_354 = tpu.vector_load_idx %arg12[%add3A_174, %and3A_350] : memref<128x32xf32, #tpu.memory_space<vmem>>[vector<16xi32>, vector<16xi32>], vector<16xf32>,
        %gather3A_355 = tpu.vector_load_idx %arg16[%add3A_174, %or3A_353] : memref<128x32xf32, #tpu.memory_space<vmem>>[vector<16xi32>, vector<16xi32>], vector<16xf32>,
        %gather3A_356 = tpu.vector_load_idx %arg12[%add3A_174, %or3A_353] : memref<128x32xf32, #tpu.memory_space<vmem>>[vector<16xi32>, vector<16xi32>], vector<16xf32>,
        %gather3A_357 = tpu.vector_load_idx %arg16[%add3A_174, %and3A_350] : memref<128x32xf32, #tpu.memory_space<vmem>>[vector<16xi32>, vector<16xi32>], vector<16xf32>,
        %mul3A_358 = arith.mulf %gather3A_354, %gather3A_355 : vector<16xf32>
        %add3A_359 = arith.addf %add3A_342, %mul3A_358 : vector<16xf32>
        %mul3A_360 = arith.mulf %gather3A_356, %gather3A_357 : vector<16xf32>
        %add3A_361 = arith.addf %add3A_344, %mul3A_360 : vector<16xf32>
        %add3A_362 = arith.constant 11 : i32
        %add3A_363 = vector.broadcast %add3A_362 : i32 to vector<16xi32>
        %add3A_364 = arith.addi %iota3A, %add3A_363 : vector<16xi32>
        %and3A_365 = arith.constant 15 : i32
        %and3A_366 = vector.broadcast %and3A_365 : i32 to vector<16xi32>
        %and3A_367 = arith.andi %add3A_364, %and3A_366 : vector<16xi32>
        %or3A_368 = arith.constant 16 : i32
        %or3A_369 = vector.broadcast %or3A_368 : i32 to vector<16xi32>
        %or3A_370 = arith.ori %and3A_367, %or3A_369 : vector<16xi32>
        %gather3A_371 = tpu.vector_load_idx %arg12[%add3A_174, %and3A_367] : memref<128x32xf32, #tpu.memory_space<vmem>>[vector<16xi32>, vector<16xi32>], vector<16xf32>,
        %gather3A_372 = tpu.vector_load_idx %arg16[%add3A_174, %or3A_370] : memref<128x32xf32, #tpu.memory_space<vmem>>[vector<16xi32>, vector<16xi32>], vector<16xf32>,
        %gather3A_373 = tpu.vector_load_idx %arg12[%add3A_174, %or3A_370] : memref<128x32xf32, #tpu.memory_space<vmem>>[vector<16xi32>, vector<16xi32>], vector<16xf32>,
        %gather3A_374 = tpu.vector_load_idx %arg16[%add3A_174, %and3A_367] : memref<128x32xf32, #tpu.memory_space<vmem>>[vector<16xi32>, vector<16xi32>], vector<16xf32>,
        %mul3A_375 = arith.mulf %gather3A_371, %gather3A_372 : vector<16xf32>
        %add3A_376 = arith.addf %add3A_359, %mul3A_375 : vector<16xf32>
        %mul3A_377 = arith.mulf %gather3A_373, %gather3A_374 : vector<16xf32>
        %add3A_378 = arith.addf %add3A_361, %mul3A_377 : vector<16xf32>
        %add3A_379 = arith.constant 12 : i32
        %add3A_380 = vector.broadcast %add3A_379 : i32 to vector<16xi32>
        %add3A_381 = arith.addi %iota3A, %add3A_380 : vector<16xi32>
        %and3A_382 = arith.constant 15 : i32
        %and3A_383 = vector.broadcast %and3A_382 : i32 to vector<16xi32>
        %and3A_384 = arith.andi %add3A_381, %and3A_383 : vector<16xi32>
        %or3A_385 = arith.constant 16 : i32
        %or3A_386 = vector.broadcast %or3A_385 : i32 to vector<16xi32>
        %or3A_387 = arith.ori %and3A_384, %or3A_386 : vector<16xi32>
        %gather3A_388 = tpu.vector_load_idx %arg12[%add3A_174, %and3A_384] : memref<128x32xf32, #tpu.memory_space<vmem>>[vector<16xi32>, vector<16xi32>], vector<16xf32>,
        %gather3A_389 = tpu.vector_load_idx %arg16[%add3A_174, %or3A_387] : memref<128x32xf32, #tpu.memory_space<vmem>>[vector<16xi32>, vector<16xi32>], vector<16xf32>,
        %gather3A_390 = tpu.vector_load_idx %arg12[%add3A_174, %or3A_387] : memref<128x32xf32, #tpu.memory_space<vmem>>[vector<16xi32>, vector<16xi32>], vector<16xf32>,
        %gather3A_391 = tpu.vector_load_idx %arg16[%add3A_174, %and3A_384] : memref<128x32xf32, #tpu.memory_space<vmem>>[vector<16xi32>, vector<16xi32>], vector<16xf32>,
        %mul3A_392 = arith.mulf %gather3A_388, %gather3A_389 : vector<16xf32>
        %add3A_393 = arith.addf %add3A_376, %mul3A_392 : vector<16xf32>
        %mul3A_394 = arith.mulf %gather3A_390, %gather3A_391 : vector<16xf32>
        %add3A_395 = arith.addf %add3A_378, %mul3A_394 : vector<16xf32>
        %add3A_396 = arith.constant 13 : i32
        %add3A_397 = vector.broadcast %add3A_396 : i32 to vector<16xi32>
        %add3A_398 = arith.addi %iota3A, %add3A_397 : vector<16xi32>
        %and3A_399 = arith.constant 15 : i32
        %and3A_400 = vector.broadcast %and3A_399 : i32 to vector<16xi32>
        %and3A_401 = arith.andi %add3A_398, %and3A_400 : vector<16xi32>
        %or3A_402 = arith.constant 16 : i32
        %or3A_403 = vector.broadcast %or3A_402 : i32 to vector<16xi32>
        %or3A_404 = arith.ori %and3A_401, %or3A_403 : vector<16xi32>
        %gather3A_405 = tpu.vector_load_idx %arg12[%add3A_174, %and3A_401] : memref<128x32xf32, #tpu.memory_space<vmem>>[vector<16xi32>, vector<16xi32>], vector<16xf32>,
        %gather3A_406 = tpu.vector_load_idx %arg16[%add3A_174, %or3A_404] : memref<128x32xf32, #tpu.memory_space<vmem>>[vector<16xi32>, vector<16xi32>], vector<16xf32>,
        %gather3A_407 = tpu.vector_load_idx %arg12[%add3A_174, %or3A_404] : memref<128x32xf32, #tpu.memory_space<vmem>>[vector<16xi32>, vector<16xi32>], vector<16xf32>,
        %gather3A_408 = tpu.vector_load_idx %arg16[%add3A_174, %and3A_401] : memref<128x32xf32, #tpu.memory_space<vmem>>[vector<16xi32>, vector<16xi32>], vector<16xf32>,
        %mul3A_409 = arith.mulf %gather3A_405, %gather3A_406 : vector<16xf32>
        %add3A_410 = arith.addf %add3A_393, %mul3A_409 : vector<16xf32>
        %mul3A_411 = arith.mulf %gather3A_407, %gather3A_408 : vector<16xf32>
        %add3A_412 = arith.addf %add3A_395, %mul3A_411 : vector<16xf32>
        %add3A_413 = arith.constant 14 : i32
        %add3A_414 = vector.broadcast %add3A_413 : i32 to vector<16xi32>
        %add3A_415 = arith.addi %iota3A, %add3A_414 : vector<16xi32>
        %and3A_416 = arith.constant 15 : i32
        %and3A_417 = vector.broadcast %and3A_416 : i32 to vector<16xi32>
        %and3A_418 = arith.andi %add3A_415, %and3A_417 : vector<16xi32>
        %or3A_419 = arith.constant 16 : i32
        %or3A_420 = vector.broadcast %or3A_419 : i32 to vector<16xi32>
        %or3A_421 = arith.ori %and3A_418, %or3A_420 : vector<16xi32>
        %gather3A_422 = tpu.vector_load_idx %arg12[%add3A_174, %and3A_418] : memref<128x32xf32, #tpu.memory_space<vmem>>[vector<16xi32>, vector<16xi32>], vector<16xf32>,
        %gather3A_423 = tpu.vector_load_idx %arg16[%add3A_174, %or3A_421] : memref<128x32xf32, #tpu.memory_space<vmem>>[vector<16xi32>, vector<16xi32>], vector<16xf32>,
        %gather3A_424 = tpu.vector_load_idx %arg12[%add3A_174, %or3A_421] : memref<128x32xf32, #tpu.memory_space<vmem>>[vector<16xi32>, vector<16xi32>], vector<16xf32>,
        %gather3A_425 = tpu.vector_load_idx %arg16[%add3A_174, %and3A_418] : memref<128x32xf32, #tpu.memory_space<vmem>>[vector<16xi32>, vector<16xi32>], vector<16xf32>,
        %mul3A_426 = arith.mulf %gather3A_422, %gather3A_423 : vector<16xf32>
        %add3A_427 = arith.addf %add3A_410, %mul3A_426 : vector<16xf32>
        %mul3A_428 = arith.mulf %gather3A_424, %gather3A_425 : vector<16xf32>
        %add3A_429 = arith.addf %add3A_412, %mul3A_428 : vector<16xf32>
        %add3A_430 = arith.constant 15 : i32
        %add3A_431 = vector.broadcast %add3A_430 : i32 to vector<16xi32>
        %add3A_432 = arith.addi %iota3A, %add3A_431 : vector<16xi32>
        %and3A_433 = arith.constant 15 : i32
        %and3A_434 = vector.broadcast %and3A_433 : i32 to vector<16xi32>
        %and3A_435 = arith.andi %add3A_432, %and3A_434 : vector<16xi32>
        %or3A_436 = arith.constant 16 : i32
        %or3A_437 = vector.broadcast %or3A_436 : i32 to vector<16xi32>
        %or3A_438 = arith.ori %and3A_435, %or3A_437 : vector<16xi32>
        %gather3A_439 = tpu.vector_load_idx %arg12[%add3A_174, %and3A_435] : memref<128x32xf32, #tpu.memory_space<vmem>>[vector<16xi32>, vector<16xi32>], vector<16xf32>,
        %gather3A_440 = tpu.vector_load_idx %arg16[%add3A_174, %or3A_438] : memref<128x32xf32, #tpu.memory_space<vmem>>[vector<16xi32>, vector<16xi32>], vector<16xf32>,
        %gather3A_441 = tpu.vector_load_idx %arg12[%add3A_174, %or3A_438] : memref<128x32xf32, #tpu.memory_space<vmem>>[vector<16xi32>, vector<16xi32>], vector<16xf32>,
        %gather3A_442 = tpu.vector_load_idx %arg16[%add3A_174, %and3A_435] : memref<128x32xf32, #tpu.memory_space<vmem>>[vector<16xi32>, vector<16xi32>], vector<16xf32>,
        %mul3A_443 = arith.mulf %gather3A_439, %gather3A_440 : vector<16xf32>
        %add3A_444 = arith.addf %add3A_427, %mul3A_443 : vector<16xf32>
        %mul3A_445 = arith.mulf %gather3A_441, %gather3A_442 : vector<16xf32>
        %add3A_446 = arith.addf %add3A_429, %mul3A_445 : vector<16xf32>
        %max3A = arith.constant -3.000000e+01 : f32
        %max3A_447 = vector.broadcast %max3A : f32 to vector<16xf32>
        %max3A_448 = arith.maximumf %add3A_444, %max3A_447 : vector<16xf32>
        %neg3A = arith.constant 0.000000e+00 : f32
        %neg3A_449 = vector.broadcast %neg3A : f32 to vector<16xf32>
        %neg3A_450 = arith.subf %neg3A_449, %max3A_448 : vector<16xf32>
        %exp3A = math.exp %neg3A_450 : vector<16xf32>
        %max3A_451 = arith.constant -3.000000e+01 : f32
        %max3A_452 = vector.broadcast %max3A_451 : f32 to vector<16xf32>
        %max3A_453 = arith.maximumf %add3A_446, %max3A_452 : vector<16xf32>
        %neg3A_454 = arith.constant 0.000000e+00 : f32
        %neg3A_455 = vector.broadcast %neg3A_454 : f32 to vector<16xf32>
        %neg3A_456 = arith.subf %neg3A_455, %max3A_453 : vector<16xf32>
        %exp3A_457 = math.exp %neg3A_456 : vector<16xf32>
        %add3A_458 = arith.addf %exp3A, %exp3A_457 : vector<16xf32>
        %mul3A_459 = arith.constant 5.000000e-01 : f32
        %mul3A_460 = vector.broadcast %mul3A_459 : f32 to vector<16xf32>
        %mul3A_461 = arith.mulf %mul3A_460, %add3A_458 : vector<16xf32>
        %add3A_462 = arith.constant 1.000000e+00 : f32
        %add3A_463 = vector.broadcast %add3A_462 : f32 to vector<16xf32>
        %add3A_464 = arith.addf %add3A_463, %mul3A_461 : vector<16xf32>
        %add3A_465 = arith.constant 1.000000e+00 : f32
        %add3A_466 = vector.broadcast %add3A_465 : f32 to vector<16xf32>
        %add3A_467 = arith.addf %add3A_466, %exp3A : vector<16xf32>
        %add3A_468 = arith.constant 1.000000e+00 : f32
        %add3A_469 = vector.broadcast %add3A_468 : f32 to vector<16xf32>
        %add3A_470 = arith.addf %add3A_469, %exp3A_457 : vector<16xf32>
        %mul3A_471 = arith.mulf %add3A_467, %add3A_470 : vector<16xf32>
        %div3A = arith.divf %add3A_464, %mul3A_471 : vector<16xf32>
        %mul3A_472 = arith.constant 128 : i32
        %mul3A_473 = arith.muli %add3A_143, %mul3A_472 : i32
        %mul3A_474 = arith.constant 16 : i32
        %mul3A_475 = arith.muli %scan3A_170, %mul3A_474 : i32
        %add3A_476 = arith.addi %mul3A_473, %mul3A_475 : i32
        %swap3A = arith.index_cast %add3A_476 : i32 to index
        %swap3A_477 = tpu.vector_load %arg17[%swap3A] {strides = array<i32>} : memref<10240xf32, #tpu.memory_space<vmem>>, vector<16xf32>,
        tpu.vector_store %arg17[%swap3A], %div3A {strides = array<i32>} : memref<10240xf32, #tpu.memory_space<vmem>>, vector<16xf32>,
        %scan3A_478 = arith.constant 1 : i32
        %scan3A_479 = arith.addi %scan3A_170, %scan3A_478 : i32
        %iota3A_480 = tpu.iota {dimensions = array<i32: 0>} : vector<16xi32>
        %mul3A_481 = arith.constant 16 : i32
        %mul3A_482 = arith.muli %scan3A_479, %mul3A_481 : i32
        %add3A_483 = vector.broadcast %mul3A_482 : i32 to vector<16xi32>
        %add3A_484 = arith.addi %add3A_483, %iota3A_480 : vector<16xi32>
        %broadcast_in_dim3A_485 = arith.constant 0.000000e+00 : f32
        %broadcast_in_dim3A_486 = vector.broadcast %broadcast_in_dim3A_485 : f32 to vector<16xf32>
        %broadcast_in_dim3A_487 = arith.constant 0.000000e+00 : f32
        %broadcast_in_dim3A_488 = vector.broadcast %broadcast_in_dim3A_487 : f32 to vector<16xf32>
        %add3A_489 = arith.constant 0 : i32
        %add3A_490 = vector.broadcast %add3A_489 : i32 to vector<16xi32>
        %add3A_491 = arith.addi %iota3A_480, %add3A_490 : vector<16xi32>
        %and3A_492 = arith.constant 15 : i32
        %and3A_493 = vector.broadcast %and3A_492 : i32 to vector<16xi32>
        %and3A_494 = arith.andi %add3A_491, %and3A_493 : vector<16xi32>
        %or3A_495 = arith.constant 16 : i32
        %or3A_496 = vector.broadcast %or3A_495 : i32 to vector<16xi32>
        %or3A_497 = arith.ori %and3A_494, %or3A_496 : vector<16xi32>
        %gather3A_498 = tpu.vector_load_idx %arg12[%add3A_484, %and3A_494] : memref<128x32xf32, #tpu.memory_space<vmem>>[vector<16xi32>, vector<16xi32>], vector<16xf32>,
        %gather3A_499 = tpu.vector_load_idx %arg16[%add3A_484, %or3A_497] : memref<128x32xf32, #tpu.memory_space<vmem>>[vector<16xi32>, vector<16xi32>], vector<16xf32>,
        %gather3A_500 = tpu.vector_load_idx %arg12[%add3A_484, %or3A_497] : memref<128x32xf32, #tpu.memory_space<vmem>>[vector<16xi32>, vector<16xi32>], vector<16xf32>,
        %gather3A_501 = tpu.vector_load_idx %arg16[%add3A_484, %and3A_494] : memref<128x32xf32, #tpu.memory_space<vmem>>[vector<16xi32>, vector<16xi32>], vector<16xf32>,
        %mul3A_502 = arith.mulf %gather3A_498, %gather3A_499 : vector<16xf32>
        %add3A_503 = arith.addf %broadcast_in_dim3A_486, %mul3A_502 : vector<16xf32>
        %mul3A_504 = arith.mulf %gather3A_500, %gather3A_501 : vector<16xf32>
        %add3A_505 = arith.addf %broadcast_in_dim3A_488, %mul3A_504 : vector<16xf32>
        %add3A_506 = arith.constant 1 : i32
        %add3A_507 = vector.broadcast %add3A_506 : i32 to vector<16xi32>
        %add3A_508 = arith.addi %iota3A_480, %add3A_507 : vector<16xi32>
        %and3A_509 = arith.constant 15 : i32
        %and3A_510 = vector.broadcast %and3A_509 : i32 to vector<16xi32>
        %and3A_511 = arith.andi %add3A_508, %and3A_510 : vector<16xi32>
        %or3A_512 = arith.constant 16 : i32
        %or3A_513 = vector.broadcast %or3A_512 : i32 to vector<16xi32>
        %or3A_514 = arith.ori %and3A_511, %or3A_513 : vector<16xi32>
        %gather3A_515 = tpu.vector_load_idx %arg12[%add3A_484, %and3A_511] : memref<128x32xf32, #tpu.memory_space<vmem>>[vector<16xi32>, vector<16xi32>], vector<16xf32>,
        %gather3A_516 = tpu.vector_load_idx %arg16[%add3A_484, %or3A_514] : memref<128x32xf32, #tpu.memory_space<vmem>>[vector<16xi32>, vector<16xi32>], vector<16xf32>,
        %gather3A_517 = tpu.vector_load_idx %arg12[%add3A_484, %or3A_514] : memref<128x32xf32, #tpu.memory_space<vmem>>[vector<16xi32>, vector<16xi32>], vector<16xf32>,
        %gather3A_518 = tpu.vector_load_idx %arg16[%add3A_484, %and3A_511] : memref<128x32xf32, #tpu.memory_space<vmem>>[vector<16xi32>, vector<16xi32>], vector<16xf32>,
        %mul3A_519 = arith.mulf %gather3A_515, %gather3A_516 : vector<16xf32>
        %add3A_520 = arith.addf %add3A_503, %mul3A_519 : vector<16xf32>
        %mul3A_521 = arith.mulf %gather3A_517, %gather3A_518 : vector<16xf32>
        %add3A_522 = arith.addf %add3A_505, %mul3A_521 : vector<16xf32>
        %add3A_523 = arith.constant 2 : i32
        %add3A_524 = vector.broadcast %add3A_523 : i32 to vector<16xi32>
        %add3A_525 = arith.addi %iota3A_480, %add3A_524 : vector<16xi32>
        %and3A_526 = arith.constant 15 : i32
        %and3A_527 = vector.broadcast %and3A_526 : i32 to vector<16xi32>
        %and3A_528 = arith.andi %add3A_525, %and3A_527 : vector<16xi32>
        %or3A_529 = arith.constant 16 : i32
        %or3A_530 = vector.broadcast %or3A_529 : i32 to vector<16xi32>
        %or3A_531 = arith.ori %and3A_528, %or3A_530 : vector<16xi32>
        %gather3A_532 = tpu.vector_load_idx %arg12[%add3A_484, %and3A_528] : memref<128x32xf32, #tpu.memory_space<vmem>>[vector<16xi32>, vector<16xi32>], vector<16xf32>,
        %gather3A_533 = tpu.vector_load_idx %arg16[%add3A_484, %or3A_531] : memref<128x32xf32, #tpu.memory_space<vmem>>[vector<16xi32>, vector<16xi32>], vector<16xf32>,
        %gather3A_534 = tpu.vector_load_idx %arg12[%add3A_484, %or3A_531] : memref<128x32xf32, #tpu.memory_space<vmem>>[vector<16xi32>, vector<16xi32>], vector<16xf32>,
        %gather3A_535 = tpu.vector_load_idx %arg16[%add3A_484, %and3A_528] : memref<128x32xf32, #tpu.memory_space<vmem>>[vector<16xi32>, vector<16xi32>], vector<16xf32>,
        %mul3A_536 = arith.mulf %gather3A_532, %gather3A_533 : vector<16xf32>
        %add3A_537 = arith.addf %add3A_520, %mul3A_536 : vector<16xf32>
        %mul3A_538 = arith.mulf %gather3A_534, %gather3A_535 : vector<16xf32>
        %add3A_539 = arith.addf %add3A_522, %mul3A_538 : vector<16xf32>
        %add3A_540 = arith.constant 3 : i32
        %add3A_541 = vector.broadcast %add3A_540 : i32 to vector<16xi32>
        %add3A_542 = arith.addi %iota3A_480, %add3A_541 : vector<16xi32>
        %and3A_543 = arith.constant 15 : i32
        %and3A_544 = vector.broadcast %and3A_543 : i32 to vector<16xi32>
        %and3A_545 = arith.andi %add3A_542, %and3A_544 : vector<16xi32>
        %or3A_546 = arith.constant 16 : i32
        %or3A_547 = vector.broadcast %or3A_546 : i32 to vector<16xi32>
        %or3A_548 = arith.ori %and3A_545, %or3A_547 : vector<16xi32>
        %gather3A_549 = tpu.vector_load_idx %arg12[%add3A_484, %and3A_545] : memref<128x32xf32, #tpu.memory_space<vmem>>[vector<16xi32>, vector<16xi32>], vector<16xf32>,
        %gather3A_550 = tpu.vector_load_idx %arg16[%add3A_484, %or3A_548] : memref<128x32xf32, #tpu.memory_space<vmem>>[vector<16xi32>, vector<16xi32>], vector<16xf32>,
        %gather3A_551 = tpu.vector_load_idx %arg12[%add3A_484, %or3A_548] : memref<128x32xf32, #tpu.memory_space<vmem>>[vector<16xi32>, vector<16xi32>], vector<16xf32>,
        %gather3A_552 = tpu.vector_load_idx %arg16[%add3A_484, %and3A_545] : memref<128x32xf32, #tpu.memory_space<vmem>>[vector<16xi32>, vector<16xi32>], vector<16xf32>,
        %mul3A_553 = arith.mulf %gather3A_549, %gather3A_550 : vector<16xf32>
        %add3A_554 = arith.addf %add3A_537, %mul3A_553 : vector<16xf32>
        %mul3A_555 = arith.mulf %gather3A_551, %gather3A_552 : vector<16xf32>
        %add3A_556 = arith.addf %add3A_539, %mul3A_555 : vector<16xf32>
        %add3A_557 = arith.constant 4 : i32
        %add3A_558 = vector.broadcast %add3A_557 : i32 to vector<16xi32>
        %add3A_559 = arith.addi %iota3A_480, %add3A_558 : vector<16xi32>
        %and3A_560 = arith.constant 15 : i32
        %and3A_561 = vector.broadcast %and3A_560 : i32 to vector<16xi32>
        %and3A_562 = arith.andi %add3A_559, %and3A_561 : vector<16xi32>
        %or3A_563 = arith.constant 16 : i32
        %or3A_564 = vector.broadcast %or3A_563 : i32 to vector<16xi32>
        %or3A_565 = arith.ori %and3A_562, %or3A_564 : vector<16xi32>
        %gather3A_566 = tpu.vector_load_idx %arg12[%add3A_484, %and3A_562] : memref<128x32xf32, #tpu.memory_space<vmem>>[vector<16xi32>, vector<16xi32>], vector<16xf32>,
        %gather3A_567 = tpu.vector_load_idx %arg16[%add3A_484, %or3A_565] : memref<128x32xf32, #tpu.memory_space<vmem>>[vector<16xi32>, vector<16xi32>], vector<16xf32>,
        %gather3A_568 = tpu.vector_load_idx %arg12[%add3A_484, %or3A_565] : memref<128x32xf32, #tpu.memory_space<vmem>>[vector<16xi32>, vector<16xi32>], vector<16xf32>,
        %gather3A_569 = tpu.vector_load_idx %arg16[%add3A_484, %and3A_562] : memref<128x32xf32, #tpu.memory_space<vmem>>[vector<16xi32>, vector<16xi32>], vector<16xf32>,
        %mul3A_570 = arith.mulf %gather3A_566, %gather3A_567 : vector<16xf32>
        %add3A_571 = arith.addf %add3A_554, %mul3A_570 : vector<16xf32>
        %mul3A_572 = arith.mulf %gather3A_568, %gather3A_569 : vector<16xf32>
        %add3A_573 = arith.addf %add3A_556, %mul3A_572 : vector<16xf32>
        %add3A_574 = arith.constant 5 : i32
        %add3A_575 = vector.broadcast %add3A_574 : i32 to vector<16xi32>
        %add3A_576 = arith.addi %iota3A_480, %add3A_575 : vector<16xi32>
        %and3A_577 = arith.constant 15 : i32
        %and3A_578 = vector.broadcast %and3A_577 : i32 to vector<16xi32>
        %and3A_579 = arith.andi %add3A_576, %and3A_578 : vector<16xi32>
        %or3A_580 = arith.constant 16 : i32
        %or3A_581 = vector.broadcast %or3A_580 : i32 to vector<16xi32>
        %or3A_582 = arith.ori %and3A_579, %or3A_581 : vector<16xi32>
        %gather3A_583 = tpu.vector_load_idx %arg12[%add3A_484, %and3A_579] : memref<128x32xf32, #tpu.memory_space<vmem>>[vector<16xi32>, vector<16xi32>], vector<16xf32>,
        %gather3A_584 = tpu.vector_load_idx %arg16[%add3A_484, %or3A_582] : memref<128x32xf32, #tpu.memory_space<vmem>>[vector<16xi32>, vector<16xi32>], vector<16xf32>,
        %gather3A_585 = tpu.vector_load_idx %arg12[%add3A_484, %or3A_582] : memref<128x32xf32, #tpu.memory_space<vmem>>[vector<16xi32>, vector<16xi32>], vector<16xf32>,
        %gather3A_586 = tpu.vector_load_idx %arg16[%add3A_484, %and3A_579] : memref<128x32xf32, #tpu.memory_space<vmem>>[vector<16xi32>, vector<16xi32>], vector<16xf32>,
        %mul3A_587 = arith.mulf %gather3A_583, %gather3A_584 : vector<16xf32>
        %add3A_588 = arith.addf %add3A_571, %mul3A_587 : vector<16xf32>
        %mul3A_589 = arith.mulf %gather3A_585, %gather3A_586 : vector<16xf32>
        %add3A_590 = arith.addf %add3A_573, %mul3A_589 : vector<16xf32>
        %add3A_591 = arith.constant 6 : i32
        %add3A_592 = vector.broadcast %add3A_591 : i32 to vector<16xi32>
        %add3A_593 = arith.addi %iota3A_480, %add3A_592 : vector<16xi32>
        %and3A_594 = arith.constant 15 : i32
        %and3A_595 = vector.broadcast %and3A_594 : i32 to vector<16xi32>
        %and3A_596 = arith.andi %add3A_593, %and3A_595 : vector<16xi32>
        %or3A_597 = arith.constant 16 : i32
        %or3A_598 = vector.broadcast %or3A_597 : i32 to vector<16xi32>
        %or3A_599 = arith.ori %and3A_596, %or3A_598 : vector<16xi32>
        %gather3A_600 = tpu.vector_load_idx %arg12[%add3A_484, %and3A_596] : memref<128x32xf32, #tpu.memory_space<vmem>>[vector<16xi32>, vector<16xi32>], vector<16xf32>,
        %gather3A_601 = tpu.vector_load_idx %arg16[%add3A_484, %or3A_599] : memref<128x32xf32, #tpu.memory_space<vmem>>[vector<16xi32>, vector<16xi32>], vector<16xf32>,
        %gather3A_602 = tpu.vector_load_idx %arg12[%add3A_484, %or3A_599] : memref<128x32xf32, #tpu.memory_space<vmem>>[vector<16xi32>, vector<16xi32>], vector<16xf32>,
        %gather3A_603 = tpu.vector_load_idx %arg16[%add3A_484, %and3A_596] : memref<128x32xf32, #tpu.memory_space<vmem>>[vector<16xi32>, vector<16xi32>], vector<16xf32>,
        %mul3A_604 = arith.mulf %gather3A_600, %gather3A_601 : vector<16xf32>
        %add3A_605 = arith.addf %add3A_588, %mul3A_604 : vector<16xf32>
        %mul3A_606 = arith.mulf %gather3A_602, %gather3A_603 : vector<16xf32>
        %add3A_607 = arith.addf %add3A_590, %mul3A_606 : vector<16xf32>
        %add3A_608 = arith.constant 7 : i32
        %add3A_609 = vector.broadcast %add3A_608 : i32 to vector<16xi32>
        %add3A_610 = arith.addi %iota3A_480, %add3A_609 : vector<16xi32>
        %and3A_611 = arith.constant 15 : i32
        %and3A_612 = vector.broadcast %and3A_611 : i32 to vector<16xi32>
        %and3A_613 = arith.andi %add3A_610, %and3A_612 : vector<16xi32>
        %or3A_614 = arith.constant 16 : i32
        %or3A_615 = vector.broadcast %or3A_614 : i32 to vector<16xi32>
        %or3A_616 = arith.ori %and3A_613, %or3A_615 : vector<16xi32>
        %gather3A_617 = tpu.vector_load_idx %arg12[%add3A_484, %and3A_613] : memref<128x32xf32, #tpu.memory_space<vmem>>[vector<16xi32>, vector<16xi32>], vector<16xf32>,
        %gather3A_618 = tpu.vector_load_idx %arg16[%add3A_484, %or3A_616] : memref<128x32xf32, #tpu.memory_space<vmem>>[vector<16xi32>, vector<16xi32>], vector<16xf32>,
        %gather3A_619 = tpu.vector_load_idx %arg12[%add3A_484, %or3A_616] : memref<128x32xf32, #tpu.memory_space<vmem>>[vector<16xi32>, vector<16xi32>], vector<16xf32>,
        %gather3A_620 = tpu.vector_load_idx %arg16[%add3A_484, %and3A_613] : memref<128x32xf32, #tpu.memory_space<vmem>>[vector<16xi32>, vector<16xi32>], vector<16xf32>,
        %mul3A_621 = arith.mulf %gather3A_617, %gather3A_618 : vector<16xf32>
        %add3A_622 = arith.addf %add3A_605, %mul3A_621 : vector<16xf32>
        %mul3A_623 = arith.mulf %gather3A_619, %gather3A_620 : vector<16xf32>
        %add3A_624 = arith.addf %add3A_607, %mul3A_623 : vector<16xf32>
        %add3A_625 = arith.constant 8 : i32
        %add3A_626 = vector.broadcast %add3A_625 : i32 to vector<16xi32>
        %add3A_627 = arith.addi %iota3A_480, %add3A_626 : vector<16xi32>
        %and3A_628 = arith.constant 15 : i32
        %and3A_629 = vector.broadcast %and3A_628 : i32 to vector<16xi32>
        %and3A_630 = arith.andi %add3A_627, %and3A_629 : vector<16xi32>
        %or3A_631 = arith.constant 16 : i32
        %or3A_632 = vector.broadcast %or3A_631 : i32 to vector<16xi32>
        %or3A_633 = arith.ori %and3A_630, %or3A_632 : vector<16xi32>
        %gather3A_634 = tpu.vector_load_idx %arg12[%add3A_484, %and3A_630] : memref<128x32xf32, #tpu.memory_space<vmem>>[vector<16xi32>, vector<16xi32>], vector<16xf32>,
        %gather3A_635 = tpu.vector_load_idx %arg16[%add3A_484, %or3A_633] : memref<128x32xf32, #tpu.memory_space<vmem>>[vector<16xi32>, vector<16xi32>], vector<16xf32>,
        %gather3A_636 = tpu.vector_load_idx %arg12[%add3A_484, %or3A_633] : memref<128x32xf32, #tpu.memory_space<vmem>>[vector<16xi32>, vector<16xi32>], vector<16xf32>,
        %gather3A_637 = tpu.vector_load_idx %arg16[%add3A_484, %and3A_630] : memref<128x32xf32, #tpu.memory_space<vmem>>[vector<16xi32>, vector<16xi32>], vector<16xf32>,
        %mul3A_638 = arith.mulf %gather3A_634, %gather3A_635 : vector<16xf32>
        %add3A_639 = arith.addf %add3A_622, %mul3A_638 : vector<16xf32>
        %mul3A_640 = arith.mulf %gather3A_636, %gather3A_637 : vector<16xf32>
        %add3A_641 = arith.addf %add3A_624, %mul3A_640 : vector<16xf32>
        %add3A_642 = arith.constant 9 : i32
        %add3A_643 = vector.broadcast %add3A_642 : i32 to vector<16xi32>
        %add3A_644 = arith.addi %iota3A_480, %add3A_643 : vector<16xi32>
        %and3A_645 = arith.constant 15 : i32
        %and3A_646 = vector.broadcast %and3A_645 : i32 to vector<16xi32>
        %and3A_647 = arith.andi %add3A_644, %and3A_646 : vector<16xi32>
        %or3A_648 = arith.constant 16 : i32
        %or3A_649 = vector.broadcast %or3A_648 : i32 to vector<16xi32>
        %or3A_650 = arith.ori %and3A_647, %or3A_649 : vector<16xi32>
        %gather3A_651 = tpu.vector_load_idx %arg12[%add3A_484, %and3A_647] : memref<128x32xf32, #tpu.memory_space<vmem>>[vector<16xi32>, vector<16xi32>], vector<16xf32>,
        %gather3A_652 = tpu.vector_load_idx %arg16[%add3A_484, %or3A_650] : memref<128x32xf32, #tpu.memory_space<vmem>>[vector<16xi32>, vector<16xi32>], vector<16xf32>,
        %gather3A_653 = tpu.vector_load_idx %arg12[%add3A_484, %or3A_650] : memref<128x32xf32, #tpu.memory_space<vmem>>[vector<16xi32>, vector<16xi32>], vector<16xf32>,
        %gather3A_654 = tpu.vector_load_idx %arg16[%add3A_484, %and3A_647] : memref<128x32xf32, #tpu.memory_space<vmem>>[vector<16xi32>, vector<16xi32>], vector<16xf32>,
        %mul3A_655 = arith.mulf %gather3A_651, %gather3A_652 : vector<16xf32>
        %add3A_656 = arith.addf %add3A_639, %mul3A_655 : vector<16xf32>
        %mul3A_657 = arith.mulf %gather3A_653, %gather3A_654 : vector<16xf32>
        %add3A_658 = arith.addf %add3A_641, %mul3A_657 : vector<16xf32>
        %add3A_659 = arith.constant 10 : i32
        %add3A_660 = vector.broadcast %add3A_659 : i32 to vector<16xi32>
        %add3A_661 = arith.addi %iota3A_480, %add3A_660 : vector<16xi32>
        %and3A_662 = arith.constant 15 : i32
        %and3A_663 = vector.broadcast %and3A_662 : i32 to vector<16xi32>
        %and3A_664 = arith.andi %add3A_661, %and3A_663 : vector<16xi32>
        %or3A_665 = arith.constant 16 : i32
        %or3A_666 = vector.broadcast %or3A_665 : i32 to vector<16xi32>
        %or3A_667 = arith.ori %and3A_664, %or3A_666 : vector<16xi32>
        %gather3A_668 = tpu.vector_load_idx %arg12[%add3A_484, %and3A_664] : memref<128x32xf32, #tpu.memory_space<vmem>>[vector<16xi32>, vector<16xi32>], vector<16xf32>,
        %gather3A_669 = tpu.vector_load_idx %arg16[%add3A_484, %or3A_667] : memref<128x32xf32, #tpu.memory_space<vmem>>[vector<16xi32>, vector<16xi32>], vector<16xf32>,
        %gather3A_670 = tpu.vector_load_idx %arg12[%add3A_484, %or3A_667] : memref<128x32xf32, #tpu.memory_space<vmem>>[vector<16xi32>, vector<16xi32>], vector<16xf32>,
        %gather3A_671 = tpu.vector_load_idx %arg16[%add3A_484, %and3A_664] : memref<128x32xf32, #tpu.memory_space<vmem>>[vector<16xi32>, vector<16xi32>], vector<16xf32>,
        %mul3A_672 = arith.mulf %gather3A_668, %gather3A_669 : vector<16xf32>
        %add3A_673 = arith.addf %add3A_656, %mul3A_672 : vector<16xf32>
        %mul3A_674 = arith.mulf %gather3A_670, %gather3A_671 : vector<16xf32>
        %add3A_675 = arith.addf %add3A_658, %mul3A_674 : vector<16xf32>
        %add3A_676 = arith.constant 11 : i32
        %add3A_677 = vector.broadcast %add3A_676 : i32 to vector<16xi32>
        %add3A_678 = arith.addi %iota3A_480, %add3A_677 : vector<16xi32>
        %and3A_679 = arith.constant 15 : i32
        %and3A_680 = vector.broadcast %and3A_679 : i32 to vector<16xi32>
        %and3A_681 = arith.andi %add3A_678, %and3A_680 : vector<16xi32>
        %or3A_682 = arith.constant 16 : i32
        %or3A_683 = vector.broadcast %or3A_682 : i32 to vector<16xi32>
        %or3A_684 = arith.ori %and3A_681, %or3A_683 : vector<16xi32>
        %gather3A_685 = tpu.vector_load_idx %arg12[%add3A_484, %and3A_681] : memref<128x32xf32, #tpu.memory_space<vmem>>[vector<16xi32>, vector<16xi32>], vector<16xf32>,
        %gather3A_686 = tpu.vector_load_idx %arg16[%add3A_484, %or3A_684] : memref<128x32xf32, #tpu.memory_space<vmem>>[vector<16xi32>, vector<16xi32>], vector<16xf32>,
        %gather3A_687 = tpu.vector_load_idx %arg12[%add3A_484, %or3A_684] : memref<128x32xf32, #tpu.memory_space<vmem>>[vector<16xi32>, vector<16xi32>], vector<16xf32>,
        %gather3A_688 = tpu.vector_load_idx %arg16[%add3A_484, %and3A_681] : memref<128x32xf32, #tpu.memory_space<vmem>>[vector<16xi32>, vector<16xi32>], vector<16xf32>,
        %mul3A_689 = arith.mulf %gather3A_685, %gather3A_686 : vector<16xf32>
        %add3A_690 = arith.addf %add3A_673, %mul3A_689 : vector<16xf32>
        %mul3A_691 = arith.mulf %gather3A_687, %gather3A_688 : vector<16xf32>
        %add3A_692 = arith.addf %add3A_675, %mul3A_691 : vector<16xf32>
        %add3A_693 = arith.constant 12 : i32
        %add3A_694 = vector.broadcast %add3A_693 : i32 to vector<16xi32>
        %add3A_695 = arith.addi %iota3A_480, %add3A_694 : vector<16xi32>
        %and3A_696 = arith.constant 15 : i32
        %and3A_697 = vector.broadcast %and3A_696 : i32 to vector<16xi32>
        %and3A_698 = arith.andi %add3A_695, %and3A_697 : vector<16xi32>
        %or3A_699 = arith.constant 16 : i32
        %or3A_700 = vector.broadcast %or3A_699 : i32 to vector<16xi32>
        %or3A_701 = arith.ori %and3A_698, %or3A_700 : vector<16xi32>
        %gather3A_702 = tpu.vector_load_idx %arg12[%add3A_484, %and3A_698] : memref<128x32xf32, #tpu.memory_space<vmem>>[vector<16xi32>, vector<16xi32>], vector<16xf32>,
        %gather3A_703 = tpu.vector_load_idx %arg16[%add3A_484, %or3A_701] : memref<128x32xf32, #tpu.memory_space<vmem>>[vector<16xi32>, vector<16xi32>], vector<16xf32>,
        %gather3A_704 = tpu.vector_load_idx %arg12[%add3A_484, %or3A_701] : memref<128x32xf32, #tpu.memory_space<vmem>>[vector<16xi32>, vector<16xi32>], vector<16xf32>,
        %gather3A_705 = tpu.vector_load_idx %arg16[%add3A_484, %and3A_698] : memref<128x32xf32, #tpu.memory_space<vmem>>[vector<16xi32>, vector<16xi32>], vector<16xf32>,
        %mul3A_706 = arith.mulf %gather3A_702, %gather3A_703 : vector<16xf32>
        %add3A_707 = arith.addf %add3A_690, %mul3A_706 : vector<16xf32>
        %mul3A_708 = arith.mulf %gather3A_704, %gather3A_705 : vector<16xf32>
        %add3A_709 = arith.addf %add3A_692, %mul3A_708 : vector<16xf32>
        %add3A_710 = arith.constant 13 : i32
        %add3A_711 = vector.broadcast %add3A_710 : i32 to vector<16xi32>
        %add3A_712 = arith.addi %iota3A_480, %add3A_711 : vector<16xi32>
        %and3A_713 = arith.constant 15 : i32
        %and3A_714 = vector.broadcast %and3A_713 : i32 to vector<16xi32>
        %and3A_715 = arith.andi %add3A_712, %and3A_714 : vector<16xi32>
        %or3A_716 = arith.constant 16 : i32
        %or3A_717 = vector.broadcast %or3A_716 : i32 to vector<16xi32>
        %or3A_718 = arith.ori %and3A_715, %or3A_717 : vector<16xi32>
        %gather3A_719 = tpu.vector_load_idx %arg12[%add3A_484, %and3A_715] : memref<128x32xf32, #tpu.memory_space<vmem>>[vector<16xi32>, vector<16xi32>], vector<16xf32>,
        %gather3A_720 = tpu.vector_load_idx %arg16[%add3A_484, %or3A_718] : memref<128x32xf32, #tpu.memory_space<vmem>>[vector<16xi32>, vector<16xi32>], vector<16xf32>,
        %gather3A_721 = tpu.vector_load_idx %arg12[%add3A_484, %or3A_718] : memref<128x32xf32, #tpu.memory_space<vmem>>[vector<16xi32>, vector<16xi32>], vector<16xf32>,
        %gather3A_722 = tpu.vector_load_idx %arg16[%add3A_484, %and3A_715] : memref<128x32xf32, #tpu.memory_space<vmem>>[vector<16xi32>, vector<16xi32>], vector<16xf32>,
        %mul3A_723 = arith.mulf %gather3A_719, %gather3A_720 : vector<16xf32>
        %add3A_724 = arith.addf %add3A_707, %mul3A_723 : vector<16xf32>
        %mul3A_725 = arith.mulf %gather3A_721, %gather3A_722 : vector<16xf32>
        %add3A_726 = arith.addf %add3A_709, %mul3A_725 : vector<16xf32>
        %add3A_727 = arith.constant 14 : i32
        %add3A_728 = vector.broadcast %add3A_727 : i32 to vector<16xi32>
        %add3A_729 = arith.addi %iota3A_480, %add3A_728 : vector<16xi32>
        %and3A_730 = arith.constant 15 : i32
        %and3A_731 = vector.broadcast %and3A_730 : i32 to vector<16xi32>
        %and3A_732 = arith.andi %add3A_729, %and3A_731 : vector<16xi32>
        %or3A_733 = arith.constant 16 : i32
        %or3A_734 = vector.broadcast %or3A_733 : i32 to vector<16xi32>
        %or3A_735 = arith.ori %and3A_732, %or3A_734 : vector<16xi32>
        %gather3A_736 = tpu.vector_load_idx %arg12[%add3A_484, %and3A_732] : memref<128x32xf32, #tpu.memory_space<vmem>>[vector<16xi32>, vector<16xi32>], vector<16xf32>,
        %gather3A_737 = tpu.vector_load_idx %arg16[%add3A_484, %or3A_735] : memref<128x32xf32, #tpu.memory_space<vmem>>[vector<16xi32>, vector<16xi32>], vector<16xf32>,
        %gather3A_738 = tpu.vector_load_idx %arg12[%add3A_484, %or3A_735] : memref<128x32xf32, #tpu.memory_space<vmem>>[vector<16xi32>, vector<16xi32>], vector<16xf32>,
        %gather3A_739 = tpu.vector_load_idx %arg16[%add3A_484, %and3A_732] : memref<128x32xf32, #tpu.memory_space<vmem>>[vector<16xi32>, vector<16xi32>], vector<16xf32>,
        %mul3A_740 = arith.mulf %gather3A_736, %gather3A_737 : vector<16xf32>
        %add3A_741 = arith.addf %add3A_724, %mul3A_740 : vector<16xf32>
        %mul3A_742 = arith.mulf %gather3A_738, %gather3A_739 : vector<16xf32>
        %add3A_743 = arith.addf %add3A_726, %mul3A_742 : vector<16xf32>
        %add3A_744 = arith.constant 15 : i32
        %add3A_745 = vector.broadcast %add3A_744 : i32 to vector<16xi32>
        %add3A_746 = arith.addi %iota3A_480, %add3A_745 : vector<16xi32>
        %and3A_747 = arith.constant 15 : i32
        %and3A_748 = vector.broadcast %and3A_747 : i32 to vector<16xi32>
        %and3A_749 = arith.andi %add3A_746, %and3A_748 : vector<16xi32>
        %or3A_750 = arith.constant 16 : i32
        %or3A_751 = vector.broadcast %or3A_750 : i32 to vector<16xi32>
        %or3A_752 = arith.ori %and3A_749, %or3A_751 : vector<16xi32>
        %gather3A_753 = tpu.vector_load_idx %arg12[%add3A_484, %and3A_749] : memref<128x32xf32, #tpu.memory_space<vmem>>[vector<16xi32>, vector<16xi32>], vector<16xf32>,
        %gather3A_754 = tpu.vector_load_idx %arg16[%add3A_484, %or3A_752] : memref<128x32xf32, #tpu.memory_space<vmem>>[vector<16xi32>, vector<16xi32>], vector<16xf32>,
        %gather3A_755 = tpu.vector_load_idx %arg12[%add3A_484, %or3A_752] : memref<128x32xf32, #tpu.memory_space<vmem>>[vector<16xi32>, vector<16xi32>], vector<16xf32>,
        %gather3A_756 = tpu.vector_load_idx %arg16[%add3A_484, %and3A_749] : memref<128x32xf32, #tpu.memory_space<vmem>>[vector<16xi32>, vector<16xi32>], vector<16xf32>,
        %mul3A_757 = arith.mulf %gather3A_753, %gather3A_754 : vector<16xf32>
        %add3A_758 = arith.addf %add3A_741, %mul3A_757 : vector<16xf32>
        %mul3A_759 = arith.mulf %gather3A_755, %gather3A_756 : vector<16xf32>
        %add3A_760 = arith.addf %add3A_743, %mul3A_759 : vector<16xf32>
        %max3A_761 = arith.constant -3.000000e+01 : f32
        %max3A_762 = vector.broadcast %max3A_761 : f32 to vector<16xf32>
        %max3A_763 = arith.maximumf %add3A_758, %max3A_762 : vector<16xf32>
        %neg3A_764 = arith.constant 0.000000e+00 : f32
        %neg3A_765 = vector.broadcast %neg3A_764 : f32 to vector<16xf32>
        %neg3A_766 = arith.subf %neg3A_765, %max3A_763 : vector<16xf32>
        %exp3A_767 = math.exp %neg3A_766 : vector<16xf32>
        %max3A_768 = arith.constant -3.000000e+01 : f32
        %max3A_769 = vector.broadcast %max3A_768 : f32 to vector<16xf32>
        %max3A_770 = arith.maximumf %add3A_760, %max3A_769 : vector<16xf32>
        %neg3A_771 = arith.constant 0.000000e+00 : f32
        %neg3A_772 = vector.broadcast %neg3A_771 : f32 to vector<16xf32>
        %neg3A_773 = arith.subf %neg3A_772, %max3A_770 : vector<16xf32>
        %exp3A_774 = math.exp %neg3A_773 : vector<16xf32>
        %add3A_775 = arith.addf %exp3A_767, %exp3A_774 : vector<16xf32>
        %mul3A_776 = arith.constant 5.000000e-01 : f32
        %mul3A_777 = vector.broadcast %mul3A_776 : f32 to vector<16xf32>
        %mul3A_778 = arith.mulf %mul3A_777, %add3A_775 : vector<16xf32>
        %add3A_779 = arith.constant 1.000000e+00 : f32
        %add3A_780 = vector.broadcast %add3A_779 : f32 to vector<16xf32>
        %add3A_781 = arith.addf %add3A_780, %mul3A_778 : vector<16xf32>
        %add3A_782 = arith.constant 1.000000e+00 : f32
        %add3A_783 = vector.broadcast %add3A_782 : f32 to vector<16xf32>
        %add3A_784 = arith.addf %add3A_783, %exp3A_767 : vector<16xf32>
        %add3A_785 = arith.constant 1.000000e+00 : f32
        %add3A_786 = vector.broadcast %add3A_785 : f32 to vector<16xf32>
        %add3A_787 = arith.addf %add3A_786, %exp3A_774 : vector<16xf32>
        %mul3A_788 = arith.mulf %add3A_784, %add3A_787 : vector<16xf32>
        %div3A_789 = arith.divf %add3A_781, %mul3A_788 : vector<16xf32>
        %mul3A_790 = arith.constant 128 : i32
        %mul3A_791 = arith.muli %add3A_143, %mul3A_790 : i32
        %mul3A_792 = arith.constant 16 : i32
        %mul3A_793 = arith.muli %scan3A_479, %mul3A_792 : i32
        %add3A_794 = arith.addi %mul3A_791, %mul3A_793 : i32
        %swap3A_795 = arith.index_cast %add3A_794 : i32 to index
        %swap3A_796 = tpu.vector_load %arg17[%swap3A_795] {strides = array<i32>} : memref<10240xf32, #tpu.memory_space<vmem>>, vector<16xf32>,
        tpu.vector_store %arg17[%swap3A_795], %div3A_789 {strides = array<i32>} : memref<10240xf32, #tpu.memory_space<vmem>>, vector<16xf32>,
      }
      %scan3A_169 = arith.constant 8 : i32
    }
    %scan3A_52 = arith.constant 20 : i32
    "tpu.region"() ({
      %run_scoped3A = tpu.sem_alloc : memref<!tpu.dma_semaphore, #tpu.memory_space<semaphore_mem>>
      %dma_start3A_53 = tpu.memref_slice %arg5[%mul3A_2] : memref<327680xf32, #tpu.memory_space<hbm>> -> memref<10240xf32, #tpu.memory_space<hbm>>
      %dma_start3A_54 = tpu.memref_slice %arg5[%mul3A_2] : memref<327680xf32, #tpu.memory_space<hbm>> -> memref<10240xf32, #tpu.memory_space<hbm>>
      tpu.enqueue_dma source(%arg17 : memref<10240xf32, #tpu.memory_space<vmem>>) target(%dma_start3A_54 : memref<10240xf32, #tpu.memory_space<hbm>>) target_semaphore(%run_scoped3A : memref<!tpu.dma_semaphore, #tpu.memory_space<semaphore_mem>>)
      %dma_wait3A_55 = tpu.memref_slice %arg5[%mul3A_2] : memref<327680xf32, #tpu.memory_space<hbm>> -> memref<10240xf32, #tpu.memory_space<hbm>>
      %dma_wait3A_56 = tpu.memref_slice %arg5[%mul3A_2] : memref<327680xf32, #tpu.memory_space<hbm>> -> memref<10240xf32, #tpu.memory_space<hbm>>
      tpu.wait_dma2 semaphore(%run_scoped3A : memref<!tpu.dma_semaphore, #tpu.memory_space<semaphore_mem>>) src(%arg17 : memref<10240xf32, #tpu.memory_space<vmem>>) dst(%dma_wait3A_56 : memref<10240xf32, #tpu.memory_space<hbm>>)
      tpu.yield
    }) : () -> ()
    return
  }
}

module attributes {stable_mosaic.version = 14 : i64} {
  func.func @_table_body(%arg0: memref<10000x128xf32, #tpu.memory_space<vmem>>, %arg1: memref<10000x16xf32, #tpu.memory_space<vmem>>, %arg2: memref<16x128xf32, #tpu.memory_space<vmem>>, %arg3: memref<2x320000xi32, #tpu.memory_space<any>>, %arg4: memref<10000x32xf32, #tpu.memory_space<vmem>>, %arg5: memref<327680xi32, #tpu.memory_space<any>>, %arg6: memref<327680xi32, #tpu.memory_space<any>>, %arg7: memref<1x7680xi32, #tpu.memory_space<vmem>>, %arg8: memref<!tpu.dma_semaphore, #tpu.memory_space<semaphore_mem>>) attributes {dimension_semantics = [], scalar_prefetch = 0 : i64, scratch_operands = 2 : i64, tpu.core_type = #tpu.core_type<tc>} {
    %get3A = arith.constant 0 : index
    %get3A_0 = arith.constant 0 : index
    %get3A_1 = vector.load %arg0[%get3A, %get3A_0] : memref<10000x128xf32, #tpu.memory_space<vmem>>, vector<10000x128xf32>
    %get3A_2 = arith.constant 0 : index
    %get3A_3 = arith.constant 0 : index
    %get3A_4 = vector.load %arg2[%get3A_2, %get3A_3] : memref<16x128xf32, #tpu.memory_space<vmem>>, vector<16x128xf32>
    %dot_general3A = arith.constant dense<0.000000e+00> : vector<10000x16xf32>
    %dot_general3A_5 = tpu.matmul %get3A_1, %get3A_4, %dot_general3A {dimension_numbers = #tpu.dot_dimension_numbers<[1], [1], [0], [0], [0, 0, 1, 0], [], []>, precision = #tpu.contract_precision<fp32>, transpose_lhs_hint = false} : vector<10000x128xf32>, vector<16x128xf32>, vector<10000x16xf32> -> vector<10000x16xf32>
    %get3A_6 = arith.constant 0 : index
    %get3A_7 = arith.constant 0 : index
    %get3A_8 = vector.load %arg1[%get3A_6, %get3A_7] : memref<10000x16xf32, #tpu.memory_space<vmem>>, vector<10000x16xf32>
    %concatenate3A = tpu.concatenate %dot_general3A_5, %get3A_8 in 1 : vector<10000x16xf32>, vector<10000x16xf32> -> vector<10000x32xf32>
    %swap3A = arith.constant 0 : index
    %swap3A_9 = arith.constant 0 : index
    %swap3A_10 = vector.load %arg4[%swap3A, %swap3A_9] : memref<10000x32xf32, #tpu.memory_space<vmem>>, vector<10000x32xf32>
    tpu.vector_store %arg4[%swap3A, %swap3A_9], %concatenate3A {strides = array<i32>} : memref<10000x32xf32, #tpu.memory_space<vmem>>, vector<10000x32xf32>,
    %broadcast_in_dim3A = arith.constant 0 : i32
    %broadcast_in_dim3A_11 = vector.broadcast %broadcast_in_dim3A : i32 to vector<1x7680xi32>
    %swap3A_12 = arith.constant 0 : index
    %swap3A_13 = arith.constant 0 : index
    %swap3A_14 = vector.load %arg7[%swap3A_12, %swap3A_13] : memref<1x7680xi32, #tpu.memory_space<vmem>>, vector<1x7680xi32>
    tpu.vector_store %arg7[%swap3A_12, %swap3A_13], %broadcast_in_dim3A_11 {strides = array<i32>} : memref<1x7680xi32, #tpu.memory_space<vmem>>, vector<1x7680xi32>,
    %dma_start3A = arith.constant 0 : i32
    %dma_start3A_15 = arith.constant 0 : i32
    %dma_start3A_16 = tpu.memref_slice %arg5[%dma_start3A_15] : memref<327680xi32, #tpu.memory_space<any>> -> memref<320000xi32, #tpu.memory_space<any>>
    %dma_start3A_17 = arith.constant 0 : i32
    %dma_start3A_18 = tpu.memref_slice %arg3[%dma_start3A, %dma_start3A_17] : memref<2x320000xi32, #tpu.memory_space<any>> -> memref<1x320000xi32, #tpu.memory_space<any>>
    %dma_start3A_19 = tpu.memref_squeeze %dma_start3A_18 : memref<1x320000xi32, #tpu.memory_space<any>> -> memref<320000xi32, #tpu.memory_space<any>>
    tpu.enqueue_dma source(%dma_start3A_19 : memref<320000xi32, #tpu.memory_space<any>>) target(%dma_start3A_16 : memref<320000xi32, #tpu.memory_space<any>>) target_semaphore(%arg8 : memref<!tpu.dma_semaphore, #tpu.memory_space<semaphore_mem>>)
    %dma_start3A_20 = arith.constant 1 : i32
    %dma_start3A_21 = arith.constant 0 : i32
    %dma_start3A_22 = tpu.memref_slice %arg6[%dma_start3A_21] : memref<327680xi32, #tpu.memory_space<any>> -> memref<320000xi32, #tpu.memory_space<any>>
    %dma_start3A_23 = arith.constant 0 : i32
    %dma_start3A_24 = tpu.memref_slice %arg3[%dma_start3A_20, %dma_start3A_23] : memref<2x320000xi32, #tpu.memory_space<any>> -> memref<1x320000xi32, #tpu.memory_space<any>>
    %dma_start3A_25 = tpu.memref_squeeze %dma_start3A_24 : memref<1x320000xi32, #tpu.memory_space<any>> -> memref<320000xi32, #tpu.memory_space<any>>
    tpu.enqueue_dma source(%dma_start3A_25 : memref<320000xi32, #tpu.memory_space<any>>) target(%dma_start3A_22 : memref<320000xi32, #tpu.memory_space<any>>) target_semaphore(%arg8 : memref<!tpu.dma_semaphore, #tpu.memory_space<semaphore_mem>>)
    %dma_start3A_26 = arith.constant 0 : i32
    %dma_start3A_27 = arith.constant 320000 : i32
    %dma_start3A_28 = tpu.memref_slice %arg5[%dma_start3A_27] : memref<327680xi32, #tpu.memory_space<any>> -> memref<7680xi32, #tpu.memory_space<any>>
    %dma_start3A_29 = arith.constant 0 : i32
    %dma_start3A_30 = tpu.memref_slice %arg7[%dma_start3A_26, %dma_start3A_29] : memref<1x7680xi32, #tpu.memory_space<vmem>> -> memref<1x7680xi32, #tpu.memory_space<vmem>>
    %dma_start3A_31 = tpu.memref_squeeze %dma_start3A_30 : memref<1x7680xi32, #tpu.memory_space<vmem>> -> memref<7680xi32, #tpu.memory_space<vmem>>
    tpu.enqueue_dma source(%dma_start3A_31 : memref<7680xi32, #tpu.memory_space<vmem>>) target(%dma_start3A_28 : memref<7680xi32, #tpu.memory_space<any>>) target_semaphore(%arg8 : memref<!tpu.dma_semaphore, #tpu.memory_space<semaphore_mem>>)
    %dma_start3A_32 = arith.constant 0 : i32
    %dma_start3A_33 = arith.constant 320000 : i32
    %dma_start3A_34 = tpu.memref_slice %arg6[%dma_start3A_33] : memref<327680xi32, #tpu.memory_space<any>> -> memref<7680xi32, #tpu.memory_space<any>>
    %dma_start3A_35 = arith.constant 0 : i32
    %dma_start3A_36 = tpu.memref_slice %arg7[%dma_start3A_32, %dma_start3A_35] : memref<1x7680xi32, #tpu.memory_space<vmem>> -> memref<1x7680xi32, #tpu.memory_space<vmem>>
    %dma_start3A_37 = tpu.memref_squeeze %dma_start3A_36 : memref<1x7680xi32, #tpu.memory_space<vmem>> -> memref<7680xi32, #tpu.memory_space<vmem>>
    tpu.enqueue_dma source(%dma_start3A_37 : memref<7680xi32, #tpu.memory_space<vmem>>) target(%dma_start3A_34 : memref<7680xi32, #tpu.memory_space<any>>) target_semaphore(%arg8 : memref<!tpu.dma_semaphore, #tpu.memory_space<semaphore_mem>>)
    %dma_wait3A = arith.constant 0 : i32
    %dma_wait3A_38 = arith.constant 0 : i32
    %dma_wait3A_39 = tpu.memref_slice %arg5[%dma_wait3A_38] : memref<327680xi32, #tpu.memory_space<any>> -> memref<320000xi32, #tpu.memory_space<any>>
    %dma_wait3A_40 = arith.constant 0 : i32
    %dma_wait3A_41 = tpu.memref_slice %arg3[%dma_wait3A, %dma_wait3A_40] : memref<2x320000xi32, #tpu.memory_space<any>> -> memref<1x320000xi32, #tpu.memory_space<any>>
    %dma_wait3A_42 = tpu.memref_squeeze %dma_wait3A_41 : memref<1x320000xi32, #tpu.memory_space<any>> -> memref<320000xi32, #tpu.memory_space<any>>
    tpu.wait_dma2 semaphore(%arg8 : memref<!tpu.dma_semaphore, #tpu.memory_space<semaphore_mem>>) src(%dma_wait3A_42 : memref<320000xi32, #tpu.memory_space<any>>) dst(%dma_wait3A_39 : memref<320000xi32, #tpu.memory_space<any>>)
    %dma_wait3A_43 = arith.constant 1 : i32
    %dma_wait3A_44 = arith.constant 0 : i32
    %dma_wait3A_45 = tpu.memref_slice %arg6[%dma_wait3A_44] : memref<327680xi32, #tpu.memory_space<any>> -> memref<320000xi32, #tpu.memory_space<any>>
    %dma_wait3A_46 = arith.constant 0 : i32
    %dma_wait3A_47 = tpu.memref_slice %arg3[%dma_wait3A_43, %dma_wait3A_46] : memref<2x320000xi32, #tpu.memory_space<any>> -> memref<1x320000xi32, #tpu.memory_space<any>>
    %dma_wait3A_48 = tpu.memref_squeeze %dma_wait3A_47 : memref<1x320000xi32, #tpu.memory_space<any>> -> memref<320000xi32, #tpu.memory_space<any>>
    tpu.wait_dma2 semaphore(%arg8 : memref<!tpu.dma_semaphore, #tpu.memory_space<semaphore_mem>>) src(%dma_wait3A_48 : memref<320000xi32, #tpu.memory_space<any>>) dst(%dma_wait3A_45 : memref<320000xi32, #tpu.memory_space<any>>)
    %dma_wait3A_49 = arith.constant 0 : i32
    %dma_wait3A_50 = arith.constant 320000 : i32
    %dma_wait3A_51 = tpu.memref_slice %arg5[%dma_wait3A_50] : memref<327680xi32, #tpu.memory_space<any>> -> memref<7680xi32, #tpu.memory_space<any>>
    %dma_wait3A_52 = arith.constant 0 : i32
    %dma_wait3A_53 = tpu.memref_slice %arg7[%dma_wait3A_49, %dma_wait3A_52] : memref<1x7680xi32, #tpu.memory_space<vmem>> -> memref<1x7680xi32, #tpu.memory_space<vmem>>
    %dma_wait3A_54 = tpu.memref_squeeze %dma_wait3A_53 : memref<1x7680xi32, #tpu.memory_space<vmem>> -> memref<7680xi32, #tpu.memory_space<vmem>>
    tpu.wait_dma2 semaphore(%arg8 : memref<!tpu.dma_semaphore, #tpu.memory_space<semaphore_mem>>) src(%dma_wait3A_54 : memref<7680xi32, #tpu.memory_space<vmem>>) dst(%dma_wait3A_51 : memref<7680xi32, #tpu.memory_space<any>>)
    %dma_wait3A_55 = arith.constant 0 : i32
    %dma_wait3A_56 = arith.constant 320000 : i32
    %dma_wait3A_57 = tpu.memref_slice %arg6[%dma_wait3A_56] : memref<327680xi32, #tpu.memory_space<any>> -> memref<7680xi32, #tpu.memory_space<any>>
    %dma_wait3A_58 = arith.constant 0 : i32
    %dma_wait3A_59 = tpu.memref_slice %arg7[%dma_wait3A_55, %dma_wait3A_58] : memref<1x7680xi32, #tpu.memory_space<vmem>> -> memref<1x7680xi32, #tpu.memory_space<vmem>>
    %dma_wait3A_60 = tpu.memref_squeeze %dma_wait3A_59 : memref<1x7680xi32, #tpu.memory_space<vmem>> -> memref<7680xi32, #tpu.memory_space<vmem>>
    tpu.wait_dma2 semaphore(%arg8 : memref<!tpu.dma_semaphore, #tpu.memory_space<semaphore_mem>>) src(%dma_wait3A_60 : memref<7680xi32, #tpu.memory_space<vmem>>) dst(%dma_wait3A_57 : memref<7680xi32, #tpu.memory_space<any>>)
    return
  }
}

</mosaic_0001>

<sc_bundles>
// kernel: kernel.4.cloned.1.call-start
scs
__scs_entry_jumppad:
0x0: {  	(pc) =	sbr.rel $0x88, $3  }
0x1: {  	(tag) =	ssettag $0x0;
	lr =	simm.s32 $0x1  }
0x2: {  	[smem:$0x3F9D] =	sst lr;
	_ =	strace $0xD0000000  }
0x3: {  	_ = 	snop  }
0x4: {  	_ = 	snop  }
0x5: {  	_ = 	snop  }
0x6: {  	_ = 	snop  }
0x7: {  	_ = 	snop  }
__scs_overlays_trampoline_lowered:
0x8: {  	[smem:$0x3FAC] =	sst s0  }
0x9: {  	[smem:$0x3FAD] =	sst s1  }
0xa: {  	[smem:$0x3FAE] =	sst s2  }
0xb: {  	[smem:$0x3FAF] =	sst s3  }
0xc: {  	[smem:$0x3FB0] =	sst s4  }
0xd: {  	[smem:$0x3FB1] =	sst s5  }
0xe: {  	[smem:$0x3FB2] =	sst s6  }
0xf: {  	[smem:$0x3FB3] =	sst s7  }
0x10: {  	[smem:$0x3FB4] =	sst s8  }
0x11: {  	[smem:$0x3FB5] =	sst s9;
	s0 =	simm.s32 @!p0 $0x0  }
0x12: {  	s1 =	sld [smem:$0x3F9B];
	s0 =	simm.s32 @p0 $0x1  }
0x13: {  	[smem:$0x3FB6] =	sst s0;
	s0 =	simm.s32 @!p1 $0x0  }
0x14: {  	s2 =	sld [smem:$0x3F9A];
	s0 =	simm.s32 @p1 $0x1  }
0x15: {  	[smem:$0x3FB7] =	sst s0;
	s0 =	simm.s32 @!p2 $0x0  }
0x16: {  	s3 =	sld [smem:$0x3FDB];
	s0 =	simm.s32 @p2 $0x1  }
0x17: {  	s4 =	simm.s32 $0x1BF5;
	[smem:$0x3FB9] =	sst s0  }
0x18: {  	s0 =	sld [smem:$0x3F9C];
	_ =	swait.ge [sflag:s4], $0x0  }
0x19: {  	s7 =	sld [smem:$0x3F9D]  }
0x1a: {  	s8 =	sadd.s32 $0xFFFFE003, lr  }
0x1b: {  	s9 =	sadd.s32 $0xFFFFFEF7, lr;
	s5 =	simm.s32 $0xFFFFFFFF;
	p2 =	slt.u32 s8, $0xFFFFF086  }
0x1c: {  	p1 =	slt.u32 s9, $0xF7A;
	s5 =	simm.s32 @!p2 $0x0  }
0x1d: {  	s5 =	simm.s32 @p1 $0x1;
	p0 =	seq.s32 s7, s2  }
0x1e: {  	s7 =	smul.u32 @!p0 $0xF7A, s2;
	p2 =	seq.s32 @!p0 s5, $0x0  }
0x1f: {  	s9 =	smul.u32 $0xF7A, s1;
	s8 =	simm.s32 @!p0 $0x1BF5;
	p2 =	por !p2, p0  }
0x20: {  	[sflag:s8] =	ssyncset.s32 @!p0 $0xFFFFF086;
	s6 =	sadd.s32 @!p0 s3, s7;
	s7 =	simm.s32 @!p0 $0x108  }
0x21: {  	s3 =	sadd.s32 s3, s9;
	s6 =	sadd.s32 @!p0 $0x88, s6;
	s7 =	simm.s32 @p2 $0x1082  }
0x22: {  	[simem:s7], [sflag:s8] =	dma.local @!p0 [hbm:s6], $0xF7A  }
0x23: {  	s9 =	sor.u32 $0xD0000000, s2;
	s6 =	simm.s32 $0x108;
	_ =	swait.ge @!p0 [sflag:s8], $0x0  }
0x24: {  	s3 =	sadd.s32 $0x88, s3;
	s6 =	simm.s32 @!p1 $0x1082;
	[sflag:s4] =	ssyncset.s32 $0xFFFFF086  }
0x25: {  	[simem:s6], [sflag:s4] =	dma.local [hbm:s3], $0xF7A  }
0x26: {  	[smem:$0x3F9D] =	sst s1;
	(tag) =	ssettag s2;
	_ =	strace s9  }
0x27: {  	s1 =	sld [smem:$0x3FAD]  }
0x28: {  	s2 =	sld [smem:$0x3FAE]  }
0x29: {  	s4 =	sld [smem:$0x3FB0]  }
0x2a: {  	p0 =	seq.s32 s5, $0x0;
	s5 =	sld [smem:$0x3FB1]  }
0x2b: {  	s6 =	sld [smem:$0x3FB2]  }
0x2c: {  	s7 =	sld [smem:$0x3FB3]  }
0x2d: {  	s3 =	simm.s32 $0x108;
	s8 =	sld [smem:$0x3FB4]  }
0x2e: {  	s3 =	simm.s32 @!p0 $0x1082;
	s9 =	sld [smem:$0x3FB5]  }
0x2f: {  	lr =	sadd.s32 s0, s3;
	s0 =	sld [smem:$0x3FAC]  }
0x30: {  	s3 =	sld [smem:$0x3FAF]  }
0x31: {  	[smem:$0x3FB8] =	sst s10  }
0x32: {  	s10 =	sld [smem:$0x3FB6];
	_ =	sdelay $0x3  }
0x33: {  	p0 =	seq.s32 s10, $0x1;
	s10 =	sld [smem:$0x3FB8];
	_ =	sdelay $0x3  }
0x34: {  	[smem:$0x3FB8] =	sst s10  }
0x35: {  	s10 =	sld [smem:$0x3FB7];
	_ =	sdelay $0x3  }
0x36: {  	p1 =	seq.s32 s10, $0x1;
	s10 =	sld [smem:$0x3FB8];
	_ =	sdelay $0x3  }
0x37: {  	[smem:$0x3FB8] =	sst s10  }
0x38: {  	s10 =	sld [smem:$0x3FB9]  }
0x39: {  	_ = 	snop;
	(pc) =	sbr.ind lr, $3  }
0x3a: {  	_ = 	snop  }
0x3b: {  	_ = 	snop  }
0x3c: {  	p2 =	seq.s32 s10, $0x1;
	s10 =	sld [smem:$0x3FB8]  }
0x3d: {  	_ =	shalt  }
0x3e: {  	_ =	shalt  }
0x3f: {  	_ =	shalt  }
0x40: {  	_ =	shalt  }
0x41: {  	_ =	shalt  }
0x42: {  	_ =	shalt  }
0x43: {  	_ =	shalt  }
0x44: {  	_ =	shalt  }
0x45: {  	_ =	shalt  }
0x46: {  	_ =	shalt  }
0x47: {  	_ =	shalt  }
0x48: {  	_ =	shalt  }
0x49: {  	_ =	shalt  }
0x4a: {  	_ =	shalt  }
0x4b: {  	_ =	shalt  }
0x4c: {  	_ =	shalt  }
0x4d: {  	_ =	shalt  }
0x4e: {  	_ =	shalt  }
0x4f: {  	_ =	shalt  }
0x50: {  	_ =	shalt  }
0x51: {  	_ =	shalt  }
0x52: {  	_ =	shalt  }
0x53: {  	_ =	shalt  }
0x54: {  	_ =	shalt  }
0x55: {  	_ =	shalt  }
0x56: {  	_ =	shalt  }
0x57: {  	_ =	shalt  }
0x58: {  	_ =	shalt  }
0x59: {  	_ =	shalt  }
0x5a: {  	_ =	shalt  }
0x5b: {  	_ =	shalt  }
0x5c: {  	_ =	shalt  }
0x5d: {  	_ =	shalt  }
0x5e: {  	_ =	shalt  }
0x5f: {  	_ =	shalt  }
0x60: {  	_ =	shalt  }
0x61: {  	_ =	shalt  }
0x62: {  	_ =	shalt  }
0x63: {  	_ =	shalt  }
0x64: {  	_ =	shalt  }
0x65: {  	_ =	shalt  }
0x66: {  	_ =	shalt  }
0x67: {  	_ =	shalt  }
0x68: {  	_ =	shalt  }
0x69: {  	_ =	shalt  }
0x6a: {  	_ =	shalt  }
0x6b: {  	_ =	shalt  }
0x6c: {  	_ =	shalt  }
0x6d: {  	_ =	shalt  }
0x6e: {  	_ =	shalt  }
0x6f: {  	_ =	shalt  }
0x70: {  	_ =	shalt  }
0x71: {  	_ =	shalt  }
0x72: {  	_ =	shalt  }
0x73: {  	_ =	shalt  }
0x74: {  	_ =	shalt  }
0x75: {  	_ =	shalt  }
0x76: {  	_ =	shalt  }
0x77: {  	_ =	shalt  }
0x78: {  	_ =	shalt  }
0x79: {  	_ =	shalt  }
0x7a: {  	_ =	shalt  }
0x7b: {  	_ =	shalt  }
0x7c: {  	_ =	shalt  }
0x7d: {  	_ =	shalt  }
0x7e: {  	_ =	shalt  }
0x7f: {  	_ =	shalt  }
0x80: {  	_ =	shalt  }
0x81: {  	_ =	shalt  }
0x82: {  	_ =	shalt  }
0x83: {  	_ =	shalt  }
0x84: {  	_ =	shalt  }
0x85: {  	_ =	shalt  }
0x86: {  	_ =	shalt  }
0x87: {  	_ =	shalt  }
.Lfunc_end0:
.L_simem_size_0:
called_computation_lowered:
.L_overlay_start_0:
0x88: {  	s2 =	sld [smem:$0x3FD9]  }
0x89: {  	s3 =	sld [smem:$0x3FFE];
	_ =	sdelay $0x1  }
0x8a: {  	s1 =	srdreg.scid  }
0x8b: {  	s0 =	sand.u32 $0x1, s1  }
0x8c: {  	s17 =	sshll.u32 s0, $0xA;
	s2 =	sadd.s32 s3, s2  }
0x8d: {  	s2 =	sadd.s32 s2, s17  }
0x8e: {  	[smem:$0x3FC4] =	sst s2  }
0x8f: {  	_ = 	snop  }
0x90: {  	s2 =	sld [smem:$0x3FD0];
	(tm) =	ssettm $0x1  }
0x91: {  	s18 =	sld [smem:$0x3FFB];
	_ =	sdelay $0x3  }
0x92: {  	_ =	strace s18  }
0x93: {  	s3 =	sld [smem:$0x3FFC];
	_ =	sdelay $0x3  }
0x94: {  	_ =	strace s3  }
0x95: {  	s3 =	sld [smem:$0x3FFD];
	_ =	sdelay $0x3  }
0x96: {  	_ =	strace s3  }
0x97: {  	_ =	strace $0x8FFFFFFF  }
0x98: {  	s19 =	sld [smem:$0x3FDB];
	_ =	sdelay $0x1  }
0x99: {  	s4 =	simm.s32 $_scs_section_size  }
0x9a: {  	s5 =	simm.s32 $_size__tile_overlayer_lowered;
	s6 =	simm.s32 $_tile_overlayer_lowered  }
0x9b: {  	s22 =	simm.s32 $0x1BFF;
	s21 =	sshll.u32 s6, $0x1;
	s3 =	sadd.s32 s4, s19  }
0x9c: {  	s7 =	simm.s32 $0x0;
	s20 =	sshll.u32 s5, $0x1;
	s5 =	sadd.s32 s21, s3  }
0x9d: {  	[timem:s7], [sflag:s22] =	dma.local [hbm:s5], s20  }
0x9e: {  	_ =	swait.ge [sflag:s22], s20  }
0x9f: {  	s4 =	ssub.s32 $0x0, s20;
	[sflag:s22] =	ssyncset.done $0x0  }
0xa0: {  	[sflag:s22] =	ssyncadd.s32 s4;
	_ =	sdelay $0x1  }
0xa1: {  	s23 =	simm.s32 $0x1B8B  }
0xa2: {  	_ =	swait.ge [sflag:s23], $0x1  }
0xa3: {  	[sflag:s23] =	ssyncset.done $0x0  }
0xa4: {  	s25 =	simm.s32 $0x1B8E;
	s24 =	sld [smem:$0x3FFE];
	[sflag:s23] =	ssyncadd.s32 $0xFFFFFFFF  }
0xa5: {  	s26 =	simm.s32 $execute0_lowered;
	[smem:$0x3FD2] =	sst s25  }
0xa6: {  	s5 =	sshll.u32 s26, $0x1;
	_ =	strace $0x80000046;
	[dreg:$0x1] =	wrdreg $0xFFFFFFFF  }
0xa7: {  	s28 =	simm.s32 $_size_execute0_lowered;
	s3 =	sadd.s32 s3, s5;
	[dreg:$0x0] =	wrdreg $0x0  }
0xa8: {  	s5 =	sshll.u32 s28, $0x1;
	[dreg:$0x2] =	wrdreg s3  }
0xa9: {  	[dreg:$0x3] =	wrdreg s5  }
0xaa: {  	[dreg:$0x4] =	wrdreg $0xC0  }
0xab: {  	_ =	task [dreg:s7], $0x5FFFF  }
0xac: {  	[dreg:$0x1] =	wrdreg $0xFFFFFFFF  }
0xad: {  	[dreg:$0x0] =	wrdreg $0x60  }
0xae: {  	[dreg:$0x2] =	wrdreg s2  }
0xaf: {  	[dreg:$0x3] =	wrdreg s24  }
0xb0: {  	[dreg:$0x4] =	wrdreg $0x0  }
0xb1: {  	[dreg:$0x5] =	wrdreg $0x9  }
0xb2: {  	_ =	task.clear_ibuf [dreg:s7], $0x6FFFF;
	_ =	strace $0x90000046  }
0xb3: {  	s29 =	simm.s32 $0x9;
	_ =	strace $0x80000048  }
0xb4: {  	_ =	swait.ge [sflag:s29], $0x1  }
0xb5: {  	[sflag:s29] =	ssyncadd.s32 $0xFFFFFFFF  }
0xb6: {  	_ =	strace $0x90000048  }
0xb7: {  	_ =	sfence  }
0xb8: {  	s30 =	sld [smem:$0x0];
	_ =	sdelay $0x2  }
0xb9: {  	s31 =	sshll.u32 s1, $0xD;
	s1 =	sshrl.u32 s1, $0x2  }
0xba: {  	s3 =	sand.u32 $0x4000, s31;
	s1 =	sadd.s32 s1, s30  }
0xbb: {  	s0 =	sor.u32 s3, s0;
	s1 =	sshll.u32 s1, $0x11  }
0xbc: {  	s0 =	sor.u32 s1, s0  }
0xbd: {  	s0 =	sadd.s32 $0x8F2B, s0  }
0xbe: {  	[sflag:s0] =	ssyncadd.remote.s32 $0x1  }
0xbf: {  	_ =	sfence.sel $0xFFFF  }
0xc0: {  	[dreg:$0x0] =	wrdreg $0xFFFFFFFF;
	(pc) =	sbr.abs _section_cstart, $3  }
0xc1: {  	[dreg:$0x1] =	wrdreg $0xFFFFFFFF  }
0xc2: {  	_ =	task.clear_ibuf [dreg:s7], $0x2FFFF;
	_ =	strace $0x9FFFFFFF  }
0xc3: {  	(tm) =	ssettm $0x7FFFFFFF  }
tec
execute0_lowered:
.L_overlay_start_1:
0x0: {  	(tag) =	ssettag $0x1  }
0x1: {  	v1 =	vimm.s32 $0xFEDCBA9;
	v2 =	vimm.s32 $0x87654321;
	v8 =	vlaneseq.u32  }
0x2: {  	vm0 =	vcmask $0x1F10;
	v45 =	vimm.s32 $0x1C1B1A19;
	v46 =	vimm.s32 $0x101F1E1D  }
0x3: {  	v4 =	vimm.s32 $0x14131211;
	v47 =	vimm.s32 $0x18171615;
	v48 =	vimm.s32 $0x10FEDCBA  }
0x4: {  	v9 =	vimm.s32 $0x1D1C1B1A;
	v11 =	vimm.s32 $0x15141312;
	v12 =	vimm.s32 $0x210FEDCB  }
0x5: {  	v13 =	vimm.s32 $0xA9876543;
	v14 =	vimm.s32 $0x19181716;
	v15 =	vimm.s32 $0x16151413  }
0x6: {  	v16 =	vimm.s32 $0x3210FEDC;
	v18 =	vimm.s32 $0xBA987654;
	v19 =	vimm.s32 $0x1A191817  }
0x7: {  	v21 =	vimm.s32 $0x1F1E1D1C;
	v22 =	vimm.s32 $0x43210FED;
	v24 =	vimm.s32 $0x17161514  }
0x8: {  	v56 =	vimm.s32 $0x543210FE;
	v3 =	vunpack.c.l.s4.s8 v1;
	v2 =	vunpack.c.l.s4.s8 v2  }
0x9: {  	v26 =	vunpack.c.0.s8.s32 v46;
	v27 =	vunpack.c.0.s8.s32 v4;
	v4 =	vimm.s32 $0x98765432  }
0xa: {  	v30 =	vunpack.c.0.s8.s32 v47;
	v5 =	vunpack.c.l.s4.s8 v48;
	v49 =	vor.u32 $0x10, v8  }
0xb: {  	v37 =	vunpack.c.0.s8.s32 v9;
	v9 =	vimm.s32 $0x11101F1E;
	v12 =	vunpack.c.l.s4.s8 v12  }
0xc: {  	v13 =	vunpack.c.l.s4.s8 v13;
	v38 =	vunpack.c.0.s8.s32 v11;
	v39 =	vunpack.c.0.s8.s32 v14  }
0xd: {  	v14 =	vimm.s32 $0x1E1D1C1B;
	[tilespmem:$0x1FD60] =	vst v49;
	v44 =	vunpack.c.0.s8.s32 v2;
	v2 =	vsel vm0, v30, v27  }
0xe: {  	v43 =	vunpack.c.0.s8.s32 v3;
	v3 =	vunpack.c.0.s8.s32 v5;
	v5 =	vsel vm0, v39, v38;
	[tilespmem:$0x1FD70] =	vst v2  }
0xf: {  	v16 =	vunpack.c.l.s4.s8 v16;
	v18 =	vunpack.c.l.s4.s8 v18;
	v50 =	vunpack.c.0.s8.s32 v12;
	[tilespmem:$0x1FDD0] =	vst v5  }
0x10: {  	v46 =	vunpack.c.0.s8.s32 v21;
	v21 =	vimm.s32 $0x13121110;
	v51 =	vunpack.c.0.s8.s32 v13;
	[tilespmem:$0x1FD80] =	vst v3  }
0x11: {  	v6 =	vunpack.c.l.s4.s8 v4;
	v36 =	vunpack.c.0.s8.s32 v9;
	v52 =	vunpack.c.0.s8.s32 v16;
	[tilespmem:$0x1FDA0] =	vst v50  }
0x12: {  	v47 =	vunpack.c.0.s8.s32 v21;
	v21 =	vunpack.c.l.s4.s8 v22;
	v53 =	vunpack.c.0.s8.s32 v18;
	[tilespmem:$0x1FDB0] =	vst v51  }
0x13: {  	v41 =	vunpack.c.0.s8.s32 v14;
	v22 =	vimm.s32 $0xCBA98765;
	v4 =	vunpack.c.0.s8.s32 v6;
	[tilespmem:$0x1FE00] =	vst v52  }
0x14: {  	v14 =	vimm.s32 $0x1211101F;
	v22 =	vunpack.c.l.s4.s8 v22;
	v54 =	vunpack.c.0.s8.s32 v21;
	[tilespmem:$0x1FE10] =	vst v53  }
0x15: {  	v57 =	vimm.s32 $0xDCBA9876;
	v29 =	vunpack.c.0.s8.s32 v45;
	v40 =	vunpack.c.0.s8.s32 v14;
	[tilespmem:$0x1FD90] =	vst v4  }
0x16: {  	v55 =	vunpack.c.0.s8.s32 v22;
	v10 =	vcombine.low v4, v3;
	v4 =	vsel vm0, v36, v37;
	[tilespmem:$0x1FE20] =	vst v54  }
0x17: {  	v42 =	vunpack.c.0.s8.s32 v15;
	v45 =	vunpack.c.0.s8.s32 v19;
	v28 =	vunpack.c.l.s4.s8 v56;
	[tilespmem:$0x1FDC0] =	vst v4  }
0x18: {  	s0 =	rddreg [dreg:$0x0];
	s3 =	srdreg.scid;
	v31 =	vunpack.c.l.s4.s8 v57;
	v14 =	vcombine.low v5, v4;
	v4 =	vsel vm0, v40, v41;
	[tilespmem:$0x1FE30] =	vst v55  }
0x19: {  	s1 =	rddreg [dreg:$0x1];
	s4 =	sand.u32 $0x1, s3;
	v48 =	vunpack.c.0.s8.s32 v24;
	s3 =	simm.s32 $0x0;
	v24 =	vunpack.c.0.s8.s32 v28;
	v5 =	vsel vm0, v45, v42;
	[tilespmem:$0x1FDE0] =	vst v4  }
0x1a: {  	v25 =	vimm.s32 $0x1B1A1918;
	[smem:$0x7FF] =	sst s3;
	v6 =	vunpack.c.0.s8.s32 v31;
	[tilespmem:$0x1FDF0] =	vst v5  }
0x1b: {  	s2 =	rddreg [dreg:$0x2];
	v49 =	vunpack.c.0.s8.s32 v25;
	_ =	strace $0x80000047;
	[tilespmem:$0x1FE40] =	vst v24  }
0x1c: {  	v59 =	vcombine.low v5, v4;
	v4 =	vsel vm0, v47, v46;
	[tilespmem:$0x1FE50] =	vst v6  }
0x1d: {  	v5 =	vsel vm0, v49, v48;
	[tilespmem:$0x1FE60] =	vst v4  }
0x1e: {  	v58 =	vsel vm0, v27, v26;
	v33 =	vcombine.low v6, v24;
	[tilespmem:$0x1FE70] =	vst v5  }
0x1f: {  	v9 =	vand.u32 $0xF, v10;
	v10 =	vsel vm0, v29, v30;
	[tilespmem:$0x1FE80] =	vst v58  }
0x20: {  	v61 =	vand.u32 $0xF, v33;
	v33 =	vsel vm0, v38, v36;
	[tilespmem:$0x1FE90] =	vst v10  }
0x21: {  	v1 =	vsel vm0, v26, v29;
	v7 =	vcombine.low v44, v43;
	v41 =	vsel vm0, v41, v45;
	[tilespmem:$0x1FED0] =	vst v33  }
0x22: {  	v28 =	vmov v1;
	[tilespmem:$0x1FF10] =	vst v41  }
0x23: {  	v7 =	vand.u32 $0xF, v7;
	[tilespmem:$0x1FF30] =	vst v28  }
0x24: {  	v17 =	vcombine.low v51, v50;
	[tilespmem:$0x1FF40] =	vst v7  }
0x25: {  	[tilespmem:$0x1FF50] =	vst v9  }
0x26: {  	v20 =	vcombine.low v2, v1;
	v23 =	vcombine.low v53, v52;
	v17 =	vand.u32 $0xF, v17;
	[tilespmem:$0x1FF60] =	vst v14  }
0x27: {  	v31 =	vimm.s32 $0xEDCBA987;
	[tilespmem:$0x1FF70] =	vst v17  }
0x28: {  	v0 =	vmul.u32 $0x20, v8;
	v23 =	vand.u32 $0xF, v23;
	[tilespmem:$0x1FF80] =	vst v20  }
0x29: {  	v32 =	vcombine.low v55, v54;
	v55 =	vcombine.low v43, v44;
	[tilespmem:$0x1FF90] =	vst v23  }
0x2a: {  	s8 =	stileid.u32;
	s13 =	simm.s32 $0x5;
	s14 =	simm.s32 $0x80;
	v35 =	vunpack.c.l.s4.s8 v31;
	v31 =	vmov v0;
	[tilespmem:$0x1FFB0] =	vst v61  }
0x2b: {  	s15 =	simm.s32 $0x9E20;
	s16 =	simm.s32 $0xDE20;
	s18 =	simm.s32 $0xAE20;
	v29 =	vand.u32 $0xF, v55;
	[tilespmem:$0x1FFC0] =	vst v31  }
0x2c: {  	s28 =	simm.s32 $0x10E20;
	s29 =	simm.s32 $0x2;
	s30 =	simm.s32 $0x3;
	v25 =	vcombine.low v10, v58;
	[tilespmem:$0x1FFD0] =	vst v29  }
0x2d: {  	s31 =	simm.s32 $0x4;
	s17 =	simm.s32 $0x0;
	s20 =	sshll.u32 s8, $0x1;
	v30 =	vimm.s32 $0x6543210F;
	v60 =	vand.u32 $0xF, v32;
	v32 =	vunpack.c.0.s8.s32 v35;
	[tilespmem:$0x1FFE0] =	vst v59  }
0x2e: {  	s7 =	smul.u32 $0x4E20, s8;
	s23 =	sshll.u32 s8, $0x6;
	s5 =	sor.u32 s4, s20;
	v34 =	vunpack.c.l.s4.s8 v30;
	v30 =	vcombine.low v5, v4;
	[tilespmem:$0x1FEA0] =	vst v25  }
0x2f: {  	s4 =	ssub.s32 $0x2, s4;
	s24 =	sor.u32 $0x1C05, s23;
	s20 =	simm.s32 $0xEE20;
	[tilespmem:$0x1FEC0] =	vst v32  }
0x30: {  	s5 =	smul.u32 $0x500, s5;
	s6 =	sshrl.u32 s4, $0x1;
	s22 =	sshrl.u32 s7, $0x3;
	v35 =	vimm.s32 $0xFEDCBA98;
	v26 =	vunpack.c.0.s8.s32 v34;
	v34 =	vsel vm0, v37, v39;
	[tilespmem:$0x1FFA0] =	vst v30  }
0x31: {  	s21 =	sadd.s32 s7, s2;
	s4 =	ssub.s32 s4, s6;
	s0 =	sadd.s32 s0, s22;
	v51 =	vimm.s32 $0x76543210;
	v52 =	vunpack.c.l.s4.s8 v35;
	v39 =	vsel vm0, v42, v40;
	[tilespmem:$0x1FEE0] =	vst v34  }
0x32: {  	s10 =	sshrl.u32 s21, $0x3;
	s1 =	sadd.s32 s5, s1;
	v51 =	vunpack.c.l.s4.s8 v51;
	[dreg:$0x4] =	wrdreg s0;
	v40 =	vcombine.low v34, v33;
	[tilespmem:$0x1FF00] =	vst v39  }
0x33: {  	s22 =	simm.s32 $0xBE20;
	s25 =	sadd.s32 $0x1000, s1;
	[dreg:$0x5] =	wrdreg s24;
	v42 =	vunpack.c.0.s8.s32 v52;
	v0 =	vcombine.low v41, v39;
	[tilespmem:$0x1FEB0] =	vst v26;
	v50 =	vcombine.low v32, v26  }
0x34: {  	v57 =	vsel vm0, v48, v47;
	s9 =	smax.u32 s4, $0x1;
	s26 =	sadd.s32 $0xB000, s1;
	v54 =	vunpack.c.0.s8.s32 v51;
	[dreg:$0x6] =	wrdreg s25;
	[tilespmem:$0x1FEF0] =	vst v40  }
0x35: {  	s8 =	sadd.s32 $0x15000, s1;
	[dreg:$0x7] =	wrdreg s26;
	s24 =	simm.s32 $0xFE20;
	v58 =	vsel vm0, v46, v49;
	[tilespmem:$0x1FF20] =	vst v0;
	v56 =	vand.u32 $0xF, v42;
	v62 =	vand.u32 $0xF, v50  }
0x36: {  	s25 =	simm.s32 $0x1;
	s26 =	simm.s32 $0xCE20;
	s0 =	simm.s32 $0x6;
	v63 =	vcombine.low v56, v54;
	v50 =	vcombine.low v58, v57;
	[tilespmem:$0x1FFF0] =	vst v62  }
.LBB2_1:
0x37: {  	s1 =	rddreg [dreg:$0x4]  }
0x38: {  	s4 =	rddreg [dreg:$0x5]  }
0x39: {  	[spmem:s10], [sflag:s4] =	dma.local [hbm:s1], $0x9C4  }
0x3a: {  	s7 =	simm.s32 $0x4E20;
	s1 =	rddreg [dreg:$0x6]  }
0x3b: {  	[tilespmem:s7], [sflag:$0x5] =	stream.linear.gather [hbm4b:s1+s3], $0x2800, $0x38;
	[tilespmem:$0x14620] =	vst v63  }
0x3c: {  	s5 =	simm.s32 $0x7620;
	s11 =	rddreg [dreg:$0x7]  }
0x3d: {  	[tilespmem:s5], [sflag:$0x5] =	stream.linear.gather [hbm4b:s11+s3], $0x2800, $0x38;
	[tilespmem:$0x14620] =	vst v63  }
0x3e: {  	_ =	swait.ge [sflag:s13], $0x9C4  }
0x3f: {  	[sflag:s13] =	ssyncset.done $0x0  }
0x40: {  	[sflag:s13] =	ssyncadd.s32 $0xFFFFF63C  }
0x41: {  	_ =	swait.ge [sflag:s13], $0x2800  }
0x42: {  	[sflag:s13] =	ssyncset.done $0x0  }
0x43: {  	[sflag:s13] =	ssyncadd.s32 $0xFFFFD800  }
0x44: {  	_ =	swait.ge [sflag:s13], $0x2800  }
0x45: {  	[sflag:s13] =	ssyncset.done $0x0  }
0x46: {  	[sflag:s13] =	ssyncadd.s32 $0xFFFFD800  }
0x47: {  	[bflag:$0x0] =	sbarrier.arrive $0xFFFF  }
0x48: {  	[tilespmem:s15], [sflag:$0x1] =	stream.indirect.gather [spmem:s2], $0x20, s7, s14, $0xb8;
	[tilespmem:$0x14620] =	vst v63  }
0x49: {  	_ = 	snop  }
0x4a: {  	[tilespmem:s16], [sflag:$0x1] =	stream.indirect.gather [spmem:s2], $0x20, s5, s14, $0xb8;
	[tilespmem:$0x14620] =	vst v63  }
0x4b: {  	s12 =	simm.s32 $0x4EA0  }
0x4c: {  	[tilespmem:s18], [sflag:$0x2] =	stream.indirect.gather [spmem:s2], $0x20, s12, s14, $0xb8;
	[tilespmem:$0x14620] =	vst v63  }
0x4d: {  	s19 =	simm.s32 $0x76A0  }
0x4e: {  	[tilespmem:s20], [sflag:$0x2] =	stream.indirect.gather [spmem:s2], $0x20, s19, s14, $0xb8;
	[tilespmem:$0x14620] =	vst v63  }
0x4f: {  	s21 =	simm.s32 $0x4F20  }
0x50: {  	[tilespmem:s22], [sflag:$0x3] =	stream.indirect.gather [spmem:s2], $0x20, s21, s14, $0xb8;
	[tilespmem:$0x14620] =	vst v63  }
0x51: {  	s23 =	simm.s32 $0x7720;
	s6 =	simm.s32 $0x11E30;
	s1 =	simm.s32 $0x11FB0  }
0x52: {  	[tilespmem:s24], [sflag:$0x3] =	stream.indirect.gather [spmem:s2], $0x20, s23, s14, $0xb8;
	[tilespmem:$0x14620] =	vst v63  }
0x53: {  	s11 =	simm.s32 $0x0;
	s21 =	simm.s32 $0x11EB0;
	s23 =	simm.s32 $0x11F30  }
.LBB2_2:
0x54: {  	_ =	swait.ge [sflag:s25], $0x1000  }
0x55: {  	[sflag:s25] =	ssyncset.done $0x0  }
0x56: {  	[sflag:s25] =	ssyncadd.s32 $0xFFFFF000  }
0x57: {  	_ =	swait.ge [sflag:s25], $0x1000  }
0x58: {  	s12 =	sshll.u32 s11, $0x9;
	[sflag:s25] =	ssyncset.done $0x0  }
0x59: {  	s4 =	sadd.s32 $0x4FA0, s12;
	[sflag:s25] =	ssyncadd.s32 $0xFFFFF000  }
0x5a: {  	[tilespmem:s26], [sflag:$0x4] =	stream.indirect.gather [spmem:s2], $0x20, s4, s14, $0xb8;
	[tilespmem:$0x14620] =	vst v63  }
0x5b: {  	s19 =	sadd.s32 $0x77A0, s12  }
0x5c: {  	[tilespmem:s28], [sflag:$0x4] =	stream.indirect.gather [spmem:s2], $0x20, s19, s14, $0xb8;
	[tilespmem:$0x14620] =	vst v63  }
0x5d: {  	s5 =	simm.s32 $0x10;
	v4 =	vmovc v59;
	v41 =	vmovc v60;
	v24 =	vmov v61;
	v18 =	vmov v62;
	v32 =	vmov v63;
	s4 =	simm.s32 $0xFFFFFFFE;
	s19 =	smov.u32 s6  }
.LBB2_3:
0x5e: {  	s7 =	sadd.s32 $0xFFFFFFF0, s5  }
0x5f: {  	v46 =	vmov s7  }
0x60: {  	v46 =	vshll.u32 v46, $0x5  }
0x61: {  	v59 =	vor.u32 v31, v46  }
0x62: {  	v2 =	vld [tilespmem:$0x1FD60];
	v46 =	vor.u32 v8, v59  }
0x63: {  	v44 =	vld [tilespmem:$0x1FEA0]  }
0x64: {  	v40 =	vld [tilespmem:$0x1FEF0];
	v48 =	vor.u32 v7, v59  }
0x65: {  	v1 =	vld [tilespmem:$0x1FD70];
	v33 =	vor.u32 v20, v59  }
0x66: {  	v45 =	vld [tilespmem:$0x1FDC0]  }
0x67: {  	v49 =	vld.idx.msk [tilespmem:v46+s15+$0x0], $0xffff  }
0x68: {  	v34 =	vor.u32 v9, v59;
	v52 =	vld.idx.msk [tilespmem:v46+s16+$0x0], $0xffff  }
0x69: {  	v54 =	vor.u32 v14, v59;
	v53 =	vld.idx.msk [tilespmem:v48+s15+$0x0], $0xffff  }
0x6a: {  	v55 =	vld.idx.msk [tilespmem:v33+s16+$0x0], $0xffff  }
0x6b: {  	v0 =	vmov v50;
	v50 =	vld.idx.msk [tilespmem:v33+s15+$0x0], $0xffff  }
0x6c: {  	v35 =	vor.u32 v17, v59;
	v56 =	vld.idx.msk [tilespmem:v48+s16+$0x0], $0xffff  }
0x6d: {  	v58 =	vor.u32 v4, v59;
	v57 =	vld.idx.msk [tilespmem:v34+s15+$0x0], $0xffff  }
0x6e: {  	v60 =	vld.idx.msk [tilespmem:v54+s16+$0x0], $0xffff  }
0x6f: {  	v54 =	vld.idx.msk [tilespmem:v54+s15+$0x0], $0xffff  }
0x70: {  	v36 =	vor.u32 v23, v59;
	v61 =	vld.idx.msk [tilespmem:v34+s16+$0x0], $0xffff  }
0x71: {  	v63 =	vor.u32 v30, v59;
	v62 =	vld.idx.msk [tilespmem:v35+s15+$0x0], $0xffff  }
0x72: {  	v3 =	vld.idx.msk [tilespmem:v58+s16+$0x0], $0xffff  }
0x73: {  	v58 =	vld.idx.msk [tilespmem:v58+s15+$0x0], $0xffff  }
0x74: {  	v37 =	vor.u32 v41, v59;
	v4 =	vld.idx.msk [tilespmem:v35+s16+$0x0], $0xffff  }
0x75: {  	v5 =	vld.idx.msk [tilespmem:v36+s15+$0x0], $0xffff  }
0x76: {  	v38 =	vor.u32 v24, v59;
	v10 =	vld.idx.msk [tilespmem:v63+s16+$0x0], $0xffff  }
0x77: {  	v63 =	vld.idx.msk [tilespmem:v63+s15+$0x0], $0xffff  }
0x78: {  	v11 =	vld.idx.msk [tilespmem:v36+s16+$0x0], $0xffff  }
0x79: {  	v39 =	vor.u32 v18, v59;
	v12 =	vld.idx.msk [tilespmem:v37+s15+$0x0], $0xffff  }
0x7a: {  	v16 =	vld.idx.msk [tilespmem:v37+s16+$0x0], $0xffff  }
0x7b: {  	v18 =	vld.idx.msk [tilespmem:v38+s15+$0x0], $0xffff  }
0x7c: {  	v33 =	vld [tilespmem:$0x1FF20]  }
0x7d: {  	v22 =	vld.idx.msk [tilespmem:v38+s16+$0x0], $0xffff  }
0x7e: {  	v25 =	vld.idx.msk [tilespmem:v39+s15+$0x0], $0xffff  }
0x7f: {  	v1 =	vcombine.low v28, v1;
	v28 =	vld.idx.msk [tilespmem:v39+s16+$0x0], $0xffff  }
0x80: {  	v47 =	vor.u32 v2, v59;
	v34 =	vld [tilespmem:$0x1FD80]  }
0x81: {  	v35 =	vld [tilespmem:$0x1FD90]  }
0x82: {  	v6 =	vor.u32 v44, v59;
	v36 =	vld [tilespmem:$0x1FDD0]  }
0x83: {  	v38 =	vld [tilespmem:$0x1FDA0]  }
0x84: {  	v13 =	vor.u32 v40, v59;
	v39 =	vld [tilespmem:$0x1FDB0]  }
0x85: {  	v51 =	vld.idx.msk [tilespmem:v47+s16+$0x0], $0xffff  }
0x86: {  	v26 =	vor.u32 v0, v59;
	v47 =	vld.idx.msk [tilespmem:v47+s15+$0x0], $0xffff  }
0x87: {  	v15 =	vld.idx.msk [tilespmem:v6+s16+$0x0], $0xffff  }
0x88: {  	v6 =	vld.idx.msk [tilespmem:v6+s15+$0x0], $0xffff  }
0x89: {  	v21 =	vld.idx.msk [tilespmem:v13+s16+$0x0], $0xffff  }
0x8a: {  	v24 =	vor.u32 v32, v59;
	v13 =	vld.idx.msk [tilespmem:v13+s15+$0x0], $0xffff  }
0x8b: {  	v42 =	vcombine.low v34, v35;
	v34 =	vld.idx.msk [tilespmem:v26+s16+$0x0], $0xffff  }
0x8c: {  	v26 =	vld.idx.msk [tilespmem:v26+s15+$0x0], $0xffff  }
0x8d: {  	v19 =	vor.u32 v33, v59;
	v35 =	vcombine.low v38, v39;
	v39 =	vld [tilespmem:$0x1FE00]  }
0x8e: {  	v38 =	vld [tilespmem:$0x1FE70]  }
0x8f: {  	v49 =	vmul.f32 v51, v49;
	v51 =	vor.u32 v29, v59;
	v29 =	vld.idx.msk [tilespmem:v24+s15+$0x0], $0xffff  }
0x90: {  	v47 =	vmul.f32 v52, v47;
	v24 =	vld.idx.msk [tilespmem:v24+s16+$0x0], $0xffff  }
0x91: {  	v52 =	vor.u32 v1, v59;
	v48 =	vand.u32 $0xF, v42;
	v42 =	vld [tilespmem:$0x1FDE0]  }
0x92: {  	v50 =	vmul.f32 v56, v50;
	v43 =	vadd.f32 $0.0e+00, v47;
	v27 =	vld.idx.msk [tilespmem:v19+s16+$0x0], $0xffff  }
0x93: {  	v19 =	vld.idx.msk [tilespmem:v19+s15+$0x0], $0xffff  }
0x94: {  	v53 =	vmul.f32 v55, v53;
	v49 =	vadd.f32 $0.0e+00, v49;
	v55 =	vadd.f32 v50, v43;
	v43 =	vld [tilespmem:$0x1FDF0]  }
0x95: {  	v37 =	vmul.f32 v60, v57;
	v60 =	vld.idx.msk [tilespmem:v51+s15+$0x0], $0xffff  }
0x96: {  	v54 =	vmul.f32 v61, v54;
	v49 =	vadd.f32 v53, v49;
	v53 =	vor.u32 v48, v59;
	v61 =	vld.idx.msk [tilespmem:v52+s16+$0x0], $0xffff  }
0x97: {  	v47 =	vmov v1;
	v1 =	vcombine.low v45, v36;
	v36 =	vld.idx.msk [tilespmem:v52+s15+$0x0], $0xffff  }
0x98: {  	v3 =	vmul.f32 v3, v62;
	v4 =	vmul.f32 v4, v58;
	v62 =	vld.idx.msk [tilespmem:v51+s16+$0x0], $0xffff;
	v45 =	vadd.f32 v54, v55  }
0x99: {  	v51 =	vld [tilespmem:$0x1FE20];
	v56 =	vadd.f32 v37, v49  }
0x9a: {  	v4 =	vadd.f32 v4, v45;
	v45 =	vld [tilespmem:$0x1FE60]  }
0x9b: {  	v5 =	vmul.f32 v10, v5;
	v57 =	vor.u32 v1, v59;
	v3 =	vadd.f32 v3, v56;
	v37 =	vld.idx.msk [tilespmem:v53+s15+$0x0], $0xffff  }
0x9c: {  	v46 =	vmov v32;
	v32 =	vand.u32 $0xF, v35;
	v52 =	vcombine.low v42, v43;
	v42 =	vld [tilespmem:$0x1FE10]  }
0x9d: {  	v55 =	vor.u32 v32, v59;
	v3 =	vadd.f32 v5, v3;
	v5 =	vmul.f32 v11, v63;
	v11 =	vld.idx.msk [tilespmem:v53+s16+$0x0], $0xffff  }
0x9e: {  	v53 =	vld [tilespmem:$0x1FE30]  }
0x9f: {  	v63 =	vld [tilespmem:$0x1FE80]  }
0xa0: {  	v10 =	vld.idx.msk [tilespmem:v57+s16+$0x0], $0xffff  }
0xa1: {  	v35 =	vld.idx.msk [tilespmem:v57+s15+$0x0], $0xffff  }
0xa2: {  	v12 =	vmul.f32 v15, v12;
	v15 =	vld.idx.msk [tilespmem:v55+s15+$0x0], $0xffff;
	v45 =	vcombine.low v45, v38  }
0xa3: {  	v4 =	vadd.f32 v5, v4;
	v5 =	vmul.f32 v16, v6;
	v16 =	vld.idx.msk [tilespmem:v55+s16+$0x0], $0xffff  }
0xa4: {  	v43 =	vcombine.low v39, v42;
	v39 =	vld [tilespmem:$0x1FE40];
	v56 =	vor.u32 v45, v59  }
0xa5: {  	v42 =	vld [tilespmem:$0x1FE50]  }
0xa6: {  	v13 =	vmul.f32 v22, v13;
	v55 =	vld [tilespmem:$0x1FED0];
	v58 =	vcombine.low v51, v53  }
0xa7: {  	v3 =	vadd.f32 v12, v3;
	v38 =	vld [tilespmem:$0x1FE90];
	v4 =	vadd.f32 v5, v4;
	v5 =	vmul.f32 v21, v18  }
0xa8: {  	v50 =	vmovc v0;
	v54 =	vor.u32 v52, v59;
	v0 =	vand.u32 $0xF, v43;
	v43 =	vand.u32 $0xF, v58;
	v58 =	vld [tilespmem:$0x1FEB0]  }
0xa9: {  	v3 =	vadd.f32 v5, v3;
	v5 =	vld.idx.msk [tilespmem:v56+s16+$0x0], $0xffff  }
0xaa: {  	v4 =	vadd.f32 v13, v4;
	v51 =	vcombine.low v39, v42;
	v13 =	vld.idx.msk [tilespmem:v56+s15+$0x0], $0xffff  }
0xab: {  	v57 =	vor.u32 v0, v59;
	v56 =	vld [tilespmem:$0x1FEE0]  }
0xac: {  	v39 =	vand.u32 $0xF, v51;
	v51 =	vld [tilespmem:$0x1FEC0]  }
0xad: {  	v19 =	vmul.f32 v28, v19;
	v6 =	vld.idx.msk [tilespmem:v54+s16+$0x0], $0xffff  }
0xae: {  	v12 =	vld.idx.msk [tilespmem:v54+s15+$0x0], $0xffff;
	v54 =	vcombine.low v63, v38;
	v18 =	vor.u32 v43, v59  }
0xaf: {  	v4 =	vadd.f32 v19, v4;
	v19 =	vmul.f32 v34, v29;
	v34 =	vld [tilespmem:$0x1FF10]  }
0xb0: {  	v25 =	vmul.f32 v27, v25;
	v22 =	vor.u32 v54, v59;
	v21 =	vld.idx.msk [tilespmem:v57+s15+$0x0], $0xffff  }
0xb1: {  	v42 =	vcombine.low v55, v56;
	v55 =	vcombine.low v58, v51;
	v58 =	vld [tilespmem:$0x1FF00]  }
0xb2: {  	v3 =	vadd.f32 v25, v3;
	v27 =	vld.idx.msk [tilespmem:v57+s16+$0x0], $0xffff;
	v28 =	vor.u32 v39, v59  }
0xb3: {  	v63 =	vld.idx.msk [tilespmem:v18+s15+$0x0], $0xffff  }
0xb4: {  	v3 =	vadd.f32 v19, v3;
	v19 =	vmul.f32 v61, v60;
	v18 =	vld.idx.msk [tilespmem:v18+s16+$0x0], $0xffff;
	v38 =	vor.u32 v42, v59  }
0xb5: {  	v24 =	vmul.f32 v24, v26;
	v10 =	vmul.f32 v10, v37;
	v25 =	vld.idx.msk [tilespmem:v22+s16+$0x0], $0xffff;
	v57 =	vand.u32 $0xF, v55  }
0xb6: {  	v3 =	vadd.f32 v19, v3;
	v22 =	vld.idx.msk [tilespmem:v22+s15+$0x0], $0xffff;
	v26 =	vor.u32 v57, v59;
	v58 =	vcombine.low v58, v34  }
0xb7: {  	v4 =	vadd.f32 v24, v4;
	v24 =	vmul.f32 v62, v36;
	v29 =	vld.idx.msk [tilespmem:v28+s15+$0x0], $0xffff  }
0xb8: {  	v3 =	vadd.f32 v10, v3;
	v10 =	vld.idx.msk [tilespmem:v28+s16+$0x0], $0xffff;
	v36 =	vor.u32 v58, v59  }
0xb9: {  	v11 =	vmul.f32 v11, v35;
	v4 =	vadd.f32 v24, v4;
	v19 =	vld.idx.msk [tilespmem:v38+s16+$0x0], $0xffff  }
0xba: {  	v6 =	vmul.f32 v6, v15;
	v24 =	vld.idx.msk [tilespmem:v38+s15+$0x0], $0xffff  }
0xbb: {  	v4 =	vadd.f32 v11, v4;
	v11 =	vmul.f32 v16, v12;
	v12 =	vld.idx.msk [tilespmem:v26+s15+$0x0], $0xffff  }
0xbc: {  	v3 =	vadd.f32 v6, v3;
	v5 =	vmul.f32 v5, v21;
	v15 =	vld.idx.msk [tilespmem:v26+s16+$0x0], $0xffff  }
0xbd: {  	v4 =	vadd.f32 v11, v4;
	v11 =	vmul.f32 v27, v13;
	v6 =	vld.idx.msk [tilespmem:v36+s16+$0x0], $0xffff  }
0xbe: {  	v3 =	vadd.f32 v5, v3;
	v5 =	vmul.f32 v25, v63;
	v13 =	vld.idx.msk [tilespmem:v36+s15+$0x0], $0xffff  }
0xbf: {  	v4 =	vadd.f32 v11, v4;
	v11 =	vmul.f32 v18, v22  }
0xc0: {  	v3 =	vadd.f32 v5, v3;
	v5 =	vmul.f32 v19, v29  }
0xc1: {  	v4 =	vadd.f32 v11, v4;
	v10 =	vmul.f32 v10, v24  }
0xc2: {  	v3 =	vadd.f32 v5, v3;
	v5 =	vmul.f32 v6, v12  }
0xc3: {  	v4 =	vadd.f32 v10, v4;
	v6 =	vmul.f32 v15, v13  }
0xc4: {  	v3 =	vadd.f32 v5, v3  }
0xc5: {  	v4 =	vadd.f32 v6, v4  }
0xc6: {  	v3 =	vmax.f32 v3, $-3.000000000e+01  }
0xc7: {  	v4 =	vmax.f32 v4, $-3.000000000e+01;
	v3 =	vsub.f32 $0.0e+00, v3  }
0xc8: {  	v4 =	vsub.f32 $0.0e+00, v4  }
0xc9: {  	v3 =	vmul.f32 $1.442695020e+00, v3  }
0xca: {  	v4 =	vmul.f32 $1.442695020e+00, v4  }
0xcb: {  	(erf) = vpow2.f32 v3  }
0xcc: {  	(erf) = vpow2.f32 v4;
	_ =	sdelay $0x7  }
0xcd: {  	v3 =	vpop (erf)  }
0xce: {  	v4 =	vpop (erf)  }
0xcf: {  	v5 =	vadd.f32 $1.000000000e+00, v3;
	v6 =	vadd.f32 $1.000000000e+00, v4;
	_ =	sdelay $0x1  }
0xd0: {  	v5 =	vmul.f32 v6, v5;
	_ =	sdelay $0x1  }
0xd1: {  	(erf) = vrcp.f32 v5;
	_ =	sdelay $0x3  }
0xd2: {  	v3 =	vadd.f32 v4, v3  }
0xd3: {  	v4 =	vmov s5  }
0xd4: {  	v4 =	vshll.u32 v4, $0x5;
	v3 =	vmul.f32 $5.000000000e-01, v3  }
0xd5: {  	v59 =	vor.u32 v31, v4  }
0xd6: {  	v4 =	vor.u32 v8, v59;
	v3 =	vadd.f32 $1.000000000e+00, v3  }
0xd7: {  	v51 =	vld [tilespmem:$0x1FFB0];
	v6 =	vor.u32 v2, v59;
	v5 =	vpop (erf)  }
0xd8: {  	v63 =	vld [tilespmem:$0x1FFF0];
	v3 =	vmul.f32 v5, v3  }
0xd9: {  	v38 =	vld [tilespmem:$0x1FFE0]  }
0xda: {  	v10 =	vor.u32 v20, v59;
	v8 =	vld [tilespmem:$0x1FFD0];
	[tilespmem:s19+$0xFFFFFFF0] =	vst v3  }
0xdb: {  	v5 =	vld.idx.msk [tilespmem:v4+s15+$0x0], $0xffff  }
0xdc: {  	v12 =	vor.u32 v9, v59;
	v11 =	vld.idx.msk [tilespmem:v6+s16+$0x0], $0xffff  }
0xdd: {  	v15 =	vor.u32 v14, v59;
	v6 =	vld.idx.msk [tilespmem:v6+s15+$0x0], $0xffff  }
0xde: {  	v4 =	vld.idx.msk [tilespmem:v4+s16+$0x0], $0xffff  }
0xdf: {  	v16 =	vld.idx.msk [tilespmem:v10+s16+$0x0], $0xffff  }
0xe0: {  	v18 =	vor.u32 v17, v59;
	v10 =	vld.idx.msk [tilespmem:v10+s15+$0x0], $0xffff  }
0xe1: {  	v21 =	vor.u32 v38, v59;
	v19 =	vld.idx.msk [tilespmem:v12+s15+$0x0], $0xffff  }
0xe2: {  	v22 =	vld.idx.msk [tilespmem:v15+s16+$0x0], $0xffff  }
0xe3: {  	v15 =	vld.idx.msk [tilespmem:v15+s15+$0x0], $0xffff  }
0xe4: {  	v24 =	vor.u32 v23, v59;
	v12 =	vld.idx.msk [tilespmem:v12+s16+$0x0], $0xffff  }
0xe5: {  	v26 =	vor.u32 v30, v59;
	v25 =	vld.idx.msk [tilespmem:v18+s15+$0x0], $0xffff  }
0xe6: {  	v27 =	vld.idx.msk [tilespmem:v21+s16+$0x0], $0xffff  }
0xe7: {  	v21 =	vld.idx.msk [tilespmem:v21+s15+$0x0], $0xffff  }
0xe8: {  	v28 =	vor.u32 v41, v59;
	v18 =	vld.idx.msk [tilespmem:v18+s16+$0x0], $0xffff  }
0xe9: {  	v44 =	vor.u32 v44, v59;
	v29 =	vld.idx.msk [tilespmem:v24+s15+$0x0], $0xffff  }
0xea: {  	v35 =	vld.idx.msk [tilespmem:v26+s16+$0x0], $0xffff  }
0xeb: {  	v26 =	vld.idx.msk [tilespmem:v26+s15+$0x0], $0xffff  }
0xec: {  	v55 =	vor.u32 v51, v59;
	v24 =	vld.idx.msk [tilespmem:v24+s16+$0x0], $0xffff  }
0xed: {  	v56 =	vor.u32 v40, v59;
	v37 =	vld.idx.msk [tilespmem:v28+s15+$0x0], $0xffff  }
0xee: {  	v60 =	vld.idx.msk [tilespmem:v44+s16+$0x0], $0xffff  }
0xef: {  	v34 =	vld.idx.msk [tilespmem:v44+s15+$0x0], $0xffff  }
0xf0: {  	v61 =	vor.u32 v63, v59;
	v28 =	vld.idx.msk [tilespmem:v28+s16+$0x0], $0xffff  }
0xf1: {  	v33 =	vor.u32 v33, v59;
	v62 =	vld.idx.msk [tilespmem:v55+s15+$0x0], $0xffff  }
0xf2: {  	v44 =	vmov v41;
	v41 =	vld.idx.msk [tilespmem:v56+s16+$0x0], $0xffff  }
0xf3: {  	v38 =	vld.idx.msk [tilespmem:v56+s15+$0x0], $0xffff  }
0xf4: {  	v51 =	vor.u32 v50, v59;
	v36 =	vld.idx.msk [tilespmem:v55+s16+$0x0], $0xffff  }
0xf5: {  	v56 =	vld.idx.msk [tilespmem:v61+s15+$0x0], $0xffff  }
0xf6: {  	v8 =	vor.u32 v8, v59;
	v3 =	vor.u32 v7, v59;
	v7 =	vld.idx.msk [tilespmem:v33+s16+$0x0], $0xffff  }
0xf7: {  	v63 =	vld.idx.msk [tilespmem:v33+s15+$0x0], $0xffff  }
0xf8: {  	v61 =	vld.idx.msk [tilespmem:v61+s16+$0x0], $0xffff  }
0xf9: {  	v17 =	vld.idx.msk [tilespmem:v51+s16+$0x0], $0xffff  }
0xfa: {  	v55 =	vor.u32 v46, v59;
	v2 =	vld.idx.msk [tilespmem:v51+s15+$0x0], $0xffff  }
0xfb: {  	v23 =	vld.idx.msk [tilespmem:v8+s15+$0x0], $0xffff  }
0xfc: {  	v14 =	vor.u32 v47, v59;
	v8 =	vld.idx.msk [tilespmem:v8+s16+$0x0], $0xffff  }
0xfd: {  	v13 =	vld.idx.msk [tilespmem:v3+s15+$0x0], $0xffff  }
0xfe: {  	v49 =	vmov v1;
	v20 =	vor.u32 v48, v59;
	v3 =	vld.idx.msk [tilespmem:v3+s16+$0x0], $0xffff  }
0xff: {  	v30 =	vor.u32 v49, v59;
	v9 =	vld.idx.msk [tilespmem:v55+s15+$0x0], $0xffff  }
0x100: {  	v53 =	vmov v0;
	v0 =	vld.idx.msk [tilespmem:v55+s16+$0x0], $0xffff;
	v5 =	vmul.f32 v11, v5  }
0x101: {  	v11 =	vld.idx.msk [tilespmem:v14+s16+$0x0], $0xffff;
	v4 =	vmul.f32 v4, v6  }
0x102: {  	v6 =	vld.idx.msk [tilespmem:v14+s15+$0x0], $0xffff;
	v14 =	vor.u32 v32, v59;
	v5 =	vadd.f32 $0.0e+00, v5;
	v13 =	vmul.f32 v16, v13  }
0x103: {  	v4 =	vadd.f32 $0.0e+00, v4;
	v3 =	vmul.f32 v3, v10;
	v10 =	vld.idx.msk [tilespmem:v20+s15+$0x0], $0xffff  }
0x104: {  	v16 =	vor.u32 v52, v59;
	v5 =	vadd.f32 v13, v5;
	v13 =	vmul.f32 v22, v19;
	v19 =	vld.idx.msk [tilespmem:v30+s16+$0x0], $0xffff  }
0x105: {  	v3 =	vadd.f32 v3, v4;
	v4 =	vmul.f32 v12, v15;
	v12 =	vld.idx.msk [tilespmem:v30+s15+$0x0], $0xffff  }
0x106: {  	v15 =	vld.idx.msk [tilespmem:v20+s16+$0x0], $0xffff;
	v20 =	vor.u32 v53, v59;
	v5 =	vadd.f32 v13, v5;
	v13 =	vmul.f32 v27, v25  }
0x107: {  	v3 =	vadd.f32 v4, v3;
	v4 =	vmul.f32 v18, v21;
	v18 =	vld.idx.msk [tilespmem:v14+s15+$0x0], $0xffff  }
0x108: {  	v21 =	vor.u32 v45, v59;
	v14 =	vld.idx.msk [tilespmem:v14+s16+$0x0], $0xffff;
	v5 =	vadd.f32 v13, v5;
	v13 =	vmul.f32 v35, v29  }
0x109: {  	v22 =	vld.idx.msk [tilespmem:v16+s16+$0x0], $0xffff;
	v3 =	vadd.f32 v4, v3;
	v4 =	vmul.f32 v24, v26  }
0x10a: {  	v16 =	vld.idx.msk [tilespmem:v16+s15+$0x0], $0xffff;
	v24 =	vor.u32 v43, v59;
	v5 =	vadd.f32 v13, v5;
	v13 =	vmul.f32 v60, v37  }
0x10b: {  	v26 =	vor.u32 v54, v59;
	v25 =	vld.idx.msk [tilespmem:v20+s15+$0x0], $0xffff;
	v3 =	vadd.f32 v4, v3;
	v4 =	vmul.f32 v28, v34  }
0x10c: {  	v1 =	vmul.f32 v7, v56;
	v7 =	vld.idx.msk [tilespmem:v20+s16+$0x0], $0xffff;
	v5 =	vadd.f32 v13, v5;
	v13 =	vmul.f32 v41, v62  }
0x10d: {  	v27 =	vld.idx.msk [tilespmem:v21+s16+$0x0], $0xffff;
	v3 =	vadd.f32 v4, v3;
	v4 =	vmul.f32 v36, v38  }
0x10e: {  	v21 =	vld.idx.msk [tilespmem:v21+s15+$0x0], $0xffff;
	v5 =	vadd.f32 v13, v5;
	v13 =	vor.u32 v39, v59  }
0x10f: {  	v20 =	vld.idx.msk [tilespmem:v24+s15+$0x0], $0xffff;
	v3 =	vadd.f32 v4, v3;
	v4 =	vmul.f32 v61, v63  }
0x110: {  	v28 =	vor.u32 v42, v59;
	v55 =	vld.idx.msk [tilespmem:v26+s15+$0x0], $0xffff;
	v1 =	vadd.f32 v1, v5;
	v5 =	vmul.f32 v17, v9  }
0x111: {  	v0 =	vmul.f32 v0, v2;
	v9 =	vld.idx.msk [tilespmem:v26+s16+$0x0], $0xffff;
	v3 =	vadd.f32 v4, v3  }
0x112: {  	v4 =	vmul.f32 v11, v23;
	v11 =	vor.u32 v57, v59;
	v1 =	vadd.f32 v5, v1;
	v5 =	vld.idx.msk [tilespmem:v24+s16+$0x0], $0xffff  }
0x113: {  	v0 =	vadd.f32 v0, v3;
	v3 =	vmul.f32 v8, v6;
	v8 =	vor.u32 v58, v59;
	v6 =	vld.idx.msk [tilespmem:v13+s15+$0x0], $0xffff  }
0x114: {  	v13 =	vld.idx.msk [tilespmem:v13+s16+$0x0], $0xffff;
	v1 =	vadd.f32 v4, v1;
	v4 =	vmul.f32 v19, v10  }
0x115: {  	v10 =	vld.idx.msk [tilespmem:v28+s16+$0x0], $0xffff;
	v0 =	vadd.f32 v3, v0;
	v3 =	vmul.f32 v15, v12  }
0x116: {  	v12 =	vld.idx.msk [tilespmem:v28+s15+$0x0], $0xffff;
	v1 =	vadd.f32 v4, v1;
	v4 =	vmul.f32 v22, v18  }
0x117: {  	v0 =	vadd.f32 v3, v0;
	v3 =	vmul.f32 v14, v16;
	v14 =	vld.idx.msk [tilespmem:v11+s15+$0x0], $0xffff  }
0x118: {  	v15 =	vld.idx.msk [tilespmem:v8+s16+$0x0], $0xffff;
	v1 =	vadd.f32 v4, v1;
	v4 =	vmul.f32 v27, v25  }
0x119: {  	v0 =	vadd.f32 v3, v0;
	v3 =	vmul.f32 v7, v21;
	v7 =	vld.idx.msk [tilespmem:v8+s15+$0x0], $0xffff  }
0x11a: {  	v8 =	vld.idx.msk [tilespmem:v11+s16+$0x0], $0xffff;
	v1 =	vadd.f32 v4, v1;
	v4 =	vmul.f32 v9, v20  }
0x11b: {  	v2 =	vmul.f32 v5, v55;
	v0 =	vadd.f32 v3, v0  }
0x11c: {  	v3 =	vmul.f32 v10, v6;
	v1 =	vadd.f32 v4, v1  }
0x11d: {  	v56 =	vmul.f32 v13, v12;
	v0 =	vadd.f32 v2, v0  }
0x11e: {  	v1 =	vadd.f32 v3, v1;
	v3 =	vmul.f32 v15, v14  }
0x11f: {  	v59 =	vmul.f32 v8, v7;
	v0 =	vadd.f32 v56, v0  }
0x120: {  	v1 =	vadd.f32 v3, v1  }
0x121: {  	v0 =	vadd.f32 v59, v0  }
0x122: {  	v1 =	vmax.f32 v1, $-3.000000000e+01  }
0x123: {  	v0 =	vmax.f32 v0, $-3.000000000e+01;
	v1 =	vsub.f32 $0.0e+00, v1  }
0x124: {  	v0 =	vsub.f32 $0.0e+00, v0  }
0x125: {  	v1 =	vmul.f32 $1.442695020e+00, v1  }
0x126: {  	v0 =	vmul.f32 $1.442695020e+00, v0  }
0x127: {  	(erf) = vpow2.f32 v1  }
0x128: {  	(erf) = vpow2.f32 v0;
	_ =	sdelay $0x7  }
0x129: {  	v60 =	vpop (erf)  }
0x12a: {  	v61 =	vpop (erf)  }
0x12b: {  	v62 =	vadd.f32 $1.000000000e+00, v60;
	v3 =	vadd.f32 $1.000000000e+00, v61;
	_ =	sdelay $0x1  }
0x12c: {  	v2 =	vmul.f32 v3, v62;
	_ =	sdelay $0x1  }
0x12d: {  	(erf) = vrcp.f32 v2  }
0x12e: {  	v30 =	vld [tilespmem:$0x1FFA0]  }
0x12f: {  	v29 =	vld [tilespmem:$0x1FFD0]  }
0x130: {  	v17 =	vld [tilespmem:$0x1FF70]  }
0x131: {  	v23 =	vld [tilespmem:$0x1FF90];
	v0 =	vadd.f32 v61, v60  }
0x132: {  	v24 =	vld [tilespmem:$0x1FFB0]  }
0x133: {  	s4 =	sadd.s32 $0x2, s4;
	v28 =	vld [tilespmem:$0x1FF30];
	v0 =	vmul.f32 $5.000000000e-01, v0  }
0x134: {  	p0 =	slt.u32 s4, $0x6;
	v18 =	vld [tilespmem:$0x1FFF0]  }
.Ltmp0:
0x135: {  	v9 =	vld [tilespmem:$0x1FF50];
	v0 =	vadd.f32 $1.000000000e+00, v0;
	(pc) =	sbr.rel @p0 .LBB2_3-.Ltmp0, $4  }
0x136: {  	v20 =	vld [tilespmem:$0x1FF80];
	v63 =	vpop (erf)  }
0x137: {  	v4 =	vld [tilespmem:$0x1FFE0];
	v0 =	vmul.f32 v63, v0  }
0x138: {  	[tilespmem:$0x1FD50] =	vst v32;
	v7 =	vld [tilespmem:$0x1FF40]  }
0x139: {  	s5 =	sadd.s32 $0x20, s5;
	v32 =	vmov v46;
	v41 =	vmov v44;
	v8 =	vlaneseq.u32;
	v14 =	vld [tilespmem:$0x1FF60];
	[tilespmem:s19+$0x0] =	vst v0;
	s19 =	sadd.s32 $0x20, s19  }
0x13a: {  	_ =	swait.ge [sflag:s29], $0x1000  }
0x13b: {  	[sflag:s29] =	ssyncset.done $0x0  }
0x13c: {  	[sflag:s29] =	ssyncadd.s32 $0xFFFFF000  }
0x13d: {  	p0 =	seq.s32 s11, $0x13;
	_ =	swait.ge [sflag:s29], $0x1000  }
0x13e: {  	s4 =	sadd.s32 @!p0 $0x5020, s12;
	[sflag:s29] =	ssyncset.done $0x0  }
0x13f: {  	s5 =	simm.s32 @!p0 $0x80;
	s7 =	simm.s32 @!p0 $0x9E20;
	[sflag:s29] =	ssyncadd.s32 $0xFFFFF000  }
0x140: {  	[tilespmem:s7], [sflag:$0x1] =	stream.indirect.gather @!p0 [spmem:s2], $0x20, s4, s5, $0xb8;
	[tilespmem:$0x14620] =	vst v63  }
0x141: {  	[tilespmem:$0x1FD30] =	vst v47;
	v51 =	vld [tilespmem:$0x1FEA0];
	s4 =	sadd.s32 @!p0 $0x7820, s12;
	s7 =	simm.s32 @!p0 $0xDE20  }
0x142: {  	v56 =	vmov v48;
	v48 =	vld [tilespmem:$0x1FEF0];
	[tilespmem:s7], [sflag:$0x1] =	stream.indirect.gather @!p0 [spmem:s2], $0x20, s4, s5, $0xb8  }
0x143: {  	s19 =	smov.u32 s21;
	v33 =	vmovc v49;
	v40 =	vmov v43;
	v32 =	vmov v54;
	v54 =	vmov v39;
	v49 =	vld [tilespmem:$0x1FF20];
	[tilespmem:$0x1FD40] =	vst v45;
	s4 =	simm.s32 $0xFFFFFFFE;
	s5 =	simm.s32 $0x10  }
.LBB2_5:
0x144: {  	s7 =	sadd.s32 $0xFFFFFFF0, s5;
	v43 =	vld [tilespmem:$0x1FD60]  }
0x145: {  	v0 =	vmov s7  }
0x146: {  	v0 =	vshll.u32 v0, $0x5  }
0x147: {  	v0 =	vor.u32 v31, v0  }
0x148: {  	v13 =	vld [tilespmem:$0x1FFE0];
	v1 =	vor.u32 v8, v0  }
0x149: {  	v27 =	vld [tilespmem:$0x1FFF0];
	v2 =	vor.u32 v43, v0  }
0x14a: {  	v38 =	vld [tilespmem:$0x1FFD0]  }
0x14b: {  	v45 =	vld [tilespmem:$0x1FD30]  }
0x14c: {  	v47 =	vld [tilespmem:$0x1FD50];
	v3 =	vor.u32 v7, v0  }
0x14d: {  	v5 =	vor.u32 v20, v0;
	v4 =	vld.idx.msk [tilespmem:v1+s18+$0x0], $0xffff  }
0x14e: {  	v6 =	vld.idx.msk [tilespmem:v2+s20+$0x0], $0xffff  }
0x14f: {  	v2 =	vld.idx.msk [tilespmem:v2+s18+$0x0], $0xffff  }
0x150: {  	v7 =	vor.u32 v9, v0;
	v1 =	vld.idx.msk [tilespmem:v1+s20+$0x0], $0xffff  }
0x151: {  	v9 =	vor.u32 v14, v0;
	v8 =	vld.idx.msk [tilespmem:v3+s18+$0x0], $0xffff  }
0x152: {  	v10 =	vld.idx.msk [tilespmem:v5+s20+$0x0], $0xffff  }
0x153: {  	v5 =	vld.idx.msk [tilespmem:v5+s18+$0x0], $0xffff  }
0x154: {  	v11 =	vor.u32 v17, v0;
	v3 =	vld.idx.msk [tilespmem:v3+s20+$0x0], $0xffff  }
0x155: {  	v13 =	vor.u32 v13, v0;
	v12 =	vld.idx.msk [tilespmem:v7+s18+$0x0], $0xffff  }
0x156: {  	v14 =	vld.idx.msk [tilespmem:v9+s20+$0x0], $0xffff  }
0x157: {  	v9 =	vld.idx.msk [tilespmem:v9+s18+$0x0], $0xffff  }
0x158: {  	v15 =	vor.u32 v23, v0;
	v7 =	vld.idx.msk [tilespmem:v7+s20+$0x0], $0xffff  }
0x159: {  	v17 =	vor.u32 v30, v0;
	v16 =	vld.idx.msk [tilespmem:v11+s18+$0x0], $0xffff  }
0x15a: {  	v18 =	vld.idx.msk [tilespmem:v13+s20+$0x0], $0xffff  }
0x15b: {  	v13 =	vld.idx.msk [tilespmem:v13+s18+$0x0], $0xffff  }
0x15c: {  	v19 =	vor.u32 v41, v0;
	v11 =	vld.idx.msk [tilespmem:v11+s20+$0x0], $0xffff  }
0x15d: {  	v21 =	vor.u32 v51, v0;
	v20 =	vld.idx.msk [tilespmem:v15+s18+$0x0], $0xffff  }
0x15e: {  	v22 =	vld.idx.msk [tilespmem:v17+s20+$0x0], $0xffff  }
0x15f: {  	v17 =	vld.idx.msk [tilespmem:v17+s18+$0x0], $0xffff  }
0x160: {  	v23 =	vor.u32 v24, v0;
	v15 =	vld.idx.msk [tilespmem:v15+s20+$0x0], $0xffff  }
0x161: {  	v25 =	vor.u32 v48, v0;
	v24 =	vld.idx.msk [tilespmem:v19+s18+$0x0], $0xffff  }
0x162: {  	v26 =	vld.idx.msk [tilespmem:v21+s20+$0x0], $0xffff  }
0x163: {  	v21 =	vld.idx.msk [tilespmem:v21+s18+$0x0], $0xffff  }
0x164: {  	v27 =	vor.u32 v27, v0;
	v19 =	vld.idx.msk [tilespmem:v19+s20+$0x0], $0xffff  }
0x165: {  	v29 =	vor.u32 v49, v0;
	v28 =	vld.idx.msk [tilespmem:v23+s18+$0x0], $0xffff  }
0x166: {  	v30 =	vld.idx.msk [tilespmem:v25+s20+$0x0], $0xffff  }
0x167: {  	v25 =	vld.idx.msk [tilespmem:v25+s18+$0x0], $0xffff  }
0x168: {  	v34 =	vor.u32 v46, v0;
	v23 =	vld.idx.msk [tilespmem:v23+s20+$0x0], $0xffff  }
0x169: {  	v36 =	vor.u32 v50, v0;
	v35 =	vld.idx.msk [tilespmem:v27+s18+$0x0], $0xffff  }
0x16a: {  	v37 =	vld.idx.msk [tilespmem:v29+s20+$0x0], $0xffff  }
0x16b: {  	v29 =	vld.idx.msk [tilespmem:v29+s18+$0x0], $0xffff  }
0x16c: {  	v38 =	vor.u32 v38, v0;
	v27 =	vld.idx.msk [tilespmem:v27+s20+$0x0], $0xffff  }
0x16d: {  	v59 =	vor.u32 v45, v0;
	v41 =	vld.idx.msk [tilespmem:v34+s18+$0x0], $0xffff  }
0x16e: {  	v60 =	vld.idx.msk [tilespmem:v36+s20+$0x0], $0xffff  }
0x16f: {  	v36 =	vld.idx.msk [tilespmem:v36+s18+$0x0], $0xffff  }
0x170: {  	v61 =	vor.u32 v56, v0;
	v34 =	vld.idx.msk [tilespmem:v34+s20+$0x0], $0xffff  }
0x171: {  	v63 =	vor.u32 v33, v0;
	v62 =	vld.idx.msk [tilespmem:v38+s18+$0x0], $0xffff  }
0x172: {  	v4 =	vmul.f32 v6, v4;
	v6 =	vld.idx.msk [tilespmem:v59+s20+$0x0], $0xffff  }
0x173: {  	v1 =	vmul.f32 v1, v2;
	v2 =	vld.idx.msk [tilespmem:v59+s18+$0x0], $0xffff  }
0x174: {  	v8 =	vmul.f32 v10, v8;
	v10 =	vld.idx.msk [tilespmem:v38+s20+$0x0], $0xffff;
	v38 =	vor.u32 v47, v0  }
0x175: {  	v3 =	vmul.f32 v3, v5;
	v5 =	vld.idx.msk [tilespmem:v61+s18+$0x0], $0xffff;
	v59 =	vor.u32 v52, v0;
	v4 =	vadd.f32 $0.0e+00, v4  }
0x176: {  	v55 =	vmul.f32 v7, v9;
	v7 =	vld.idx.msk [tilespmem:v63+s18+$0x0], $0xffff;
	v1 =	vadd.f32 $0.0e+00, v1  }
0x177: {  	v9 =	vld.idx.msk [tilespmem:v61+s20+$0x0], $0xffff;
	v4 =	vadd.f32 v8, v4;
	v8 =	vmul.f32 v14, v12  }
0x178: {  	v12 =	vld.idx.msk [tilespmem:v63+s20+$0x0], $0xffff;
	v1 =	vadd.f32 v3, v1;
	v14 =	vor.u32 v53, v0  }
0x179: {  	v63 =	vmul.f32 v11, v13;
	v11 =	vld.idx.msk [tilespmem:v38+s18+$0x0], $0xffff;
	v4 =	vadd.f32 v8, v4;
	v8 =	vmul.f32 v18, v16  }
0x17a: {  	v39 =	vmul.f32 v15, v17;
	v15 =	vld.idx.msk [tilespmem:v59+s18+$0x0], $0xffff;
	v1 =	vadd.f32 v55, v1  }
0x17b: {  	v17 =	vld.idx.msk [tilespmem:v38+s20+$0x0], $0xffff;
	v18 =	vor.u32 v40, v0;
	v4 =	vadd.f32 v8, v4;
	v8 =	vmul.f32 v22, v20  }
0x17c: {  	v55 =	vld [tilespmem:$0x1FD40];
	v1 =	vadd.f32 v63, v1;
	v20 =	vor.u32 v32, v0  }
0x17d: {  	v16 =	vld.idx.msk [tilespmem:v59+s20+$0x0], $0xffff;
	v4 =	vadd.f32 v8, v4;
	v8 =	vmul.f32 v26, v24  }
0x17e: {  	v59 =	vmul.f32 v19, v21;
	v22 =	vor.u32 v54, v0;
	v19 =	vld.idx.msk [tilespmem:v14+s18+$0x0], $0xffff;
	v1 =	vadd.f32 v39, v1  }
0x17f: {  	v14 =	vld.idx.msk [tilespmem:v14+s20+$0x0], $0xffff;
	v4 =	vadd.f32 v8, v4;
	v8 =	vmul.f32 v30, v28  }
0x180: {  	v61 =	vmul.f32 v23, v25;
	v23 =	vld.idx.msk [tilespmem:v18+s18+$0x0], $0xffff;
	v1 =	vadd.f32 v59, v1  }
0x181: {  	v13 =	vor.u32 v55, v0;
	v25 =	vld.idx.msk [tilespmem:v20+s20+$0x0], $0xffff;
	v4 =	vadd.f32 v8, v4;
	v8 =	vmul.f32 v37, v35  }
0x182: {  	v63 =	vmul.f32 v27, v29;
	v24 =	vor.u32 v42, v0;
	v20 =	vld.idx.msk [tilespmem:v20+s18+$0x0], $0xffff;
	v1 =	vadd.f32 v61, v1  }
0x183: {  	v35 =	vmul.f32 v34, v36;
	v36 =	vld.idx.msk [tilespmem:v22+s18+$0x0], $0xffff;
	v4 =	vadd.f32 v8, v4;
	v8 =	vmul.f32 v60, v41  }
0x184: {  	v37 =	vmul.f32 v9, v7;
	v9 =	vld.idx.msk [tilespmem:v22+s20+$0x0], $0xffff;
	v1 =	vadd.f32 v63, v1  }
0x185: {  	v6 =	vmul.f32 v6, v62;
	v4 =	vadd.f32 v8, v4;
	v8 =	vld.idx.msk [tilespmem:v18+s20+$0x0], $0xffff;
	v18 =	vor.u32 v57, v0  }
0x186: {  	v2 =	vmul.f32 v10, v2;
	v21 =	vld.idx.msk [tilespmem:v13+s20+$0x0], $0xffff;
	v1 =	vadd.f32 v35, v1;
	v0 =	vor.u32 v58, v0  }
0x187: {  	v5 =	vmul.f32 v12, v5;
	v13 =	vld.idx.msk [tilespmem:v13+s18+$0x0], $0xffff;
	v4 =	vadd.f32 v6, v4  }
0x188: {  	v7 =	vld.idx.msk [tilespmem:v24+s18+$0x0], $0xffff;
	v1 =	vadd.f32 v2, v1  }
0x189: {  	v6 =	vld.idx.msk [tilespmem:v24+s20+$0x0], $0xffff;
	v4 =	vadd.f32 v5, v4;
	v5 =	vmul.f32 v16, v11  }
0x18a: {  	v38 =	vmul.f32 v17, v15;
	v1 =	vadd.f32 v37, v1;
	v10 =	vld.idx.msk [tilespmem:v18+s18+$0x0], $0xffff  }
0x18b: {  	v11 =	vld.idx.msk [tilespmem:v0+s20+$0x0], $0xffff;
	v4 =	vadd.f32 v5, v4;
	v5 =	vmul.f32 v21, v19  }
0x18c: {  	v39 =	vmul.f32 v14, v13;
	v0 =	vld.idx.msk [tilespmem:v0+s18+$0x0], $0xffff;
	v1 =	vadd.f32 v38, v1  }
0x18d: {  	v12 =	vld.idx.msk [tilespmem:v18+s20+$0x0], $0xffff;
	v4 =	vadd.f32 v5, v4;
	v5 =	vmul.f32 v25, v23  }
0x18e: {  	v41 =	vmul.f32 v8, v20;
	v1 =	vadd.f32 v39, v1  }
0x18f: {  	v3 =	vmul.f32 v6, v36;
	v4 =	vadd.f32 v5, v4  }
0x190: {  	v59 =	vmul.f32 v9, v7;
	v1 =	vadd.f32 v41, v1  }
0x191: {  	v3 =	vadd.f32 v3, v4;
	v4 =	vmul.f32 v11, v10  }
0x192: {  	v0 =	vmul.f32 v12, v0;
	v1 =	vadd.f32 v59, v1  }
0x193: {  	v60 =	vadd.f32 v4, v3  }
0x194: {  	v0 =	vadd.f32 v0, v1  }
0x195: {  	v61 =	vmax.f32 v60, $-3.000000000e+01  }
0x196: {  	v0 =	vmax.f32 v0, $-3.000000000e+01;
	v1 =	vsub.f32 $0.0e+00, v61  }
0x197: {  	v0 =	vsub.f32 $0.0e+00, v0  }
0x198: {  	v1 =	vmul.f32 $1.442695020e+00, v1  }
0x199: {  	v0 =	vmul.f32 $1.442695020e+00, v0  }
0x19a: {  	(erf) = vpow2.f32 v1  }
0x19b: {  	(erf) = vpow2.f32 v0;
	_ =	sdelay $0x7  }
0x19c: {  	v62 =	vpop (erf)  }
0x19d: {  	v63 =	vpop (erf)  }
0x19e: {  	v34 =	vadd.f32 $1.000000000e+00, v62;
	v35 =	vadd.f32 $1.000000000e+00, v63;
	_ =	sdelay $0x1  }
0x19f: {  	v2 =	vmul.f32 v35, v34;
	_ =	sdelay $0x1  }
0x1a0: {  	(erf) = vrcp.f32 v2  }
0x1a1: {  	v26 =	vld [tilespmem:$0x1FFF0]  }
0x1a2: {  	v37 =	vld [tilespmem:$0x1FFC0]  }
0x1a3: {  	v22 =	vld [tilespmem:$0x1FFB0]  }
0x1a4: {  	v14 =	vld [tilespmem:$0x1FF90];
	v0 =	vadd.f32 v63, v62  }
0x1a5: {  	v16 =	vld [tilespmem:$0x1FFA0];
	v36 =	vmov s5  }
0x1a6: {  	v8 =	vld [tilespmem:$0x1FF60];
	v1 =	vshll.u32 v36, $0x5;
	v0 =	vmul.f32 $5.000000000e-01, v0  }
0x1a7: {  	v31 =	vlaneseq.u32;
	v4 =	vld [tilespmem:$0x1FF80];
	v59 =	vor.u32 v37, v1  }
0x1a8: {  	v6 =	vld [tilespmem:$0x1FF50];
	v1 =	vor.u32 v31, v59;
	v0 =	vadd.f32 $1.000000000e+00, v0  }
0x1a9: {  	v41 =	vld [tilespmem:$0x1FF40];
	v39 =	vor.u32 v43, v59;
	v38 =	vpop (erf)  }
0x1aa: {  	v12 =	vld [tilespmem:$0x1FFE0];
	v0 =	vmul.f32 v38, v0  }
0x1ab: {  	v10 =	vld [tilespmem:$0x1FF70]  }
0x1ac: {  	v4 =	vor.u32 v4, v59;
	v43 =	vld [tilespmem:$0x1FFD0];
	[tilespmem:s19+$0xFFFFFFF0] =	vst v0  }
0x1ad: {  	v2 =	vld.idx.msk [tilespmem:v1+s18+$0x0], $0xffff  }
0x1ae: {  	v6 =	vor.u32 v6, v59;
	v5 =	vld.idx.msk [tilespmem:v39+s20+$0x0], $0xffff  }
0x1af: {  	v8 =	vor.u32 v8, v59;
	v3 =	vld.idx.msk [tilespmem:v39+s18+$0x0], $0xffff  }
0x1b0: {  	v1 =	vld.idx.msk [tilespmem:v1+s20+$0x0], $0xffff  }
0x1b1: {  	v9 =	vld.idx.msk [tilespmem:v4+s20+$0x0], $0xffff  }
0x1b2: {  	v10 =	vor.u32 v10, v59;
	v4 =	vld.idx.msk [tilespmem:v4+s18+$0x0], $0xffff  }
0x1b3: {  	v12 =	vor.u32 v12, v59;
	v11 =	vld.idx.msk [tilespmem:v6+s18+$0x0], $0xffff  }
0x1b4: {  	v13 =	vld.idx.msk [tilespmem:v8+s20+$0x0], $0xffff  }
0x1b5: {  	v8 =	vld.idx.msk [tilespmem:v8+s18+$0x0], $0xffff  }
0x1b6: {  	v14 =	vor.u32 v14, v59;
	v6 =	vld.idx.msk [tilespmem:v6+s20+$0x0], $0xffff  }
0x1b7: {  	v16 =	vor.u32 v16, v59;
	v15 =	vld.idx.msk [tilespmem:v10+s18+$0x0], $0xffff  }
0x1b8: {  	v17 =	vld.idx.msk [tilespmem:v12+s20+$0x0], $0xffff  }
0x1b9: {  	v12 =	vld.idx.msk [tilespmem:v12+s18+$0x0], $0xffff  }
0x1ba: {  	v18 =	vor.u32 v44, v59;
	v10 =	vld.idx.msk [tilespmem:v10+s20+$0x0], $0xffff  }
0x1bb: {  	v20 =	vor.u32 v51, v59;
	v19 =	vld.idx.msk [tilespmem:v14+s18+$0x0], $0xffff  }
0x1bc: {  	v21 =	vld.idx.msk [tilespmem:v16+s20+$0x0], $0xffff  }
0x1bd: {  	v16 =	vld.idx.msk [tilespmem:v16+s18+$0x0], $0xffff  }
0x1be: {  	v22 =	vor.u32 v22, v59;
	v14 =	vld.idx.msk [tilespmem:v14+s20+$0x0], $0xffff  }
0x1bf: {  	v24 =	vor.u32 v48, v59;
	v23 =	vld.idx.msk [tilespmem:v18+s18+$0x0], $0xffff  }
0x1c0: {  	v25 =	vld.idx.msk [tilespmem:v20+s20+$0x0], $0xffff  }
0x1c1: {  	v20 =	vld.idx.msk [tilespmem:v20+s18+$0x0], $0xffff  }
0x1c2: {  	v26 =	vor.u32 v26, v59;
	v18 =	vld.idx.msk [tilespmem:v18+s20+$0x0], $0xffff  }
0x1c3: {  	v28 =	vor.u32 v49, v59;
	v27 =	vld.idx.msk [tilespmem:v22+s18+$0x0], $0xffff  }
0x1c4: {  	v29 =	vld.idx.msk [tilespmem:v24+s20+$0x0], $0xffff  }
0x1c5: {  	v24 =	vld.idx.msk [tilespmem:v24+s18+$0x0], $0xffff  }
0x1c6: {  	v30 =	vor.u32 v46, v59;
	v22 =	vld.idx.msk [tilespmem:v22+s20+$0x0], $0xffff  }
0x1c7: {  	v35 =	vor.u32 v50, v59;
	v34 =	vld.idx.msk [tilespmem:v26+s18+$0x0], $0xffff  }
0x1c8: {  	v36 =	vld.idx.msk [tilespmem:v28+s20+$0x0], $0xffff  }
0x1c9: {  	v28 =	vld.idx.msk [tilespmem:v28+s18+$0x0], $0xffff  }
0x1ca: {  	v0 =	vor.u32 v41, v59;
	v26 =	vld.idx.msk [tilespmem:v26+s20+$0x0], $0xffff  }
0x1cb: {  	v38 =	vld.idx.msk [tilespmem:v30+s18+$0x0], $0xffff  }
0x1cc: {  	v37 =	vor.u32 v43, v59;
	v60 =	vld.idx.msk [tilespmem:v35+s20+$0x0], $0xffff  }
0x1cd: {  	v45 =	vor.u32 v45, v59;
	v35 =	vld.idx.msk [tilespmem:v35+s18+$0x0], $0xffff  }
0x1ce: {  	v30 =	vld.idx.msk [tilespmem:v30+s20+$0x0], $0xffff  }
0x1cf: {  	v7 =	vld.idx.msk [tilespmem:v0+s18+$0x0], $0xffff  }
0x1d0: {  	v61 =	vor.u32 v56, v59;
	v0 =	vld.idx.msk [tilespmem:v0+s20+$0x0], $0xffff  }
0x1d1: {  	v63 =	vor.u32 v33, v59;
	v62 =	vld.idx.msk [tilespmem:v37+s18+$0x0], $0xffff  }
0x1d2: {  	v2 =	vmul.f32 v5, v2;
	v5 =	vld.idx.msk [tilespmem:v45+s20+$0x0], $0xffff  }
0x1d3: {  	v1 =	vmul.f32 v1, v3;
	v3 =	vld.idx.msk [tilespmem:v45+s18+$0x0], $0xffff  }
0x1d4: {  	v45 =	vor.u32 v52, v59;
	v2 =	vadd.f32 $0.0e+00, v2;
	v7 =	vmul.f32 v9, v7;
	v9 =	vld.idx.msk [tilespmem:v37+s20+$0x0], $0xffff  }
0x1d5: {  	v1 =	vadd.f32 $0.0e+00, v1;
	v37 =	vor.u32 v47, v59;
	v0 =	vmul.f32 v0, v4;
	v4 =	vld.idx.msk [tilespmem:v61+s18+$0x0], $0xffff  }
0x1d6: {  	v47 =	vmul.f32 v6, v8;
	v6 =	vld.idx.msk [tilespmem:v63+s18+$0x0], $0xffff;
	v2 =	vadd.f32 v7, v2;
	v7 =	vmul.f32 v13, v11  }
0x1d7: {  	v8 =	vld.idx.msk [tilespmem:v61+s20+$0x0], $0xffff;
	v61 =	vmul.f32 v10, v12;
	v0 =	vadd.f32 v0, v1  }
0x1d8: {  	v12 =	vor.u32 v55, v59;
	v11 =	vld.idx.msk [tilespmem:v63+s20+$0x0], $0xffff;
	v2 =	vadd.f32 v7, v2;
	v7 =	vmul.f32 v17, v15  }
0x1d9: {  	v63 =	vmul.f32 v14, v16;
	v14 =	vld.idx.msk [tilespmem:v45+s18+$0x0], $0xffff;
	v0 =	vadd.f32 v47, v0  }
0x1da: {  	v13 =	vor.u32 v53, v59;
	v15 =	vld.idx.msk [tilespmem:v45+s20+$0x0], $0xffff;
	v2 =	vadd.f32 v7, v2;
	v7 =	vmul.f32 v21, v19  }
0x1db: {  	v10 =	vld.idx.msk [tilespmem:v37+s18+$0x0], $0xffff;
	v0 =	vadd.f32 v61, v0  }
0x1dc: {  	v17 =	vor.u32 v40, v59;
	v16 =	vld.idx.msk [tilespmem:v37+s20+$0x0], $0xffff;
	v2 =	vadd.f32 v7, v2;
	v7 =	vmul.f32 v25, v23  }
0x1dd: {  	v45 =	vmul.f32 v18, v20;
	v20 =	vld.idx.msk [tilespmem:v12+s20+$0x0], $0xffff;
	v19 =	vor.u32 v32, v59;
	v0 =	vadd.f32 v63, v0  }
0x1de: {  	v12 =	vld.idx.msk [tilespmem:v12+s18+$0x0], $0xffff;
	v2 =	vadd.f32 v7, v2;
	v7 =	vmul.f32 v29, v27  }
0x1df: {  	v47 =	vmul.f32 v22, v24;
	v21 =	vor.u32 v54, v59;
	v18 =	vld.idx.msk [tilespmem:v13+s18+$0x0], $0xffff;
	v0 =	vadd.f32 v45, v0  }
0x1e0: {  	v13 =	vld.idx.msk [tilespmem:v13+s20+$0x0], $0xffff;
	v2 =	vadd.f32 v7, v2;
	v7 =	vmul.f32 v36, v34  }
0x1e1: {  	v55 =	vmul.f32 v26, v28;
	v61 =	vmul.f32 v30, v35;
	v22 =	vld.idx.msk [tilespmem:v17+s18+$0x0], $0xffff;
	v0 =	vadd.f32 v47, v0  }
0x1e2: {  	v23 =	vor.u32 v42, v59;
	v24 =	vld.idx.msk [tilespmem:v19+s20+$0x0], $0xffff;
	v2 =	vadd.f32 v7, v2;
	v7 =	vmul.f32 v60, v38  }
0x1e3: {  	v63 =	vmul.f32 v9, v3;
	v9 =	vor.u32 v58, v59;
	v19 =	vld.idx.msk [tilespmem:v19+s18+$0x0], $0xffff;
	v0 =	vadd.f32 v55, v0  }
0x1e4: {  	v5 =	vmul.f32 v5, v62;
	v35 =	vmul.f32 v8, v6;
	v8 =	vld.idx.msk [tilespmem:v21+s20+$0x0], $0xffff;
	v2 =	vadd.f32 v7, v2  }
0x1e5: {  	v34 =	vld.idx.msk [tilespmem:v21+s18+$0x0], $0xffff;
	v0 =	vadd.f32 v61, v0  }
0x1e6: {  	v4 =	vmul.f32 v11, v4;
	v7 =	vld.idx.msk [tilespmem:v17+s20+$0x0], $0xffff;
	v17 =	vor.u32 v57, v59;
	v2 =	vadd.f32 v5, v2  }
0x1e7: {  	v6 =	vld.idx.msk [tilespmem:v23+s18+$0x0], $0xffff;
	v0 =	vadd.f32 v63, v0  }
0x1e8: {  	v11 =	vld.idx.msk [tilespmem:v9+s20+$0x0], $0xffff;
	v2 =	vadd.f32 v4, v2;
	v4 =	vmul.f32 v15, v10  }
0x1e9: {  	v36 =	vmul.f32 v16, v14;
	v5 =	vld.idx.msk [tilespmem:v23+s20+$0x0], $0xffff;
	v0 =	vadd.f32 v35, v0  }
0x1ea: {  	v9 =	vld.idx.msk [tilespmem:v9+s18+$0x0], $0xffff;
	v2 =	vadd.f32 v4, v2;
	v4 =	vmul.f32 v20, v18  }
0x1eb: {  	v37 =	vmul.f32 v13, v12;
	v10 =	vld.idx.msk [tilespmem:v17+s18+$0x0], $0xffff;
	v0 =	vadd.f32 v36, v0  }
0x1ec: {  	v12 =	vld.idx.msk [tilespmem:v17+s20+$0x0], $0xffff;
	v2 =	vadd.f32 v4, v2;
	v4 =	vmul.f32 v24, v22  }
0x1ed: {  	v38 =	vmul.f32 v7, v19;
	v0 =	vadd.f32 v37, v0  }
0x1ee: {  	v3 =	vmul.f32 v5, v34;
	v2 =	vadd.f32 v4, v2  }
0x1ef: {  	v39 =	vmul.f32 v8, v6;
	v0 =	vadd.f32 v38, v0  }
0x1f0: {  	v43 =	vmul.f32 v11, v10;
	v2 =	vadd.f32 v3, v2  }
0x1f1: {  	v45 =	vmul.f32 v12, v9;
	v0 =	vadd.f32 v39, v0  }
0x1f2: {  	v2 =	vadd.f32 v43, v2  }
0x1f3: {  	v0 =	vadd.f32 v45, v0  }
0x1f4: {  	v47 =	vmax.f32 v2, $-3.000000000e+01  }
0x1f5: {  	v0 =	vmax.f32 v0, $-3.000000000e+01;
	v1 =	vsub.f32 $0.0e+00, v47  }
0x1f6: {  	v0 =	vsub.f32 $0.0e+00, v0  }
0x1f7: {  	v1 =	vmul.f32 $1.442695020e+00, v1  }
0x1f8: {  	v0 =	vmul.f32 $1.442695020e+00, v0  }
0x1f9: {  	(erf) = vpow2.f32 v1  }
0x1fa: {  	(erf) = vpow2.f32 v0;
	_ =	sdelay $0x7  }
0x1fb: {  	v55 =	vpop (erf)  }
0x1fc: {  	v60 =	vpop (erf)  }
0x1fd: {  	v61 =	vadd.f32 $1.000000000e+00, v55;
	v62 =	vadd.f32 $1.000000000e+00, v60;
	_ =	sdelay $0x1  }
0x1fe: {  	v2 =	vmul.f32 v62, v61;
	_ =	sdelay $0x1  }
0x1ff: {  	(erf) = vrcp.f32 v2;
	_ =	sdelay $0x1  }
0x200: {  	v31 =	vld [tilespmem:$0x1FFC0]  }
0x201: {  	v30 =	vld [tilespmem:$0x1FFA0]  }
0x202: {  	v25 =	vld [tilespmem:$0x1FFF0];
	v0 =	vadd.f32 v60, v55  }
0x203: {  	v14 =	vld [tilespmem:$0x1FF60]  }
0x204: {  	s4 =	sadd.s32 $0x2, s4;
	v59 =	vld [tilespmem:$0x1FFE0];
	v0 =	vmul.f32 $5.000000000e-01, v0  }
0x205: {  	p1 =	slt.u32 s4, $0x6;
	v23 =	vld [tilespmem:$0x1FF90]  }
.Ltmp1:
0x206: {  	v17 =	vld [tilespmem:$0x1FF70];
	v0 =	vadd.f32 $1.000000000e+00, v0;
	(pc) =	sbr.rel @p1 .LBB2_5-.Ltmp1, $4  }
0x207: {  	v7 =	vld [tilespmem:$0x1FF40];
	v63 =	vpop (erf)  }
0x208: {  	v20 =	vld [tilespmem:$0x1FF80];
	v0 =	vmul.f32 v63, v0  }
0x209: {  	v24 =	vld [tilespmem:$0x1FFB0]  }
0x20a: {  	s5 =	sadd.s32 $0x20, s5;
	v41 =	vmov v44;
	v8 =	vlaneseq.u32;
	v9 =	vld [tilespmem:$0x1FF50];
	[tilespmem:s19+$0x0] =	vst v0;
	s19 =	sadd.s32 $0x20, s19  }
0x20b: {  	_ =	swait.ge [sflag:s30], $0x1000  }
0x20c: {  	[sflag:s30] =	ssyncset.done $0x0  }
0x20d: {  	[sflag:s30] =	ssyncadd.s32 $0xFFFFF000  }
0x20e: {  	_ =	swait.ge [sflag:s30], $0x1000  }
0x20f: {  	s4 =	sadd.s32 @!p0 $0x50A0, s12;
	[sflag:s30] =	ssyncset.done $0x0  }
0x210: {  	s5 =	simm.s32 @!p0 $0x80;
	s7 =	simm.s32 @!p0 $0xAE20;
	[sflag:s30] =	ssyncadd.s32 $0xFFFFF000  }
0x211: {  	[tilespmem:s7], [sflag:$0x2] =	stream.indirect.gather @!p0 [spmem:s2], $0x20, s4, s5, $0xb8;
	[tilespmem:$0x14620] =	vst v63  }
0x212: {  	v63 =	vmovc v46;
	v60 =	vmov v41;
	v21 =	vmov v51;
	v62 =	vmov v25;
	[tilespmem:$0x1FD10] =	vst v56;
	s4 =	sadd.s32 @!p0 $0x78A0, s12;
	s7 =	simm.s32 @!p0 $0xEE20  }
0x213: {  	v29 =	vmovc v49;
	v36 =	vmovc v50;
	v43 =	vmov v53;
	v37 =	vmov v40;
	v44 =	vmov v33;
	[tilespmem:s7], [sflag:$0x2] =	stream.indirect.gather @!p0 [spmem:s2], $0x20, s4, s5, $0xb8;
	[tilespmem:$0x14620] =	vst v63  }
0x214: {  	s19 =	smov.u32 s23;
	v26 =	vmovc v57;
	v27 =	vmovc v58;
	v34 =	vmov v54;
	v28 =	vmov v42;
	v61 =	vmov v24;
	[tilespmem:$0x1FD20] =	vst v32;
	s4 =	simm.s32 $0xFFFFFFFE;
	s5 =	simm.s32 $0x10  }
.LBB2_7:
0x215: {  	s7 =	sadd.s32 $0xFFFFFFF0, s5;
	v56 =	vld [tilespmem:$0x1FD60]  }
0x216: {  	v0 =	vmov s7  }
0x217: {  	v0 =	vshll.u32 v0, $0x5  }
0x218: {  	v0 =	vor.u32 v31, v0  }
0x219: {  	v1 =	vor.u32 v8, v0  }
0x21a: {  	v32 =	vld [tilespmem:$0x1FEF0];
	v2 =	vor.u32 v56, v0  }
0x21b: {  	v38 =	vld [tilespmem:$0x1FFD0]  }
0x21c: {  	v57 =	vmov v43;
	v43 =	vld [tilespmem:$0x1FD30]  }
0x21d: {  	v39 =	vld [tilespmem:$0x1FD10];
	v3 =	vor.u32 v7, v0  }
0x21e: {  	v5 =	vor.u32 v20, v0;
	v4 =	vld.idx.msk [tilespmem:v1+s22+$0x0], $0xffff  }
0x21f: {  	v6 =	vld.idx.msk [tilespmem:v2+s24+$0x0], $0xffff  }
0x220: {  	v2 =	vld.idx.msk [tilespmem:v2+s22+$0x0], $0xffff  }
0x221: {  	v7 =	vor.u32 v9, v0;
	v1 =	vld.idx.msk [tilespmem:v1+s24+$0x0], $0xffff  }
0x222: {  	v9 =	vor.u32 v14, v0;
	v8 =	vld.idx.msk [tilespmem:v3+s22+$0x0], $0xffff  }
0x223: {  	v10 =	vld.idx.msk [tilespmem:v5+s24+$0x0], $0xffff  }
0x224: {  	v5 =	vld.idx.msk [tilespmem:v5+s22+$0x0], $0xffff  }
0x225: {  	v11 =	vor.u32 v17, v0;
	v3 =	vld.idx.msk [tilespmem:v3+s24+$0x0], $0xffff  }
0x226: {  	v13 =	vor.u32 v59, v0;
	v12 =	vld.idx.msk [tilespmem:v7+s22+$0x0], $0xffff  }
0x227: {  	v14 =	vld.idx.msk [tilespmem:v9+s24+$0x0], $0xffff  }
0x228: {  	v9 =	vld.idx.msk [tilespmem:v9+s22+$0x0], $0xffff  }
0x229: {  	v15 =	vor.u32 v23, v0;
	v7 =	vld.idx.msk [tilespmem:v7+s24+$0x0], $0xffff  }
0x22a: {  	v17 =	vor.u32 v30, v0;
	v16 =	vld.idx.msk [tilespmem:v11+s22+$0x0], $0xffff  }
0x22b: {  	v18 =	vld.idx.msk [tilespmem:v13+s24+$0x0], $0xffff  }
0x22c: {  	v13 =	vld.idx.msk [tilespmem:v13+s22+$0x0], $0xffff  }
0x22d: {  	v19 =	vor.u32 v60, v0;
	v11 =	vld.idx.msk [tilespmem:v11+s24+$0x0], $0xffff  }
0x22e: {  	v33 =	vmov v21;
	v21 =	vor.u32 v21, v0;
	v20 =	vld.idx.msk [tilespmem:v15+s22+$0x0], $0xffff  }
0x22f: {  	v22 =	vld.idx.msk [tilespmem:v17+s24+$0x0], $0xffff  }
0x230: {  	v17 =	vld.idx.msk [tilespmem:v17+s22+$0x0], $0xffff  }
0x231: {  	v23 =	vor.u32 v61, v0;
	v15 =	vld.idx.msk [tilespmem:v15+s24+$0x0], $0xffff  }
0x232: {  	v25 =	vor.u32 v32, v0;
	v24 =	vld.idx.msk [tilespmem:v19+s22+$0x0], $0xffff  }
0x233: {  	v42 =	vmov v26;
	v26 =	vld.idx.msk [tilespmem:v21+s24+$0x0], $0xffff  }
0x234: {  	v21 =	vld.idx.msk [tilespmem:v21+s22+$0x0], $0xffff  }
0x235: {  	v51 =	vmov v27;
	v27 =	vor.u32 v62, v0;
	v19 =	vld.idx.msk [tilespmem:v19+s24+$0x0], $0xffff  }
0x236: {  	v54 =	vmov v28;
	v46 =	vmov v29;
	v29 =	vor.u32 v29, v0;
	v28 =	vld.idx.msk [tilespmem:v23+s22+$0x0], $0xffff  }
0x237: {  	v30 =	vld.idx.msk [tilespmem:v25+s24+$0x0], $0xffff  }
0x238: {  	v25 =	vld.idx.msk [tilespmem:v25+s22+$0x0], $0xffff  }
0x239: {  	v49 =	vor.u32 v63, v0;
	v23 =	vld.idx.msk [tilespmem:v23+s24+$0x0], $0xffff  }
0x23a: {  	v50 =	vor.u32 v36, v0;
	v35 =	vld.idx.msk [tilespmem:v27+s22+$0x0], $0xffff  }
0x23b: {  	v58 =	vmov v37;
	v37 =	vld.idx.msk [tilespmem:v29+s24+$0x0], $0xffff  }
0x23c: {  	v29 =	vld.idx.msk [tilespmem:v29+s22+$0x0], $0xffff  }
0x23d: {  	v38 =	vor.u32 v38, v0;
	v27 =	vld.idx.msk [tilespmem:v27+s24+$0x0], $0xffff  }
0x23e: {  	v53 =	vor.u32 v43, v0;
	v41 =	vld.idx.msk [tilespmem:v49+s22+$0x0], $0xffff  }
0x23f: {  	v47 =	vmov v60;
	v60 =	vld.idx.msk [tilespmem:v50+s24+$0x0], $0xffff  }
0x240: {  	v40 =	vmov v36;
	v36 =	vld.idx.msk [tilespmem:v50+s22+$0x0], $0xffff  }
0x241: {  	v55 =	vmov v34;
	v34 =	vld.idx.msk [tilespmem:v49+s24+$0x0], $0xffff  }
0x242: {  	v48 =	vmov v61;
	v61 =	vor.u32 v39, v0;
	v49 =	vmov v62;
	v62 =	vld.idx.msk [tilespmem:v38+s22+$0x0], $0xffff  }
0x243: {  	v50 =	vmov v63;
	v63 =	vor.u32 v44, v0;
	v4 =	vmul.f32 v6, v4;
	v6 =	vld.idx.msk [tilespmem:v53+s24+$0x0], $0xffff  }
0x244: {  	v1 =	vmul.f32 v1, v2;
	v2 =	vld.idx.msk [tilespmem:v53+s22+$0x0], $0xffff  }
0x245: {  	v8 =	vmul.f32 v10, v8;
	v10 =	vld.idx.msk [tilespmem:v38+s24+$0x0], $0xffff  }
0x246: {  	v53 =	vmov v52;
	v52 =	vld [tilespmem:$0x1FD50];
	v3 =	vmul.f32 v3, v5  }
0x247: {  	v45 =	vmovc v59;
	v5 =	vld.idx.msk [tilespmem:v61+s22+$0x0], $0xffff;
	v39 =	vmul.f32 v7, v9;
	v59 =	vor.u32 v53, v0;
	v1 =	vadd.f32 $0.0e+00, v1  }
0x248: {  	v7 =	vld.idx.msk [tilespmem:v63+s22+$0x0], $0xffff;
	v4 =	vadd.f32 $0.0e+00, v4  }
0x249: {  	v9 =	vld.idx.msk [tilespmem:v61+s24+$0x0], $0xffff;
	v1 =	vadd.f32 v3, v1  }
0x24a: {  	v4 =	vadd.f32 v8, v4;
	v8 =	vmul.f32 v14, v12;
	v12 =	vld.idx.msk [tilespmem:v63+s24+$0x0], $0xffff;
	v14 =	vor.u32 v57, v0  }
0x24b: {  	v1 =	vadd.f32 v39, v1;
	v39 =	vmov v44;
	v44 =	vld [tilespmem:$0x1FD40]  }
0x24c: {  	v38 =	vor.u32 v52, v0;
	v4 =	vadd.f32 v8, v4;
	v8 =	vmul.f32 v18, v16;
	v16 =	vld.idx.msk [tilespmem:v59+s24+$0x0], $0xffff  }
0x24d: {  	v61 =	vmul.f32 v15, v17;
	v63 =	vmul.f32 v11, v13;
	v15 =	vld.idx.msk [tilespmem:v59+s22+$0x0], $0xffff  }
0x24e: {  	v18 =	vor.u32 v58, v0;
	v4 =	vadd.f32 v8, v4;
	v8 =	vmul.f32 v22, v20;
	v20 =	vld [tilespmem:$0x1FD20]  }
0x24f: {  	v1 =	vadd.f32 v63, v1;
	v63 =	vmul.f32 v19, v21;
	v22 =	vor.u32 v55, v0;
	v19 =	vld.idx.msk [tilespmem:v14+s22+$0x0], $0xffff  }
0x250: {  	v14 =	vld.idx.msk [tilespmem:v14+s24+$0x0], $0xffff;
	v4 =	vadd.f32 v8, v4;
	v8 =	vmul.f32 v26, v24  }
0x251: {  	v11 =	vld.idx.msk [tilespmem:v38+s22+$0x0], $0xffff;
	v1 =	vadd.f32 v61, v1;
	v24 =	vor.u32 v54, v0  }
0x252: {  	v17 =	vld.idx.msk [tilespmem:v38+s24+$0x0], $0xffff;
	v13 =	vor.u32 v44, v0;
	v4 =	vadd.f32 v8, v4;
	v8 =	vmul.f32 v30, v28  }
0x253: {  	v59 =	vmul.f32 v27, v29;
	v38 =	vmul.f32 v23, v25;
	v23 =	vld.idx.msk [tilespmem:v18+s22+$0x0], $0xffff;
	v1 =	vadd.f32 v63, v1  }
0x254: {  	v61 =	vmul.f32 v34, v36;
	v63 =	vld.idx.msk [tilespmem:v22+s22+$0x0], $0xffff;
	v4 =	vadd.f32 v8, v4;
	v8 =	vmul.f32 v37, v35  }
0x255: {  	v34 =	vmul.f32 v9, v7;
	v20 =	vor.u32 v20, v0;
	v9 =	vld.idx.msk [tilespmem:v22+s24+$0x0], $0xffff;
	v1 =	vadd.f32 v38, v1  }
0x256: {  	v7 =	vld.idx.msk [tilespmem:v24+s22+$0x0], $0xffff;
	v4 =	vadd.f32 v8, v4;
	v8 =	vmul.f32 v60, v41  }
0x257: {  	v21 =	vld.idx.msk [tilespmem:v13+s24+$0x0], $0xffff;
	v1 =	vadd.f32 v59, v1  }
0x258: {  	v6 =	vmul.f32 v6, v62;
	v4 =	vadd.f32 v8, v4;
	v8 =	vld.idx.msk [tilespmem:v18+s24+$0x0], $0xffff;
	v18 =	vor.u32 v42, v0  }
0x259: {  	v2 =	vmul.f32 v10, v2;
	v13 =	vld.idx.msk [tilespmem:v13+s22+$0x0], $0xffff;
	v1 =	vadd.f32 v61, v1;
	v0 =	vor.u32 v51, v0  }
0x25a: {  	v5 =	vmul.f32 v12, v5;
	v25 =	vld.idx.msk [tilespmem:v20+s24+$0x0], $0xffff;
	v4 =	vadd.f32 v6, v4  }
0x25b: {  	v20 =	vld.idx.msk [tilespmem:v20+s22+$0x0], $0xffff;
	v1 =	vadd.f32 v2, v1  }
0x25c: {  	v6 =	vld.idx.msk [tilespmem:v24+s24+$0x0], $0xffff;
	v4 =	vadd.f32 v5, v4;
	v5 =	vmul.f32 v16, v11  }
0x25d: {  	v35 =	vmul.f32 v17, v15;
	v1 =	vadd.f32 v34, v1;
	v10 =	vld.idx.msk [tilespmem:v18+s22+$0x0], $0xffff  }
0x25e: {  	v11 =	vld.idx.msk [tilespmem:v0+s24+$0x0], $0xffff;
	v4 =	vadd.f32 v5, v4;
	v5 =	vmul.f32 v21, v19  }
0x25f: {  	v36 =	vmul.f32 v14, v13;
	v0 =	vld.idx.msk [tilespmem:v0+s22+$0x0], $0xffff;
	v1 =	vadd.f32 v35, v1  }
0x260: {  	v12 =	vld.idx.msk [tilespmem:v18+s24+$0x0], $0xffff;
	v4 =	vadd.f32 v5, v4;
	v5 =	vmul.f32 v25, v23  }
0x261: {  	v37 =	vmul.f32 v8, v20;
	v1 =	vadd.f32 v36, v1  }
0x262: {  	v3 =	vmul.f32 v6, v63;
	v4 =	vadd.f32 v5, v4  }
0x263: {  	v38 =	vmul.f32 v9, v7;
	v1 =	vadd.f32 v37, v1  }
0x264: {  	v3 =	vadd.f32 v3, v4;
	v4 =	vmul.f32 v11, v10  }
0x265: {  	v0 =	vmul.f32 v12, v0;
	v1 =	vadd.f32 v38, v1  }
0x266: {  	v41 =	vadd.f32 v4, v3  }
0x267: {  	v0 =	vadd.f32 v0, v1  }
0x268: {  	v59 =	vmax.f32 v41, $-3.000000000e+01  }
0x269: {  	v0 =	vmax.f32 v0, $-3.000000000e+01;
	v1 =	vsub.f32 $0.0e+00, v59  }
0x26a: {  	v0 =	vsub.f32 $0.0e+00, v0  }
0x26b: {  	v1 =	vmul.f32 $1.442695020e+00, v1  }
0x26c: {  	v0 =	vmul.f32 $1.442695020e+00, v0  }
0x26d: {  	(erf) = vpow2.f32 v1  }
0x26e: {  	(erf) = vpow2.f32 v0;
	_ =	sdelay $0x7  }
0x26f: {  	v60 =	vpop (erf)  }
0x270: {  	v61 =	vpop (erf)  }
0x271: {  	v62 =	vadd.f32 $1.000000000e+00, v60;
	v63 =	vadd.f32 $1.000000000e+00, v61;
	_ =	sdelay $0x1  }
0x272: {  	v2 =	vmul.f32 v63, v62;
	_ =	sdelay $0x1  }
0x273: {  	(erf) = vrcp.f32 v2;
	_ =	sdelay $0x1  }
0x274: {  	v35 =	vld [tilespmem:$0x1FFC0]  }
0x275: {  	v14 =	vld [tilespmem:$0x1FF90]  }
0x276: {  	v16 =	vld [tilespmem:$0x1FFA0];
	v0 =	vadd.f32 v61, v60  }
0x277: {  	v34 =	vmov s5;
	v8 =	vld [tilespmem:$0x1FF60]  }
0x278: {  	v6 =	vld [tilespmem:$0x1FF50];
	v1 =	vshll.u32 v34, $0x5;
	v0 =	vmul.f32 $5.000000000e-01, v0  }
0x279: {  	v31 =	vlaneseq.u32;
	v4 =	vld [tilespmem:$0x1FF80];
	v59 =	vor.u32 v35, v1  }
0x27a: {  	v38 =	vld [tilespmem:$0x1FF40];
	v1 =	vor.u32 v31, v59;
	v0 =	vadd.f32 $1.000000000e+00, v0  }
0x27b: {  	v10 =	vld [tilespmem:$0x1FF70];
	v37 =	vor.u32 v56, v59;
	v36 =	vpop (erf)  }
0x27c: {  	v41 =	vld [tilespmem:$0x1FFD0];
	v0 =	vmul.f32 v36, v0  }
0x27d: {  	v56 =	vld [tilespmem:$0x1FD10]  }
0x27e: {  	v4 =	vor.u32 v4, v59;
	v24 =	vor.u32 v32, v59;
	v32 =	vld [tilespmem:$0x1FD20];
	[tilespmem:s19+$0xFFFFFFF0] =	vst v0  }
0x27f: {  	v2 =	vld.idx.msk [tilespmem:v1+s22+$0x0], $0xffff  }
0x280: {  	v6 =	vor.u32 v6, v59;
	v5 =	vld.idx.msk [tilespmem:v37+s24+$0x0], $0xffff  }
0x281: {  	v8 =	vor.u32 v8, v59;
	v3 =	vld.idx.msk [tilespmem:v37+s22+$0x0], $0xffff  }
0x282: {  	v1 =	vld.idx.msk [tilespmem:v1+s24+$0x0], $0xffff  }
0x283: {  	v9 =	vld.idx.msk [tilespmem:v4+s24+$0x0], $0xffff  }
0x284: {  	v10 =	vor.u32 v10, v59;
	v4 =	vld.idx.msk [tilespmem:v4+s22+$0x0], $0xffff  }
0x285: {  	v12 =	vor.u32 v45, v59;
	v11 =	vld.idx.msk [tilespmem:v6+s22+$0x0], $0xffff  }
0x286: {  	v13 =	vld.idx.msk [tilespmem:v8+s24+$0x0], $0xffff  }
0x287: {  	v8 =	vld.idx.msk [tilespmem:v8+s22+$0x0], $0xffff  }
0x288: {  	v14 =	vor.u32 v14, v59;
	v6 =	vld.idx.msk [tilespmem:v6+s24+$0x0], $0xffff  }
0x289: {  	v16 =	vor.u32 v16, v59;
	v15 =	vld.idx.msk [tilespmem:v10+s22+$0x0], $0xffff  }
0x28a: {  	v17 =	vld.idx.msk [tilespmem:v12+s24+$0x0], $0xffff  }
0x28b: {  	v12 =	vld.idx.msk [tilespmem:v12+s22+$0x0], $0xffff  }
0x28c: {  	v18 =	vor.u32 v47, v59;
	v10 =	vld.idx.msk [tilespmem:v10+s24+$0x0], $0xffff  }
0x28d: {  	v20 =	vor.u32 v33, v59;
	v19 =	vld.idx.msk [tilespmem:v14+s22+$0x0], $0xffff  }
0x28e: {  	v21 =	vld.idx.msk [tilespmem:v16+s24+$0x0], $0xffff  }
0x28f: {  	v16 =	vld.idx.msk [tilespmem:v16+s22+$0x0], $0xffff  }
0x290: {  	v22 =	vor.u32 v48, v59;
	v14 =	vld.idx.msk [tilespmem:v14+s24+$0x0], $0xffff  }
0x291: {  	v23 =	vld.idx.msk [tilespmem:v18+s22+$0x0], $0xffff  }
0x292: {  	v25 =	vld.idx.msk [tilespmem:v20+s24+$0x0], $0xffff  }
0x293: {  	v20 =	vld.idx.msk [tilespmem:v20+s22+$0x0], $0xffff  }
0x294: {  	v26 =	vor.u32 v49, v59;
	v18 =	vld.idx.msk [tilespmem:v18+s24+$0x0], $0xffff  }
0x295: {  	v28 =	vor.u32 v46, v59;
	v27 =	vld.idx.msk [tilespmem:v22+s22+$0x0], $0xffff  }
0x296: {  	v29 =	vld.idx.msk [tilespmem:v24+s24+$0x0], $0xffff  }
0x297: {  	v24 =	vld.idx.msk [tilespmem:v24+s22+$0x0], $0xffff  }
0x298: {  	v30 =	vor.u32 v50, v59;
	v22 =	vld.idx.msk [tilespmem:v22+s24+$0x0], $0xffff  }
0x299: {  	v35 =	vor.u32 v40, v59;
	v34 =	vld.idx.msk [tilespmem:v26+s22+$0x0], $0xffff  }
0x29a: {  	v36 =	vld.idx.msk [tilespmem:v28+s24+$0x0], $0xffff  }
0x29b: {  	v28 =	vld.idx.msk [tilespmem:v28+s22+$0x0], $0xffff  }
0x29c: {  	v0 =	vor.u32 v38, v59;
	v26 =	vld.idx.msk [tilespmem:v26+s24+$0x0], $0xffff  }
0x29d: {  	v38 =	vld.idx.msk [tilespmem:v30+s22+$0x0], $0xffff  }
0x29e: {  	v37 =	vor.u32 v41, v59;
	v60 =	vld.idx.msk [tilespmem:v35+s24+$0x0], $0xffff  }
0x29f: {  	v41 =	vor.u32 v43, v59;
	v35 =	vld.idx.msk [tilespmem:v35+s22+$0x0], $0xffff  }
0x2a0: {  	v30 =	vld.idx.msk [tilespmem:v30+s24+$0x0], $0xffff  }
0x2a1: {  	v63 =	vor.u32 v39, v59;
	v7 =	vld.idx.msk [tilespmem:v0+s22+$0x0], $0xffff  }
0x2a2: {  	v0 =	vld.idx.msk [tilespmem:v0+s24+$0x0], $0xffff  }
0x2a3: {  	v61 =	vor.u32 v56, v59;
	v62 =	vld.idx.msk [tilespmem:v37+s22+$0x0], $0xffff  }
0x2a4: {  	v2 =	vmul.f32 v5, v2;
	v5 =	vld.idx.msk [tilespmem:v41+s24+$0x0], $0xffff  }
0x2a5: {  	v1 =	vmul.f32 v1, v3;
	v3 =	vld.idx.msk [tilespmem:v41+s22+$0x0], $0xffff;
	v41 =	vor.u32 v53, v59  }
0x2a6: {  	v56 =	vmul.f32 v6, v8;
	v6 =	vld.idx.msk [tilespmem:v63+s22+$0x0], $0xffff;
	v2 =	vadd.f32 $0.0e+00, v2;
	v7 =	vmul.f32 v9, v7  }
0x2a7: {  	v1 =	vadd.f32 $0.0e+00, v1;
	v9 =	vld.idx.msk [tilespmem:v37+s24+$0x0], $0xffff;
	v37 =	vor.u32 v52, v59;
	v0 =	vmul.f32 v0, v4  }
0x2a8: {  	v8 =	vld.idx.msk [tilespmem:v61+s24+$0x0], $0xffff;
	v2 =	vadd.f32 v7, v2;
	v7 =	vmul.f32 v13, v11  }
0x2a9: {  	v4 =	vld.idx.msk [tilespmem:v61+s22+$0x0], $0xffff;
	v0 =	vadd.f32 v0, v1  }
0x2aa: {  	v11 =	vld.idx.msk [tilespmem:v63+s24+$0x0], $0xffff;
	v13 =	vor.u32 v57, v59;
	v2 =	vadd.f32 v7, v2;
	v7 =	vmul.f32 v17, v15  }
0x2ab: {  	v0 =	vadd.f32 v56, v0;
	v56 =	vmul.f32 v10, v12;
	v15 =	vld.idx.msk [tilespmem:v41+s24+$0x0], $0xffff  }
0x2ac: {  	v12 =	vor.u32 v44, v59;
	v10 =	vld.idx.msk [tilespmem:v37+s22+$0x0], $0xffff;
	v2 =	vadd.f32 v7, v2;
	v7 =	vmul.f32 v21, v19  }
0x2ad: {  	v0 =	vadd.f32 v56, v0;
	v56 =	vmul.f32 v14, v16;
	v14 =	vld.idx.msk [tilespmem:v41+s22+$0x0], $0xffff  }
0x2ae: {  	v17 =	vor.u32 v58, v59;
	v16 =	vld.idx.msk [tilespmem:v37+s24+$0x0], $0xffff;
	v2 =	vadd.f32 v7, v2;
	v7 =	vmul.f32 v25, v23  }
0x2af: {  	v41 =	vmul.f32 v18, v20;
	v19 =	vor.u32 v32, v59;
	v18 =	vld.idx.msk [tilespmem:v13+s22+$0x0], $0xffff;
	v0 =	vadd.f32 v56, v0  }
0x2b0: {  	v32 =	vmul.f32 v9, v3;
	v13 =	vld.idx.msk [tilespmem:v13+s24+$0x0], $0xffff;
	v2 =	vadd.f32 v7, v2;
	v7 =	vmul.f32 v29, v27  }
0x2b1: {  	v9 =	vor.u32 v51, v59;
	v56 =	vmul.f32 v22, v24;
	v20 =	vld.idx.msk [tilespmem:v12+s24+$0x0], $0xffff;
	v0 =	vadd.f32 v41, v0  }
0x2b2: {  	v12 =	vld.idx.msk [tilespmem:v12+s22+$0x0], $0xffff;
	v2 =	vadd.f32 v7, v2;
	v7 =	vmul.f32 v36, v34  }
0x2b3: {  	v22 =	vld.idx.msk [tilespmem:v17+s22+$0x0], $0xffff;
	v41 =	vmul.f32 v26, v28;
	v0 =	vadd.f32 v56, v0  }
0x2b4: {  	v21 =	vor.u32 v55, v59;
	v24 =	vld.idx.msk [tilespmem:v19+s24+$0x0], $0xffff;
	v2 =	vadd.f32 v7, v2;
	v7 =	vmul.f32 v60, v38  }
0x2b5: {  	v23 =	vor.u32 v54, v59;
	v19 =	vld.idx.msk [tilespmem:v19+s22+$0x0], $0xffff;
	v56 =	vmul.f32 v30, v35;
	v0 =	vadd.f32 v41, v0  }
0x2b6: {  	v5 =	vmul.f32 v5, v62;
	v4 =	vmul.f32 v11, v4;
	v11 =	vld.idx.msk [tilespmem:v9+s24+$0x0], $0xffff;
	v2 =	vadd.f32 v7, v2  }
0x2b7: {  	v9 =	vld.idx.msk [tilespmem:v9+s22+$0x0], $0xffff;
	v0 =	vadd.f32 v56, v0  }
0x2b8: {  	v7 =	vld.idx.msk [tilespmem:v17+s24+$0x0], $0xffff;
	v17 =	vor.u32 v42, v59;
	v2 =	vadd.f32 v5, v2  }
0x2b9: {  	v35 =	vld.idx.msk [tilespmem:v21+s22+$0x0], $0xffff;
	v38 =	vmul.f32 v8, v6;
	v0 =	vadd.f32 v32, v0  }
0x2ba: {  	v6 =	vld.idx.msk [tilespmem:v23+s22+$0x0], $0xffff;
	v2 =	vadd.f32 v4, v2;
	v4 =	vmul.f32 v15, v10  }
0x2bb: {  	v41 =	vmul.f32 v16, v14;
	v5 =	vld.idx.msk [tilespmem:v23+s24+$0x0], $0xffff;
	v0 =	vadd.f32 v38, v0  }
0x2bc: {  	v8 =	vld.idx.msk [tilespmem:v21+s24+$0x0], $0xffff;
	v2 =	vadd.f32 v4, v2;
	v4 =	vmul.f32 v20, v18  }
0x2bd: {  	v56 =	vmul.f32 v13, v12;
	v10 =	vld.idx.msk [tilespmem:v17+s22+$0x0], $0xffff;
	v0 =	vadd.f32 v41, v0  }
0x2be: {  	v12 =	vld.idx.msk [tilespmem:v17+s24+$0x0], $0xffff;
	v2 =	vadd.f32 v4, v2;
	v4 =	vmul.f32 v24, v22  }
0x2bf: {  	v32 =	vmul.f32 v7, v19;
	v0 =	vadd.f32 v56, v0  }
0x2c0: {  	v3 =	vmul.f32 v5, v35;
	v2 =	vadd.f32 v4, v2  }
0x2c1: {  	v35 =	vmul.f32 v8, v6;
	v0 =	vadd.f32 v32, v0  }
0x2c2: {  	v38 =	vmul.f32 v11, v10;
	v2 =	vadd.f32 v3, v2  }
0x2c3: {  	v41 =	vmul.f32 v12, v9;
	v0 =	vadd.f32 v35, v0  }
0x2c4: {  	v2 =	vadd.f32 v38, v2  }
0x2c5: {  	v0 =	vadd.f32 v41, v0  }
0x2c6: {  	v56 =	vmax.f32 v2, $-3.000000000e+01  }
0x2c7: {  	v0 =	vmax.f32 v0, $-3.000000000e+01;
	v1 =	vsub.f32 $0.0e+00, v56  }
0x2c8: {  	v0 =	vsub.f32 $0.0e+00, v0  }
0x2c9: {  	v1 =	vmul.f32 $1.442695020e+00, v1  }
0x2ca: {  	v0 =	vmul.f32 $1.442695020e+00, v0  }
0x2cb: {  	(erf) = vpow2.f32 v1  }
0x2cc: {  	(erf) = vpow2.f32 v0;
	_ =	sdelay $0x7  }
0x2cd: {  	v32 =	vpop (erf)  }
0x2ce: {  	v35 =	vpop (erf)  }
0x2cf: {  	v38 =	vadd.f32 $1.000000000e+00, v32;
	v41 =	vadd.f32 $1.000000000e+00, v35;
	_ =	sdelay $0x1  }
0x2d0: {  	v2 =	vmul.f32 v41, v38;
	_ =	sdelay $0x1  }
0x2d1: {  	(erf) = vrcp.f32 v2;
	_ =	sdelay $0x3  }
0x2d2: {  	v0 =	vadd.f32 v35, v32  }
0x2d3: {  	v31 =	vld [tilespmem:$0x1FFC0]  }
0x2d4: {  	s4 =	sadd.s32 $0x2, s4;
	v30 =	vld [tilespmem:$0x1FFA0];
	v0 =	vmul.f32 $5.000000000e-01, v0  }
0x2d5: {  	p1 =	slt.u32 s4, $0x6;
	v14 =	vld [tilespmem:$0x1FF60]  }
.Ltmp2:
0x2d6: {  	v23 =	vld [tilespmem:$0x1FF90];
	v0 =	vadd.f32 $1.000000000e+00, v0;
	(pc) =	sbr.rel @p1 .LBB2_7-.Ltmp2, $4  }
0x2d7: {  	v43 =	vmov v57;
	v52 =	vmov v53;
	v61 =	vmov v48;
	v17 =	vld [tilespmem:$0x1FF70];
	v56 =	vpop (erf)  }
0x2d8: {  	v62 =	vmovc v49;
	v63 =	vmovc v50;
	v44 =	vmov v39;
	v37 =	vmov v58;
	v7 =	vld [tilespmem:$0x1FF40];
	v0 =	vmul.f32 v56, v0  }
0x2d9: {  	v27 =	vmovc v51;
	v29 =	vmovc v46;
	v28 =	vmov v54;
	v26 =	vmov v42;
	v34 =	vmov v55;
	v20 =	vld [tilespmem:$0x1FF80]  }
0x2da: {  	s5 =	sadd.s32 $0x20, s5;
	v36 =	vmovc v40;
	v60 =	vmovc v47;
	v21 =	vmov v33;
	v59 =	vmov v45;
	v8 =	vlaneseq.u32;
	v9 =	vld [tilespmem:$0x1FF50];
	[tilespmem:s19+$0x0] =	vst v0;
	s19 =	sadd.s32 $0x20, s19  }
0x2db: {  	_ =	swait.ge [sflag:s31], $0x1000  }
0x2dc: {  	[sflag:s31] =	ssyncset.done $0x0  }
0x2dd: {  	[sflag:s31] =	ssyncadd.s32 $0xFFFFF000  }
0x2de: {  	_ =	swait.ge [sflag:s31], $0x1000  }
0x2df: {  	s4 =	sadd.s32 @!p0 $0x5120, s12;
	[sflag:s31] =	ssyncset.done $0x0  }
0x2e0: {  	s5 =	simm.s32 @!p0 $0x80;
	s7 =	simm.s32 @!p0 $0xBE20;
	[sflag:s31] =	ssyncadd.s32 $0xFFFFF000  }
0x2e1: {  	[tilespmem:s7], [sflag:$0x3] =	stream.indirect.gather @!p0 [spmem:s2], $0x20, s4, s5, $0xb8;
	[tilespmem:$0x14620] =	vst v63  }
0x2e2: {  	s4 =	sadd.s32 @!p0 $0x7920, s12;
	s7 =	simm.s32 @!p0 $0xFE20  }
0x2e3: {  	[tilespmem:s7], [sflag:$0x3] =	stream.indirect.gather @!p0 [spmem:s2], $0x20, s4, s5, $0xb8;
	[tilespmem:$0x14620] =	vst v63  }
0x2e4: {  	s12 =	smov.u32 s1;
	s4 =	simm.s32 $0xFFFFFFFE;
	s5 =	simm.s32 $0x10  }
.LBB2_9:
0x2e5: {  	s7 =	sadd.s32 $0xFFFFFFF0, s5;
	v56 =	vld [tilespmem:$0x1FD60]  }
0x2e6: {  	v0 =	vmov s7  }
0x2e7: {  	v0 =	vshll.u32 v0, $0x5  }
0x2e8: {  	v52 =	vld [tilespmem:$0x1FD10];
	v0 =	vor.u32 v31, v0  }
0x2e9: {  	v1 =	vor.u32 v8, v0  }
0x2ea: {  	v32 =	vld [tilespmem:$0x1FEF0];
	v2 =	vor.u32 v56, v0  }
0x2eb: {  	v38 =	vld [tilespmem:$0x1FFD0]  }
0x2ec: {  	v43 =	vld [tilespmem:$0x1FD30];
	v3 =	vor.u32 v7, v0  }
0x2ed: {  	v15 =	vor.u32 v23, v0;
	v23 =	vor.u32 v61, v0;
	v61 =	vor.u32 v52, v0;
	v52 =	vld [tilespmem:$0x1FD50]  }
0x2ee: {  	v5 =	vor.u32 v20, v0;
	v4 =	vld.idx.msk [tilespmem:v1+s26+$0x0], $0xffff  }
0x2ef: {  	v6 =	vld.idx.msk [tilespmem:v2+s28+$0x0], $0xffff  }
0x2f0: {  	v2 =	vld.idx.msk [tilespmem:v2+s26+$0x0], $0xffff  }
0x2f1: {  	v7 =	vor.u32 v9, v0;
	v1 =	vld.idx.msk [tilespmem:v1+s28+$0x0], $0xffff  }
0x2f2: {  	v9 =	vor.u32 v14, v0;
	v8 =	vld.idx.msk [tilespmem:v3+s26+$0x0], $0xffff  }
0x2f3: {  	v10 =	vld.idx.msk [tilespmem:v5+s28+$0x0], $0xffff  }
0x2f4: {  	v5 =	vld.idx.msk [tilespmem:v5+s26+$0x0], $0xffff  }
0x2f5: {  	v11 =	vor.u32 v17, v0;
	v3 =	vld.idx.msk [tilespmem:v3+s28+$0x0], $0xffff  }
0x2f6: {  	v13 =	vor.u32 v59, v0;
	v12 =	vld.idx.msk [tilespmem:v7+s26+$0x0], $0xffff  }
0x2f7: {  	v14 =	vld.idx.msk [tilespmem:v9+s28+$0x0], $0xffff  }
0x2f8: {  	v9 =	vld.idx.msk [tilespmem:v9+s26+$0x0], $0xffff  }
0x2f9: {  	v7 =	vld.idx.msk [tilespmem:v7+s28+$0x0], $0xffff  }
0x2fa: {  	v17 =	vor.u32 v30, v0;
	v16 =	vld.idx.msk [tilespmem:v11+s26+$0x0], $0xffff  }
0x2fb: {  	v18 =	vld.idx.msk [tilespmem:v13+s28+$0x0], $0xffff  }
0x2fc: {  	v13 =	vld.idx.msk [tilespmem:v13+s26+$0x0], $0xffff  }
0x2fd: {  	v19 =	vor.u32 v60, v0;
	v11 =	vld.idx.msk [tilespmem:v11+s28+$0x0], $0xffff  }
0x2fe: {  	v21 =	vor.u32 v33, v0;
	v20 =	vld.idx.msk [tilespmem:v15+s26+$0x0], $0xffff  }
0x2ff: {  	v22 =	vld.idx.msk [tilespmem:v17+s28+$0x0], $0xffff  }
0x300: {  	v17 =	vld.idx.msk [tilespmem:v17+s26+$0x0], $0xffff  }
0x301: {  	v15 =	vld.idx.msk [tilespmem:v15+s28+$0x0], $0xffff  }
0x302: {  	v25 =	vor.u32 v32, v0;
	v24 =	vld.idx.msk [tilespmem:v19+s26+$0x0], $0xffff  }
0x303: {  	v26 =	vld.idx.msk [tilespmem:v21+s28+$0x0], $0xffff  }
0x304: {  	v21 =	vld.idx.msk [tilespmem:v21+s26+$0x0], $0xffff  }
0x305: {  	v27 =	vor.u32 v62, v0;
	v19 =	vld.idx.msk [tilespmem:v19+s28+$0x0], $0xffff  }
0x306: {  	v29 =	vor.u32 v46, v0;
	v28 =	vld.idx.msk [tilespmem:v23+s26+$0x0], $0xffff  }
0x307: {  	v30 =	vld.idx.msk [tilespmem:v25+s28+$0x0], $0xffff  }
0x308: {  	v25 =	vld.idx.msk [tilespmem:v25+s26+$0x0], $0xffff  }
0x309: {  	v34 =	vor.u32 v63, v0;
	v23 =	vld.idx.msk [tilespmem:v23+s28+$0x0], $0xffff  }
0x30a: {  	v36 =	vor.u32 v40, v0;
	v35 =	vld.idx.msk [tilespmem:v27+s26+$0x0], $0xffff  }
0x30b: {  	v37 =	vld.idx.msk [tilespmem:v29+s28+$0x0], $0xffff  }
0x30c: {  	v29 =	vld.idx.msk [tilespmem:v29+s26+$0x0], $0xffff  }
0x30d: {  	v38 =	vor.u32 v38, v0;
	v27 =	vld.idx.msk [tilespmem:v27+s28+$0x0], $0xffff  }
0x30e: {  	v59 =	vor.u32 v43, v0;
	v41 =	vld.idx.msk [tilespmem:v34+s26+$0x0], $0xffff  }
0x30f: {  	v60 =	vld.idx.msk [tilespmem:v36+s28+$0x0], $0xffff  }
0x310: {  	v36 =	vld.idx.msk [tilespmem:v36+s26+$0x0], $0xffff  }
0x311: {  	v34 =	vld.idx.msk [tilespmem:v34+s28+$0x0], $0xffff  }
0x312: {  	v63 =	vor.u32 v44, v0;
	v62 =	vld.idx.msk [tilespmem:v38+s26+$0x0], $0xffff  }
0x313: {  	v4 =	vmul.f32 v6, v4;
	v6 =	vld.idx.msk [tilespmem:v59+s28+$0x0], $0xffff  }
0x314: {  	v1 =	vmul.f32 v1, v2;
	v2 =	vld.idx.msk [tilespmem:v59+s26+$0x0], $0xffff  }
0x315: {  	v8 =	vmul.f32 v10, v8;
	v10 =	vld.idx.msk [tilespmem:v38+s28+$0x0], $0xffff;
	v38 =	vor.u32 v52, v0  }
0x316: {  	v3 =	vmul.f32 v3, v5;
	v5 =	vld.idx.msk [tilespmem:v61+s26+$0x0], $0xffff;
	v59 =	vor.u32 v53, v0  }
0x317: {  	v44 =	vmul.f32 v7, v9;
	v7 =	vld.idx.msk [tilespmem:v63+s26+$0x0], $0xffff;
	v4 =	vadd.f32 $0.0e+00, v4  }
0x318: {  	v9 =	vld.idx.msk [tilespmem:v61+s28+$0x0], $0xffff;
	v1 =	vadd.f32 $0.0e+00, v1  }
0x319: {  	v4 =	vadd.f32 v8, v4;
	v8 =	vmul.f32 v14, v12;
	v12 =	vld.idx.msk [tilespmem:v63+s28+$0x0], $0xffff  }
0x31a: {  	v61 =	vmul.f32 v11, v13;
	v1 =	vadd.f32 v3, v1;
	v14 =	vor.u32 v57, v0;
	v11 =	vld.idx.msk [tilespmem:v38+s26+$0x0], $0xffff  }
0x31b: {  	v63 =	vmul.f32 v15, v17;
	v15 =	vld.idx.msk [tilespmem:v59+s26+$0x0], $0xffff;
	v4 =	vadd.f32 v8, v4;
	v8 =	vmul.f32 v18, v16  }
0x31c: {  	v1 =	vadd.f32 v44, v1;
	v44 =	vld [tilespmem:$0x1FD40]  }
0x31d: {  	v17 =	vld.idx.msk [tilespmem:v38+s28+$0x0], $0xffff;
	v18 =	vor.u32 v58, v0;
	v4 =	vadd.f32 v8, v4;
	v8 =	vmul.f32 v22, v20  }
0x31e: {  	v16 =	vld.idx.msk [tilespmem:v59+s28+$0x0], $0xffff;
	v1 =	vadd.f32 v61, v1;
	v61 =	vor.u32 v54, v0  }
0x31f: {  	v20 =	vld [tilespmem:$0x1FD20];
	v22 =	vor.u32 v55, v0;
	v4 =	vadd.f32 v8, v4;
	v8 =	vmul.f32 v26, v24  }
0x320: {  	v1 =	vadd.f32 v63, v1;
	v26 =	vmul.f32 v19, v21;
	v19 =	vld.idx.msk [tilespmem:v14+s26+$0x0], $0xffff  }
0x321: {  	v14 =	vld.idx.msk [tilespmem:v14+s28+$0x0], $0xffff;
	v13 =	vor.u32 v44, v0;
	v4 =	vadd.f32 v8, v4;
	v8 =	vmul.f32 v30, v28  }
0x322: {  	v34 =	vmul.f32 v34, v36;
	v38 =	vmul.f32 v23, v25;
	v23 =	vld.idx.msk [tilespmem:v18+s26+$0x0], $0xffff;
	v1 =	vadd.f32 v26, v1  }
0x323: {  	v36 =	vmul.f32 v9, v7;
	v7 =	vld.idx.msk [tilespmem:v61+s26+$0x0], $0xffff;
	v4 =	vadd.f32 v8, v4;
	v8 =	vmul.f32 v37, v35  }
0x324: {  	v59 =	vmul.f32 v27, v29;
	v20 =	vor.u32 v20, v0;
	v9 =	vld.idx.msk [tilespmem:v22+s28+$0x0], $0xffff;
	v1 =	vadd.f32 v38, v1  }
0x325: {  	v35 =	vld.idx.msk [tilespmem:v22+s26+$0x0], $0xffff;
	v4 =	vadd.f32 v8, v4;
	v8 =	vmul.f32 v60, v41  }
0x326: {  	v21 =	vld.idx.msk [tilespmem:v13+s28+$0x0], $0xffff;
	v1 =	vadd.f32 v59, v1  }
0x327: {  	v6 =	vmul.f32 v6, v62;
	v4 =	vadd.f32 v8, v4;
	v8 =	vld.idx.msk [tilespmem:v18+s28+$0x0], $0xffff;
	v18 =	vor.u32 v42, v0  }
0x328: {  	v2 =	vmul.f32 v10, v2;
	v13 =	vld.idx.msk [tilespmem:v13+s26+$0x0], $0xffff;
	v1 =	vadd.f32 v34, v1;
	v0 =	vor.u32 v51, v0  }
0x329: {  	v5 =	vmul.f32 v12, v5;
	v63 =	vld.idx.msk [tilespmem:v20+s28+$0x0], $0xffff;
	v4 =	vadd.f32 v6, v4  }
0x32a: {  	v20 =	vld.idx.msk [tilespmem:v20+s26+$0x0], $0xffff;
	v1 =	vadd.f32 v2, v1  }
0x32b: {  	v6 =	vld.idx.msk [tilespmem:v61+s28+$0x0], $0xffff;
	v4 =	vadd.f32 v5, v4;
	v5 =	vmul.f32 v16, v11  }
0x32c: {  	v37 =	vmul.f32 v17, v15;
	v1 =	vadd.f32 v36, v1;
	v10 =	vld.idx.msk [tilespmem:v18+s26+$0x0], $0xffff  }
0x32d: {  	v11 =	vld.idx.msk [tilespmem:v0+s28+$0x0], $0xffff;
	v4 =	vadd.f32 v5, v4;
	v5 =	vmul.f32 v21, v19  }
0x32e: {  	v38 =	vmul.f32 v14, v13;
	v0 =	vld.idx.msk [tilespmem:v0+s26+$0x0], $0xffff;
	v1 =	vadd.f32 v37, v1  }
0x32f: {  	v12 =	vld.idx.msk [tilespmem:v18+s28+$0x0], $0xffff;
	v4 =	vadd.f32 v5, v4;
	v5 =	vmul.f32 v63, v23  }
0x330: {  	v41 =	vmul.f32 v8, v20;
	v1 =	vadd.f32 v38, v1  }
0x331: {  	v3 =	vmul.f32 v6, v35;
	v4 =	vadd.f32 v5, v4  }
0x332: {  	v59 =	vmul.f32 v9, v7;
	v1 =	vadd.f32 v41, v1  }
0x333: {  	v3 =	vadd.f32 v3, v4;
	v4 =	vmul.f32 v11, v10  }
0x334: {  	v0 =	vmul.f32 v12, v0;
	v1 =	vadd.f32 v59, v1  }
0x335: {  	v60 =	vadd.f32 v4, v3  }
0x336: {  	v0 =	vadd.f32 v0, v1  }
0x337: {  	v61 =	vmax.f32 v60, $-3.000000000e+01  }
0x338: {  	v0 =	vmax.f32 v0, $-3.000000000e+01;
	v1 =	vsub.f32 $0.0e+00, v61  }
0x339: {  	v0 =	vsub.f32 $0.0e+00, v0  }
0x33a: {  	v1 =	vmul.f32 $1.442695020e+00, v1  }
0x33b: {  	v0 =	vmul.f32 $1.442695020e+00, v0  }
0x33c: {  	(erf) = vpow2.f32 v1  }
0x33d: {  	(erf) = vpow2.f32 v0;
	_ =	sdelay $0x7  }
0x33e: {  	v62 =	vpop (erf)  }
0x33f: {  	v63 =	vpop (erf)  }
0x340: {  	v24 =	vadd.f32 $1.000000000e+00, v62;
	v25 =	vadd.f32 $1.000000000e+00, v63;
	_ =	sdelay $0x1  }
0x341: {  	v2 =	vmul.f32 v25, v24;
	_ =	sdelay $0x1  }
0x342: {  	(erf) = vrcp.f32 v2;
	_ =	sdelay $0x1  }
0x343: {  	v34 =	vld [tilespmem:$0x1FFC0];
	_ =	sdelay $0x1  }
0x344: {  	v14 =	vld [tilespmem:$0x1FF90];
	v0 =	vadd.f32 v63, v62  }
0x345: {  	v26 =	vmov s5;
	v16 =	vld [tilespmem:$0x1FFA0]  }
0x346: {  	v8 =	vld [tilespmem:$0x1FF60];
	v1 =	vshll.u32 v26, $0x5;
	v0 =	vmul.f32 $5.000000000e-01, v0  }
0x347: {  	v31 =	vlaneseq.u32;
	v4 =	vld [tilespmem:$0x1FF80];
	v59 =	vor.u32 v34, v1  }
0x348: {  	v37 =	vld [tilespmem:$0x1FF40];
	v1 =	vor.u32 v31, v59;
	v0 =	vadd.f32 $1.000000000e+00, v0  }
0x349: {  	v6 =	vld [tilespmem:$0x1FF50];
	v36 =	vor.u32 v56, v59;
	v35 =	vpop (erf)  }
0x34a: {  	v10 =	vld [tilespmem:$0x1FF70];
	v0 =	vmul.f32 v35, v0  }
0x34b: {  	v38 =	vor.u32 v32, v59;
	v32 =	vld [tilespmem:$0x1FD10]  }
0x34c: {  	v4 =	vor.u32 v4, v59;
	v63 =	vld [tilespmem:$0x1FFD0];
	[tilespmem:s12+$0xFFFFFFF0] =	vst v0  }
0x34d: {  	v2 =	vld.idx.msk [tilespmem:v1+s26+$0x0], $0xffff  }
0x34e: {  	v6 =	vor.u32 v6, v59;
	v5 =	vld.idx.msk [tilespmem:v36+s28+$0x0], $0xffff  }
0x34f: {  	v8 =	vor.u32 v8, v59;
	v3 =	vld.idx.msk [tilespmem:v36+s26+$0x0], $0xffff  }
0x350: {  	v1 =	vld.idx.msk [tilespmem:v1+s28+$0x0], $0xffff  }
0x351: {  	v9 =	vld.idx.msk [tilespmem:v4+s28+$0x0], $0xffff  }
0x352: {  	v10 =	vor.u32 v10, v59;
	v4 =	vld.idx.msk [tilespmem:v4+s26+$0x0], $0xffff  }
0x353: {  	v12 =	vor.u32 v45, v59;
	v11 =	vld.idx.msk [tilespmem:v6+s26+$0x0], $0xffff  }
0x354: {  	v13 =	vld.idx.msk [tilespmem:v8+s28+$0x0], $0xffff  }
0x355: {  	v8 =	vld.idx.msk [tilespmem:v8+s26+$0x0], $0xffff  }
0x356: {  	v14 =	vor.u32 v14, v59;
	v6 =	vld.idx.msk [tilespmem:v6+s28+$0x0], $0xffff  }
0x357: {  	v16 =	vor.u32 v16, v59;
	v15 =	vld.idx.msk [tilespmem:v10+s26+$0x0], $0xffff  }
0x358: {  	v17 =	vld.idx.msk [tilespmem:v12+s28+$0x0], $0xffff  }
0x359: {  	v12 =	vld.idx.msk [tilespmem:v12+s26+$0x0], $0xffff  }
0x35a: {  	v18 =	vor.u32 v47, v59;
	v10 =	vld.idx.msk [tilespmem:v10+s28+$0x0], $0xffff  }
0x35b: {  	v20 =	vor.u32 v33, v59;
	v19 =	vld.idx.msk [tilespmem:v14+s26+$0x0], $0xffff  }
0x35c: {  	v21 =	vld.idx.msk [tilespmem:v16+s28+$0x0], $0xffff  }
0x35d: {  	v16 =	vld.idx.msk [tilespmem:v16+s26+$0x0], $0xffff  }
0x35e: {  	v22 =	vor.u32 v48, v59;
	v14 =	vld.idx.msk [tilespmem:v14+s28+$0x0], $0xffff  }
0x35f: {  	v23 =	vld.idx.msk [tilespmem:v18+s26+$0x0], $0xffff  }
0x360: {  	v25 =	vld.idx.msk [tilespmem:v20+s28+$0x0], $0xffff  }
0x361: {  	v20 =	vld.idx.msk [tilespmem:v20+s26+$0x0], $0xffff  }
0x362: {  	v41 =	vor.u32 v49, v59;
	v18 =	vld.idx.msk [tilespmem:v18+s28+$0x0], $0xffff  }
0x363: {  	v28 =	vor.u32 v46, v59;
	v27 =	vld.idx.msk [tilespmem:v22+s26+$0x0], $0xffff  }
0x364: {  	v29 =	vld.idx.msk [tilespmem:v38+s28+$0x0], $0xffff  }
0x365: {  	v24 =	vld.idx.msk [tilespmem:v38+s26+$0x0], $0xffff  }
0x366: {  	v30 =	vor.u32 v50, v59;
	v22 =	vld.idx.msk [tilespmem:v22+s28+$0x0], $0xffff  }
0x367: {  	v56 =	vor.u32 v40, v59;
	v34 =	vld.idx.msk [tilespmem:v41+s26+$0x0], $0xffff  }
0x368: {  	v36 =	vld.idx.msk [tilespmem:v28+s28+$0x0], $0xffff  }
0x369: {  	v28 =	vld.idx.msk [tilespmem:v28+s26+$0x0], $0xffff  }
0x36a: {  	v0 =	vor.u32 v37, v59;
	v26 =	vld.idx.msk [tilespmem:v41+s28+$0x0], $0xffff  }
0x36b: {  	v38 =	vld.idx.msk [tilespmem:v30+s26+$0x0], $0xffff  }
0x36c: {  	v37 =	vor.u32 v63, v59;
	v60 =	vld.idx.msk [tilespmem:v56+s28+$0x0], $0xffff  }
0x36d: {  	v41 =	vor.u32 v43, v59;
	v35 =	vld.idx.msk [tilespmem:v56+s26+$0x0], $0xffff  }
0x36e: {  	v30 =	vld.idx.msk [tilespmem:v30+s28+$0x0], $0xffff  }
0x36f: {  	v56 =	vor.u32 v39, v59;
	v7 =	vld.idx.msk [tilespmem:v0+s26+$0x0], $0xffff  }
0x370: {  	v61 =	vor.u32 v32, v59;
	v0 =	vld.idx.msk [tilespmem:v0+s28+$0x0], $0xffff  }
0x371: {  	v62 =	vld.idx.msk [tilespmem:v37+s26+$0x0], $0xffff  }
0x372: {  	v2 =	vmul.f32 v5, v2;
	v5 =	vld.idx.msk [tilespmem:v41+s28+$0x0], $0xffff  }
0x373: {  	v1 =	vmul.f32 v1, v3;
	v3 =	vld.idx.msk [tilespmem:v41+s26+$0x0], $0xffff  }
0x374: {  	v32 =	vor.u32 v53, v59;
	v43 =	vmul.f32 v6, v8;
	v6 =	vld.idx.msk [tilespmem:v56+s26+$0x0], $0xffff  }
0x375: {  	v8 =	vld.idx.msk [tilespmem:v61+s28+$0x0], $0xffff;
	v2 =	vadd.f32 $0.0e+00, v2;
	v7 =	vmul.f32 v9, v7  }
0x376: {  	v1 =	vadd.f32 $0.0e+00, v1;
	v9 =	vld.idx.msk [tilespmem:v37+s28+$0x0], $0xffff;
	v37 =	vor.u32 v52, v59;
	v0 =	vmul.f32 v0, v4  }
0x377: {  	v4 =	vld.idx.msk [tilespmem:v61+s26+$0x0], $0xffff;
	v2 =	vadd.f32 v7, v2;
	v7 =	vmul.f32 v13, v11  }
0x378: {  	v11 =	vld.idx.msk [tilespmem:v56+s28+$0x0], $0xffff;
	v0 =	vadd.f32 v0, v1;
	v13 =	vor.u32 v57, v59  }
0x379: {  	v56 =	vmul.f32 v14, v16;
	v14 =	vld.idx.msk [tilespmem:v32+s26+$0x0], $0xffff;
	v2 =	vadd.f32 v7, v2;
	v7 =	vmul.f32 v17, v15  }
0x37a: {  	v52 =	vmul.f32 v10, v12;
	v12 =	vor.u32 v44, v59;
	v0 =	vadd.f32 v43, v0;
	v15 =	vld.idx.msk [tilespmem:v32+s28+$0x0], $0xffff  }
0x37b: {  	v10 =	vld.idx.msk [tilespmem:v37+s26+$0x0], $0xffff;
	v2 =	vadd.f32 v7, v2;
	v7 =	vmul.f32 v21, v19  }
0x37c: {  	v17 =	vor.u32 v58, v59;
	v16 =	vld.idx.msk [tilespmem:v37+s28+$0x0], $0xffff;
	v0 =	vadd.f32 v52, v0  }
0x37d: {  	v43 =	vmul.f32 v9, v3;
	v19 =	vld [tilespmem:$0x1FD20];
	v2 =	vadd.f32 v7, v2;
	v7 =	vmul.f32 v25, v23  }
0x37e: {  	v9 =	vor.u32 v51, v59;
	v0 =	vadd.f32 v56, v0;
	v25 =	vmul.f32 v18, v20;
	v18 =	vld.idx.msk [tilespmem:v13+s26+$0x0], $0xffff  }
0x37f: {  	v20 =	vld.idx.msk [tilespmem:v12+s28+$0x0], $0xffff;
	v2 =	vadd.f32 v7, v2;
	v7 =	vmul.f32 v29, v27  }
0x380: {  	v32 =	vmul.f32 v22, v24;
	v21 =	vor.u32 v55, v59;
	v12 =	vld.idx.msk [tilespmem:v12+s26+$0x0], $0xffff;
	v0 =	vadd.f32 v25, v0  }
0x381: {  	v13 =	vld.idx.msk [tilespmem:v13+s28+$0x0], $0xffff;
	v2 =	vadd.f32 v7, v2;
	v7 =	vmul.f32 v36, v34  }
0x382: {  	v37 =	vmul.f32 v26, v28;
	v4 =	vmul.f32 v11, v4;
	v22 =	vld.idx.msk [tilespmem:v17+s26+$0x0], $0xffff;
	v0 =	vadd.f32 v32, v0  }
0x383: {  	v11 =	vld.idx.msk [tilespmem:v9+s28+$0x0], $0xffff;
	v19 =	vor.u32 v19, v59;
	v2 =	vadd.f32 v7, v2;
	v7 =	vmul.f32 v60, v38  }
0x384: {  	v41 =	vmul.f32 v30, v35;
	v9 =	vld.idx.msk [tilespmem:v9+s26+$0x0], $0xffff;
	v0 =	vadd.f32 v37, v0  }
0x385: {  	v5 =	vmul.f32 v5, v62;
	v23 =	vor.u32 v54, v59;
	v52 =	vld.idx.msk [tilespmem:v21+s26+$0x0], $0xffff;
	v2 =	vadd.f32 v7, v2  }
0x386: {  	v56 =	vmul.f32 v8, v6;
	v8 =	vld.idx.msk [tilespmem:v21+s28+$0x0], $0xffff;
	v0 =	vadd.f32 v41, v0  }
0x387: {  	v7 =	vld.idx.msk [tilespmem:v17+s28+$0x0], $0xffff;
	v17 =	vor.u32 v42, v59;
	v2 =	vadd.f32 v5, v2  }
0x388: {  	v38 =	vld.idx.msk [tilespmem:v19+s28+$0x0], $0xffff;
	v0 =	vadd.f32 v43, v0  }
0x389: {  	v19 =	vld.idx.msk [tilespmem:v19+s26+$0x0], $0xffff;
	v2 =	vadd.f32 v4, v2;
	v4 =	vmul.f32 v15, v10  }
0x38a: {  	v25 =	vmul.f32 v16, v14;
	v5 =	vld.idx.msk [tilespmem:v23+s28+$0x0], $0xffff;
	v0 =	vadd.f32 v56, v0  }
0x38b: {  	v6 =	vld.idx.msk [tilespmem:v23+s26+$0x0], $0xffff;
	v2 =	vadd.f32 v4, v2;
	v4 =	vmul.f32 v20, v18  }
0x38c: {  	v26 =	vmul.f32 v13, v12;
	v10 =	vld.idx.msk [tilespmem:v17+s26+$0x0], $0xffff;
	v0 =	vadd.f32 v25, v0  }
0x38d: {  	v12 =	vld.idx.msk [tilespmem:v17+s28+$0x0], $0xffff;
	v2 =	vadd.f32 v4, v2;
	v4 =	vmul.f32 v38, v22  }
0x38e: {  	v32 =	vmul.f32 v7, v19;
	v0 =	vadd.f32 v26, v0  }
0x38f: {  	v3 =	vmul.f32 v5, v52;
	v2 =	vadd.f32 v4, v2  }
0x390: {  	v34 =	vmul.f32 v8, v6;
	v0 =	vadd.f32 v32, v0  }
0x391: {  	v35 =	vmul.f32 v11, v10;
	v2 =	vadd.f32 v3, v2  }
0x392: {  	v36 =	vmul.f32 v12, v9;
	v0 =	vadd.f32 v34, v0  }
0x393: {  	v2 =	vadd.f32 v35, v2  }
0x394: {  	v0 =	vadd.f32 v36, v0  }
0x395: {  	v37 =	vmax.f32 v2, $-3.000000000e+01  }
0x396: {  	v0 =	vmax.f32 v0, $-3.000000000e+01;
	v1 =	vsub.f32 $0.0e+00, v37  }
0x397: {  	v0 =	vsub.f32 $0.0e+00, v0  }
0x398: {  	v1 =	vmul.f32 $1.442695020e+00, v1  }
0x399: {  	v0 =	vmul.f32 $1.442695020e+00, v0  }
0x39a: {  	(erf) = vpow2.f32 v1  }
0x39b: {  	(erf) = vpow2.f32 v0;
	_ =	sdelay $0x7  }
0x39c: {  	v38 =	vpop (erf)  }
0x39d: {  	v41 =	vpop (erf)  }
0x39e: {  	v43 =	vadd.f32 $1.000000000e+00, v38;
	v52 =	vadd.f32 $1.000000000e+00, v41;
	_ =	sdelay $0x1  }
0x39f: {  	v2 =	vmul.f32 v52, v43;
	_ =	sdelay $0x1  }
0x3a0: {  	(erf) = vrcp.f32 v2;
	_ =	sdelay $0x3  }
0x3a1: {  	v31 =	vld [tilespmem:$0x1FFC0];
	v0 =	vadd.f32 v41, v38  }
0x3a2: {  	v30 =	vld [tilespmem:$0x1FFA0]  }
0x3a3: {  	s4 =	sadd.s32 $0x2, s4;
	v29 =	vld [tilespmem:$0x1FFD0];
	v0 =	vmul.f32 $5.000000000e-01, v0  }
0x3a4: {  	p0 =	slt.u32 s4, $0x6;
	v14 =	vld [tilespmem:$0x1FF60]  }
.Ltmp3:
0x3a5: {  	v23 =	vld [tilespmem:$0x1FF90];
	v0 =	vadd.f32 $1.000000000e+00, v0;
	(pc) =	sbr.rel @p0 .LBB2_9-.Ltmp3, $4  }
0x3a6: {  	v17 =	vld [tilespmem:$0x1FF70];
	v56 =	vpop (erf)  }
0x3a7: {  	v7 =	vld [tilespmem:$0x1FF40];
	v0 =	vmul.f32 v56, v0  }
0x3a8: {  	v63 =	vmov v50;
	v61 =	vmov v48;
	v20 =	vld [tilespmem:$0x1FF80]  }
0x3a9: {  	s5 =	sadd.s32 $0x20, s5;
	v44 =	vmovc v39;
	v62 =	vmovc v49;
	v60 =	vmov v47;
	v59 =	vmov v45;
	v8 =	vlaneseq.u32;
	v9 =	vld [tilespmem:$0x1FF50];
	[tilespmem:s12+$0x0] =	vst v0;
	s12 =	sadd.s32 $0x20, s12  }
0x3aa: {  	s11 =	sadd.s32 $0x1, s11  }
0x3ab: {  	p0 =	sne.s32 s11, $0x14  }
.Ltmp4:
0x3ac: {  	_ = 	snop;
	(pc) =	sbr.rel @p0 .LBB2_2-.Ltmp4, $3  }
0x3ad: {  	_ =	sdelay $0x1  }
0x3ae: {  	s6 =	sadd.s32 $0x200, s6  }
0x3af: {  	s21 =	sadd.s32 $0x200, s21;
	s23 =	sadd.s32 $0x200, s23;
	s1 =	sadd.s32 $0x200, s1;
	v28 =	vld [tilespmem:$0x1FF30];
	v50 =	vmov v40  }
0x3b0: {  	s17 =	sadd.s32 $0x1, s17  }
0x3b1: {  	p0 =	sne.s32 s17, s9  }
.Ltmp5:
0x3b2: {  	s1 =	simm.s32 $0x11E20;
	(pc) =	sbr.rel @p0 .LBB2_1-.Ltmp5, $4  }
0x3b3: {  	[hbm4b:s8+s3] =	stream.linear.scatter [tilespmem:s1], [sflag:$0x6], $0x2800, $0x38;
	[tilespmem:$0x14620] =	vst v63  }
0x3b4: {  	_ =	swait.ge [sflag:s0], $0x2800  }
0x3b5: {  	[sflag:s0] =	ssyncset.done $0x0  }
0x3b6: {  	[sflag:s0] =	ssyncadd.s32 $0xFFFFD800  }
0x3b7: {  	_ =	sfence.sel $0x180000  }
0x3b8: {  	[bflag:$0x0] =	sbarrier.arrive $0xFFFF  }
0x3b9: {  	_ =	strace $0x90000047  }
0x3ba: {  	s0 =	stileid.u32;
	[bflag:$0x2] =	sbarrier.arrive $0xFFFF  }
0x3bb: {  	p0 =	sne.s32 s0, $0x0;
	s0 =	rddreg [dreg:$0x3]  }
0x3bc: {  	s0 =	sadd.s32 @!p0 $0x100000, s0  }
0x3bd: {  	[sflag:s0] =	ssyncadd.tile.s32 @!p0 $0x1;
	_ =	shalt  }
.Lfunc_end2:
_tile_overlayer_lowered:
.L_overlay_start_2:
0x3be: {  	(tag) =	ssettag $0x2  }
0x3bf: {  	s0 =	rddreg [dreg:$0x0];
	s2 =	stileid.u32  }
0x3c0: {  	s1 =	rddreg [dreg:$0x1];
	p0 =	sne.s32 s2, $0x0  }
0x3c1: {  	s3 =	rddreg [dreg:$0x2];
	[bflag:$0x3] =	sbarrier.arrive $0xFFFF;
	s2 =	simm.s32 @!p0 $0x1C06  }
0x3c2: {  	[timem:s3], [sflag:s2] =	dma.local @!p0 [hbm:s0], s1  }
0x3c3: {  	s0 =	simm.s32 @!p0 $0x6  }
0x3c4: {  	_ =	swait.ge @!p0 [sflag:s0], s1  }
0x3c5: {  	s1 =	ssub.s32 @!p0 $0x0, s1;
	[sflag:s0] =	ssyncset.done @!p0 $0x0  }
0x3c6: {  	[sflag:s0] =	ssyncadd.s32 @!p0 s1  }
0x3c7: {  	[bflag:$0x3] =	sbarrier.arrive $0xFFFF  }
0x3c8: {  	_ =	shalt  }

</sc_bundles>
